<compile_context>
chip_gen: v7x
topology: tpu7x:2x2x1
jax: 0.10.2.dev20260603
libtpu: 0.0.44.dev20260713+nightly
codegen_flags: <defaults>
</compile_context>

<pallas_src>
import functools

import jax
import jax.numpy as jnp
from jax import lax
from jax.experimental import pallas as pl
from jax.experimental.pallas import tpu as pltpu
from jax.experimental.pallas import tpu_sc as plsc

B = 4096
V = 100000
NCC = 4
D = 512
SEQ = 77
P = 5
S = SEQ - P - NCC
L = 16

H = 16
BODY = SEQ - H

NC, NS = 2, 16
NW = NC * NS
BPW = B // NW
CHUNK = 16
NCHUNK = BPW // CHUNK


def _vcopy_row(dst, drow, src, srow):
    for l in range(D // L):
        dst[drow, pl.ds(l * L, L)] = src[srow, pl.ds(l * L, L)]


def _sc_assemble(label, cls_ctx, prefix, suffix):
    mesh = plsc.VectorSubcoreMesh(core_axis_name="c", subcore_axis_name="s")

    @functools.partial(
        pl.kernel,
        out_type=jax.ShapeDtypeStruct((B, SEQ, D), jnp.float32),
        mesh=mesh,
        scratch_types=[
            pltpu.VMEM((BPW,), jnp.int32),
            pltpu.VMEM((CHUNK, NCC, D), jnp.float32),
            pltpu.VMEM((H, D), jnp.float32),
            pltpu.VMEM((H, D), jnp.float32),
            pltpu.VMEM((BODY, D), jnp.float32),
            pltpu.VMEM((S, D), jnp.float32),
            pltpu.SemaphoreType.DMA,
            pltpu.SemaphoreType.DMA,
            pltpu.SemaphoreType.DMA,
            pltpu.SemaphoreType.DMA,
            pltpu.SemaphoreType.DMA,
        ],
    )
    def run(label_hbm, cls_hbm, pre_hbm, suf_hbm, out_hbm,
            idx_v, gbuf, head0, head1, body, stage,
            gsem, wh0, wh1, wb0, wb1):
        wid = lax.axis_index("s") * NC + lax.axis_index("c")
        base = wid * BPW

        pltpu.sync_copy(label_hbm.at[pl.ds(base, BPW)], idx_v)
        pltpu.sync_copy(suf_hbm.at[0], stage)
        heads = (head0, head1)
        for head in heads:
            pltpu.sync_copy(pre_hbm.at[0], head.at[pl.ds(0, P)])

        def init_head(j, _):
            _vcopy_row(head0, P + NCC + j, stage, j)
            _vcopy_row(head1, P + NCC + j, stage, j)
            return 0

        def init_body(j, _):
            _vcopy_row(body, j, stage, H - P - NCC + j)
            return 0

        lax.fori_loop(0, H - P - NCC, init_head, 0)
        lax.fori_loop(0, BODY, init_body, 0)

        whs = (wh0, wh1)
        wbs = (wb0, wb1)

        def head_cp(r, p):
            return pltpu.make_async_copy(
                heads[p], out_hbm.at[base + r, pl.ds(0, H), :], whs[p])

        def body_cp(r, p):
            return pltpu.make_async_copy(
                body, out_hbm.at[base + r, pl.ds(H, BODY), :], wbs[p])

        def chunk_step(c, _):
            off = pl.multiple_of(c * CHUNK, CHUNK)
            gcp = pltpu.make_async_copy(
                cls_hbm.at[idx_v.at[pl.ds(off, CHUNK)]], gbuf, gsem)
            gcp.start()
            gcp.wait()

            def row_pair(k, _):
                j0 = 2 * k
                for p in (0, 1):
                    j = j0 + p
                    r = c * CHUNK + j
                    first = jnp.logical_and(c == 0, k == 0)
                    @pl.when(jnp.logical_not(first))
                    def _():
                        head_cp(r - 2, p).wait()
                        body_cp(r - 2, p).wait()
                    for jj in range(NCC):
                        for l in range(D // L):
                            heads[p][P + jj, pl.ds(l * L, L)] = (
                                gbuf[j, jj, pl.ds(l * L, L)])
                    head_cp(r, p).start()
                    body_cp(r, p).start()
                return 0

            lax.fori_loop(0, CHUNK // 2, row_pair, 0)
            return 0

        lax.fori_loop(0, NCHUNK, chunk_step, 0)
        head_cp(BPW - 2, 0).wait()
        body_cp(BPW - 2, 0).wait()
        head_cp(BPW - 1, 1).wait()
        body_cp(BPW - 1, 1).wait()

    return run(label, cls_ctx, prefix, suffix)


def kernel(label, cls_ctx, token_prefix, token_suffix):
    return _sc_assemble(label.astype(jnp.int32), cls_ctx,
                        token_prefix, token_suffix)

# --- scband reference (transcript-rebuilt; emitter-appended) ---
"""Pipeline reference for scband-prompt-learner-30588757082279 (READ-ONLY COPY).

The authoritative reference and input builder live on the scoring server;
editing this copy changes nothing except your own understanding.
"""

import jax, jax.numpy as jnp
import numpy as np

NUM_CLASS = 100000
N_CLS_CTX = 4
CTX_DIM = 512
N_CTX = 4
SEQ_LEN = 77
BATCH = 4096

def setup_inputs(seed: int = 0) -> dict:
    key = jax.random.key(seed)
    k1, k2, k3, k4 = jax.random.split(key, 4)
    label = jax.random.randint(k1, (BATCH,), 0, NUM_CLASS, dtype=jnp.int64 if jax.config.jax_enable_x64 else jnp.int32).astype(jnp.int32)
    cls_ctx = jax.random.normal(k2, (NUM_CLASS, N_CLS_CTX, CTX_DIM), dtype=jnp.float32) * 0.02
    # token_prefix = embedding[:, :n_ctx+1, :] -> [1, 5, 512]
    token_prefix = jax.random.normal(k3, (1, N_CTX + 1, CTX_DIM), dtype=jnp.float32)
    # token_suffix = embedding[:, n_ctx+1+n_cls_ctx:, :] -> [1, 77-9, 512] = [1, 68, 512]
    token_suffix = jax.random.normal(k4, (1, SEQ_LEN - (N_CTX + 1 + N_CLS_CTX), CTX_DIM), dtype=jnp.float32)
    return {"label": label, "cls_ctx": cls_ctx, "token_prefix": token_prefix, "token_suffix": token_suffix}

def reference(label, cls_ctx, token_prefix, token_suffix):
    # cls_ctx lookup: gather rows of the class-context table
    gathered = jnp.take(cls_ctx, label, axis=0)  # [B, n_cls_ctx, ctx_dim]
    b = label.shape[0]
    prefix = jnp.broadcast_to(token_prefix, (b, token_prefix.shape[1], token_prefix.shape[2]))
    suffix = jnp.broadcast_to(token_suffix, (b, token_suffix.shape[1], token_suffix.shape[2]))
    prompts = jnp.concatenate([prefix, gathered, suffix], axis=1)  # [B, 77, 512]
    return prompts

if __name__ == "__main__":
    import jax
    _d = setup_inputs()
    print(jax.jit(kernel)(*tuple(_d.values())))

</pallas_src>

<mosaic_0001>
#map = affine_map<(d0, d1) -> (0)>
#map1 = affine_map<(d0, d1) -> (0, 0, 0)>
module attributes {stable_mosaic.version = 14 : i64} {
  func.func @run(%arg0: i32, %arg1: i32, %arg2: memref<4096xi32, #tpu.memory_space<hbm>>, %arg3: memref<100000x4x512xf32, #tpu.memory_space<hbm>>, %arg4: memref<1x5x512xf32, #tpu.memory_space<hbm>>, %arg5: memref<1x68x512xf32, #tpu.memory_space<hbm>>, %arg6: memref<4096x77x512xf32, #tpu.memory_space<hbm>>, %arg7: memref<128xi32, #tpu.memory_space<vmem>>, %arg8: memref<16x4x512xf32, #tpu.memory_space<vmem>>, %arg9: memref<16x512xf32, #tpu.memory_space<vmem>>, %arg10: memref<16x512xf32, #tpu.memory_space<vmem>>, %arg11: memref<61x512xf32, #tpu.memory_space<vmem>>, %arg12: memref<68x512xf32, #tpu.memory_space<vmem>>, %arg13: memref<!tpu.dma_semaphore, #tpu.memory_space<semaphore_mem>>, %arg14: memref<!tpu.dma_semaphore, #tpu.memory_space<semaphore_mem>>, %arg15: memref<!tpu.dma_semaphore, #tpu.memory_space<semaphore_mem>>, %arg16: memref<!tpu.dma_semaphore, #tpu.memory_space<semaphore_mem>>, %arg17: memref<!tpu.dma_semaphore, #tpu.memory_space<semaphore_mem>>) attributes {dimension_semantics = [#tpu.dimension_semantics<core_parallel>, #tpu.dimension_semantics<subcore_parallel>], iteration_bounds = array<i64: 2, 16>, scalar_prefetch = 0 : i64, scratch_operands = 11 : i64, tpu.core_type = #tpu.core_type<sc_vector_subcore>, window_params = [{transform_indices = #map}, {transform_indices = #map1}, {transform_indices = #map1}, {transform_indices = #map1}, {transform_indices = #map1}]} {
    %mul3A = arith.constant 2 : i32
    %mul3A_0 = arith.muli %arg1, %mul3A : i32
    %add3A = arith.addi %mul3A_0, %arg0 : i32
    %mul3A_1 = arith.constant 128 : i32
    %mul3A_2 = arith.muli %add3A, %mul3A_1 : i32
    "tpu.region"() ({
      %run_scoped3A_64 = tpu.sem_alloc : memref<!tpu.dma_semaphore, #tpu.memory_space<semaphore_mem>>
      %dma_start3A = tpu.memref_slice %arg2[%mul3A_2] : memref<4096xi32, #tpu.memory_space<hbm>> -> memref<128xi32, #tpu.memory_space<hbm>>
      %dma_start3A_65 = tpu.memref_slice %arg2[%mul3A_2] : memref<4096xi32, #tpu.memory_space<hbm>> -> memref<128xi32, #tpu.memory_space<hbm>>
      tpu.enqueue_dma source(%dma_start3A_65 : memref<128xi32, #tpu.memory_space<hbm>>) target(%arg7 : memref<128xi32, #tpu.memory_space<vmem>>) target_semaphore(%run_scoped3A_64 : memref<!tpu.dma_semaphore, #tpu.memory_space<semaphore_mem>>)
      %dma_wait3A_66 = tpu.memref_slice %arg2[%mul3A_2] : memref<4096xi32, #tpu.memory_space<hbm>> -> memref<128xi32, #tpu.memory_space<hbm>>
      %dma_wait3A_67 = tpu.memref_slice %arg2[%mul3A_2] : memref<4096xi32, #tpu.memory_space<hbm>> -> memref<128xi32, #tpu.memory_space<hbm>>
      tpu.wait_dma2 semaphore(%run_scoped3A_64 : memref<!tpu.dma_semaphore, #tpu.memory_space<semaphore_mem>>) src(%dma_wait3A_67 : memref<128xi32, #tpu.memory_space<hbm>>) dst(%arg7 : memref<128xi32, #tpu.memory_space<vmem>>)
      tpu.yield
    }) : () -> ()
    %run_scoped3A = arith.constant 0 : i32
    "tpu.region"() ({
      %run_scoped3A_64 = tpu.sem_alloc : memref<!tpu.dma_semaphore, #tpu.memory_space<semaphore_mem>>
      %dma_start3A = arith.constant 0 : i32
      %dma_start3A_65 = arith.constant 0 : i32
      %dma_start3A_66 = tpu.memref_slice %arg5[%run_scoped3A, %dma_start3A, %dma_start3A_65] : memref<1x68x512xf32, #tpu.memory_space<hbm>> -> memref<1x68x512xf32, #tpu.memory_space<hbm>>
      %dma_start3A_67 = tpu.memref_squeeze %dma_start3A_66 : memref<1x68x512xf32, #tpu.memory_space<hbm>> -> memref<68x512xf32, #tpu.memory_space<hbm>>
      %dma_start3A_68 = arith.constant 0 : i32
      %dma_start3A_69 = arith.constant 0 : i32
      %dma_start3A_70 = tpu.memref_slice %arg5[%run_scoped3A, %dma_start3A_68, %dma_start3A_69] : memref<1x68x512xf32, #tpu.memory_space<hbm>> -> memref<1x68x512xf32, #tpu.memory_space<hbm>>
      %dma_start3A_71 = tpu.memref_squeeze %dma_start3A_70 : memref<1x68x512xf32, #tpu.memory_space<hbm>> -> memref<68x512xf32, #tpu.memory_space<hbm>>
      tpu.enqueue_dma source(%dma_start3A_71 : memref<68x512xf32, #tpu.memory_space<hbm>>) target(%arg12 : memref<68x512xf32, #tpu.memory_space<vmem>>) target_semaphore(%run_scoped3A_64 : memref<!tpu.dma_semaphore, #tpu.memory_space<semaphore_mem>>)
      %dma_wait3A_72 = arith.constant 0 : i32
      %dma_wait3A_73 = arith.constant 0 : i32
      %dma_wait3A_74 = tpu.memref_slice %arg5[%run_scoped3A, %dma_wait3A_72, %dma_wait3A_73] : memref<1x68x512xf32, #tpu.memory_space<hbm>> -> memref<1x68x512xf32, #tpu.memory_space<hbm>>
      %dma_wait3A_75 = tpu.memref_squeeze %dma_wait3A_74 : memref<1x68x512xf32, #tpu.memory_space<hbm>> -> memref<68x512xf32, #tpu.memory_space<hbm>>
      %dma_wait3A_76 = arith.constant 0 : i32
      %dma_wait3A_77 = arith.constant 0 : i32
      %dma_wait3A_78 = tpu.memref_slice %arg5[%run_scoped3A, %dma_wait3A_76, %dma_wait3A_77] : memref<1x68x512xf32, #tpu.memory_space<hbm>> -> memref<1x68x512xf32, #tpu.memory_space<hbm>>
      %dma_wait3A_79 = tpu.memref_squeeze %dma_wait3A_78 : memref<1x68x512xf32, #tpu.memory_space<hbm>> -> memref<68x512xf32, #tpu.memory_space<hbm>>
      tpu.wait_dma2 semaphore(%run_scoped3A_64 : memref<!tpu.dma_semaphore, #tpu.memory_space<semaphore_mem>>) src(%dma_wait3A_79 : memref<68x512xf32, #tpu.memory_space<hbm>>) dst(%arg12 : memref<68x512xf32, #tpu.memory_space<vmem>>)
      tpu.yield
    }) : () -> ()
    %run_scoped3A_3 = arith.constant 0 : i32
    "tpu.region"() ({
      %run_scoped3A_64 = tpu.sem_alloc : memref<!tpu.dma_semaphore, #tpu.memory_space<semaphore_mem>>
      %dma_start3A = arith.constant 0 : i32
      %dma_start3A_65 = arith.constant 0 : i32
      %dma_start3A_66 = tpu.memref_slice %arg9[%dma_start3A, %dma_start3A_65] : memref<16x512xf32, #tpu.memory_space<vmem>> -> memref<5x512xf32, #tpu.memory_space<vmem>>
      %dma_start3A_67 = arith.constant 0 : i32
      %dma_start3A_68 = arith.constant 0 : i32
      %dma_start3A_69 = tpu.memref_slice %arg4[%run_scoped3A_3, %dma_start3A_67, %dma_start3A_68] : memref<1x5x512xf32, #tpu.memory_space<hbm>> -> memref<1x5x512xf32, #tpu.memory_space<hbm>>
      %dma_start3A_70 = tpu.memref_squeeze %dma_start3A_69 : memref<1x5x512xf32, #tpu.memory_space<hbm>> -> memref<5x512xf32, #tpu.memory_space<hbm>>
      %dma_start3A_71 = arith.constant 0 : i32
      %dma_start3A_72 = arith.constant 0 : i32
      %dma_start3A_73 = tpu.memref_slice %arg9[%dma_start3A_71, %dma_start3A_72] : memref<16x512xf32, #tpu.memory_space<vmem>> -> memref<5x512xf32, #tpu.memory_space<vmem>>
      %dma_start3A_74 = arith.constant 0 : i32
      %dma_start3A_75 = arith.constant 0 : i32
      %dma_start3A_76 = tpu.memref_slice %arg4[%run_scoped3A_3, %dma_start3A_74, %dma_start3A_75] : memref<1x5x512xf32, #tpu.memory_space<hbm>> -> memref<1x5x512xf32, #tpu.memory_space<hbm>>
      %dma_start3A_77 = tpu.memref_squeeze %dma_start3A_76 : memref<1x5x512xf32, #tpu.memory_space<hbm>> -> memref<5x512xf32, #tpu.memory_space<hbm>>
      tpu.enqueue_dma source(%dma_start3A_77 : memref<5x512xf32, #tpu.memory_space<hbm>>) target(%dma_start3A_73 : memref<5x512xf32, #tpu.memory_space<vmem>>) target_semaphore(%run_scoped3A_64 : memref<!tpu.dma_semaphore, #tpu.memory_space<semaphore_mem>>)
      %dma_wait3A_78 = arith.constant 0 : i32
      %dma_wait3A_79 = arith.constant 0 : i32
      %dma_wait3A_80 = tpu.memref_slice %arg9[%dma_wait3A_78, %dma_wait3A_79] : memref<16x512xf32, #tpu.memory_space<vmem>> -> memref<5x512xf32, #tpu.memory_space<vmem>>
      %dma_wait3A_81 = arith.constant 0 : i32
      %dma_wait3A_82 = arith.constant 0 : i32
      %dma_wait3A_83 = tpu.memref_slice %arg4[%run_scoped3A_3, %dma_wait3A_81, %dma_wait3A_82] : memref<1x5x512xf32, #tpu.memory_space<hbm>> -> memref<1x5x512xf32, #tpu.memory_space<hbm>>
      %dma_wait3A_84 = tpu.memref_squeeze %dma_wait3A_83 : memref<1x5x512xf32, #tpu.memory_space<hbm>> -> memref<5x512xf32, #tpu.memory_space<hbm>>
      %dma_wait3A_85 = arith.constant 0 : i32
      %dma_wait3A_86 = arith.constant 0 : i32
      %dma_wait3A_87 = tpu.memref_slice %arg9[%dma_wait3A_85, %dma_wait3A_86] : memref<16x512xf32, #tpu.memory_space<vmem>> -> memref<5x512xf32, #tpu.memory_space<vmem>>
      %dma_wait3A_88 = arith.constant 0 : i32
      %dma_wait3A_89 = arith.constant 0 : i32
      %dma_wait3A_90 = tpu.memref_slice %arg4[%run_scoped3A_3, %dma_wait3A_88, %dma_wait3A_89] : memref<1x5x512xf32, #tpu.memory_space<hbm>> -> memref<1x5x512xf32, #tpu.memory_space<hbm>>
      %dma_wait3A_91 = tpu.memref_squeeze %dma_wait3A_90 : memref<1x5x512xf32, #tpu.memory_space<hbm>> -> memref<5x512xf32, #tpu.memory_space<hbm>>
      tpu.wait_dma2 semaphore(%run_scoped3A_64 : memref<!tpu.dma_semaphore, #tpu.memory_space<semaphore_mem>>) src(%dma_wait3A_91 : memref<5x512xf32, #tpu.memory_space<hbm>>) dst(%dma_wait3A_87 : memref<5x512xf32, #tpu.memory_space<vmem>>)
      tpu.yield
    }) : () -> ()
    %run_scoped3A_4 = arith.constant 0 : i32
    "tpu.region"() ({
      %run_scoped3A_64 = tpu.sem_alloc : memref<!tpu.dma_semaphore, #tpu.memory_space<semaphore_mem>>
      %dma_start3A = arith.constant 0 : i32
      %dma_start3A_65 = arith.constant 0 : i32
      %dma_start3A_66 = tpu.memref_slice %arg10[%dma_start3A, %dma_start3A_65] : memref<16x512xf32, #tpu.memory_space<vmem>> -> memref<5x512xf32, #tpu.memory_space<vmem>>
      %dma_start3A_67 = arith.constant 0 : i32
      %dma_start3A_68 = arith.constant 0 : i32
      %dma_start3A_69 = tpu.memref_slice %arg4[%run_scoped3A_4, %dma_start3A_67, %dma_start3A_68] : memref<1x5x512xf32, #tpu.memory_space<hbm>> -> memref<1x5x512xf32, #tpu.memory_space<hbm>>
      %dma_start3A_70 = tpu.memref_squeeze %dma_start3A_69 : memref<1x5x512xf32, #tpu.memory_space<hbm>> -> memref<5x512xf32, #tpu.memory_space<hbm>>
      %dma_start3A_71 = arith.constant 0 : i32
      %dma_start3A_72 = arith.constant 0 : i32
      %dma_start3A_73 = tpu.memref_slice %arg10[%dma_start3A_71, %dma_start3A_72] : memref<16x512xf32, #tpu.memory_space<vmem>> -> memref<5x512xf32, #tpu.memory_space<vmem>>
      %dma_start3A_74 = arith.constant 0 : i32
      %dma_start3A_75 = arith.constant 0 : i32
      %dma_start3A_76 = tpu.memref_slice %arg4[%run_scoped3A_4, %dma_start3A_74, %dma_start3A_75] : memref<1x5x512xf32, #tpu.memory_space<hbm>> -> memref<1x5x512xf32, #tpu.memory_space<hbm>>
      %dma_start3A_77 = tpu.memref_squeeze %dma_start3A_76 : memref<1x5x512xf32, #tpu.memory_space<hbm>> -> memref<5x512xf32, #tpu.memory_space<hbm>>
      tpu.enqueue_dma source(%dma_start3A_77 : memref<5x512xf32, #tpu.memory_space<hbm>>) target(%dma_start3A_73 : memref<5x512xf32, #tpu.memory_space<vmem>>) target_semaphore(%run_scoped3A_64 : memref<!tpu.dma_semaphore, #tpu.memory_space<semaphore_mem>>)
      %dma_wait3A_78 = arith.constant 0 : i32
      %dma_wait3A_79 = arith.constant 0 : i32
      %dma_wait3A_80 = tpu.memref_slice %arg10[%dma_wait3A_78, %dma_wait3A_79] : memref<16x512xf32, #tpu.memory_space<vmem>> -> memref<5x512xf32, #tpu.memory_space<vmem>>
      %dma_wait3A_81 = arith.constant 0 : i32
      %dma_wait3A_82 = arith.constant 0 : i32
      %dma_wait3A_83 = tpu.memref_slice %arg4[%run_scoped3A_4, %dma_wait3A_81, %dma_wait3A_82] : memref<1x5x512xf32, #tpu.memory_space<hbm>> -> memref<1x5x512xf32, #tpu.memory_space<hbm>>
      %dma_wait3A_84 = tpu.memref_squeeze %dma_wait3A_83 : memref<1x5x512xf32, #tpu.memory_space<hbm>> -> memref<5x512xf32, #tpu.memory_space<hbm>>
      %dma_wait3A_85 = arith.constant 0 : i32
      %dma_wait3A_86 = arith.constant 0 : i32
      %dma_wait3A_87 = tpu.memref_slice %arg10[%dma_wait3A_85, %dma_wait3A_86] : memref<16x512xf32, #tpu.memory_space<vmem>> -> memref<5x512xf32, #tpu.memory_space<vmem>>
      %dma_wait3A_88 = arith.constant 0 : i32
      %dma_wait3A_89 = arith.constant 0 : i32
      %dma_wait3A_90 = tpu.memref_slice %arg4[%run_scoped3A_4, %dma_wait3A_88, %dma_wait3A_89] : memref<1x5x512xf32, #tpu.memory_space<hbm>> -> memref<1x5x512xf32, #tpu.memory_space<hbm>>
      %dma_wait3A_91 = tpu.memref_squeeze %dma_wait3A_90 : memref<1x5x512xf32, #tpu.memory_space<hbm>> -> memref<5x512xf32, #tpu.memory_space<hbm>>
      tpu.wait_dma2 semaphore(%run_scoped3A_64 : memref<!tpu.dma_semaphore, #tpu.memory_space<semaphore_mem>>) src(%dma_wait3A_91 : memref<5x512xf32, #tpu.memory_space<hbm>>) dst(%dma_wait3A_87 : memref<5x512xf32, #tpu.memory_space<vmem>>)
      tpu.yield
    }) : () -> ()
    %scan3A = arith.constant 0 : i32
    %scan3A_5 = arith.constant 0 : i32
    %scan3A_6 = arith.constant 7 : i32
    %scan3A_7 = arith.addi %scan3A_5, %scan3A_6 : i32
    %scan3A_8 = arith.constant 1 : i32
    %scan3A_9 = scf.for %scan3A_64 = %scan3A_5 to %scan3A_7 step %scan3A_8 iter_args(%scan3A_65 = %scan3A) -> (i32)  : i32 {
      %add3A_66 = arith.constant 9 : i32
      %add3A_67 = arith.addi %add3A_66, %scan3A_64 : i32
      %get3A = arith.index_cast %scan3A_64 : i32 to index
      %get3A_68 = arith.constant 0 : index
      %get3A_69 = tpu.vector_load %arg12[%get3A, %get3A_68] {strides = array<i32>} : memref<68x512xf32, #tpu.memory_space<vmem>>, vector<1x16xf32>,
      %get3A_70 = vector.shape_cast %get3A_69 : vector<1x16xf32> to vector<16xf32>
      %swap3A = arith.index_cast %add3A_67 : i32 to index
      %swap3A_71 = arith.constant 0 : index
      %swap3A_72 = tpu.vector_load %arg9[%swap3A, %swap3A_71] {strides = array<i32>} : memref<16x512xf32, #tpu.memory_space<vmem>>, vector<1x16xf32>,
      %swap3A_73 = vector.shape_cast %swap3A_72 : vector<1x16xf32> to vector<16xf32>
      %swap3A_74 = vector.shape_cast %get3A_70 : vector<16xf32> to vector<1x16xf32>
      tpu.vector_store %arg9[%swap3A, %swap3A_71], %swap3A_74 {strides = array<i32>} : memref<16x512xf32, #tpu.memory_space<vmem>>, vector<1x16xf32>,
      %get3A_75 = arith.index_cast %scan3A_64 : i32 to index
      %get3A_76 = arith.constant 16 : index
      %get3A_77 = tpu.vector_load %arg12[%get3A_75, %get3A_76] {strides = array<i32>} : memref<68x512xf32, #tpu.memory_space<vmem>>, vector<1x16xf32>,
      %get3A_78 = vector.shape_cast %get3A_77 : vector<1x16xf32> to vector<16xf32>
      %swap3A_79 = arith.index_cast %add3A_67 : i32 to index
      %swap3A_80 = arith.constant 16 : index
      %swap3A_81 = tpu.vector_load %arg9[%swap3A_79, %swap3A_80] {strides = array<i32>} : memref<16x512xf32, #tpu.memory_space<vmem>>, vector<1x16xf32>,
      %swap3A_82 = vector.shape_cast %swap3A_81 : vector<1x16xf32> to vector<16xf32>
      %swap3A_83 = vector.shape_cast %get3A_78 : vector<16xf32> to vector<1x16xf32>
      tpu.vector_store %arg9[%swap3A_79, %swap3A_80], %swap3A_83 {strides = array<i32>} : memref<16x512xf32, #tpu.memory_space<vmem>>, vector<1x16xf32>,
      %get3A_84 = arith.index_cast %scan3A_64 : i32 to index
      %get3A_85 = arith.constant 32 : index
      %get3A_86 = tpu.vector_load %arg12[%get3A_84, %get3A_85] {strides = array<i32>} : memref<68x512xf32, #tpu.memory_space<vmem>>, vector<1x16xf32>,
      %get3A_87 = vector.shape_cast %get3A_86 : vector<1x16xf32> to vector<16xf32>
      %swap3A_88 = arith.index_cast %add3A_67 : i32 to index
      %swap3A_89 = arith.constant 32 : index
      %swap3A_90 = tpu.vector_load %arg9[%swap3A_88, %swap3A_89] {strides = array<i32>} : memref<16x512xf32, #tpu.memory_space<vmem>>, vector<1x16xf32>,
      %swap3A_91 = vector.shape_cast %swap3A_90 : vector<1x16xf32> to vector<16xf32>
      %swap3A_92 = vector.shape_cast %get3A_87 : vector<16xf32> to vector<1x16xf32>
      tpu.vector_store %arg9[%swap3A_88, %swap3A_89], %swap3A_92 {strides = array<i32>} : memref<16x512xf32, #tpu.memory_space<vmem>>, vector<1x16xf32>,
      %get3A_93 = arith.index_cast %scan3A_64 : i32 to index
      %get3A_94 = arith.constant 48 : index
      %get3A_95 = tpu.vector_load %arg12[%get3A_93, %get3A_94] {strides = array<i32>} : memref<68x512xf32, #tpu.memory_space<vmem>>, vector<1x16xf32>,
      %get3A_96 = vector.shape_cast %get3A_95 : vector<1x16xf32> to vector<16xf32>
      %swap3A_97 = arith.index_cast %add3A_67 : i32 to index
      %swap3A_98 = arith.constant 48 : index
      %swap3A_99 = tpu.vector_load %arg9[%swap3A_97, %swap3A_98] {strides = array<i32>} : memref<16x512xf32, #tpu.memory_space<vmem>>, vector<1x16xf32>,
      %swap3A_100 = vector.shape_cast %swap3A_99 : vector<1x16xf32> to vector<16xf32>
      %swap3A_101 = vector.shape_cast %get3A_96 : vector<16xf32> to vector<1x16xf32>
      tpu.vector_store %arg9[%swap3A_97, %swap3A_98], %swap3A_101 {strides = array<i32>} : memref<16x512xf32, #tpu.memory_space<vmem>>, vector<1x16xf32>,
      %get3A_102 = arith.index_cast %scan3A_64 : i32 to index
      %get3A_103 = arith.constant 64 : index
      %get3A_104 = tpu.vector_load %arg12[%get3A_102, %get3A_103] {strides = array<i32>} : memref<68x512xf32, #tpu.memory_space<vmem>>, vector<1x16xf32>,
      %get3A_105 = vector.shape_cast %get3A_104 : vector<1x16xf32> to vector<16xf32>
      %swap3A_106 = arith.index_cast %add3A_67 : i32 to index
      %swap3A_107 = arith.constant 64 : index
      %swap3A_108 = tpu.vector_load %arg9[%swap3A_106, %swap3A_107] {strides = array<i32>} : memref<16x512xf32, #tpu.memory_space<vmem>>, vector<1x16xf32>,
      %swap3A_109 = vector.shape_cast %swap3A_108 : vector<1x16xf32> to vector<16xf32>
      %swap3A_110 = vector.shape_cast %get3A_105 : vector<16xf32> to vector<1x16xf32>
      tpu.vector_store %arg9[%swap3A_106, %swap3A_107], %swap3A_110 {strides = array<i32>} : memref<16x512xf32, #tpu.memory_space<vmem>>, vector<1x16xf32>,
      %get3A_111 = arith.index_cast %scan3A_64 : i32 to index
      %get3A_112 = arith.constant 80 : index
      %get3A_113 = tpu.vector_load %arg12[%get3A_111, %get3A_112] {strides = array<i32>} : memref<68x512xf32, #tpu.memory_space<vmem>>, vector<1x16xf32>,
      %get3A_114 = vector.shape_cast %get3A_113 : vector<1x16xf32> to vector<16xf32>
      %swap3A_115 = arith.index_cast %add3A_67 : i32 to index
      %swap3A_116 = arith.constant 80 : index
      %swap3A_117 = tpu.vector_load %arg9[%swap3A_115, %swap3A_116] {strides = array<i32>} : memref<16x512xf32, #tpu.memory_space<vmem>>, vector<1x16xf32>,
      %swap3A_118 = vector.shape_cast %swap3A_117 : vector<1x16xf32> to vector<16xf32>
      %swap3A_119 = vector.shape_cast %get3A_114 : vector<16xf32> to vector<1x16xf32>
      tpu.vector_store %arg9[%swap3A_115, %swap3A_116], %swap3A_119 {strides = array<i32>} : memref<16x512xf32, #tpu.memory_space<vmem>>, vector<1x16xf32>,
      %get3A_120 = arith.index_cast %scan3A_64 : i32 to index
      %get3A_121 = arith.constant 96 : index
      %get3A_122 = tpu.vector_load %arg12[%get3A_120, %get3A_121] {strides = array<i32>} : memref<68x512xf32, #tpu.memory_space<vmem>>, vector<1x16xf32>,
      %get3A_123 = vector.shape_cast %get3A_122 : vector<1x16xf32> to vector<16xf32>
      %swap3A_124 = arith.index_cast %add3A_67 : i32 to index
      %swap3A_125 = arith.constant 96 : index
      %swap3A_126 = tpu.vector_load %arg9[%swap3A_124, %swap3A_125] {strides = array<i32>} : memref<16x512xf32, #tpu.memory_space<vmem>>, vector<1x16xf32>,
      %swap3A_127 = vector.shape_cast %swap3A_126 : vector<1x16xf32> to vector<16xf32>
      %swap3A_128 = vector.shape_cast %get3A_123 : vector<16xf32> to vector<1x16xf32>
      tpu.vector_store %arg9[%swap3A_124, %swap3A_125], %swap3A_128 {strides = array<i32>} : memref<16x512xf32, #tpu.memory_space<vmem>>, vector<1x16xf32>,
      %get3A_129 = arith.index_cast %scan3A_64 : i32 to index
      %get3A_130 = arith.constant 112 : index
      %get3A_131 = tpu.vector_load %arg12[%get3A_129, %get3A_130] {strides = array<i32>} : memref<68x512xf32, #tpu.memory_space<vmem>>, vector<1x16xf32>,
      %get3A_132 = vector.shape_cast %get3A_131 : vector<1x16xf32> to vector<16xf32>
      %swap3A_133 = arith.index_cast %add3A_67 : i32 to index
      %swap3A_134 = arith.constant 112 : index
      %swap3A_135 = tpu.vector_load %arg9[%swap3A_133, %swap3A_134] {strides = array<i32>} : memref<16x512xf32, #tpu.memory_space<vmem>>, vector<1x16xf32>,
      %swap3A_136 = vector.shape_cast %swap3A_135 : vector<1x16xf32> to vector<16xf32>
      %swap3A_137 = vector.shape_cast %get3A_132 : vector<16xf32> to vector<1x16xf32>
      tpu.vector_store %arg9[%swap3A_133, %swap3A_134], %swap3A_137 {strides = array<i32>} : memref<16x512xf32, #tpu.memory_space<vmem>>, vector<1x16xf32>,
      %get3A_138 = arith.index_cast %scan3A_64 : i32 to index
      %get3A_139 = arith.constant 128 : index
      %get3A_140 = tpu.vector_load %arg12[%get3A_138, %get3A_139] {strides = array<i32>} : memref<68x512xf32, #tpu.memory_space<vmem>>, vector<1x16xf32>,
      %get3A_141 = vector.shape_cast %get3A_140 : vector<1x16xf32> to vector<16xf32>
      %swap3A_142 = arith.index_cast %add3A_67 : i32 to index
      %swap3A_143 = arith.constant 128 : index
      %swap3A_144 = tpu.vector_load %arg9[%swap3A_142, %swap3A_143] {strides = array<i32>} : memref<16x512xf32, #tpu.memory_space<vmem>>, vector<1x16xf32>,
      %swap3A_145 = vector.shape_cast %swap3A_144 : vector<1x16xf32> to vector<16xf32>
      %swap3A_146 = vector.shape_cast %get3A_141 : vector<16xf32> to vector<1x16xf32>
      tpu.vector_store %arg9[%swap3A_142, %swap3A_143], %swap3A_146 {strides = array<i32>} : memref<16x512xf32, #tpu.memory_space<vmem>>, vector<1x16xf32>,
      %get3A_147 = arith.index_cast %scan3A_64 : i32 to index
      %get3A_148 = arith.constant 144 : index
      %get3A_149 = tpu.vector_load %arg12[%get3A_147, %get3A_148] {strides = array<i32>} : memref<68x512xf32, #tpu.memory_space<vmem>>, vector<1x16xf32>,
      %get3A_150 = vector.shape_cast %get3A_149 : vector<1x16xf32> to vector<16xf32>
      %swap3A_151 = arith.index_cast %add3A_67 : i32 to index
      %swap3A_152 = arith.constant 144 : index
      %swap3A_153 = tpu.vector_load %arg9[%swap3A_151, %swap3A_152] {strides = array<i32>} : memref<16x512xf32, #tpu.memory_space<vmem>>, vector<1x16xf32>,
      %swap3A_154 = vector.shape_cast %swap3A_153 : vector<1x16xf32> to vector<16xf32>
      %swap3A_155 = vector.shape_cast %get3A_150 : vector<16xf32> to vector<1x16xf32>
      tpu.vector_store %arg9[%swap3A_151, %swap3A_152], %swap3A_155 {strides = array<i32>} : memref<16x512xf32, #tpu.memory_space<vmem>>, vector<1x16xf32>,
      %get3A_156 = arith.index_cast %scan3A_64 : i32 to index
      %get3A_157 = arith.constant 160 : index
      %get3A_158 = tpu.vector_load %arg12[%get3A_156, %get3A_157] {strides = array<i32>} : memref<68x512xf32, #tpu.memory_space<vmem>>, vector<1x16xf32>,
      %get3A_159 = vector.shape_cast %get3A_158 : vector<1x16xf32> to vector<16xf32>
      %swap3A_160 = arith.index_cast %add3A_67 : i32 to index
      %swap3A_161 = arith.constant 160 : index
      %swap3A_162 = tpu.vector_load %arg9[%swap3A_160, %swap3A_161] {strides = array<i32>} : memref<16x512xf32, #tpu.memory_space<vmem>>, vector<1x16xf32>,
      %swap3A_163 = vector.shape_cast %swap3A_162 : vector<1x16xf32> to vector<16xf32>
      %swap3A_164 = vector.shape_cast %get3A_159 : vector<16xf32> to vector<1x16xf32>
      tpu.vector_store %arg9[%swap3A_160, %swap3A_161], %swap3A_164 {strides = array<i32>} : memref<16x512xf32, #tpu.memory_space<vmem>>, vector<1x16xf32>,
      %get3A_165 = arith.index_cast %scan3A_64 : i32 to index
      %get3A_166 = arith.constant 176 : index
      %get3A_167 = tpu.vector_load %arg12[%get3A_165, %get3A_166] {strides = array<i32>} : memref<68x512xf32, #tpu.memory_space<vmem>>, vector<1x16xf32>,
      %get3A_168 = vector.shape_cast %get3A_167 : vector<1x16xf32> to vector<16xf32>
      %swap3A_169 = arith.index_cast %add3A_67 : i32 to index
      %swap3A_170 = arith.constant 176 : index
      %swap3A_171 = tpu.vector_load %arg9[%swap3A_169, %swap3A_170] {strides = array<i32>} : memref<16x512xf32, #tpu.memory_space<vmem>>, vector<1x16xf32>,
      %swap3A_172 = vector.shape_cast %swap3A_171 : vector<1x16xf32> to vector<16xf32>
      %swap3A_173 = vector.shape_cast %get3A_168 : vector<16xf32> to vector<1x16xf32>
      tpu.vector_store %arg9[%swap3A_169, %swap3A_170], %swap3A_173 {strides = array<i32>} : memref<16x512xf32, #tpu.memory_space<vmem>>, vector<1x16xf32>,
      %get3A_174 = arith.index_cast %scan3A_64 : i32 to index
      %get3A_175 = arith.constant 192 : index
      %get3A_176 = tpu.vector_load %arg12[%get3A_174, %get3A_175] {strides = array<i32>} : memref<68x512xf32, #tpu.memory_space<vmem>>, vector<1x16xf32>,
      %get3A_177 = vector.shape_cast %get3A_176 : vector<1x16xf32> to vector<16xf32>
      %swap3A_178 = arith.index_cast %add3A_67 : i32 to index
      %swap3A_179 = arith.constant 192 : index
      %swap3A_180 = tpu.vector_load %arg9[%swap3A_178, %swap3A_179] {strides = array<i32>} : memref<16x512xf32, #tpu.memory_space<vmem>>, vector<1x16xf32>,
      %swap3A_181 = vector.shape_cast %swap3A_180 : vector<1x16xf32> to vector<16xf32>
      %swap3A_182 = vector.shape_cast %get3A_177 : vector<16xf32> to vector<1x16xf32>
      tpu.vector_store %arg9[%swap3A_178, %swap3A_179], %swap3A_182 {strides = array<i32>} : memref<16x512xf32, #tpu.memory_space<vmem>>, vector<1x16xf32>,
      %get3A_183 = arith.index_cast %scan3A_64 : i32 to index
      %get3A_184 = arith.constant 208 : index
      %get3A_185 = tpu.vector_load %arg12[%get3A_183, %get3A_184] {strides = array<i32>} : memref<68x512xf32, #tpu.memory_space<vmem>>, vector<1x16xf32>,
      %get3A_186 = vector.shape_cast %get3A_185 : vector<1x16xf32> to vector<16xf32>
      %swap3A_187 = arith.index_cast %add3A_67 : i32 to index
      %swap3A_188 = arith.constant 208 : index
      %swap3A_189 = tpu.vector_load %arg9[%swap3A_187, %swap3A_188] {strides = array<i32>} : memref<16x512xf32, #tpu.memory_space<vmem>>, vector<1x16xf32>,
      %swap3A_190 = vector.shape_cast %swap3A_189 : vector<1x16xf32> to vector<16xf32>
      %swap3A_191 = vector.shape_cast %get3A_186 : vector<16xf32> to vector<1x16xf32>
      tpu.vector_store %arg9[%swap3A_187, %swap3A_188], %swap3A_191 {strides = array<i32>} : memref<16x512xf32, #tpu.memory_space<vmem>>, vector<1x16xf32>,
      %get3A_192 = arith.index_cast %scan3A_64 : i32 to index
      %get3A_193 = arith.constant 224 : index
      %get3A_194 = tpu.vector_load %arg12[%get3A_192, %get3A_193] {strides = array<i32>} : memref<68x512xf32, #tpu.memory_space<vmem>>, vector<1x16xf32>,
      %get3A_195 = vector.shape_cast %get3A_194 : vector<1x16xf32> to vector<16xf32>
      %swap3A_196 = arith.index_cast %add3A_67 : i32 to index
      %swap3A_197 = arith.constant 224 : index
      %swap3A_198 = tpu.vector_load %arg9[%swap3A_196, %swap3A_197] {strides = array<i32>} : memref<16x512xf32, #tpu.memory_space<vmem>>, vector<1x16xf32>,
      %swap3A_199 = vector.shape_cast %swap3A_198 : vector<1x16xf32> to vector<16xf32>
      %swap3A_200 = vector.shape_cast %get3A_195 : vector<16xf32> to vector<1x16xf32>
      tpu.vector_store %arg9[%swap3A_196, %swap3A_197], %swap3A_200 {strides = array<i32>} : memref<16x512xf32, #tpu.memory_space<vmem>>, vector<1x16xf32>,
      %get3A_201 = arith.index_cast %scan3A_64 : i32 to index
      %get3A_202 = arith.constant 240 : index
      %get3A_203 = tpu.vector_load %arg12[%get3A_201, %get3A_202] {strides = array<i32>} : memref<68x512xf32, #tpu.memory_space<vmem>>, vector<1x16xf32>,
      %get3A_204 = vector.shape_cast %get3A_203 : vector<1x16xf32> to vector<16xf32>
      %swap3A_205 = arith.index_cast %add3A_67 : i32 to index
      %swap3A_206 = arith.constant 240 : index
      %swap3A_207 = tpu.vector_load %arg9[%swap3A_205, %swap3A_206] {strides = array<i32>} : memref<16x512xf32, #tpu.memory_space<vmem>>, vector<1x16xf32>,
      %swap3A_208 = vector.shape_cast %swap3A_207 : vector<1x16xf32> to vector<16xf32>
      %swap3A_209 = vector.shape_cast %get3A_204 : vector<16xf32> to vector<1x16xf32>
      tpu.vector_store %arg9[%swap3A_205, %swap3A_206], %swap3A_209 {strides = array<i32>} : memref<16x512xf32, #tpu.memory_space<vmem>>, vector<1x16xf32>,
      %get3A_210 = arith.index_cast %scan3A_64 : i32 to index
      %get3A_211 = arith.constant 256 : index
      %get3A_212 = tpu.vector_load %arg12[%get3A_210, %get3A_211] {strides = array<i32>} : memref<68x512xf32, #tpu.memory_space<vmem>>, vector<1x16xf32>,
      %get3A_213 = vector.shape_cast %get3A_212 : vector<1x16xf32> to vector<16xf32>
      %swap3A_214 = arith.index_cast %add3A_67 : i32 to index
      %swap3A_215 = arith.constant 256 : index
      %swap3A_216 = tpu.vector_load %arg9[%swap3A_214, %swap3A_215] {strides = array<i32>} : memref<16x512xf32, #tpu.memory_space<vmem>>, vector<1x16xf32>,
      %swap3A_217 = vector.shape_cast %swap3A_216 : vector<1x16xf32> to vector<16xf32>
      %swap3A_218 = vector.shape_cast %get3A_213 : vector<16xf32> to vector<1x16xf32>
      tpu.vector_store %arg9[%swap3A_214, %swap3A_215], %swap3A_218 {strides = array<i32>} : memref<16x512xf32, #tpu.memory_space<vmem>>, vector<1x16xf32>,
      %get3A_219 = arith.index_cast %scan3A_64 : i32 to index
      %get3A_220 = arith.constant 272 : index
      %get3A_221 = tpu.vector_load %arg12[%get3A_219, %get3A_220] {strides = array<i32>} : memref<68x512xf32, #tpu.memory_space<vmem>>, vector<1x16xf32>,
      %get3A_222 = vector.shape_cast %get3A_221 : vector<1x16xf32> to vector<16xf32>
      %swap3A_223 = arith.index_cast %add3A_67 : i32 to index
      %swap3A_224 = arith.constant 272 : index
      %swap3A_225 = tpu.vector_load %arg9[%swap3A_223, %swap3A_224] {strides = array<i32>} : memref<16x512xf32, #tpu.memory_space<vmem>>, vector<1x16xf32>,
      %swap3A_226 = vector.shape_cast %swap3A_225 : vector<1x16xf32> to vector<16xf32>
      %swap3A_227 = vector.shape_cast %get3A_222 : vector<16xf32> to vector<1x16xf32>
      tpu.vector_store %arg9[%swap3A_223, %swap3A_224], %swap3A_227 {strides = array<i32>} : memref<16x512xf32, #tpu.memory_space<vmem>>, vector<1x16xf32>,
      %get3A_228 = arith.index_cast %scan3A_64 : i32 to index
      %get3A_229 = arith.constant 288 : index
      %get3A_230 = tpu.vector_load %arg12[%get3A_228, %get3A_229] {strides = array<i32>} : memref<68x512xf32, #tpu.memory_space<vmem>>, vector<1x16xf32>,
      %get3A_231 = vector.shape_cast %get3A_230 : vector<1x16xf32> to vector<16xf32>
      %swap3A_232 = arith.index_cast %add3A_67 : i32 to index
      %swap3A_233 = arith.constant 288 : index
      %swap3A_234 = tpu.vector_load %arg9[%swap3A_232, %swap3A_233] {strides = array<i32>} : memref<16x512xf32, #tpu.memory_space<vmem>>, vector<1x16xf32>,
      %swap3A_235 = vector.shape_cast %swap3A_234 : vector<1x16xf32> to vector<16xf32>
      %swap3A_236 = vector.shape_cast %get3A_231 : vector<16xf32> to vector<1x16xf32>
      tpu.vector_store %arg9[%swap3A_232, %swap3A_233], %swap3A_236 {strides = array<i32>} : memref<16x512xf32, #tpu.memory_space<vmem>>, vector<1x16xf32>,
      %get3A_237 = arith.index_cast %scan3A_64 : i32 to index
      %get3A_238 = arith.constant 304 : index
      %get3A_239 = tpu.vector_load %arg12[%get3A_237, %get3A_238] {strides = array<i32>} : memref<68x512xf32, #tpu.memory_space<vmem>>, vector<1x16xf32>,
      %get3A_240 = vector.shape_cast %get3A_239 : vector<1x16xf32> to vector<16xf32>
      %swap3A_241 = arith.index_cast %add3A_67 : i32 to index
      %swap3A_242 = arith.constant 304 : index
      %swap3A_243 = tpu.vector_load %arg9[%swap3A_241, %swap3A_242] {strides = array<i32>} : memref<16x512xf32, #tpu.memory_space<vmem>>, vector<1x16xf32>,
      %swap3A_244 = vector.shape_cast %swap3A_243 : vector<1x16xf32> to vector<16xf32>
      %swap3A_245 = vector.shape_cast %get3A_240 : vector<16xf32> to vector<1x16xf32>
      tpu.vector_store %arg9[%swap3A_241, %swap3A_242], %swap3A_245 {strides = array<i32>} : memref<16x512xf32, #tpu.memory_space<vmem>>, vector<1x16xf32>,
      %get3A_246 = arith.index_cast %scan3A_64 : i32 to index
      %get3A_247 = arith.constant 320 : index
      %get3A_248 = tpu.vector_load %arg12[%get3A_246, %get3A_247] {strides = array<i32>} : memref<68x512xf32, #tpu.memory_space<vmem>>, vector<1x16xf32>,
      %get3A_249 = vector.shape_cast %get3A_248 : vector<1x16xf32> to vector<16xf32>
      %swap3A_250 = arith.index_cast %add3A_67 : i32 to index
      %swap3A_251 = arith.constant 320 : index
      %swap3A_252 = tpu.vector_load %arg9[%swap3A_250, %swap3A_251] {strides = array<i32>} : memref<16x512xf32, #tpu.memory_space<vmem>>, vector<1x16xf32>,
      %swap3A_253 = vector.shape_cast %swap3A_252 : vector<1x16xf32> to vector<16xf32>
      %swap3A_254 = vector.shape_cast %get3A_249 : vector<16xf32> to vector<1x16xf32>
      tpu.vector_store %arg9[%swap3A_250, %swap3A_251], %swap3A_254 {strides = array<i32>} : memref<16x512xf32, #tpu.memory_space<vmem>>, vector<1x16xf32>,
      %get3A_255 = arith.index_cast %scan3A_64 : i32 to index
      %get3A_256 = arith.constant 336 : index
      %get3A_257 = tpu.vector_load %arg12[%get3A_255, %get3A_256] {strides = array<i32>} : memref<68x512xf32, #tpu.memory_space<vmem>>, vector<1x16xf32>,
      %get3A_258 = vector.shape_cast %get3A_257 : vector<1x16xf32> to vector<16xf32>
      %swap3A_259 = arith.index_cast %add3A_67 : i32 to index
      %swap3A_260 = arith.constant 336 : index
      %swap3A_261 = tpu.vector_load %arg9[%swap3A_259, %swap3A_260] {strides = array<i32>} : memref<16x512xf32, #tpu.memory_space<vmem>>, vector<1x16xf32>,
      %swap3A_262 = vector.shape_cast %swap3A_261 : vector<1x16xf32> to vector<16xf32>
      %swap3A_263 = vector.shape_cast %get3A_258 : vector<16xf32> to vector<1x16xf32>
      tpu.vector_store %arg9[%swap3A_259, %swap3A_260], %swap3A_263 {strides = array<i32>} : memref<16x512xf32, #tpu.memory_space<vmem>>, vector<1x16xf32>,
      %get3A_264 = arith.index_cast %scan3A_64 : i32 to index
      %get3A_265 = arith.constant 352 : index
      %get3A_266 = tpu.vector_load %arg12[%get3A_264, %get3A_265] {strides = array<i32>} : memref<68x512xf32, #tpu.memory_space<vmem>>, vector<1x16xf32>,
      %get3A_267 = vector.shape_cast %get3A_266 : vector<1x16xf32> to vector<16xf32>
      %swap3A_268 = arith.index_cast %add3A_67 : i32 to index
      %swap3A_269 = arith.constant 352 : index
      %swap3A_270 = tpu.vector_load %arg9[%swap3A_268, %swap3A_269] {strides = array<i32>} : memref<16x512xf32, #tpu.memory_space<vmem>>, vector<1x16xf32>,
      %swap3A_271 = vector.shape_cast %swap3A_270 : vector<1x16xf32> to vector<16xf32>
      %swap3A_272 = vector.shape_cast %get3A_267 : vector<16xf32> to vector<1x16xf32>
      tpu.vector_store %arg9[%swap3A_268, %swap3A_269], %swap3A_272 {strides = array<i32>} : memref<16x512xf32, #tpu.memory_space<vmem>>, vector<1x16xf32>,
      %get3A_273 = arith.index_cast %scan3A_64 : i32 to index
      %get3A_274 = arith.constant 368 : index
      %get3A_275 = tpu.vector_load %arg12[%get3A_273, %get3A_274] {strides = array<i32>} : memref<68x512xf32, #tpu.memory_space<vmem>>, vector<1x16xf32>,
      %get3A_276 = vector.shape_cast %get3A_275 : vector<1x16xf32> to vector<16xf32>
      %swap3A_277 = arith.index_cast %add3A_67 : i32 to index
      %swap3A_278 = arith.constant 368 : index
      %swap3A_279 = tpu.vector_load %arg9[%swap3A_277, %swap3A_278] {strides = array<i32>} : memref<16x512xf32, #tpu.memory_space<vmem>>, vector<1x16xf32>,
      %swap3A_280 = vector.shape_cast %swap3A_279 : vector<1x16xf32> to vector<16xf32>
      %swap3A_281 = vector.shape_cast %get3A_276 : vector<16xf32> to vector<1x16xf32>
      tpu.vector_store %arg9[%swap3A_277, %swap3A_278], %swap3A_281 {strides = array<i32>} : memref<16x512xf32, #tpu.memory_space<vmem>>, vector<1x16xf32>,
      %get3A_282 = arith.index_cast %scan3A_64 : i32 to index
      %get3A_283 = arith.constant 384 : index
      %get3A_284 = tpu.vector_load %arg12[%get3A_282, %get3A_283] {strides = array<i32>} : memref<68x512xf32, #tpu.memory_space<vmem>>, vector<1x16xf32>,
      %get3A_285 = vector.shape_cast %get3A_284 : vector<1x16xf32> to vector<16xf32>
      %swap3A_286 = arith.index_cast %add3A_67 : i32 to index
      %swap3A_287 = arith.constant 384 : index
      %swap3A_288 = tpu.vector_load %arg9[%swap3A_286, %swap3A_287] {strides = array<i32>} : memref<16x512xf32, #tpu.memory_space<vmem>>, vector<1x16xf32>,
      %swap3A_289 = vector.shape_cast %swap3A_288 : vector<1x16xf32> to vector<16xf32>
      %swap3A_290 = vector.shape_cast %get3A_285 : vector<16xf32> to vector<1x16xf32>
      tpu.vector_store %arg9[%swap3A_286, %swap3A_287], %swap3A_290 {strides = array<i32>} : memref<16x512xf32, #tpu.memory_space<vmem>>, vector<1x16xf32>,
      %get3A_291 = arith.index_cast %scan3A_64 : i32 to index
      %get3A_292 = arith.constant 400 : index
      %get3A_293 = tpu.vector_load %arg12[%get3A_291, %get3A_292] {strides = array<i32>} : memref<68x512xf32, #tpu.memory_space<vmem>>, vector<1x16xf32>,
      %get3A_294 = vector.shape_cast %get3A_293 : vector<1x16xf32> to vector<16xf32>
      %swap3A_295 = arith.index_cast %add3A_67 : i32 to index
      %swap3A_296 = arith.constant 400 : index
      %swap3A_297 = tpu.vector_load %arg9[%swap3A_295, %swap3A_296] {strides = array<i32>} : memref<16x512xf32, #tpu.memory_space<vmem>>, vector<1x16xf32>,
      %swap3A_298 = vector.shape_cast %swap3A_297 : vector<1x16xf32> to vector<16xf32>
      %swap3A_299 = vector.shape_cast %get3A_294 : vector<16xf32> to vector<1x16xf32>
      tpu.vector_store %arg9[%swap3A_295, %swap3A_296], %swap3A_299 {strides = array<i32>} : memref<16x512xf32, #tpu.memory_space<vmem>>, vector<1x16xf32>,
      %get3A_300 = arith.index_cast %scan3A_64 : i32 to index
      %get3A_301 = arith.constant 416 : index
      %get3A_302 = tpu.vector_load %arg12[%get3A_300, %get3A_301] {strides = array<i32>} : memref<68x512xf32, #tpu.memory_space<vmem>>, vector<1x16xf32>,
      %get3A_303 = vector.shape_cast %get3A_302 : vector<1x16xf32> to vector<16xf32>
      %swap3A_304 = arith.index_cast %add3A_67 : i32 to index
      %swap3A_305 = arith.constant 416 : index
      %swap3A_306 = tpu.vector_load %arg9[%swap3A_304, %swap3A_305] {strides = array<i32>} : memref<16x512xf32, #tpu.memory_space<vmem>>, vector<1x16xf32>,
      %swap3A_307 = vector.shape_cast %swap3A_306 : vector<1x16xf32> to vector<16xf32>
      %swap3A_308 = vector.shape_cast %get3A_303 : vector<16xf32> to vector<1x16xf32>
      tpu.vector_store %arg9[%swap3A_304, %swap3A_305], %swap3A_308 {strides = array<i32>} : memref<16x512xf32, #tpu.memory_space<vmem>>, vector<1x16xf32>,
      %get3A_309 = arith.index_cast %scan3A_64 : i32 to index
      %get3A_310 = arith.constant 432 : index
      %get3A_311 = tpu.vector_load %arg12[%get3A_309, %get3A_310] {strides = array<i32>} : memref<68x512xf32, #tpu.memory_space<vmem>>, vector<1x16xf32>,
      %get3A_312 = vector.shape_cast %get3A_311 : vector<1x16xf32> to vector<16xf32>
      %swap3A_313 = arith.index_cast %add3A_67 : i32 to index
      %swap3A_314 = arith.constant 432 : index
      %swap3A_315 = tpu.vector_load %arg9[%swap3A_313, %swap3A_314] {strides = array<i32>} : memref<16x512xf32, #tpu.memory_space<vmem>>, vector<1x16xf32>,
      %swap3A_316 = vector.shape_cast %swap3A_315 : vector<1x16xf32> to vector<16xf32>
      %swap3A_317 = vector.shape_cast %get3A_312 : vector<16xf32> to vector<1x16xf32>
      tpu.vector_store %arg9[%swap3A_313, %swap3A_314], %swap3A_317 {strides = array<i32>} : memref<16x512xf32, #tpu.memory_space<vmem>>, vector<1x16xf32>,
      %get3A_318 = arith.index_cast %scan3A_64 : i32 to index
      %get3A_319 = arith.constant 448 : index
      %get3A_320 = tpu.vector_load %arg12[%get3A_318, %get3A_319] {strides = array<i32>} : memref<68x512xf32, #tpu.memory_space<vmem>>, vector<1x16xf32>,
      %get3A_321 = vector.shape_cast %get3A_320 : vector<1x16xf32> to vector<16xf32>
      %swap3A_322 = arith.index_cast %add3A_67 : i32 to index
      %swap3A_323 = arith.constant 448 : index
      %swap3A_324 = tpu.vector_load %arg9[%swap3A_322, %swap3A_323] {strides = array<i32>} : memref<16x512xf32, #tpu.memory_space<vmem>>, vector<1x16xf32>,
      %swap3A_325 = vector.shape_cast %swap3A_324 : vector<1x16xf32> to vector<16xf32>
      %swap3A_326 = vector.shape_cast %get3A_321 : vector<16xf32> to vector<1x16xf32>
      tpu.vector_store %arg9[%swap3A_322, %swap3A_323], %swap3A_326 {strides = array<i32>} : memref<16x512xf32, #tpu.memory_space<vmem>>, vector<1x16xf32>,
      %get3A_327 = arith.index_cast %scan3A_64 : i32 to index
      %get3A_328 = arith.constant 464 : index
      %get3A_329 = tpu.vector_load %arg12[%get3A_327, %get3A_328] {strides = array<i32>} : memref<68x512xf32, #tpu.memory_space<vmem>>, vector<1x16xf32>,
      %get3A_330 = vector.shape_cast %get3A_329 : vector<1x16xf32> to vector<16xf32>
      %swap3A_331 = arith.index_cast %add3A_67 : i32 to index
      %swap3A_332 = arith.constant 464 : index
      %swap3A_333 = tpu.vector_load %arg9[%swap3A_331, %swap3A_332] {strides = array<i32>} : memref<16x512xf32, #tpu.memory_space<vmem>>, vector<1x16xf32>,
      %swap3A_334 = vector.shape_cast %swap3A_333 : vector<1x16xf32> to vector<16xf32>
      %swap3A_335 = vector.shape_cast %get3A_330 : vector<16xf32> to vector<1x16xf32>
      tpu.vector_store %arg9[%swap3A_331, %swap3A_332], %swap3A_335 {strides = array<i32>} : memref<16x512xf32, #tpu.memory_space<vmem>>, vector<1x16xf32>,
      %get3A_336 = arith.index_cast %scan3A_64 : i32 to index
      %get3A_337 = arith.constant 480 : index
      %get3A_338 = tpu.vector_load %arg12[%get3A_336, %get3A_337] {strides = array<i32>} : memref<68x512xf32, #tpu.memory_space<vmem>>, vector<1x16xf32>,
      %get3A_339 = vector.shape_cast %get3A_338 : vector<1x16xf32> to vector<16xf32>
      %swap3A_340 = arith.index_cast %add3A_67 : i32 to index
      %swap3A_341 = arith.constant 480 : index
      %swap3A_342 = tpu.vector_load %arg9[%swap3A_340, %swap3A_341] {strides = array<i32>} : memref<16x512xf32, #tpu.memory_space<vmem>>, vector<1x16xf32>,
      %swap3A_343 = vector.shape_cast %swap3A_342 : vector<1x16xf32> to vector<16xf32>
      %swap3A_344 = vector.shape_cast %get3A_339 : vector<16xf32> to vector<1x16xf32>
      tpu.vector_store %arg9[%swap3A_340, %swap3A_341], %swap3A_344 {strides = array<i32>} : memref<16x512xf32, #tpu.memory_space<vmem>>, vector<1x16xf32>,
      %get3A_345 = arith.index_cast %scan3A_64 : i32 to index
      %get3A_346 = arith.constant 496 : index
      %get3A_347 = tpu.vector_load %arg12[%get3A_345, %get3A_346] {strides = array<i32>} : memref<68x512xf32, #tpu.memory_space<vmem>>, vector<1x16xf32>,
      %get3A_348 = vector.shape_cast %get3A_347 : vector<1x16xf32> to vector<16xf32>
      %swap3A_349 = arith.index_cast %add3A_67 : i32 to index
      %swap3A_350 = arith.constant 496 : index
      %swap3A_351 = tpu.vector_load %arg9[%swap3A_349, %swap3A_350] {strides = array<i32>} : memref<16x512xf32, #tpu.memory_space<vmem>>, vector<1x16xf32>,
      %swap3A_352 = vector.shape_cast %swap3A_351 : vector<1x16xf32> to vector<16xf32>
      %swap3A_353 = vector.shape_cast %get3A_348 : vector<16xf32> to vector<1x16xf32>
      tpu.vector_store %arg9[%swap3A_349, %swap3A_350], %swap3A_353 {strides = array<i32>} : memref<16x512xf32, #tpu.memory_space<vmem>>, vector<1x16xf32>,
      %add3A_354 = arith.constant 9 : i32
      %add3A_355 = arith.addi %add3A_354, %scan3A_64 : i32
      %get3A_356 = arith.index_cast %scan3A_64 : i32 to index
      %get3A_357 = arith.constant 0 : index
      %get3A_358 = tpu.vector_load %arg12[%get3A_356, %get3A_357] {strides = array<i32>} : memref<68x512xf32, #tpu.memory_space<vmem>>, vector<1x16xf32>,
      %get3A_359 = vector.shape_cast %get3A_358 : vector<1x16xf32> to vector<16xf32>
      %swap3A_360 = arith.index_cast %add3A_355 : i32 to index
      %swap3A_361 = arith.constant 0 : index
      %swap3A_362 = tpu.vector_load %arg10[%swap3A_360, %swap3A_361] {strides = array<i32>} : memref<16x512xf32, #tpu.memory_space<vmem>>, vector<1x16xf32>,
      %swap3A_363 = vector.shape_cast %swap3A_362 : vector<1x16xf32> to vector<16xf32>
      %swap3A_364 = vector.shape_cast %get3A_359 : vector<16xf32> to vector<1x16xf32>
      tpu.vector_store %arg10[%swap3A_360, %swap3A_361], %swap3A_364 {strides = array<i32>} : memref<16x512xf32, #tpu.memory_space<vmem>>, vector<1x16xf32>,
      %get3A_365 = arith.index_cast %scan3A_64 : i32 to index
      %get3A_366 = arith.constant 16 : index
      %get3A_367 = tpu.vector_load %arg12[%get3A_365, %get3A_366] {strides = array<i32>} : memref<68x512xf32, #tpu.memory_space<vmem>>, vector<1x16xf32>,
      %get3A_368 = vector.shape_cast %get3A_367 : vector<1x16xf32> to vector<16xf32>
      %swap3A_369 = arith.index_cast %add3A_355 : i32 to index
      %swap3A_370 = arith.constant 16 : index
      %swap3A_371 = tpu.vector_load %arg10[%swap3A_369, %swap3A_370] {strides = array<i32>} : memref<16x512xf32, #tpu.memory_space<vmem>>, vector<1x16xf32>,
      %swap3A_372 = vector.shape_cast %swap3A_371 : vector<1x16xf32> to vector<16xf32>
      %swap3A_373 = vector.shape_cast %get3A_368 : vector<16xf32> to vector<1x16xf32>
      tpu.vector_store %arg10[%swap3A_369, %swap3A_370], %swap3A_373 {strides = array<i32>} : memref<16x512xf32, #tpu.memory_space<vmem>>, vector<1x16xf32>,
      %get3A_374 = arith.index_cast %scan3A_64 : i32 to index
      %get3A_375 = arith.constant 32 : index
      %get3A_376 = tpu.vector_load %arg12[%get3A_374, %get3A_375] {strides = array<i32>} : memref<68x512xf32, #tpu.memory_space<vmem>>, vector<1x16xf32>,
      %get3A_377 = vector.shape_cast %get3A_376 : vector<1x16xf32> to vector<16xf32>
      %swap3A_378 = arith.index_cast %add3A_355 : i32 to index
      %swap3A_379 = arith.constant 32 : index
      %swap3A_380 = tpu.vector_load %arg10[%swap3A_378, %swap3A_379] {strides = array<i32>} : memref<16x512xf32, #tpu.memory_space<vmem>>, vector<1x16xf32>,
      %swap3A_381 = vector.shape_cast %swap3A_380 : vector<1x16xf32> to vector<16xf32>
      %swap3A_382 = vector.shape_cast %get3A_377 : vector<16xf32> to vector<1x16xf32>
      tpu.vector_store %arg10[%swap3A_378, %swap3A_379], %swap3A_382 {strides = array<i32>} : memref<16x512xf32, #tpu.memory_space<vmem>>, vector<1x16xf32>,
      %get3A_383 = arith.index_cast %scan3A_64 : i32 to index
      %get3A_384 = arith.constant 48 : index
      %get3A_385 = tpu.vector_load %arg12[%get3A_383, %get3A_384] {strides = array<i32>} : memref<68x512xf32, #tpu.memory_space<vmem>>, vector<1x16xf32>,
      %get3A_386 = vector.shape_cast %get3A_385 : vector<1x16xf32> to vector<16xf32>
      %swap3A_387 = arith.index_cast %add3A_355 : i32 to index
      %swap3A_388 = arith.constant 48 : index
      %swap3A_389 = tpu.vector_load %arg10[%swap3A_387, %swap3A_388] {strides = array<i32>} : memref<16x512xf32, #tpu.memory_space<vmem>>, vector<1x16xf32>,
      %swap3A_390 = vector.shape_cast %swap3A_389 : vector<1x16xf32> to vector<16xf32>
      %swap3A_391 = vector.shape_cast %get3A_386 : vector<16xf32> to vector<1x16xf32>
      tpu.vector_store %arg10[%swap3A_387, %swap3A_388], %swap3A_391 {strides = array<i32>} : memref<16x512xf32, #tpu.memory_space<vmem>>, vector<1x16xf32>,
      %get3A_392 = arith.index_cast %scan3A_64 : i32 to index
      %get3A_393 = arith.constant 64 : index
      %get3A_394 = tpu.vector_load %arg12[%get3A_392, %get3A_393] {strides = array<i32>} : memref<68x512xf32, #tpu.memory_space<vmem>>, vector<1x16xf32>,
      %get3A_395 = vector.shape_cast %get3A_394 : vector<1x16xf32> to vector<16xf32>
      %swap3A_396 = arith.index_cast %add3A_355 : i32 to index
      %swap3A_397 = arith.constant 64 : index
      %swap3A_398 = tpu.vector_load %arg10[%swap3A_396, %swap3A_397] {strides = array<i32>} : memref<16x512xf32, #tpu.memory_space<vmem>>, vector<1x16xf32>,
      %swap3A_399 = vector.shape_cast %swap3A_398 : vector<1x16xf32> to vector<16xf32>
      %swap3A_400 = vector.shape_cast %get3A_395 : vector<16xf32> to vector<1x16xf32>
      tpu.vector_store %arg10[%swap3A_396, %swap3A_397], %swap3A_400 {strides = array<i32>} : memref<16x512xf32, #tpu.memory_space<vmem>>, vector<1x16xf32>,
      %get3A_401 = arith.index_cast %scan3A_64 : i32 to index
      %get3A_402 = arith.constant 80 : index
      %get3A_403 = tpu.vector_load %arg12[%get3A_401, %get3A_402] {strides = array<i32>} : memref<68x512xf32, #tpu.memory_space<vmem>>, vector<1x16xf32>,
      %get3A_404 = vector.shape_cast %get3A_403 : vector<1x16xf32> to vector<16xf32>
      %swap3A_405 = arith.index_cast %add3A_355 : i32 to index
      %swap3A_406 = arith.constant 80 : index
      %swap3A_407 = tpu.vector_load %arg10[%swap3A_405, %swap3A_406] {strides = array<i32>} : memref<16x512xf32, #tpu.memory_space<vmem>>, vector<1x16xf32>,
      %swap3A_408 = vector.shape_cast %swap3A_407 : vector<1x16xf32> to vector<16xf32>
      %swap3A_409 = vector.shape_cast %get3A_404 : vector<16xf32> to vector<1x16xf32>
      tpu.vector_store %arg10[%swap3A_405, %swap3A_406], %swap3A_409 {strides = array<i32>} : memref<16x512xf32, #tpu.memory_space<vmem>>, vector<1x16xf32>,
      %get3A_410 = arith.index_cast %scan3A_64 : i32 to index
      %get3A_411 = arith.constant 96 : index
      %get3A_412 = tpu.vector_load %arg12[%get3A_410, %get3A_411] {strides = array<i32>} : memref<68x512xf32, #tpu.memory_space<vmem>>, vector<1x16xf32>,
      %get3A_413 = vector.shape_cast %get3A_412 : vector<1x16xf32> to vector<16xf32>
      %swap3A_414 = arith.index_cast %add3A_355 : i32 to index
      %swap3A_415 = arith.constant 96 : index
      %swap3A_416 = tpu.vector_load %arg10[%swap3A_414, %swap3A_415] {strides = array<i32>} : memref<16x512xf32, #tpu.memory_space<vmem>>, vector<1x16xf32>,
      %swap3A_417 = vector.shape_cast %swap3A_416 : vector<1x16xf32> to vector<16xf32>
      %swap3A_418 = vector.shape_cast %get3A_413 : vector<16xf32> to vector<1x16xf32>
      tpu.vector_store %arg10[%swap3A_414, %swap3A_415], %swap3A_418 {strides = array<i32>} : memref<16x512xf32, #tpu.memory_space<vmem>>, vector<1x16xf32>,
      %get3A_419 = arith.index_cast %scan3A_64 : i32 to index
      %get3A_420 = arith.constant 112 : index
      %get3A_421 = tpu.vector_load %arg12[%get3A_419, %get3A_420] {strides = array<i32>} : memref<68x512xf32, #tpu.memory_space<vmem>>, vector<1x16xf32>,
      %get3A_422 = vector.shape_cast %get3A_421 : vector<1x16xf32> to vector<16xf32>
      %swap3A_423 = arith.index_cast %add3A_355 : i32 to index
      %swap3A_424 = arith.constant 112 : index
      %swap3A_425 = tpu.vector_load %arg10[%swap3A_423, %swap3A_424] {strides = array<i32>} : memref<16x512xf32, #tpu.memory_space<vmem>>, vector<1x16xf32>,
      %swap3A_426 = vector.shape_cast %swap3A_425 : vector<1x16xf32> to vector<16xf32>
      %swap3A_427 = vector.shape_cast %get3A_422 : vector<16xf32> to vector<1x16xf32>
      tpu.vector_store %arg10[%swap3A_423, %swap3A_424], %swap3A_427 {strides = array<i32>} : memref<16x512xf32, #tpu.memory_space<vmem>>, vector<1x16xf32>,
      %get3A_428 = arith.index_cast %scan3A_64 : i32 to index
      %get3A_429 = arith.constant 128 : index
      %get3A_430 = tpu.vector_load %arg12[%get3A_428, %get3A_429] {strides = array<i32>} : memref<68x512xf32, #tpu.memory_space<vmem>>, vector<1x16xf32>,
      %get3A_431 = vector.shape_cast %get3A_430 : vector<1x16xf32> to vector<16xf32>
      %swap3A_432 = arith.index_cast %add3A_355 : i32 to index
      %swap3A_433 = arith.constant 128 : index
      %swap3A_434 = tpu.vector_load %arg10[%swap3A_432, %swap3A_433] {strides = array<i32>} : memref<16x512xf32, #tpu.memory_space<vmem>>, vector<1x16xf32>,
      %swap3A_435 = vector.shape_cast %swap3A_434 : vector<1x16xf32> to vector<16xf32>
      %swap3A_436 = vector.shape_cast %get3A_431 : vector<16xf32> to vector<1x16xf32>
      tpu.vector_store %arg10[%swap3A_432, %swap3A_433], %swap3A_436 {strides = array<i32>} : memref<16x512xf32, #tpu.memory_space<vmem>>, vector<1x16xf32>,
      %get3A_437 = arith.index_cast %scan3A_64 : i32 to index
      %get3A_438 = arith.constant 144 : index
      %get3A_439 = tpu.vector_load %arg12[%get3A_437, %get3A_438] {strides = array<i32>} : memref<68x512xf32, #tpu.memory_space<vmem>>, vector<1x16xf32>,
      %get3A_440 = vector.shape_cast %get3A_439 : vector<1x16xf32> to vector<16xf32>
      %swap3A_441 = arith.index_cast %add3A_355 : i32 to index
      %swap3A_442 = arith.constant 144 : index
      %swap3A_443 = tpu.vector_load %arg10[%swap3A_441, %swap3A_442] {strides = array<i32>} : memref<16x512xf32, #tpu.memory_space<vmem>>, vector<1x16xf32>,
      %swap3A_444 = vector.shape_cast %swap3A_443 : vector<1x16xf32> to vector<16xf32>
      %swap3A_445 = vector.shape_cast %get3A_440 : vector<16xf32> to vector<1x16xf32>
      tpu.vector_store %arg10[%swap3A_441, %swap3A_442], %swap3A_445 {strides = array<i32>} : memref<16x512xf32, #tpu.memory_space<vmem>>, vector<1x16xf32>,
      %get3A_446 = arith.index_cast %scan3A_64 : i32 to index
      %get3A_447 = arith.constant 160 : index
      %get3A_448 = tpu.vector_load %arg12[%get3A_446, %get3A_447] {strides = array<i32>} : memref<68x512xf32, #tpu.memory_space<vmem>>, vector<1x16xf32>,
      %get3A_449 = vector.shape_cast %get3A_448 : vector<1x16xf32> to vector<16xf32>
      %swap3A_450 = arith.index_cast %add3A_355 : i32 to index
      %swap3A_451 = arith.constant 160 : index
      %swap3A_452 = tpu.vector_load %arg10[%swap3A_450, %swap3A_451] {strides = array<i32>} : memref<16x512xf32, #tpu.memory_space<vmem>>, vector<1x16xf32>,
      %swap3A_453 = vector.shape_cast %swap3A_452 : vector<1x16xf32> to vector<16xf32>
      %swap3A_454 = vector.shape_cast %get3A_449 : vector<16xf32> to vector<1x16xf32>
      tpu.vector_store %arg10[%swap3A_450, %swap3A_451], %swap3A_454 {strides = array<i32>} : memref<16x512xf32, #tpu.memory_space<vmem>>, vector<1x16xf32>,
      %get3A_455 = arith.index_cast %scan3A_64 : i32 to index
      %get3A_456 = arith.constant 176 : index
      %get3A_457 = tpu.vector_load %arg12[%get3A_455, %get3A_456] {strides = array<i32>} : memref<68x512xf32, #tpu.memory_space<vmem>>, vector<1x16xf32>,
      %get3A_458 = vector.shape_cast %get3A_457 : vector<1x16xf32> to vector<16xf32>
      %swap3A_459 = arith.index_cast %add3A_355 : i32 to index
      %swap3A_460 = arith.constant 176 : index
      %swap3A_461 = tpu.vector_load %arg10[%swap3A_459, %swap3A_460] {strides = array<i32>} : memref<16x512xf32, #tpu.memory_space<vmem>>, vector<1x16xf32>,
      %swap3A_462 = vector.shape_cast %swap3A_461 : vector<1x16xf32> to vector<16xf32>
      %swap3A_463 = vector.shape_cast %get3A_458 : vector<16xf32> to vector<1x16xf32>
      tpu.vector_store %arg10[%swap3A_459, %swap3A_460], %swap3A_463 {strides = array<i32>} : memref<16x512xf32, #tpu.memory_space<vmem>>, vector<1x16xf32>,
      %get3A_464 = arith.index_cast %scan3A_64 : i32 to index
      %get3A_465 = arith.constant 192 : index
      %get3A_466 = tpu.vector_load %arg12[%get3A_464, %get3A_465] {strides = array<i32>} : memref<68x512xf32, #tpu.memory_space<vmem>>, vector<1x16xf32>,
      %get3A_467 = vector.shape_cast %get3A_466 : vector<1x16xf32> to vector<16xf32>
      %swap3A_468 = arith.index_cast %add3A_355 : i32 to index
      %swap3A_469 = arith.constant 192 : index
      %swap3A_470 = tpu.vector_load %arg10[%swap3A_468, %swap3A_469] {strides = array<i32>} : memref<16x512xf32, #tpu.memory_space<vmem>>, vector<1x16xf32>,
      %swap3A_471 = vector.shape_cast %swap3A_470 : vector<1x16xf32> to vector<16xf32>
      %swap3A_472 = vector.shape_cast %get3A_467 : vector<16xf32> to vector<1x16xf32>
      tpu.vector_store %arg10[%swap3A_468, %swap3A_469], %swap3A_472 {strides = array<i32>} : memref<16x512xf32, #tpu.memory_space<vmem>>, vector<1x16xf32>,
      %get3A_473 = arith.index_cast %scan3A_64 : i32 to index
      %get3A_474 = arith.constant 208 : index
      %get3A_475 = tpu.vector_load %arg12[%get3A_473, %get3A_474] {strides = array<i32>} : memref<68x512xf32, #tpu.memory_space<vmem>>, vector<1x16xf32>,
      %get3A_476 = vector.shape_cast %get3A_475 : vector<1x16xf32> to vector<16xf32>
      %swap3A_477 = arith.index_cast %add3A_355 : i32 to index
      %swap3A_478 = arith.constant 208 : index
      %swap3A_479 = tpu.vector_load %arg10[%swap3A_477, %swap3A_478] {strides = array<i32>} : memref<16x512xf32, #tpu.memory_space<vmem>>, vector<1x16xf32>,
      %swap3A_480 = vector.shape_cast %swap3A_479 : vector<1x16xf32> to vector<16xf32>
      %swap3A_481 = vector.shape_cast %get3A_476 : vector<16xf32> to vector<1x16xf32>
      tpu.vector_store %arg10[%swap3A_477, %swap3A_478], %swap3A_481 {strides = array<i32>} : memref<16x512xf32, #tpu.memory_space<vmem>>, vector<1x16xf32>,
      %get3A_482 = arith.index_cast %scan3A_64 : i32 to index
      %get3A_483 = arith.constant 224 : index
      %get3A_484 = tpu.vector_load %arg12[%get3A_482, %get3A_483] {strides = array<i32>} : memref<68x512xf32, #tpu.memory_space<vmem>>, vector<1x16xf32>,
      %get3A_485 = vector.shape_cast %get3A_484 : vector<1x16xf32> to vector<16xf32>
      %swap3A_486 = arith.index_cast %add3A_355 : i32 to index
      %swap3A_487 = arith.constant 224 : index
      %swap3A_488 = tpu.vector_load %arg10[%swap3A_486, %swap3A_487] {strides = array<i32>} : memref<16x512xf32, #tpu.memory_space<vmem>>, vector<1x16xf32>,
      %swap3A_489 = vector.shape_cast %swap3A_488 : vector<1x16xf32> to vector<16xf32>
      %swap3A_490 = vector.shape_cast %get3A_485 : vector<16xf32> to vector<1x16xf32>
      tpu.vector_store %arg10[%swap3A_486, %swap3A_487], %swap3A_490 {strides = array<i32>} : memref<16x512xf32, #tpu.memory_space<vmem>>, vector<1x16xf32>,
      %get3A_491 = arith.index_cast %scan3A_64 : i32 to index
      %get3A_492 = arith.constant 240 : index
      %get3A_493 = tpu.vector_load %arg12[%get3A_491, %get3A_492] {strides = array<i32>} : memref<68x512xf32, #tpu.memory_space<vmem>>, vector<1x16xf32>,
      %get3A_494 = vector.shape_cast %get3A_493 : vector<1x16xf32> to vector<16xf32>
      %swap3A_495 = arith.index_cast %add3A_355 : i32 to index
      %swap3A_496 = arith.constant 240 : index
      %swap3A_497 = tpu.vector_load %arg10[%swap3A_495, %swap3A_496] {strides = array<i32>} : memref<16x512xf32, #tpu.memory_space<vmem>>, vector<1x16xf32>,
      %swap3A_498 = vector.shape_cast %swap3A_497 : vector<1x16xf32> to vector<16xf32>
      %swap3A_499 = vector.shape_cast %get3A_494 : vector<16xf32> to vector<1x16xf32>
      tpu.vector_store %arg10[%swap3A_495, %swap3A_496], %swap3A_499 {strides = array<i32>} : memref<16x512xf32, #tpu.memory_space<vmem>>, vector<1x16xf32>,
      %get3A_500 = arith.index_cast %scan3A_64 : i32 to index
      %get3A_501 = arith.constant 256 : index
      %get3A_502 = tpu.vector_load %arg12[%get3A_500, %get3A_501] {strides = array<i32>} : memref<68x512xf32, #tpu.memory_space<vmem>>, vector<1x16xf32>,
      %get3A_503 = vector.shape_cast %get3A_502 : vector<1x16xf32> to vector<16xf32>
      %swap3A_504 = arith.index_cast %add3A_355 : i32 to index
      %swap3A_505 = arith.constant 256 : index
      %swap3A_506 = tpu.vector_load %arg10[%swap3A_504, %swap3A_505] {strides = array<i32>} : memref<16x512xf32, #tpu.memory_space<vmem>>, vector<1x16xf32>,
      %swap3A_507 = vector.shape_cast %swap3A_506 : vector<1x16xf32> to vector<16xf32>
      %swap3A_508 = vector.shape_cast %get3A_503 : vector<16xf32> to vector<1x16xf32>
      tpu.vector_store %arg10[%swap3A_504, %swap3A_505], %swap3A_508 {strides = array<i32>} : memref<16x512xf32, #tpu.memory_space<vmem>>, vector<1x16xf32>,
      %get3A_509 = arith.index_cast %scan3A_64 : i32 to index
      %get3A_510 = arith.constant 272 : index
      %get3A_511 = tpu.vector_load %arg12[%get3A_509, %get3A_510] {strides = array<i32>} : memref<68x512xf32, #tpu.memory_space<vmem>>, vector<1x16xf32>,
      %get3A_512 = vector.shape_cast %get3A_511 : vector<1x16xf32> to vector<16xf32>
      %swap3A_513 = arith.index_cast %add3A_355 : i32 to index
      %swap3A_514 = arith.constant 272 : index
      %swap3A_515 = tpu.vector_load %arg10[%swap3A_513, %swap3A_514] {strides = array<i32>} : memref<16x512xf32, #tpu.memory_space<vmem>>, vector<1x16xf32>,
      %swap3A_516 = vector.shape_cast %swap3A_515 : vector<1x16xf32> to vector<16xf32>
      %swap3A_517 = vector.shape_cast %get3A_512 : vector<16xf32> to vector<1x16xf32>
      tpu.vector_store %arg10[%swap3A_513, %swap3A_514], %swap3A_517 {strides = array<i32>} : memref<16x512xf32, #tpu.memory_space<vmem>>, vector<1x16xf32>,
      %get3A_518 = arith.index_cast %scan3A_64 : i32 to index
      %get3A_519 = arith.constant 288 : index
      %get3A_520 = tpu.vector_load %arg12[%get3A_518, %get3A_519] {strides = array<i32>} : memref<68x512xf32, #tpu.memory_space<vmem>>, vector<1x16xf32>,
      %get3A_521 = vector.shape_cast %get3A_520 : vector<1x16xf32> to vector<16xf32>
      %swap3A_522 = arith.index_cast %add3A_355 : i32 to index
      %swap3A_523 = arith.constant 288 : index
      %swap3A_524 = tpu.vector_load %arg10[%swap3A_522, %swap3A_523] {strides = array<i32>} : memref<16x512xf32, #tpu.memory_space<vmem>>, vector<1x16xf32>,
      %swap3A_525 = vector.shape_cast %swap3A_524 : vector<1x16xf32> to vector<16xf32>
      %swap3A_526 = vector.shape_cast %get3A_521 : vector<16xf32> to vector<1x16xf32>
      tpu.vector_store %arg10[%swap3A_522, %swap3A_523], %swap3A_526 {strides = array<i32>} : memref<16x512xf32, #tpu.memory_space<vmem>>, vector<1x16xf32>,
      %get3A_527 = arith.index_cast %scan3A_64 : i32 to index
      %get3A_528 = arith.constant 304 : index
      %get3A_529 = tpu.vector_load %arg12[%get3A_527, %get3A_528] {strides = array<i32>} : memref<68x512xf32, #tpu.memory_space<vmem>>, vector<1x16xf32>,
      %get3A_530 = vector.shape_cast %get3A_529 : vector<1x16xf32> to vector<16xf32>
      %swap3A_531 = arith.index_cast %add3A_355 : i32 to index
      %swap3A_532 = arith.constant 304 : index
      %swap3A_533 = tpu.vector_load %arg10[%swap3A_531, %swap3A_532] {strides = array<i32>} : memref<16x512xf32, #tpu.memory_space<vmem>>, vector<1x16xf32>,
      %swap3A_534 = vector.shape_cast %swap3A_533 : vector<1x16xf32> to vector<16xf32>
      %swap3A_535 = vector.shape_cast %get3A_530 : vector<16xf32> to vector<1x16xf32>
      tpu.vector_store %arg10[%swap3A_531, %swap3A_532], %swap3A_535 {strides = array<i32>} : memref<16x512xf32, #tpu.memory_space<vmem>>, vector<1x16xf32>,
      %get3A_536 = arith.index_cast %scan3A_64 : i32 to index
      %get3A_537 = arith.constant 320 : index
      %get3A_538 = tpu.vector_load %arg12[%get3A_536, %get3A_537] {strides = array<i32>} : memref<68x512xf32, #tpu.memory_space<vmem>>, vector<1x16xf32>,
      %get3A_539 = vector.shape_cast %get3A_538 : vector<1x16xf32> to vector<16xf32>
      %swap3A_540 = arith.index_cast %add3A_355 : i32 to index
      %swap3A_541 = arith.constant 320 : index
      %swap3A_542 = tpu.vector_load %arg10[%swap3A_540, %swap3A_541] {strides = array<i32>} : memref<16x512xf32, #tpu.memory_space<vmem>>, vector<1x16xf32>,
      %swap3A_543 = vector.shape_cast %swap3A_542 : vector<1x16xf32> to vector<16xf32>
      %swap3A_544 = vector.shape_cast %get3A_539 : vector<16xf32> to vector<1x16xf32>
      tpu.vector_store %arg10[%swap3A_540, %swap3A_541], %swap3A_544 {strides = array<i32>} : memref<16x512xf32, #tpu.memory_space<vmem>>, vector<1x16xf32>,
      %get3A_545 = arith.index_cast %scan3A_64 : i32 to index
      %get3A_546 = arith.constant 336 : index
      %get3A_547 = tpu.vector_load %arg12[%get3A_545, %get3A_546] {strides = array<i32>} : memref<68x512xf32, #tpu.memory_space<vmem>>, vector<1x16xf32>,
      %get3A_548 = vector.shape_cast %get3A_547 : vector<1x16xf32> to vector<16xf32>
      %swap3A_549 = arith.index_cast %add3A_355 : i32 to index
      %swap3A_550 = arith.constant 336 : index
      %swap3A_551 = tpu.vector_load %arg10[%swap3A_549, %swap3A_550] {strides = array<i32>} : memref<16x512xf32, #tpu.memory_space<vmem>>, vector<1x16xf32>,
      %swap3A_552 = vector.shape_cast %swap3A_551 : vector<1x16xf32> to vector<16xf32>
      %swap3A_553 = vector.shape_cast %get3A_548 : vector<16xf32> to vector<1x16xf32>
      tpu.vector_store %arg10[%swap3A_549, %swap3A_550], %swap3A_553 {strides = array<i32>} : memref<16x512xf32, #tpu.memory_space<vmem>>, vector<1x16xf32>,
      %get3A_554 = arith.index_cast %scan3A_64 : i32 to index
      %get3A_555 = arith.constant 352 : index
      %get3A_556 = tpu.vector_load %arg12[%get3A_554, %get3A_555] {strides = array<i32>} : memref<68x512xf32, #tpu.memory_space<vmem>>, vector<1x16xf32>,
      %get3A_557 = vector.shape_cast %get3A_556 : vector<1x16xf32> to vector<16xf32>
      %swap3A_558 = arith.index_cast %add3A_355 : i32 to index
      %swap3A_559 = arith.constant 352 : index
      %swap3A_560 = tpu.vector_load %arg10[%swap3A_558, %swap3A_559] {strides = array<i32>} : memref<16x512xf32, #tpu.memory_space<vmem>>, vector<1x16xf32>,
      %swap3A_561 = vector.shape_cast %swap3A_560 : vector<1x16xf32> to vector<16xf32>
      %swap3A_562 = vector.shape_cast %get3A_557 : vector<16xf32> to vector<1x16xf32>
      tpu.vector_store %arg10[%swap3A_558, %swap3A_559], %swap3A_562 {strides = array<i32>} : memref<16x512xf32, #tpu.memory_space<vmem>>, vector<1x16xf32>,
      %get3A_563 = arith.index_cast %scan3A_64 : i32 to index
      %get3A_564 = arith.constant 368 : index
      %get3A_565 = tpu.vector_load %arg12[%get3A_563, %get3A_564] {strides = array<i32>} : memref<68x512xf32, #tpu.memory_space<vmem>>, vector<1x16xf32>,
      %get3A_566 = vector.shape_cast %get3A_565 : vector<1x16xf32> to vector<16xf32>
      %swap3A_567 = arith.index_cast %add3A_355 : i32 to index
      %swap3A_568 = arith.constant 368 : index
      %swap3A_569 = tpu.vector_load %arg10[%swap3A_567, %swap3A_568] {strides = array<i32>} : memref<16x512xf32, #tpu.memory_space<vmem>>, vector<1x16xf32>,
      %swap3A_570 = vector.shape_cast %swap3A_569 : vector<1x16xf32> to vector<16xf32>
      %swap3A_571 = vector.shape_cast %get3A_566 : vector<16xf32> to vector<1x16xf32>
      tpu.vector_store %arg10[%swap3A_567, %swap3A_568], %swap3A_571 {strides = array<i32>} : memref<16x512xf32, #tpu.memory_space<vmem>>, vector<1x16xf32>,
      %get3A_572 = arith.index_cast %scan3A_64 : i32 to index
      %get3A_573 = arith.constant 384 : index
      %get3A_574 = tpu.vector_load %arg12[%get3A_572, %get3A_573] {strides = array<i32>} : memref<68x512xf32, #tpu.memory_space<vmem>>, vector<1x16xf32>,
      %get3A_575 = vector.shape_cast %get3A_574 : vector<1x16xf32> to vector<16xf32>
      %swap3A_576 = arith.index_cast %add3A_355 : i32 to index
      %swap3A_577 = arith.constant 384 : index
      %swap3A_578 = tpu.vector_load %arg10[%swap3A_576, %swap3A_577] {strides = array<i32>} : memref<16x512xf32, #tpu.memory_space<vmem>>, vector<1x16xf32>,
      %swap3A_579 = vector.shape_cast %swap3A_578 : vector<1x16xf32> to vector<16xf32>
      %swap3A_580 = vector.shape_cast %get3A_575 : vector<16xf32> to vector<1x16xf32>
      tpu.vector_store %arg10[%swap3A_576, %swap3A_577], %swap3A_580 {strides = array<i32>} : memref<16x512xf32, #tpu.memory_space<vmem>>, vector<1x16xf32>,
      %get3A_581 = arith.index_cast %scan3A_64 : i32 to index
      %get3A_582 = arith.constant 400 : index
      %get3A_583 = tpu.vector_load %arg12[%get3A_581, %get3A_582] {strides = array<i32>} : memref<68x512xf32, #tpu.memory_space<vmem>>, vector<1x16xf32>,
      %get3A_584 = vector.shape_cast %get3A_583 : vector<1x16xf32> to vector<16xf32>
      %swap3A_585 = arith.index_cast %add3A_355 : i32 to index
      %swap3A_586 = arith.constant 400 : index
      %swap3A_587 = tpu.vector_load %arg10[%swap3A_585, %swap3A_586] {strides = array<i32>} : memref<16x512xf32, #tpu.memory_space<vmem>>, vector<1x16xf32>,
      %swap3A_588 = vector.shape_cast %swap3A_587 : vector<1x16xf32> to vector<16xf32>
      %swap3A_589 = vector.shape_cast %get3A_584 : vector<16xf32> to vector<1x16xf32>
      tpu.vector_store %arg10[%swap3A_585, %swap3A_586], %swap3A_589 {strides = array<i32>} : memref<16x512xf32, #tpu.memory_space<vmem>>, vector<1x16xf32>,
      %get3A_590 = arith.index_cast %scan3A_64 : i32 to index
      %get3A_591 = arith.constant 416 : index
      %get3A_592 = tpu.vector_load %arg12[%get3A_590, %get3A_591] {strides = array<i32>} : memref<68x512xf32, #tpu.memory_space<vmem>>, vector<1x16xf32>,
      %get3A_593 = vector.shape_cast %get3A_592 : vector<1x16xf32> to vector<16xf32>
      %swap3A_594 = arith.index_cast %add3A_355 : i32 to index
      %swap3A_595 = arith.constant 416 : index
      %swap3A_596 = tpu.vector_load %arg10[%swap3A_594, %swap3A_595] {strides = array<i32>} : memref<16x512xf32, #tpu.memory_space<vmem>>, vector<1x16xf32>,
      %swap3A_597 = vector.shape_cast %swap3A_596 : vector<1x16xf32> to vector<16xf32>
      %swap3A_598 = vector.shape_cast %get3A_593 : vector<16xf32> to vector<1x16xf32>
      tpu.vector_store %arg10[%swap3A_594, %swap3A_595], %swap3A_598 {strides = array<i32>} : memref<16x512xf32, #tpu.memory_space<vmem>>, vector<1x16xf32>,
      %get3A_599 = arith.index_cast %scan3A_64 : i32 to index
      %get3A_600 = arith.constant 432 : index
      %get3A_601 = tpu.vector_load %arg12[%get3A_599, %get3A_600] {strides = array<i32>} : memref<68x512xf32, #tpu.memory_space<vmem>>, vector<1x16xf32>,
      %get3A_602 = vector.shape_cast %get3A_601 : vector<1x16xf32> to vector<16xf32>
      %swap3A_603 = arith.index_cast %add3A_355 : i32 to index
      %swap3A_604 = arith.constant 432 : index
      %swap3A_605 = tpu.vector_load %arg10[%swap3A_603, %swap3A_604] {strides = array<i32>} : memref<16x512xf32, #tpu.memory_space<vmem>>, vector<1x16xf32>,
      %swap3A_606 = vector.shape_cast %swap3A_605 : vector<1x16xf32> to vector<16xf32>
      %swap3A_607 = vector.shape_cast %get3A_602 : vector<16xf32> to vector<1x16xf32>
      tpu.vector_store %arg10[%swap3A_603, %swap3A_604], %swap3A_607 {strides = array<i32>} : memref<16x512xf32, #tpu.memory_space<vmem>>, vector<1x16xf32>,
      %get3A_608 = arith.index_cast %scan3A_64 : i32 to index
      %get3A_609 = arith.constant 448 : index
      %get3A_610 = tpu.vector_load %arg12[%get3A_608, %get3A_609] {strides = array<i32>} : memref<68x512xf32, #tpu.memory_space<vmem>>, vector<1x16xf32>,
      %get3A_611 = vector.shape_cast %get3A_610 : vector<1x16xf32> to vector<16xf32>
      %swap3A_612 = arith.index_cast %add3A_355 : i32 to index
      %swap3A_613 = arith.constant 448 : index
      %swap3A_614 = tpu.vector_load %arg10[%swap3A_612, %swap3A_613] {strides = array<i32>} : memref<16x512xf32, #tpu.memory_space<vmem>>, vector<1x16xf32>,
      %swap3A_615 = vector.shape_cast %swap3A_614 : vector<1x16xf32> to vector<16xf32>
      %swap3A_616 = vector.shape_cast %get3A_611 : vector<16xf32> to vector<1x16xf32>
      tpu.vector_store %arg10[%swap3A_612, %swap3A_613], %swap3A_616 {strides = array<i32>} : memref<16x512xf32, #tpu.memory_space<vmem>>, vector<1x16xf32>,
      %get3A_617 = arith.index_cast %scan3A_64 : i32 to index
      %get3A_618 = arith.constant 464 : index
      %get3A_619 = tpu.vector_load %arg12[%get3A_617, %get3A_618] {strides = array<i32>} : memref<68x512xf32, #tpu.memory_space<vmem>>, vector<1x16xf32>,
      %get3A_620 = vector.shape_cast %get3A_619 : vector<1x16xf32> to vector<16xf32>
      %swap3A_621 = arith.index_cast %add3A_355 : i32 to index
      %swap3A_622 = arith.constant 464 : index
      %swap3A_623 = tpu.vector_load %arg10[%swap3A_621, %swap3A_622] {strides = array<i32>} : memref<16x512xf32, #tpu.memory_space<vmem>>, vector<1x16xf32>,
      %swap3A_624 = vector.shape_cast %swap3A_623 : vector<1x16xf32> to vector<16xf32>
      %swap3A_625 = vector.shape_cast %get3A_620 : vector<16xf32> to vector<1x16xf32>
      tpu.vector_store %arg10[%swap3A_621, %swap3A_622], %swap3A_625 {strides = array<i32>} : memref<16x512xf32, #tpu.memory_space<vmem>>, vector<1x16xf32>,
      %get3A_626 = arith.index_cast %scan3A_64 : i32 to index
      %get3A_627 = arith.constant 480 : index
      %get3A_628 = tpu.vector_load %arg12[%get3A_626, %get3A_627] {strides = array<i32>} : memref<68x512xf32, #tpu.memory_space<vmem>>, vector<1x16xf32>,
      %get3A_629 = vector.shape_cast %get3A_628 : vector<1x16xf32> to vector<16xf32>
      %swap3A_630 = arith.index_cast %add3A_355 : i32 to index
      %swap3A_631 = arith.constant 480 : index
      %swap3A_632 = tpu.vector_load %arg10[%swap3A_630, %swap3A_631] {strides = array<i32>} : memref<16x512xf32, #tpu.memory_space<vmem>>, vector<1x16xf32>,
      %swap3A_633 = vector.shape_cast %swap3A_632 : vector<1x16xf32> to vector<16xf32>
      %swap3A_634 = vector.shape_cast %get3A_629 : vector<16xf32> to vector<1x16xf32>
      tpu.vector_store %arg10[%swap3A_630, %swap3A_631], %swap3A_634 {strides = array<i32>} : memref<16x512xf32, #tpu.memory_space<vmem>>, vector<1x16xf32>,
      %get3A_635 = arith.index_cast %scan3A_64 : i32 to index
      %get3A_636 = arith.constant 496 : index
      %get3A_637 = tpu.vector_load %arg12[%get3A_635, %get3A_636] {strides = array<i32>} : memref<68x512xf32, #tpu.memory_space<vmem>>, vector<1x16xf32>,
      %get3A_638 = vector.shape_cast %get3A_637 : vector<1x16xf32> to vector<16xf32>
      %swap3A_639 = arith.index_cast %add3A_355 : i32 to index
      %swap3A_640 = arith.constant 496 : index
      %swap3A_641 = tpu.vector_load %arg10[%swap3A_639, %swap3A_640] {strides = array<i32>} : memref<16x512xf32, #tpu.memory_space<vmem>>, vector<1x16xf32>,
      %swap3A_642 = vector.shape_cast %swap3A_641 : vector<1x16xf32> to vector<16xf32>
      %swap3A_643 = vector.shape_cast %get3A_638 : vector<16xf32> to vector<1x16xf32>
      tpu.vector_store %arg10[%swap3A_639, %swap3A_640], %swap3A_643 {strides = array<i32>} : memref<16x512xf32, #tpu.memory_space<vmem>>, vector<1x16xf32>,
      %scan3A_644 = arith.constant 0 : i32
      scf.yield %scan3A_644 : i32
    }
    %scan3A_10 = arith.constant 7 : i32
    %scan3A_11 = arith.constant 0 : i32
    %scan3A_12 = arith.constant 0 : i32
    %scan3A_13 = arith.constant 61 : i32
    %scan3A_14 = arith.addi %scan3A_12, %scan3A_13 : i32
    %scan3A_15 = arith.constant 1 : i32
    %scan3A_16 = scf.for %scan3A_64 = %scan3A_12 to %scan3A_14 step %scan3A_15 iter_args(%scan3A_65 = %scan3A_11) -> (i32)  : i32 {
      %add3A_66 = arith.constant 7 : i32
      %add3A_67 = arith.addi %add3A_66, %scan3A_64 : i32
      %get3A = arith.index_cast %add3A_67 : i32 to index
      %get3A_68 = arith.constant 0 : index
      %get3A_69 = tpu.vector_load %arg12[%get3A, %get3A_68] {strides = array<i32>} : memref<68x512xf32, #tpu.memory_space<vmem>>, vector<1x16xf32>,
      %get3A_70 = vector.shape_cast %get3A_69 : vector<1x16xf32> to vector<16xf32>
      %swap3A = arith.index_cast %scan3A_64 : i32 to index
      %swap3A_71 = arith.constant 0 : index
      %swap3A_72 = tpu.vector_load %arg11[%swap3A, %swap3A_71] {strides = array<i32>} : memref<61x512xf32, #tpu.memory_space<vmem>>, vector<1x16xf32>,
      %swap3A_73 = vector.shape_cast %swap3A_72 : vector<1x16xf32> to vector<16xf32>
      %swap3A_74 = vector.shape_cast %get3A_70 : vector<16xf32> to vector<1x16xf32>
      tpu.vector_store %arg11[%swap3A, %swap3A_71], %swap3A_74 {strides = array<i32>} : memref<61x512xf32, #tpu.memory_space<vmem>>, vector<1x16xf32>,
      %get3A_75 = arith.index_cast %add3A_67 : i32 to index
      %get3A_76 = arith.constant 16 : index
      %get3A_77 = tpu.vector_load %arg12[%get3A_75, %get3A_76] {strides = array<i32>} : memref<68x512xf32, #tpu.memory_space<vmem>>, vector<1x16xf32>,
      %get3A_78 = vector.shape_cast %get3A_77 : vector<1x16xf32> to vector<16xf32>
      %swap3A_79 = arith.index_cast %scan3A_64 : i32 to index
      %swap3A_80 = arith.constant 16 : index
      %swap3A_81 = tpu.vector_load %arg11[%swap3A_79, %swap3A_80] {strides = array<i32>} : memref<61x512xf32, #tpu.memory_space<vmem>>, vector<1x16xf32>,
      %swap3A_82 = vector.shape_cast %swap3A_81 : vector<1x16xf32> to vector<16xf32>
      %swap3A_83 = vector.shape_cast %get3A_78 : vector<16xf32> to vector<1x16xf32>
      tpu.vector_store %arg11[%swap3A_79, %swap3A_80], %swap3A_83 {strides = array<i32>} : memref<61x512xf32, #tpu.memory_space<vmem>>, vector<1x16xf32>,
      %get3A_84 = arith.index_cast %add3A_67 : i32 to index
      %get3A_85 = arith.constant 32 : index
      %get3A_86 = tpu.vector_load %arg12[%get3A_84, %get3A_85] {strides = array<i32>} : memref<68x512xf32, #tpu.memory_space<vmem>>, vector<1x16xf32>,
      %get3A_87 = vector.shape_cast %get3A_86 : vector<1x16xf32> to vector<16xf32>
      %swap3A_88 = arith.index_cast %scan3A_64 : i32 to index
      %swap3A_89 = arith.constant 32 : index
      %swap3A_90 = tpu.vector_load %arg11[%swap3A_88, %swap3A_89] {strides = array<i32>} : memref<61x512xf32, #tpu.memory_space<vmem>>, vector<1x16xf32>,
      %swap3A_91 = vector.shape_cast %swap3A_90 : vector<1x16xf32> to vector<16xf32>
      %swap3A_92 = vector.shape_cast %get3A_87 : vector<16xf32> to vector<1x16xf32>
      tpu.vector_store %arg11[%swap3A_88, %swap3A_89], %swap3A_92 {strides = array<i32>} : memref<61x512xf32, #tpu.memory_space<vmem>>, vector<1x16xf32>,
      %get3A_93 = arith.index_cast %add3A_67 : i32 to index
      %get3A_94 = arith.constant 48 : index
      %get3A_95 = tpu.vector_load %arg12[%get3A_93, %get3A_94] {strides = array<i32>} : memref<68x512xf32, #tpu.memory_space<vmem>>, vector<1x16xf32>,
      %get3A_96 = vector.shape_cast %get3A_95 : vector<1x16xf32> to vector<16xf32>
      %swap3A_97 = arith.index_cast %scan3A_64 : i32 to index
      %swap3A_98 = arith.constant 48 : index
      %swap3A_99 = tpu.vector_load %arg11[%swap3A_97, %swap3A_98] {strides = array<i32>} : memref<61x512xf32, #tpu.memory_space<vmem>>, vector<1x16xf32>,
      %swap3A_100 = vector.shape_cast %swap3A_99 : vector<1x16xf32> to vector<16xf32>
      %swap3A_101 = vector.shape_cast %get3A_96 : vector<16xf32> to vector<1x16xf32>
      tpu.vector_store %arg11[%swap3A_97, %swap3A_98], %swap3A_101 {strides = array<i32>} : memref<61x512xf32, #tpu.memory_space<vmem>>, vector<1x16xf32>,
      %get3A_102 = arith.index_cast %add3A_67 : i32 to index
      %get3A_103 = arith.constant 64 : index
      %get3A_104 = tpu.vector_load %arg12[%get3A_102, %get3A_103] {strides = array<i32>} : memref<68x512xf32, #tpu.memory_space<vmem>>, vector<1x16xf32>,
      %get3A_105 = vector.shape_cast %get3A_104 : vector<1x16xf32> to vector<16xf32>
      %swap3A_106 = arith.index_cast %scan3A_64 : i32 to index
      %swap3A_107 = arith.constant 64 : index
      %swap3A_108 = tpu.vector_load %arg11[%swap3A_106, %swap3A_107] {strides = array<i32>} : memref<61x512xf32, #tpu.memory_space<vmem>>, vector<1x16xf32>,
      %swap3A_109 = vector.shape_cast %swap3A_108 : vector<1x16xf32> to vector<16xf32>
      %swap3A_110 = vector.shape_cast %get3A_105 : vector<16xf32> to vector<1x16xf32>
      tpu.vector_store %arg11[%swap3A_106, %swap3A_107], %swap3A_110 {strides = array<i32>} : memref<61x512xf32, #tpu.memory_space<vmem>>, vector<1x16xf32>,
      %get3A_111 = arith.index_cast %add3A_67 : i32 to index
      %get3A_112 = arith.constant 80 : index
      %get3A_113 = tpu.vector_load %arg12[%get3A_111, %get3A_112] {strides = array<i32>} : memref<68x512xf32, #tpu.memory_space<vmem>>, vector<1x16xf32>,
      %get3A_114 = vector.shape_cast %get3A_113 : vector<1x16xf32> to vector<16xf32>
      %swap3A_115 = arith.index_cast %scan3A_64 : i32 to index
      %swap3A_116 = arith.constant 80 : index
      %swap3A_117 = tpu.vector_load %arg11[%swap3A_115, %swap3A_116] {strides = array<i32>} : memref<61x512xf32, #tpu.memory_space<vmem>>, vector<1x16xf32>,
      %swap3A_118 = vector.shape_cast %swap3A_117 : vector<1x16xf32> to vector<16xf32>
      %swap3A_119 = vector.shape_cast %get3A_114 : vector<16xf32> to vector<1x16xf32>
      tpu.vector_store %arg11[%swap3A_115, %swap3A_116], %swap3A_119 {strides = array<i32>} : memref<61x512xf32, #tpu.memory_space<vmem>>, vector<1x16xf32>,
      %get3A_120 = arith.index_cast %add3A_67 : i32 to index
      %get3A_121 = arith.constant 96 : index
      %get3A_122 = tpu.vector_load %arg12[%get3A_120, %get3A_121] {strides = array<i32>} : memref<68x512xf32, #tpu.memory_space<vmem>>, vector<1x16xf32>,
      %get3A_123 = vector.shape_cast %get3A_122 : vector<1x16xf32> to vector<16xf32>
      %swap3A_124 = arith.index_cast %scan3A_64 : i32 to index
      %swap3A_125 = arith.constant 96 : index
      %swap3A_126 = tpu.vector_load %arg11[%swap3A_124, %swap3A_125] {strides = array<i32>} : memref<61x512xf32, #tpu.memory_space<vmem>>, vector<1x16xf32>,
      %swap3A_127 = vector.shape_cast %swap3A_126 : vector<1x16xf32> to vector<16xf32>
      %swap3A_128 = vector.shape_cast %get3A_123 : vector<16xf32> to vector<1x16xf32>
      tpu.vector_store %arg11[%swap3A_124, %swap3A_125], %swap3A_128 {strides = array<i32>} : memref<61x512xf32, #tpu.memory_space<vmem>>, vector<1x16xf32>,
      %get3A_129 = arith.index_cast %add3A_67 : i32 to index
      %get3A_130 = arith.constant 112 : index
      %get3A_131 = tpu.vector_load %arg12[%get3A_129, %get3A_130] {strides = array<i32>} : memref<68x512xf32, #tpu.memory_space<vmem>>, vector<1x16xf32>,
      %get3A_132 = vector.shape_cast %get3A_131 : vector<1x16xf32> to vector<16xf32>
      %swap3A_133 = arith.index_cast %scan3A_64 : i32 to index
      %swap3A_134 = arith.constant 112 : index
      %swap3A_135 = tpu.vector_load %arg11[%swap3A_133, %swap3A_134] {strides = array<i32>} : memref<61x512xf32, #tpu.memory_space<vmem>>, vector<1x16xf32>,
      %swap3A_136 = vector.shape_cast %swap3A_135 : vector<1x16xf32> to vector<16xf32>
      %swap3A_137 = vector.shape_cast %get3A_132 : vector<16xf32> to vector<1x16xf32>
      tpu.vector_store %arg11[%swap3A_133, %swap3A_134], %swap3A_137 {strides = array<i32>} : memref<61x512xf32, #tpu.memory_space<vmem>>, vector<1x16xf32>,
      %get3A_138 = arith.index_cast %add3A_67 : i32 to index
      %get3A_139 = arith.constant 128 : index
      %get3A_140 = tpu.vector_load %arg12[%get3A_138, %get3A_139] {strides = array<i32>} : memref<68x512xf32, #tpu.memory_space<vmem>>, vector<1x16xf32>,
      %get3A_141 = vector.shape_cast %get3A_140 : vector<1x16xf32> to vector<16xf32>
      %swap3A_142 = arith.index_cast %scan3A_64 : i32 to index
      %swap3A_143 = arith.constant 128 : index
      %swap3A_144 = tpu.vector_load %arg11[%swap3A_142, %swap3A_143] {strides = array<i32>} : memref<61x512xf32, #tpu.memory_space<vmem>>, vector<1x16xf32>,
      %swap3A_145 = vector.shape_cast %swap3A_144 : vector<1x16xf32> to vector<16xf32>
      %swap3A_146 = vector.shape_cast %get3A_141 : vector<16xf32> to vector<1x16xf32>
      tpu.vector_store %arg11[%swap3A_142, %swap3A_143], %swap3A_146 {strides = array<i32>} : memref<61x512xf32, #tpu.memory_space<vmem>>, vector<1x16xf32>,
      %get3A_147 = arith.index_cast %add3A_67 : i32 to index
      %get3A_148 = arith.constant 144 : index
      %get3A_149 = tpu.vector_load %arg12[%get3A_147, %get3A_148] {strides = array<i32>} : memref<68x512xf32, #tpu.memory_space<vmem>>, vector<1x16xf32>,
      %get3A_150 = vector.shape_cast %get3A_149 : vector<1x16xf32> to vector<16xf32>
      %swap3A_151 = arith.index_cast %scan3A_64 : i32 to index
      %swap3A_152 = arith.constant 144 : index
      %swap3A_153 = tpu.vector_load %arg11[%swap3A_151, %swap3A_152] {strides = array<i32>} : memref<61x512xf32, #tpu.memory_space<vmem>>, vector<1x16xf32>,
      %swap3A_154 = vector.shape_cast %swap3A_153 : vector<1x16xf32> to vector<16xf32>
      %swap3A_155 = vector.shape_cast %get3A_150 : vector<16xf32> to vector<1x16xf32>
      tpu.vector_store %arg11[%swap3A_151, %swap3A_152], %swap3A_155 {strides = array<i32>} : memref<61x512xf32, #tpu.memory_space<vmem>>, vector<1x16xf32>,
      %get3A_156 = arith.index_cast %add3A_67 : i32 to index
      %get3A_157 = arith.constant 160 : index
      %get3A_158 = tpu.vector_load %arg12[%get3A_156, %get3A_157] {strides = array<i32>} : memref<68x512xf32, #tpu.memory_space<vmem>>, vector<1x16xf32>,
      %get3A_159 = vector.shape_cast %get3A_158 : vector<1x16xf32> to vector<16xf32>
      %swap3A_160 = arith.index_cast %scan3A_64 : i32 to index
      %swap3A_161 = arith.constant 160 : index
      %swap3A_162 = tpu.vector_load %arg11[%swap3A_160, %swap3A_161] {strides = array<i32>} : memref<61x512xf32, #tpu.memory_space<vmem>>, vector<1x16xf32>,
      %swap3A_163 = vector.shape_cast %swap3A_162 : vector<1x16xf32> to vector<16xf32>
      %swap3A_164 = vector.shape_cast %get3A_159 : vector<16xf32> to vector<1x16xf32>
      tpu.vector_store %arg11[%swap3A_160, %swap3A_161], %swap3A_164 {strides = array<i32>} : memref<61x512xf32, #tpu.memory_space<vmem>>, vector<1x16xf32>,
      %get3A_165 = arith.index_cast %add3A_67 : i32 to index
      %get3A_166 = arith.constant 176 : index
      %get3A_167 = tpu.vector_load %arg12[%get3A_165, %get3A_166] {strides = array<i32>} : memref<68x512xf32, #tpu.memory_space<vmem>>, vector<1x16xf32>,
      %get3A_168 = vector.shape_cast %get3A_167 : vector<1x16xf32> to vector<16xf32>
      %swap3A_169 = arith.index_cast %scan3A_64 : i32 to index
      %swap3A_170 = arith.constant 176 : index
      %swap3A_171 = tpu.vector_load %arg11[%swap3A_169, %swap3A_170] {strides = array<i32>} : memref<61x512xf32, #tpu.memory_space<vmem>>, vector<1x16xf32>,
      %swap3A_172 = vector.shape_cast %swap3A_171 : vector<1x16xf32> to vector<16xf32>
      %swap3A_173 = vector.shape_cast %get3A_168 : vector<16xf32> to vector<1x16xf32>
      tpu.vector_store %arg11[%swap3A_169, %swap3A_170], %swap3A_173 {strides = array<i32>} : memref<61x512xf32, #tpu.memory_space<vmem>>, vector<1x16xf32>,
      %get3A_174 = arith.index_cast %add3A_67 : i32 to index
      %get3A_175 = arith.constant 192 : index
      %get3A_176 = tpu.vector_load %arg12[%get3A_174, %get3A_175] {strides = array<i32>} : memref<68x512xf32, #tpu.memory_space<vmem>>, vector<1x16xf32>,
      %get3A_177 = vector.shape_cast %get3A_176 : vector<1x16xf32> to vector<16xf32>
      %swap3A_178 = arith.index_cast %scan3A_64 : i32 to index
      %swap3A_179 = arith.constant 192 : index
      %swap3A_180 = tpu.vector_load %arg11[%swap3A_178, %swap3A_179] {strides = array<i32>} : memref<61x512xf32, #tpu.memory_space<vmem>>, vector<1x16xf32>,
      %swap3A_181 = vector.shape_cast %swap3A_180 : vector<1x16xf32> to vector<16xf32>
      %swap3A_182 = vector.shape_cast %get3A_177 : vector<16xf32> to vector<1x16xf32>
      tpu.vector_store %arg11[%swap3A_178, %swap3A_179], %swap3A_182 {strides = array<i32>} : memref<61x512xf32, #tpu.memory_space<vmem>>, vector<1x16xf32>,
      %get3A_183 = arith.index_cast %add3A_67 : i32 to index
      %get3A_184 = arith.constant 208 : index
      %get3A_185 = tpu.vector_load %arg12[%get3A_183, %get3A_184] {strides = array<i32>} : memref<68x512xf32, #tpu.memory_space<vmem>>, vector<1x16xf32>,
      %get3A_186 = vector.shape_cast %get3A_185 : vector<1x16xf32> to vector<16xf32>
      %swap3A_187 = arith.index_cast %scan3A_64 : i32 to index
      %swap3A_188 = arith.constant 208 : index
      %swap3A_189 = tpu.vector_load %arg11[%swap3A_187, %swap3A_188] {strides = array<i32>} : memref<61x512xf32, #tpu.memory_space<vmem>>, vector<1x16xf32>,
      %swap3A_190 = vector.shape_cast %swap3A_189 : vector<1x16xf32> to vector<16xf32>
      %swap3A_191 = vector.shape_cast %get3A_186 : vector<16xf32> to vector<1x16xf32>
      tpu.vector_store %arg11[%swap3A_187, %swap3A_188], %swap3A_191 {strides = array<i32>} : memref<61x512xf32, #tpu.memory_space<vmem>>, vector<1x16xf32>,
      %get3A_192 = arith.index_cast %add3A_67 : i32 to index
      %get3A_193 = arith.constant 224 : index
      %get3A_194 = tpu.vector_load %arg12[%get3A_192, %get3A_193] {strides = array<i32>} : memref<68x512xf32, #tpu.memory_space<vmem>>, vector<1x16xf32>,
      %get3A_195 = vector.shape_cast %get3A_194 : vector<1x16xf32> to vector<16xf32>
      %swap3A_196 = arith.index_cast %scan3A_64 : i32 to index
      %swap3A_197 = arith.constant 224 : index
      %swap3A_198 = tpu.vector_load %arg11[%swap3A_196, %swap3A_197] {strides = array<i32>} : memref<61x512xf32, #tpu.memory_space<vmem>>, vector<1x16xf32>,
      %swap3A_199 = vector.shape_cast %swap3A_198 : vector<1x16xf32> to vector<16xf32>
      %swap3A_200 = vector.shape_cast %get3A_195 : vector<16xf32> to vector<1x16xf32>
      tpu.vector_store %arg11[%swap3A_196, %swap3A_197], %swap3A_200 {strides = array<i32>} : memref<61x512xf32, #tpu.memory_space<vmem>>, vector<1x16xf32>,
      %get3A_201 = arith.index_cast %add3A_67 : i32 to index
      %get3A_202 = arith.constant 240 : index
      %get3A_203 = tpu.vector_load %arg12[%get3A_201, %get3A_202] {strides = array<i32>} : memref<68x512xf32, #tpu.memory_space<vmem>>, vector<1x16xf32>,
      %get3A_204 = vector.shape_cast %get3A_203 : vector<1x16xf32> to vector<16xf32>
      %swap3A_205 = arith.index_cast %scan3A_64 : i32 to index
      %swap3A_206 = arith.constant 240 : index
      %swap3A_207 = tpu.vector_load %arg11[%swap3A_205, %swap3A_206] {strides = array<i32>} : memref<61x512xf32, #tpu.memory_space<vmem>>, vector<1x16xf32>,
      %swap3A_208 = vector.shape_cast %swap3A_207 : vector<1x16xf32> to vector<16xf32>
      %swap3A_209 = vector.shape_cast %get3A_204 : vector<16xf32> to vector<1x16xf32>
      tpu.vector_store %arg11[%swap3A_205, %swap3A_206], %swap3A_209 {strides = array<i32>} : memref<61x512xf32, #tpu.memory_space<vmem>>, vector<1x16xf32>,
      %get3A_210 = arith.index_cast %add3A_67 : i32 to index
      %get3A_211 = arith.constant 256 : index
      %get3A_212 = tpu.vector_load %arg12[%get3A_210, %get3A_211] {strides = array<i32>} : memref<68x512xf32, #tpu.memory_space<vmem>>, vector<1x16xf32>,
      %get3A_213 = vector.shape_cast %get3A_212 : vector<1x16xf32> to vector<16xf32>
      %swap3A_214 = arith.index_cast %scan3A_64 : i32 to index
      %swap3A_215 = arith.constant 256 : index
      %swap3A_216 = tpu.vector_load %arg11[%swap3A_214, %swap3A_215] {strides = array<i32>} : memref<61x512xf32, #tpu.memory_space<vmem>>, vector<1x16xf32>,
      %swap3A_217 = vector.shape_cast %swap3A_216 : vector<1x16xf32> to vector<16xf32>
      %swap3A_218 = vector.shape_cast %get3A_213 : vector<16xf32> to vector<1x16xf32>
      tpu.vector_store %arg11[%swap3A_214, %swap3A_215], %swap3A_218 {strides = array<i32>} : memref<61x512xf32, #tpu.memory_space<vmem>>, vector<1x16xf32>,
      %get3A_219 = arith.index_cast %add3A_67 : i32 to index
      %get3A_220 = arith.constant 272 : index
      %get3A_221 = tpu.vector_load %arg12[%get3A_219, %get3A_220] {strides = array<i32>} : memref<68x512xf32, #tpu.memory_space<vmem>>, vector<1x16xf32>,
      %get3A_222 = vector.shape_cast %get3A_221 : vector<1x16xf32> to vector<16xf32>
      %swap3A_223 = arith.index_cast %scan3A_64 : i32 to index
      %swap3A_224 = arith.constant 272 : index
      %swap3A_225 = tpu.vector_load %arg11[%swap3A_223, %swap3A_224] {strides = array<i32>} : memref<61x512xf32, #tpu.memory_space<vmem>>, vector<1x16xf32>,
      %swap3A_226 = vector.shape_cast %swap3A_225 : vector<1x16xf32> to vector<16xf32>
      %swap3A_227 = vector.shape_cast %get3A_222 : vector<16xf32> to vector<1x16xf32>
      tpu.vector_store %arg11[%swap3A_223, %swap3A_224], %swap3A_227 {strides = array<i32>} : memref<61x512xf32, #tpu.memory_space<vmem>>, vector<1x16xf32>,
      %get3A_228 = arith.index_cast %add3A_67 : i32 to index
      %get3A_229 = arith.constant 288 : index
      %get3A_230 = tpu.vector_load %arg12[%get3A_228, %get3A_229] {strides = array<i32>} : memref<68x512xf32, #tpu.memory_space<vmem>>, vector<1x16xf32>,
      %get3A_231 = vector.shape_cast %get3A_230 : vector<1x16xf32> to vector<16xf32>
      %swap3A_232 = arith.index_cast %scan3A_64 : i32 to index
      %swap3A_233 = arith.constant 288 : index
      %swap3A_234 = tpu.vector_load %arg11[%swap3A_232, %swap3A_233] {strides = array<i32>} : memref<61x512xf32, #tpu.memory_space<vmem>>, vector<1x16xf32>,
      %swap3A_235 = vector.shape_cast %swap3A_234 : vector<1x16xf32> to vector<16xf32>
      %swap3A_236 = vector.shape_cast %get3A_231 : vector<16xf32> to vector<1x16xf32>
      tpu.vector_store %arg11[%swap3A_232, %swap3A_233], %swap3A_236 {strides = array<i32>} : memref<61x512xf32, #tpu.memory_space<vmem>>, vector<1x16xf32>,
      %get3A_237 = arith.index_cast %add3A_67 : i32 to index
      %get3A_238 = arith.constant 304 : index
      %get3A_239 = tpu.vector_load %arg12[%get3A_237, %get3A_238] {strides = array<i32>} : memref<68x512xf32, #tpu.memory_space<vmem>>, vector<1x16xf32>,
      %get3A_240 = vector.shape_cast %get3A_239 : vector<1x16xf32> to vector<16xf32>
      %swap3A_241 = arith.index_cast %scan3A_64 : i32 to index
      %swap3A_242 = arith.constant 304 : index
      %swap3A_243 = tpu.vector_load %arg11[%swap3A_241, %swap3A_242] {strides = array<i32>} : memref<61x512xf32, #tpu.memory_space<vmem>>, vector<1x16xf32>,
      %swap3A_244 = vector.shape_cast %swap3A_243 : vector<1x16xf32> to vector<16xf32>
      %swap3A_245 = vector.shape_cast %get3A_240 : vector<16xf32> to vector<1x16xf32>
      tpu.vector_store %arg11[%swap3A_241, %swap3A_242], %swap3A_245 {strides = array<i32>} : memref<61x512xf32, #tpu.memory_space<vmem>>, vector<1x16xf32>,
      %get3A_246 = arith.index_cast %add3A_67 : i32 to index
      %get3A_247 = arith.constant 320 : index
      %get3A_248 = tpu.vector_load %arg12[%get3A_246, %get3A_247] {strides = array<i32>} : memref<68x512xf32, #tpu.memory_space<vmem>>, vector<1x16xf32>,
      %get3A_249 = vector.shape_cast %get3A_248 : vector<1x16xf32> to vector<16xf32>
      %swap3A_250 = arith.index_cast %scan3A_64 : i32 to index
      %swap3A_251 = arith.constant 320 : index
      %swap3A_252 = tpu.vector_load %arg11[%swap3A_250, %swap3A_251] {strides = array<i32>} : memref<61x512xf32, #tpu.memory_space<vmem>>, vector<1x16xf32>,
      %swap3A_253 = vector.shape_cast %swap3A_252 : vector<1x16xf32> to vector<16xf32>
      %swap3A_254 = vector.shape_cast %get3A_249 : vector<16xf32> to vector<1x16xf32>
      tpu.vector_store %arg11[%swap3A_250, %swap3A_251], %swap3A_254 {strides = array<i32>} : memref<61x512xf32, #tpu.memory_space<vmem>>, vector<1x16xf32>,
      %get3A_255 = arith.index_cast %add3A_67 : i32 to index
      %get3A_256 = arith.constant 336 : index
      %get3A_257 = tpu.vector_load %arg12[%get3A_255, %get3A_256] {strides = array<i32>} : memref<68x512xf32, #tpu.memory_space<vmem>>, vector<1x16xf32>,
      %get3A_258 = vector.shape_cast %get3A_257 : vector<1x16xf32> to vector<16xf32>
      %swap3A_259 = arith.index_cast %scan3A_64 : i32 to index
      %swap3A_260 = arith.constant 336 : index
      %swap3A_261 = tpu.vector_load %arg11[%swap3A_259, %swap3A_260] {strides = array<i32>} : memref<61x512xf32, #tpu.memory_space<vmem>>, vector<1x16xf32>,
      %swap3A_262 = vector.shape_cast %swap3A_261 : vector<1x16xf32> to vector<16xf32>
      %swap3A_263 = vector.shape_cast %get3A_258 : vector<16xf32> to vector<1x16xf32>
      tpu.vector_store %arg11[%swap3A_259, %swap3A_260], %swap3A_263 {strides = array<i32>} : memref<61x512xf32, #tpu.memory_space<vmem>>, vector<1x16xf32>,
      %get3A_264 = arith.index_cast %add3A_67 : i32 to index
      %get3A_265 = arith.constant 352 : index
      %get3A_266 = tpu.vector_load %arg12[%get3A_264, %get3A_265] {strides = array<i32>} : memref<68x512xf32, #tpu.memory_space<vmem>>, vector<1x16xf32>,
      %get3A_267 = vector.shape_cast %get3A_266 : vector<1x16xf32> to vector<16xf32>
      %swap3A_268 = arith.index_cast %scan3A_64 : i32 to index
      %swap3A_269 = arith.constant 352 : index
      %swap3A_270 = tpu.vector_load %arg11[%swap3A_268, %swap3A_269] {strides = array<i32>} : memref<61x512xf32, #tpu.memory_space<vmem>>, vector<1x16xf32>,
      %swap3A_271 = vector.shape_cast %swap3A_270 : vector<1x16xf32> to vector<16xf32>
      %swap3A_272 = vector.shape_cast %get3A_267 : vector<16xf32> to vector<1x16xf32>
      tpu.vector_store %arg11[%swap3A_268, %swap3A_269], %swap3A_272 {strides = array<i32>} : memref<61x512xf32, #tpu.memory_space<vmem>>, vector<1x16xf32>,
      %get3A_273 = arith.index_cast %add3A_67 : i32 to index
      %get3A_274 = arith.constant 368 : index
      %get3A_275 = tpu.vector_load %arg12[%get3A_273, %get3A_274] {strides = array<i32>} : memref<68x512xf32, #tpu.memory_space<vmem>>, vector<1x16xf32>,
      %get3A_276 = vector.shape_cast %get3A_275 : vector<1x16xf32> to vector<16xf32>
      %swap3A_277 = arith.index_cast %scan3A_64 : i32 to index
      %swap3A_278 = arith.constant 368 : index
      %swap3A_279 = tpu.vector_load %arg11[%swap3A_277, %swap3A_278] {strides = array<i32>} : memref<61x512xf32, #tpu.memory_space<vmem>>, vector<1x16xf32>,
      %swap3A_280 = vector.shape_cast %swap3A_279 : vector<1x16xf32> to vector<16xf32>
      %swap3A_281 = vector.shape_cast %get3A_276 : vector<16xf32> to vector<1x16xf32>
      tpu.vector_store %arg11[%swap3A_277, %swap3A_278], %swap3A_281 {strides = array<i32>} : memref<61x512xf32, #tpu.memory_space<vmem>>, vector<1x16xf32>,
      %get3A_282 = arith.index_cast %add3A_67 : i32 to index
      %get3A_283 = arith.constant 384 : index
      %get3A_284 = tpu.vector_load %arg12[%get3A_282, %get3A_283] {strides = array<i32>} : memref<68x512xf32, #tpu.memory_space<vmem>>, vector<1x16xf32>,
      %get3A_285 = vector.shape_cast %get3A_284 : vector<1x16xf32> to vector<16xf32>
      %swap3A_286 = arith.index_cast %scan3A_64 : i32 to index
      %swap3A_287 = arith.constant 384 : index
      %swap3A_288 = tpu.vector_load %arg11[%swap3A_286, %swap3A_287] {strides = array<i32>} : memref<61x512xf32, #tpu.memory_space<vmem>>, vector<1x16xf32>,
      %swap3A_289 = vector.shape_cast %swap3A_288 : vector<1x16xf32> to vector<16xf32>
      %swap3A_290 = vector.shape_cast %get3A_285 : vector<16xf32> to vector<1x16xf32>
      tpu.vector_store %arg11[%swap3A_286, %swap3A_287], %swap3A_290 {strides = array<i32>} : memref<61x512xf32, #tpu.memory_space<vmem>>, vector<1x16xf32>,
      %get3A_291 = arith.index_cast %add3A_67 : i32 to index
      %get3A_292 = arith.constant 400 : index
      %get3A_293 = tpu.vector_load %arg12[%get3A_291, %get3A_292] {strides = array<i32>} : memref<68x512xf32, #tpu.memory_space<vmem>>, vector<1x16xf32>,
      %get3A_294 = vector.shape_cast %get3A_293 : vector<1x16xf32> to vector<16xf32>
      %swap3A_295 = arith.index_cast %scan3A_64 : i32 to index
      %swap3A_296 = arith.constant 400 : index
      %swap3A_297 = tpu.vector_load %arg11[%swap3A_295, %swap3A_296] {strides = array<i32>} : memref<61x512xf32, #tpu.memory_space<vmem>>, vector<1x16xf32>,
      %swap3A_298 = vector.shape_cast %swap3A_297 : vector<1x16xf32> to vector<16xf32>
      %swap3A_299 = vector.shape_cast %get3A_294 : vector<16xf32> to vector<1x16xf32>
      tpu.vector_store %arg11[%swap3A_295, %swap3A_296], %swap3A_299 {strides = array<i32>} : memref<61x512xf32, #tpu.memory_space<vmem>>, vector<1x16xf32>,
      %get3A_300 = arith.index_cast %add3A_67 : i32 to index
      %get3A_301 = arith.constant 416 : index
      %get3A_302 = tpu.vector_load %arg12[%get3A_300, %get3A_301] {strides = array<i32>} : memref<68x512xf32, #tpu.memory_space<vmem>>, vector<1x16xf32>,
      %get3A_303 = vector.shape_cast %get3A_302 : vector<1x16xf32> to vector<16xf32>
      %swap3A_304 = arith.index_cast %scan3A_64 : i32 to index
      %swap3A_305 = arith.constant 416 : index
      %swap3A_306 = tpu.vector_load %arg11[%swap3A_304, %swap3A_305] {strides = array<i32>} : memref<61x512xf32, #tpu.memory_space<vmem>>, vector<1x16xf32>,
      %swap3A_307 = vector.shape_cast %swap3A_306 : vector<1x16xf32> to vector<16xf32>
      %swap3A_308 = vector.shape_cast %get3A_303 : vector<16xf32> to vector<1x16xf32>
      tpu.vector_store %arg11[%swap3A_304, %swap3A_305], %swap3A_308 {strides = array<i32>} : memref<61x512xf32, #tpu.memory_space<vmem>>, vector<1x16xf32>,
      %get3A_309 = arith.index_cast %add3A_67 : i32 to index
      %get3A_310 = arith.constant 432 : index
      %get3A_311 = tpu.vector_load %arg12[%get3A_309, %get3A_310] {strides = array<i32>} : memref<68x512xf32, #tpu.memory_space<vmem>>, vector<1x16xf32>,
      %get3A_312 = vector.shape_cast %get3A_311 : vector<1x16xf32> to vector<16xf32>
      %swap3A_313 = arith.index_cast %scan3A_64 : i32 to index
      %swap3A_314 = arith.constant 432 : index
      %swap3A_315 = tpu.vector_load %arg11[%swap3A_313, %swap3A_314] {strides = array<i32>} : memref<61x512xf32, #tpu.memory_space<vmem>>, vector<1x16xf32>,
      %swap3A_316 = vector.shape_cast %swap3A_315 : vector<1x16xf32> to vector<16xf32>
      %swap3A_317 = vector.shape_cast %get3A_312 : vector<16xf32> to vector<1x16xf32>
      tpu.vector_store %arg11[%swap3A_313, %swap3A_314], %swap3A_317 {strides = array<i32>} : memref<61x512xf32, #tpu.memory_space<vmem>>, vector<1x16xf32>,
      %get3A_318 = arith.index_cast %add3A_67 : i32 to index
      %get3A_319 = arith.constant 448 : index
      %get3A_320 = tpu.vector_load %arg12[%get3A_318, %get3A_319] {strides = array<i32>} : memref<68x512xf32, #tpu.memory_space<vmem>>, vector<1x16xf32>,
      %get3A_321 = vector.shape_cast %get3A_320 : vector<1x16xf32> to vector<16xf32>
      %swap3A_322 = arith.index_cast %scan3A_64 : i32 to index
      %swap3A_323 = arith.constant 448 : index
      %swap3A_324 = tpu.vector_load %arg11[%swap3A_322, %swap3A_323] {strides = array<i32>} : memref<61x512xf32, #tpu.memory_space<vmem>>, vector<1x16xf32>,
      %swap3A_325 = vector.shape_cast %swap3A_324 : vector<1x16xf32> to vector<16xf32>
      %swap3A_326 = vector.shape_cast %get3A_321 : vector<16xf32> to vector<1x16xf32>
      tpu.vector_store %arg11[%swap3A_322, %swap3A_323], %swap3A_326 {strides = array<i32>} : memref<61x512xf32, #tpu.memory_space<vmem>>, vector<1x16xf32>,
      %get3A_327 = arith.index_cast %add3A_67 : i32 to index
      %get3A_328 = arith.constant 464 : index
      %get3A_329 = tpu.vector_load %arg12[%get3A_327, %get3A_328] {strides = array<i32>} : memref<68x512xf32, #tpu.memory_space<vmem>>, vector<1x16xf32>,
      %get3A_330 = vector.shape_cast %get3A_329 : vector<1x16xf32> to vector<16xf32>
      %swap3A_331 = arith.index_cast %scan3A_64 : i32 to index
      %swap3A_332 = arith.constant 464 : index
      %swap3A_333 = tpu.vector_load %arg11[%swap3A_331, %swap3A_332] {strides = array<i32>} : memref<61x512xf32, #tpu.memory_space<vmem>>, vector<1x16xf32>,
      %swap3A_334 = vector.shape_cast %swap3A_333 : vector<1x16xf32> to vector<16xf32>
      %swap3A_335 = vector.shape_cast %get3A_330 : vector<16xf32> to vector<1x16xf32>
      tpu.vector_store %arg11[%swap3A_331, %swap3A_332], %swap3A_335 {strides = array<i32>} : memref<61x512xf32, #tpu.memory_space<vmem>>, vector<1x16xf32>,
      %get3A_336 = arith.index_cast %add3A_67 : i32 to index
      %get3A_337 = arith.constant 480 : index
      %get3A_338 = tpu.vector_load %arg12[%get3A_336, %get3A_337] {strides = array<i32>} : memref<68x512xf32, #tpu.memory_space<vmem>>, vector<1x16xf32>,
      %get3A_339 = vector.shape_cast %get3A_338 : vector<1x16xf32> to vector<16xf32>
      %swap3A_340 = arith.index_cast %scan3A_64 : i32 to index
      %swap3A_341 = arith.constant 480 : index
      %swap3A_342 = tpu.vector_load %arg11[%swap3A_340, %swap3A_341] {strides = array<i32>} : memref<61x512xf32, #tpu.memory_space<vmem>>, vector<1x16xf32>,
      %swap3A_343 = vector.shape_cast %swap3A_342 : vector<1x16xf32> to vector<16xf32>
      %swap3A_344 = vector.shape_cast %get3A_339 : vector<16xf32> to vector<1x16xf32>
      tpu.vector_store %arg11[%swap3A_340, %swap3A_341], %swap3A_344 {strides = array<i32>} : memref<61x512xf32, #tpu.memory_space<vmem>>, vector<1x16xf32>,
      %get3A_345 = arith.index_cast %add3A_67 : i32 to index
      %get3A_346 = arith.constant 496 : index
      %get3A_347 = tpu.vector_load %arg12[%get3A_345, %get3A_346] {strides = array<i32>} : memref<68x512xf32, #tpu.memory_space<vmem>>, vector<1x16xf32>,
      %get3A_348 = vector.shape_cast %get3A_347 : vector<1x16xf32> to vector<16xf32>
      %swap3A_349 = arith.index_cast %scan3A_64 : i32 to index
      %swap3A_350 = arith.constant 496 : index
      %swap3A_351 = tpu.vector_load %arg11[%swap3A_349, %swap3A_350] {strides = array<i32>} : memref<61x512xf32, #tpu.memory_space<vmem>>, vector<1x16xf32>,
      %swap3A_352 = vector.shape_cast %swap3A_351 : vector<1x16xf32> to vector<16xf32>
      %swap3A_353 = vector.shape_cast %get3A_348 : vector<16xf32> to vector<1x16xf32>
      tpu.vector_store %arg11[%swap3A_349, %swap3A_350], %swap3A_353 {strides = array<i32>} : memref<61x512xf32, #tpu.memory_space<vmem>>, vector<1x16xf32>,
      %scan3A_354 = arith.constant 0 : i32
      scf.yield %scan3A_354 : i32
    }
    %scan3A_17 = arith.constant 61 : i32
    %scan3A_18 = arith.constant 0 : i32
    %scan3A_19 = arith.constant 0 : i32
    %scan3A_20 = arith.constant 8 : i32
    %scan3A_21 = arith.addi %scan3A_19, %scan3A_20 : i32
    %scan3A_22 = arith.constant 1 : i32
    %scan3A_23 = scf.for %scan3A_64 = %scan3A_19 to %scan3A_21 step %scan3A_22 iter_args(%scan3A_65 = %scan3A_18) -> (i32)  : i32 {
      %mul3A_66 = arith.constant 16 : i32
      %mul3A_67 = arith.muli %scan3A_64, %mul3A_66 : i32
      %multiple_of3A = tpu.assume_multiple %mul3A_67, 16 : i32
      %dma_start3A = tpu.memref_slice %arg7[%multiple_of3A] : memref<128xi32, #tpu.memory_space<vmem>> -> memref<16xi32, #tpu.memory_space<vmem>>
      %dma_start3A_68 = arith.constant 0 : i32
      %dma_start3A_69 = arith.constant 0 : i32
      %dma_start3A_70 = arith.constant 0 : i32
      %dma_start3A_71 = tpu.memref_slice %arg3[%dma_start3A_68, %dma_start3A_69, %dma_start3A_70] : memref<100000x4x512xf32, #tpu.memory_space<hbm>> -> memref<100000x4x512xf32, #tpu.memory_space<hbm>>
      tpu.enqueue_indirect_dma source(%dma_start3A_71 : memref<100000x4x512xf32, #tpu.memory_space<hbm>>) target(%arg8 : memref<16x4x512xf32, #tpu.memory_space<vmem>>) offsets(%dma_start3A : memref<16xi32, #tpu.memory_space<vmem>>) semaphore(%arg13 : memref<!tpu.dma_semaphore, #tpu.memory_space<semaphore_mem>>)
      %dma_wait3A_72 = tpu.memref_slice %arg7[%multiple_of3A] : memref<128xi32, #tpu.memory_space<vmem>> -> memref<16xi32, #tpu.memory_space<vmem>>
      %dma_wait3A_73 = arith.constant 0 : i32
      %dma_wait3A_74 = arith.constant 0 : i32
      %dma_wait3A_75 = arith.constant 0 : i32
      %dma_wait3A_76 = tpu.memref_slice %arg3[%dma_wait3A_73, %dma_wait3A_74, %dma_wait3A_75] : memref<100000x4x512xf32, #tpu.memory_space<hbm>> -> memref<100000x4x512xf32, #tpu.memory_space<hbm>>
      tpu.wait_indirect_dma semaphore(%arg13 : memref<!tpu.dma_semaphore, #tpu.memory_space<semaphore_mem>>) src(%dma_wait3A_76 : memref<100000x4x512xf32, #tpu.memory_space<hbm>>) dst(%arg8 : memref<16x4x512xf32, #tpu.memory_space<vmem>>)
      %scan3A_77 = arith.constant 0 : i32
      %scan3A_78 = arith.constant 0 : i32
      %scan3A_79 = arith.constant 8 : i32
      %scan3A_80 = arith.addi %scan3A_78, %scan3A_79 : i32
      %scan3A_81 = arith.constant 1 : i32
      %scan3A_82 = scf.for %scan3A_85 = %scan3A_78 to %scan3A_80 step %scan3A_81 iter_args(%scan3A_86 = %scan3A_77) -> (i32)  : i32 {
        %mul3A_87 = arith.constant 2 : i32
        %mul3A_88 = arith.muli %mul3A_87, %scan3A_85 : i32
        %add3A_89 = arith.constant 0 : i32
        %add3A_90 = arith.addi %mul3A_88, %add3A_89 : i32
        %mul3A_91 = arith.constant 16 : i32
        %mul3A_92 = arith.muli %scan3A_64, %mul3A_91 : i32
        %add3A_93 = arith.addi %mul3A_92, %add3A_90 : i32
        %eq3A = arith.constant 0 : i32
        %eq3A_94 = arith.cmpi eq, %scan3A_64, %eq3A : i32
        %eq3A_95 = arith.constant 0 : i32
        %eq3A_96 = arith.cmpi eq, %scan3A_85, %eq3A_95 : i32
        %and3A = arith.andi %eq3A_94, %eq3A_96 : i1
        %not3A = arith.constant true
        %not3A_97 = arith.xori %and3A, %not3A : i1
        %convert_element_type3A = arith.extui %not3A_97 : i1 to i32
        %cond3A = arith.constant 0 : i32
        %cond3A_98 = arith.cmpi ne, %convert_element_type3A, %cond3A : i32
        scf.if %cond3A_98 {
          %sub3A = arith.constant 2 : i32
          %sub3A_3221 = arith.subi %add3A_93, %sub3A : i32
          %add3A_3222 = arith.addi %mul3A_2, %sub3A_3221 : i32
          %dma_wait3A_3223 = arith.constant 0 : i32
          %dma_wait3A_3224 = arith.constant 0 : i32
          %dma_wait3A_3225 = tpu.memref_slice %arg6[%add3A_3222, %dma_wait3A_3223, %dma_wait3A_3224] : memref<4096x77x512xf32, #tpu.memory_space<hbm>> -> memref<1x16x512xf32, #tpu.memory_space<hbm>>
          %dma_wait3A_3226 = tpu.memref_squeeze %dma_wait3A_3225 : memref<1x16x512xf32, #tpu.memory_space<hbm>> -> memref<16x512xf32, #tpu.memory_space<hbm>>
          %dma_wait3A_3227 = arith.constant 0 : i32
          %dma_wait3A_3228 = arith.constant 0 : i32
          %dma_wait3A_3229 = tpu.memref_slice %arg6[%add3A_3222, %dma_wait3A_3227, %dma_wait3A_3228] : memref<4096x77x512xf32, #tpu.memory_space<hbm>> -> memref<1x16x512xf32, #tpu.memory_space<hbm>>
          %dma_wait3A_3230 = tpu.memref_squeeze %dma_wait3A_3229 : memref<1x16x512xf32, #tpu.memory_space<hbm>> -> memref<16x512xf32, #tpu.memory_space<hbm>>
          tpu.wait_dma2 semaphore(%arg14 : memref<!tpu.dma_semaphore, #tpu.memory_space<semaphore_mem>>) src(%arg9 : memref<16x512xf32, #tpu.memory_space<vmem>>) dst(%dma_wait3A_3230 : memref<16x512xf32, #tpu.memory_space<hbm>>)
          %sub3A_3231 = arith.constant 2 : i32
          %sub3A_3232 = arith.subi %add3A_93, %sub3A_3231 : i32
          %add3A_3233 = arith.addi %mul3A_2, %sub3A_3232 : i32
          %dma_wait3A_3234 = arith.constant 16 : i32
          %dma_wait3A_3235 = arith.constant 0 : i32
          %dma_wait3A_3236 = tpu.memref_slice %arg6[%add3A_3233, %dma_wait3A_3234, %dma_wait3A_3235] : memref<4096x77x512xf32, #tpu.memory_space<hbm>> -> memref<1x61x512xf32, #tpu.memory_space<hbm>>
          %dma_wait3A_3237 = tpu.memref_squeeze %dma_wait3A_3236 : memref<1x61x512xf32, #tpu.memory_space<hbm>> -> memref<61x512xf32, #tpu.memory_space<hbm>>
          %dma_wait3A_3238 = arith.constant 16 : i32
          %dma_wait3A_3239 = arith.constant 0 : i32
          %dma_wait3A_3240 = tpu.memref_slice %arg6[%add3A_3233, %dma_wait3A_3238, %dma_wait3A_3239] : memref<4096x77x512xf32, #tpu.memory_space<hbm>> -> memref<1x61x512xf32, #tpu.memory_space<hbm>>
          %dma_wait3A_3241 = tpu.memref_squeeze %dma_wait3A_3240 : memref<1x61x512xf32, #tpu.memory_space<hbm>> -> memref<61x512xf32, #tpu.memory_space<hbm>>
          tpu.wait_dma2 semaphore(%arg16 : memref<!tpu.dma_semaphore, #tpu.memory_space<semaphore_mem>>) src(%arg11 : memref<61x512xf32, #tpu.memory_space<vmem>>) dst(%dma_wait3A_3241 : memref<61x512xf32, #tpu.memory_space<hbm>>)
        } else {
        }
        %get3A = arith.constant 0 : i32
        %get3A_99 = arith.index_cast %add3A_90 : i32 to index
        %get3A_100 = arith.index_cast %get3A : i32 to index
        %get3A_101 = arith.constant 0 : index
        %get3A_102 = tpu.vector_load %arg8[%get3A_99, %get3A_100, %get3A_101] {strides = array<i32>} : memref<16x4x512xf32, #tpu.memory_space<vmem>>, vector<1x1x16xf32>,
        %get3A_103 = vector.shape_cast %get3A_102 : vector<1x1x16xf32> to vector<16xf32>
        %swap3A = arith.constant 5 : i32
        %swap3A_104 = arith.index_cast %swap3A : i32 to index
        %swap3A_105 = arith.constant 0 : index
        %swap3A_106 = tpu.vector_load %arg9[%swap3A_104, %swap3A_105] {strides = array<i32>} : memref<16x512xf32, #tpu.memory_space<vmem>>, vector<1x16xf32>,
        %swap3A_107 = vector.shape_cast %swap3A_106 : vector<1x16xf32> to vector<16xf32>
        %swap3A_108 = vector.shape_cast %get3A_103 : vector<16xf32> to vector<1x16xf32>
        tpu.vector_store %arg9[%swap3A_104, %swap3A_105], %swap3A_108 {strides = array<i32>} : memref<16x512xf32, #tpu.memory_space<vmem>>, vector<1x16xf32>,
        %get3A_109 = arith.constant 0 : i32
        %get3A_110 = arith.index_cast %add3A_90 : i32 to index
        %get3A_111 = arith.index_cast %get3A_109 : i32 to index
        %get3A_112 = arith.constant 16 : index
        %get3A_113 = tpu.vector_load %arg8[%get3A_110, %get3A_111, %get3A_112] {strides = array<i32>} : memref<16x4x512xf32, #tpu.memory_space<vmem>>, vector<1x1x16xf32>,
        %get3A_114 = vector.shape_cast %get3A_113 : vector<1x1x16xf32> to vector<16xf32>
        %swap3A_115 = arith.constant 5 : i32
        %swap3A_116 = arith.index_cast %swap3A_115 : i32 to index
        %swap3A_117 = arith.constant 16 : index
        %swap3A_118 = tpu.vector_load %arg9[%swap3A_116, %swap3A_117] {strides = array<i32>} : memref<16x512xf32, #tpu.memory_space<vmem>>, vector<1x16xf32>,
        %swap3A_119 = vector.shape_cast %swap3A_118 : vector<1x16xf32> to vector<16xf32>
        %swap3A_120 = vector.shape_cast %get3A_114 : vector<16xf32> to vector<1x16xf32>
        tpu.vector_store %arg9[%swap3A_116, %swap3A_117], %swap3A_120 {strides = array<i32>} : memref<16x512xf32, #tpu.memory_space<vmem>>, vector<1x16xf32>,
        %get3A_121 = arith.constant 0 : i32
        %get3A_122 = arith.index_cast %add3A_90 : i32 to index
        %get3A_123 = arith.index_cast %get3A_121 : i32 to index
        %get3A_124 = arith.constant 32 : index
        %get3A_125 = tpu.vector_load %arg8[%get3A_122, %get3A_123, %get3A_124] {strides = array<i32>} : memref<16x4x512xf32, #tpu.memory_space<vmem>>, vector<1x1x16xf32>,
        %get3A_126 = vector.shape_cast %get3A_125 : vector<1x1x16xf32> to vector<16xf32>
        %swap3A_127 = arith.constant 5 : i32
        %swap3A_128 = arith.index_cast %swap3A_127 : i32 to index
        %swap3A_129 = arith.constant 32 : index
        %swap3A_130 = tpu.vector_load %arg9[%swap3A_128, %swap3A_129] {strides = array<i32>} : memref<16x512xf32, #tpu.memory_space<vmem>>, vector<1x16xf32>,
        %swap3A_131 = vector.shape_cast %swap3A_130 : vector<1x16xf32> to vector<16xf32>
        %swap3A_132 = vector.shape_cast %get3A_126 : vector<16xf32> to vector<1x16xf32>
        tpu.vector_store %arg9[%swap3A_128, %swap3A_129], %swap3A_132 {strides = array<i32>} : memref<16x512xf32, #tpu.memory_space<vmem>>, vector<1x16xf32>,
        %get3A_133 = arith.constant 0 : i32
        %get3A_134 = arith.index_cast %add3A_90 : i32 to index
        %get3A_135 = arith.index_cast %get3A_133 : i32 to index
        %get3A_136 = arith.constant 48 : index
        %get3A_137 = tpu.vector_load %arg8[%get3A_134, %get3A_135, %get3A_136] {strides = array<i32>} : memref<16x4x512xf32, #tpu.memory_space<vmem>>, vector<1x1x16xf32>,
        %get3A_138 = vector.shape_cast %get3A_137 : vector<1x1x16xf32> to vector<16xf32>
        %swap3A_139 = arith.constant 5 : i32
        %swap3A_140 = arith.index_cast %swap3A_139 : i32 to index
        %swap3A_141 = arith.constant 48 : index
        %swap3A_142 = tpu.vector_load %arg9[%swap3A_140, %swap3A_141] {strides = array<i32>} : memref<16x512xf32, #tpu.memory_space<vmem>>, vector<1x16xf32>,
        %swap3A_143 = vector.shape_cast %swap3A_142 : vector<1x16xf32> to vector<16xf32>
        %swap3A_144 = vector.shape_cast %get3A_138 : vector<16xf32> to vector<1x16xf32>
        tpu.vector_store %arg9[%swap3A_140, %swap3A_141], %swap3A_144 {strides = array<i32>} : memref<16x512xf32, #tpu.memory_space<vmem>>, vector<1x16xf32>,
        %get3A_145 = arith.constant 0 : i32
        %get3A_146 = arith.index_cast %add3A_90 : i32 to index
        %get3A_147 = arith.index_cast %get3A_145 : i32 to index
        %get3A_148 = arith.constant 64 : index
        %get3A_149 = tpu.vector_load %arg8[%get3A_146, %get3A_147, %get3A_148] {strides = array<i32>} : memref<16x4x512xf32, #tpu.memory_space<vmem>>, vector<1x1x16xf32>,
        %get3A_150 = vector.shape_cast %get3A_149 : vector<1x1x16xf32> to vector<16xf32>
        %swap3A_151 = arith.constant 5 : i32
        %swap3A_152 = arith.index_cast %swap3A_151 : i32 to index
        %swap3A_153 = arith.constant 64 : index
        %swap3A_154 = tpu.vector_load %arg9[%swap3A_152, %swap3A_153] {strides = array<i32>} : memref<16x512xf32, #tpu.memory_space<vmem>>, vector<1x16xf32>,
        %swap3A_155 = vector.shape_cast %swap3A_154 : vector<1x16xf32> to vector<16xf32>
        %swap3A_156 = vector.shape_cast %get3A_150 : vector<16xf32> to vector<1x16xf32>
        tpu.vector_store %arg9[%swap3A_152, %swap3A_153], %swap3A_156 {strides = array<i32>} : memref<16x512xf32, #tpu.memory_space<vmem>>, vector<1x16xf32>,
        %get3A_157 = arith.constant 0 : i32
        %get3A_158 = arith.index_cast %add3A_90 : i32 to index
        %get3A_159 = arith.index_cast %get3A_157 : i32 to index
        %get3A_160 = arith.constant 80 : index
        %get3A_161 = tpu.vector_load %arg8[%get3A_158, %get3A_159, %get3A_160] {strides = array<i32>} : memref<16x4x512xf32, #tpu.memory_space<vmem>>, vector<1x1x16xf32>,
        %get3A_162 = vector.shape_cast %get3A_161 : vector<1x1x16xf32> to vector<16xf32>
        %swap3A_163 = arith.constant 5 : i32
        %swap3A_164 = arith.index_cast %swap3A_163 : i32 to index
        %swap3A_165 = arith.constant 80 : index
        %swap3A_166 = tpu.vector_load %arg9[%swap3A_164, %swap3A_165] {strides = array<i32>} : memref<16x512xf32, #tpu.memory_space<vmem>>, vector<1x16xf32>,
        %swap3A_167 = vector.shape_cast %swap3A_166 : vector<1x16xf32> to vector<16xf32>
        %swap3A_168 = vector.shape_cast %get3A_162 : vector<16xf32> to vector<1x16xf32>
        tpu.vector_store %arg9[%swap3A_164, %swap3A_165], %swap3A_168 {strides = array<i32>} : memref<16x512xf32, #tpu.memory_space<vmem>>, vector<1x16xf32>,
        %get3A_169 = arith.constant 0 : i32
        %get3A_170 = arith.index_cast %add3A_90 : i32 to index
        %get3A_171 = arith.index_cast %get3A_169 : i32 to index
        %get3A_172 = arith.constant 96 : index
        %get3A_173 = tpu.vector_load %arg8[%get3A_170, %get3A_171, %get3A_172] {strides = array<i32>} : memref<16x4x512xf32, #tpu.memory_space<vmem>>, vector<1x1x16xf32>,
        %get3A_174 = vector.shape_cast %get3A_173 : vector<1x1x16xf32> to vector<16xf32>
        %swap3A_175 = arith.constant 5 : i32
        %swap3A_176 = arith.index_cast %swap3A_175 : i32 to index
        %swap3A_177 = arith.constant 96 : index
        %swap3A_178 = tpu.vector_load %arg9[%swap3A_176, %swap3A_177] {strides = array<i32>} : memref<16x512xf32, #tpu.memory_space<vmem>>, vector<1x16xf32>,
        %swap3A_179 = vector.shape_cast %swap3A_178 : vector<1x16xf32> to vector<16xf32>
        %swap3A_180 = vector.shape_cast %get3A_174 : vector<16xf32> to vector<1x16xf32>
        tpu.vector_store %arg9[%swap3A_176, %swap3A_177], %swap3A_180 {strides = array<i32>} : memref<16x512xf32, #tpu.memory_space<vmem>>, vector<1x16xf32>,
        %get3A_181 = arith.constant 0 : i32
        %get3A_182 = arith.index_cast %add3A_90 : i32 to index
        %get3A_183 = arith.index_cast %get3A_181 : i32 to index
        %get3A_184 = arith.constant 112 : index
        %get3A_185 = tpu.vector_load %arg8[%get3A_182, %get3A_183, %get3A_184] {strides = array<i32>} : memref<16x4x512xf32, #tpu.memory_space<vmem>>, vector<1x1x16xf32>,
        %get3A_186 = vector.shape_cast %get3A_185 : vector<1x1x16xf32> to vector<16xf32>
        %swap3A_187 = arith.constant 5 : i32
        %swap3A_188 = arith.index_cast %swap3A_187 : i32 to index
        %swap3A_189 = arith.constant 112 : index
        %swap3A_190 = tpu.vector_load %arg9[%swap3A_188, %swap3A_189] {strides = array<i32>} : memref<16x512xf32, #tpu.memory_space<vmem>>, vector<1x16xf32>,
        %swap3A_191 = vector.shape_cast %swap3A_190 : vector<1x16xf32> to vector<16xf32>
        %swap3A_192 = vector.shape_cast %get3A_186 : vector<16xf32> to vector<1x16xf32>
        tpu.vector_store %arg9[%swap3A_188, %swap3A_189], %swap3A_192 {strides = array<i32>} : memref<16x512xf32, #tpu.memory_space<vmem>>, vector<1x16xf32>,
        %get3A_193 = arith.constant 0 : i32
        %get3A_194 = arith.index_cast %add3A_90 : i32 to index
        %get3A_195 = arith.index_cast %get3A_193 : i32 to index
        %get3A_196 = arith.constant 128 : index
        %get3A_197 = tpu.vector_load %arg8[%get3A_194, %get3A_195, %get3A_196] {strides = array<i32>} : memref<16x4x512xf32, #tpu.memory_space<vmem>>, vector<1x1x16xf32>,
        %get3A_198 = vector.shape_cast %get3A_197 : vector<1x1x16xf32> to vector<16xf32>
        %swap3A_199 = arith.constant 5 : i32
        %swap3A_200 = arith.index_cast %swap3A_199 : i32 to index
        %swap3A_201 = arith.constant 128 : index
        %swap3A_202 = tpu.vector_load %arg9[%swap3A_200, %swap3A_201] {strides = array<i32>} : memref<16x512xf32, #tpu.memory_space<vmem>>, vector<1x16xf32>,
        %swap3A_203 = vector.shape_cast %swap3A_202 : vector<1x16xf32> to vector<16xf32>
        %swap3A_204 = vector.shape_cast %get3A_198 : vector<16xf32> to vector<1x16xf32>
        tpu.vector_store %arg9[%swap3A_200, %swap3A_201], %swap3A_204 {strides = array<i32>} : memref<16x512xf32, #tpu.memory_space<vmem>>, vector<1x16xf32>,
        %get3A_205 = arith.constant 0 : i32
        %get3A_206 = arith.index_cast %add3A_90 : i32 to index
        %get3A_207 = arith.index_cast %get3A_205 : i32 to index
        %get3A_208 = arith.constant 144 : index
        %get3A_209 = tpu.vector_load %arg8[%get3A_206, %get3A_207, %get3A_208] {strides = array<i32>} : memref<16x4x512xf32, #tpu.memory_space<vmem>>, vector<1x1x16xf32>,
        %get3A_210 = vector.shape_cast %get3A_209 : vector<1x1x16xf32> to vector<16xf32>
        %swap3A_211 = arith.constant 5 : i32
        %swap3A_212 = arith.index_cast %swap3A_211 : i32 to index
        %swap3A_213 = arith.constant 144 : index
        %swap3A_214 = tpu.vector_load %arg9[%swap3A_212, %swap3A_213] {strides = array<i32>} : memref<16x512xf32, #tpu.memory_space<vmem>>, vector<1x16xf32>,
        %swap3A_215 = vector.shape_cast %swap3A_214 : vector<1x16xf32> to vector<16xf32>
        %swap3A_216 = vector.shape_cast %get3A_210 : vector<16xf32> to vector<1x16xf32>
        tpu.vector_store %arg9[%swap3A_212, %swap3A_213], %swap3A_216 {strides = array<i32>} : memref<16x512xf32, #tpu.memory_space<vmem>>, vector<1x16xf32>,
        %get3A_217 = arith.constant 0 : i32
        %get3A_218 = arith.index_cast %add3A_90 : i32 to index
        %get3A_219 = arith.index_cast %get3A_217 : i32 to index
        %get3A_220 = arith.constant 160 : index
        %get3A_221 = tpu.vector_load %arg8[%get3A_218, %get3A_219, %get3A_220] {strides = array<i32>} : memref<16x4x512xf32, #tpu.memory_space<vmem>>, vector<1x1x16xf32>,
        %get3A_222 = vector.shape_cast %get3A_221 : vector<1x1x16xf32> to vector<16xf32>
        %swap3A_223 = arith.constant 5 : i32
        %swap3A_224 = arith.index_cast %swap3A_223 : i32 to index
        %swap3A_225 = arith.constant 160 : index
        %swap3A_226 = tpu.vector_load %arg9[%swap3A_224, %swap3A_225] {strides = array<i32>} : memref<16x512xf32, #tpu.memory_space<vmem>>, vector<1x16xf32>,
        %swap3A_227 = vector.shape_cast %swap3A_226 : vector<1x16xf32> to vector<16xf32>
        %swap3A_228 = vector.shape_cast %get3A_222 : vector<16xf32> to vector<1x16xf32>
        tpu.vector_store %arg9[%swap3A_224, %swap3A_225], %swap3A_228 {strides = array<i32>} : memref<16x512xf32, #tpu.memory_space<vmem>>, vector<1x16xf32>,
        %get3A_229 = arith.constant 0 : i32
        %get3A_230 = arith.index_cast %add3A_90 : i32 to index
        %get3A_231 = arith.index_cast %get3A_229 : i32 to index
        %get3A_232 = arith.constant 176 : index
        %get3A_233 = tpu.vector_load %arg8[%get3A_230, %get3A_231, %get3A_232] {strides = array<i32>} : memref<16x4x512xf32, #tpu.memory_space<vmem>>, vector<1x1x16xf32>,
        %get3A_234 = vector.shape_cast %get3A_233 : vector<1x1x16xf32> to vector<16xf32>
        %swap3A_235 = arith.constant 5 : i32
        %swap3A_236 = arith.index_cast %swap3A_235 : i32 to index
        %swap3A_237 = arith.constant 176 : index
        %swap3A_238 = tpu.vector_load %arg9[%swap3A_236, %swap3A_237] {strides = array<i32>} : memref<16x512xf32, #tpu.memory_space<vmem>>, vector<1x16xf32>,
        %swap3A_239 = vector.shape_cast %swap3A_238 : vector<1x16xf32> to vector<16xf32>
        %swap3A_240 = vector.shape_cast %get3A_234 : vector<16xf32> to vector<1x16xf32>
        tpu.vector_store %arg9[%swap3A_236, %swap3A_237], %swap3A_240 {strides = array<i32>} : memref<16x512xf32, #tpu.memory_space<vmem>>, vector<1x16xf32>,
        %get3A_241 = arith.constant 0 : i32
        %get3A_242 = arith.index_cast %add3A_90 : i32 to index
        %get3A_243 = arith.index_cast %get3A_241 : i32 to index
        %get3A_244 = arith.constant 192 : index
        %get3A_245 = tpu.vector_load %arg8[%get3A_242, %get3A_243, %get3A_244] {strides = array<i32>} : memref<16x4x512xf32, #tpu.memory_space<vmem>>, vector<1x1x16xf32>,
        %get3A_246 = vector.shape_cast %get3A_245 : vector<1x1x16xf32> to vector<16xf32>
        %swap3A_247 = arith.constant 5 : i32
        %swap3A_248 = arith.index_cast %swap3A_247 : i32 to index
        %swap3A_249 = arith.constant 192 : index
        %swap3A_250 = tpu.vector_load %arg9[%swap3A_248, %swap3A_249] {strides = array<i32>} : memref<16x512xf32, #tpu.memory_space<vmem>>, vector<1x16xf32>,
        %swap3A_251 = vector.shape_cast %swap3A_250 : vector<1x16xf32> to vector<16xf32>
        %swap3A_252 = vector.shape_cast %get3A_246 : vector<16xf32> to vector<1x16xf32>
        tpu.vector_store %arg9[%swap3A_248, %swap3A_249], %swap3A_252 {strides = array<i32>} : memref<16x512xf32, #tpu.memory_space<vmem>>, vector<1x16xf32>,
        %get3A_253 = arith.constant 0 : i32
        %get3A_254 = arith.index_cast %add3A_90 : i32 to index
        %get3A_255 = arith.index_cast %get3A_253 : i32 to index
        %get3A_256 = arith.constant 208 : index
        %get3A_257 = tpu.vector_load %arg8[%get3A_254, %get3A_255, %get3A_256] {strides = array<i32>} : memref<16x4x512xf32, #tpu.memory_space<vmem>>, vector<1x1x16xf32>,
        %get3A_258 = vector.shape_cast %get3A_257 : vector<1x1x16xf32> to vector<16xf32>
        %swap3A_259 = arith.constant 5 : i32
        %swap3A_260 = arith.index_cast %swap3A_259 : i32 to index
        %swap3A_261 = arith.constant 208 : index
        %swap3A_262 = tpu.vector_load %arg9[%swap3A_260, %swap3A_261] {strides = array<i32>} : memref<16x512xf32, #tpu.memory_space<vmem>>, vector<1x16xf32>,
        %swap3A_263 = vector.shape_cast %swap3A_262 : vector<1x16xf32> to vector<16xf32>
        %swap3A_264 = vector.shape_cast %get3A_258 : vector<16xf32> to vector<1x16xf32>
        tpu.vector_store %arg9[%swap3A_260, %swap3A_261], %swap3A_264 {strides = array<i32>} : memref<16x512xf32, #tpu.memory_space<vmem>>, vector<1x16xf32>,
        %get3A_265 = arith.constant 0 : i32
        %get3A_266 = arith.index_cast %add3A_90 : i32 to index
        %get3A_267 = arith.index_cast %get3A_265 : i32 to index
        %get3A_268 = arith.constant 224 : index
        %get3A_269 = tpu.vector_load %arg8[%get3A_266, %get3A_267, %get3A_268] {strides = array<i32>} : memref<16x4x512xf32, #tpu.memory_space<vmem>>, vector<1x1x16xf32>,
        %get3A_270 = vector.shape_cast %get3A_269 : vector<1x1x16xf32> to vector<16xf32>
        %swap3A_271 = arith.constant 5 : i32
        %swap3A_272 = arith.index_cast %swap3A_271 : i32 to index
        %swap3A_273 = arith.constant 224 : index
        %swap3A_274 = tpu.vector_load %arg9[%swap3A_272, %swap3A_273] {strides = array<i32>} : memref<16x512xf32, #tpu.memory_space<vmem>>, vector<1x16xf32>,
        %swap3A_275 = vector.shape_cast %swap3A_274 : vector<1x16xf32> to vector<16xf32>
        %swap3A_276 = vector.shape_cast %get3A_270 : vector<16xf32> to vector<1x16xf32>
        tpu.vector_store %arg9[%swap3A_272, %swap3A_273], %swap3A_276 {strides = array<i32>} : memref<16x512xf32, #tpu.memory_space<vmem>>, vector<1x16xf32>,
        %get3A_277 = arith.constant 0 : i32
        %get3A_278 = arith.index_cast %add3A_90 : i32 to index
        %get3A_279 = arith.index_cast %get3A_277 : i32 to index
        %get3A_280 = arith.constant 240 : index
        %get3A_281 = tpu.vector_load %arg8[%get3A_278, %get3A_279, %get3A_280] {strides = array<i32>} : memref<16x4x512xf32, #tpu.memory_space<vmem>>, vector<1x1x16xf32>,
        %get3A_282 = vector.shape_cast %get3A_281 : vector<1x1x16xf32> to vector<16xf32>
        %swap3A_283 = arith.constant 5 : i32
        %swap3A_284 = arith.index_cast %swap3A_283 : i32 to index
        %swap3A_285 = arith.constant 240 : index
        %swap3A_286 = tpu.vector_load %arg9[%swap3A_284, %swap3A_285] {strides = array<i32>} : memref<16x512xf32, #tpu.memory_space<vmem>>, vector<1x16xf32>,
        %swap3A_287 = vector.shape_cast %swap3A_286 : vector<1x16xf32> to vector<16xf32>
        %swap3A_288 = vector.shape_cast %get3A_282 : vector<16xf32> to vector<1x16xf32>
        tpu.vector_store %arg9[%swap3A_284, %swap3A_285], %swap3A_288 {strides = array<i32>} : memref<16x512xf32, #tpu.memory_space<vmem>>, vector<1x16xf32>,
        %get3A_289 = arith.constant 0 : i32
        %get3A_290 = arith.index_cast %add3A_90 : i32 to index
        %get3A_291 = arith.index_cast %get3A_289 : i32 to index
        %get3A_292 = arith.constant 256 : index
        %get3A_293 = tpu.vector_load %arg8[%get3A_290, %get3A_291, %get3A_292] {strides = array<i32>} : memref<16x4x512xf32, #tpu.memory_space<vmem>>, vector<1x1x16xf32>,
        %get3A_294 = vector.shape_cast %get3A_293 : vector<1x1x16xf32> to vector<16xf32>
        %swap3A_295 = arith.constant 5 : i32
        %swap3A_296 = arith.index_cast %swap3A_295 : i32 to index
        %swap3A_297 = arith.constant 256 : index
        %swap3A_298 = tpu.vector_load %arg9[%swap3A_296, %swap3A_297] {strides = array<i32>} : memref<16x512xf32, #tpu.memory_space<vmem>>, vector<1x16xf32>,
        %swap3A_299 = vector.shape_cast %swap3A_298 : vector<1x16xf32> to vector<16xf32>
        %swap3A_300 = vector.shape_cast %get3A_294 : vector<16xf32> to vector<1x16xf32>
        tpu.vector_store %arg9[%swap3A_296, %swap3A_297], %swap3A_300 {strides = array<i32>} : memref<16x512xf32, #tpu.memory_space<vmem>>, vector<1x16xf32>,
        %get3A_301 = arith.constant 0 : i32
        %get3A_302 = arith.index_cast %add3A_90 : i32 to index
        %get3A_303 = arith.index_cast %get3A_301 : i32 to index
        %get3A_304 = arith.constant 272 : index
        %get3A_305 = tpu.vector_load %arg8[%get3A_302, %get3A_303, %get3A_304] {strides = array<i32>} : memref<16x4x512xf32, #tpu.memory_space<vmem>>, vector<1x1x16xf32>,
        %get3A_306 = vector.shape_cast %get3A_305 : vector<1x1x16xf32> to vector<16xf32>
        %swap3A_307 = arith.constant 5 : i32
        %swap3A_308 = arith.index_cast %swap3A_307 : i32 to index
        %swap3A_309 = arith.constant 272 : index
        %swap3A_310 = tpu.vector_load %arg9[%swap3A_308, %swap3A_309] {strides = array<i32>} : memref<16x512xf32, #tpu.memory_space<vmem>>, vector<1x16xf32>,
        %swap3A_311 = vector.shape_cast %swap3A_310 : vector<1x16xf32> to vector<16xf32>
        %swap3A_312 = vector.shape_cast %get3A_306 : vector<16xf32> to vector<1x16xf32>
        tpu.vector_store %arg9[%swap3A_308, %swap3A_309], %swap3A_312 {strides = array<i32>} : memref<16x512xf32, #tpu.memory_space<vmem>>, vector<1x16xf32>,
        %get3A_313 = arith.constant 0 : i32
        %get3A_314 = arith.index_cast %add3A_90 : i32 to index
        %get3A_315 = arith.index_cast %get3A_313 : i32 to index
        %get3A_316 = arith.constant 288 : index
        %get3A_317 = tpu.vector_load %arg8[%get3A_314, %get3A_315, %get3A_316] {strides = array<i32>} : memref<16x4x512xf32, #tpu.memory_space<vmem>>, vector<1x1x16xf32>,
        %get3A_318 = vector.shape_cast %get3A_317 : vector<1x1x16xf32> to vector<16xf32>
        %swap3A_319 = arith.constant 5 : i32
        %swap3A_320 = arith.index_cast %swap3A_319 : i32 to index
        %swap3A_321 = arith.constant 288 : index
        %swap3A_322 = tpu.vector_load %arg9[%swap3A_320, %swap3A_321] {strides = array<i32>} : memref<16x512xf32, #tpu.memory_space<vmem>>, vector<1x16xf32>,
        %swap3A_323 = vector.shape_cast %swap3A_322 : vector<1x16xf32> to vector<16xf32>
        %swap3A_324 = vector.shape_cast %get3A_318 : vector<16xf32> to vector<1x16xf32>
        tpu.vector_store %arg9[%swap3A_320, %swap3A_321], %swap3A_324 {strides = array<i32>} : memref<16x512xf32, #tpu.memory_space<vmem>>, vector<1x16xf32>,
        %get3A_325 = arith.constant 0 : i32
        %get3A_326 = arith.index_cast %add3A_90 : i32 to index
        %get3A_327 = arith.index_cast %get3A_325 : i32 to index
        %get3A_328 = arith.constant 304 : index
        %get3A_329 = tpu.vector_load %arg8[%get3A_326, %get3A_327, %get3A_328] {strides = array<i32>} : memref<16x4x512xf32, #tpu.memory_space<vmem>>, vector<1x1x16xf32>,
        %get3A_330 = vector.shape_cast %get3A_329 : vector<1x1x16xf32> to vector<16xf32>
        %swap3A_331 = arith.constant 5 : i32
        %swap3A_332 = arith.index_cast %swap3A_331 : i32 to index
        %swap3A_333 = arith.constant 304 : index
        %swap3A_334 = tpu.vector_load %arg9[%swap3A_332, %swap3A_333] {strides = array<i32>} : memref<16x512xf32, #tpu.memory_space<vmem>>, vector<1x16xf32>,
        %swap3A_335 = vector.shape_cast %swap3A_334 : vector<1x16xf32> to vector<16xf32>
        %swap3A_336 = vector.shape_cast %get3A_330 : vector<16xf32> to vector<1x16xf32>
        tpu.vector_store %arg9[%swap3A_332, %swap3A_333], %swap3A_336 {strides = array<i32>} : memref<16x512xf32, #tpu.memory_space<vmem>>, vector<1x16xf32>,
        %get3A_337 = arith.constant 0 : i32
        %get3A_338 = arith.index_cast %add3A_90 : i32 to index
        %get3A_339 = arith.index_cast %get3A_337 : i32 to index
        %get3A_340 = arith.constant 320 : index
        %get3A_341 = tpu.vector_load %arg8[%get3A_338, %get3A_339, %get3A_340] {strides = array<i32>} : memref<16x4x512xf32, #tpu.memory_space<vmem>>, vector<1x1x16xf32>,
        %get3A_342 = vector.shape_cast %get3A_341 : vector<1x1x16xf32> to vector<16xf32>
        %swap3A_343 = arith.constant 5 : i32
        %swap3A_344 = arith.index_cast %swap3A_343 : i32 to index
        %swap3A_345 = arith.constant 320 : index
        %swap3A_346 = tpu.vector_load %arg9[%swap3A_344, %swap3A_345] {strides = array<i32>} : memref<16x512xf32, #tpu.memory_space<vmem>>, vector<1x16xf32>,
        %swap3A_347 = vector.shape_cast %swap3A_346 : vector<1x16xf32> to vector<16xf32>
        %swap3A_348 = vector.shape_cast %get3A_342 : vector<16xf32> to vector<1x16xf32>
        tpu.vector_store %arg9[%swap3A_344, %swap3A_345], %swap3A_348 {strides = array<i32>} : memref<16x512xf32, #tpu.memory_space<vmem>>, vector<1x16xf32>,
        %get3A_349 = arith.constant 0 : i32
        %get3A_350 = arith.index_cast %add3A_90 : i32 to index
        %get3A_351 = arith.index_cast %get3A_349 : i32 to index
        %get3A_352 = arith.constant 336 : index
        %get3A_353 = tpu.vector_load %arg8[%get3A_350, %get3A_351, %get3A_352] {strides = array<i32>} : memref<16x4x512xf32, #tpu.memory_space<vmem>>, vector<1x1x16xf32>,
        %get3A_354 = vector.shape_cast %get3A_353 : vector<1x1x16xf32> to vector<16xf32>
        %swap3A_355 = arith.constant 5 : i32
        %swap3A_356 = arith.index_cast %swap3A_355 : i32 to index
        %swap3A_357 = arith.constant 336 : index
        %swap3A_358 = tpu.vector_load %arg9[%swap3A_356, %swap3A_357] {strides = array<i32>} : memref<16x512xf32, #tpu.memory_space<vmem>>, vector<1x16xf32>,
        %swap3A_359 = vector.shape_cast %swap3A_358 : vector<1x16xf32> to vector<16xf32>
        %swap3A_360 = vector.shape_cast %get3A_354 : vector<16xf32> to vector<1x16xf32>
        tpu.vector_store %arg9[%swap3A_356, %swap3A_357], %swap3A_360 {strides = array<i32>} : memref<16x512xf32, #tpu.memory_space<vmem>>, vector<1x16xf32>,
        %get3A_361 = arith.constant 0 : i32
        %get3A_362 = arith.index_cast %add3A_90 : i32 to index
        %get3A_363 = arith.index_cast %get3A_361 : i32 to index
        %get3A_364 = arith.constant 352 : index
        %get3A_365 = tpu.vector_load %arg8[%get3A_362, %get3A_363, %get3A_364] {strides = array<i32>} : memref<16x4x512xf32, #tpu.memory_space<vmem>>, vector<1x1x16xf32>,
        %get3A_366 = vector.shape_cast %get3A_365 : vector<1x1x16xf32> to vector<16xf32>
        %swap3A_367 = arith.constant 5 : i32
        %swap3A_368 = arith.index_cast %swap3A_367 : i32 to index
        %swap3A_369 = arith.constant 352 : index
        %swap3A_370 = tpu.vector_load %arg9[%swap3A_368, %swap3A_369] {strides = array<i32>} : memref<16x512xf32, #tpu.memory_space<vmem>>, vector<1x16xf32>,
        %swap3A_371 = vector.shape_cast %swap3A_370 : vector<1x16xf32> to vector<16xf32>
        %swap3A_372 = vector.shape_cast %get3A_366 : vector<16xf32> to vector<1x16xf32>
        tpu.vector_store %arg9[%swap3A_368, %swap3A_369], %swap3A_372 {strides = array<i32>} : memref<16x512xf32, #tpu.memory_space<vmem>>, vector<1x16xf32>,
        %get3A_373 = arith.constant 0 : i32
        %get3A_374 = arith.index_cast %add3A_90 : i32 to index
        %get3A_375 = arith.index_cast %get3A_373 : i32 to index
        %get3A_376 = arith.constant 368 : index
        %get3A_377 = tpu.vector_load %arg8[%get3A_374, %get3A_375, %get3A_376] {strides = array<i32>} : memref<16x4x512xf32, #tpu.memory_space<vmem>>, vector<1x1x16xf32>,
        %get3A_378 = vector.shape_cast %get3A_377 : vector<1x1x16xf32> to vector<16xf32>
        %swap3A_379 = arith.constant 5 : i32
        %swap3A_380 = arith.index_cast %swap3A_379 : i32 to index
        %swap3A_381 = arith.constant 368 : index
        %swap3A_382 = tpu.vector_load %arg9[%swap3A_380, %swap3A_381] {strides = array<i32>} : memref<16x512xf32, #tpu.memory_space<vmem>>, vector<1x16xf32>,
        %swap3A_383 = vector.shape_cast %swap3A_382 : vector<1x16xf32> to vector<16xf32>
        %swap3A_384 = vector.shape_cast %get3A_378 : vector<16xf32> to vector<1x16xf32>
        tpu.vector_store %arg9[%swap3A_380, %swap3A_381], %swap3A_384 {strides = array<i32>} : memref<16x512xf32, #tpu.memory_space<vmem>>, vector<1x16xf32>,
        %get3A_385 = arith.constant 0 : i32
        %get3A_386 = arith.index_cast %add3A_90 : i32 to index
        %get3A_387 = arith.index_cast %get3A_385 : i32 to index
        %get3A_388 = arith.constant 384 : index
        %get3A_389 = tpu.vector_load %arg8[%get3A_386, %get3A_387, %get3A_388] {strides = array<i32>} : memref<16x4x512xf32, #tpu.memory_space<vmem>>, vector<1x1x16xf32>,
        %get3A_390 = vector.shape_cast %get3A_389 : vector<1x1x16xf32> to vector<16xf32>
        %swap3A_391 = arith.constant 5 : i32
        %swap3A_392 = arith.index_cast %swap3A_391 : i32 to index
        %swap3A_393 = arith.constant 384 : index
        %swap3A_394 = tpu.vector_load %arg9[%swap3A_392, %swap3A_393] {strides = array<i32>} : memref<16x512xf32, #tpu.memory_space<vmem>>, vector<1x16xf32>,
        %swap3A_395 = vector.shape_cast %swap3A_394 : vector<1x16xf32> to vector<16xf32>
        %swap3A_396 = vector.shape_cast %get3A_390 : vector<16xf32> to vector<1x16xf32>
        tpu.vector_store %arg9[%swap3A_392, %swap3A_393], %swap3A_396 {strides = array<i32>} : memref<16x512xf32, #tpu.memory_space<vmem>>, vector<1x16xf32>,
        %get3A_397 = arith.constant 0 : i32
        %get3A_398 = arith.index_cast %add3A_90 : i32 to index
        %get3A_399 = arith.index_cast %get3A_397 : i32 to index
        %get3A_400 = arith.constant 400 : index
        %get3A_401 = tpu.vector_load %arg8[%get3A_398, %get3A_399, %get3A_400] {strides = array<i32>} : memref<16x4x512xf32, #tpu.memory_space<vmem>>, vector<1x1x16xf32>,
        %get3A_402 = vector.shape_cast %get3A_401 : vector<1x1x16xf32> to vector<16xf32>
        %swap3A_403 = arith.constant 5 : i32
        %swap3A_404 = arith.index_cast %swap3A_403 : i32 to index
        %swap3A_405 = arith.constant 400 : index
        %swap3A_406 = tpu.vector_load %arg9[%swap3A_404, %swap3A_405] {strides = array<i32>} : memref<16x512xf32, #tpu.memory_space<vmem>>, vector<1x16xf32>,
        %swap3A_407 = vector.shape_cast %swap3A_406 : vector<1x16xf32> to vector<16xf32>
        %swap3A_408 = vector.shape_cast %get3A_402 : vector<16xf32> to vector<1x16xf32>
        tpu.vector_store %arg9[%swap3A_404, %swap3A_405], %swap3A_408 {strides = array<i32>} : memref<16x512xf32, #tpu.memory_space<vmem>>, vector<1x16xf32>,
        %get3A_409 = arith.constant 0 : i32
        %get3A_410 = arith.index_cast %add3A_90 : i32 to index
        %get3A_411 = arith.index_cast %get3A_409 : i32 to index
        %get3A_412 = arith.constant 416 : index
        %get3A_413 = tpu.vector_load %arg8[%get3A_410, %get3A_411, %get3A_412] {strides = array<i32>} : memref<16x4x512xf32, #tpu.memory_space<vmem>>, vector<1x1x16xf32>,
        %get3A_414 = vector.shape_cast %get3A_413 : vector<1x1x16xf32> to vector<16xf32>
        %swap3A_415 = arith.constant 5 : i32
        %swap3A_416 = arith.index_cast %swap3A_415 : i32 to index
        %swap3A_417 = arith.constant 416 : index
        %swap3A_418 = tpu.vector_load %arg9[%swap3A_416, %swap3A_417] {strides = array<i32>} : memref<16x512xf32, #tpu.memory_space<vmem>>, vector<1x16xf32>,
        %swap3A_419 = vector.shape_cast %swap3A_418 : vector<1x16xf32> to vector<16xf32>
        %swap3A_420 = vector.shape_cast %get3A_414 : vector<16xf32> to vector<1x16xf32>
        tpu.vector_store %arg9[%swap3A_416, %swap3A_417], %swap3A_420 {strides = array<i32>} : memref<16x512xf32, #tpu.memory_space<vmem>>, vector<1x16xf32>,
        %get3A_421 = arith.constant 0 : i32
        %get3A_422 = arith.index_cast %add3A_90 : i32 to index
        %get3A_423 = arith.index_cast %get3A_421 : i32 to index
        %get3A_424 = arith.constant 432 : index
        %get3A_425 = tpu.vector_load %arg8[%get3A_422, %get3A_423, %get3A_424] {strides = array<i32>} : memref<16x4x512xf32, #tpu.memory_space<vmem>>, vector<1x1x16xf32>,
        %get3A_426 = vector.shape_cast %get3A_425 : vector<1x1x16xf32> to vector<16xf32>
        %swap3A_427 = arith.constant 5 : i32
        %swap3A_428 = arith.index_cast %swap3A_427 : i32 to index
        %swap3A_429 = arith.constant 432 : index
        %swap3A_430 = tpu.vector_load %arg9[%swap3A_428, %swap3A_429] {strides = array<i32>} : memref<16x512xf32, #tpu.memory_space<vmem>>, vector<1x16xf32>,
        %swap3A_431 = vector.shape_cast %swap3A_430 : vector<1x16xf32> to vector<16xf32>
        %swap3A_432 = vector.shape_cast %get3A_426 : vector<16xf32> to vector<1x16xf32>
        tpu.vector_store %arg9[%swap3A_428, %swap3A_429], %swap3A_432 {strides = array<i32>} : memref<16x512xf32, #tpu.memory_space<vmem>>, vector<1x16xf32>,
        %get3A_433 = arith.constant 0 : i32
        %get3A_434 = arith.index_cast %add3A_90 : i32 to index
        %get3A_435 = arith.index_cast %get3A_433 : i32 to index
        %get3A_436 = arith.constant 448 : index
        %get3A_437 = tpu.vector_load %arg8[%get3A_434, %get3A_435, %get3A_436] {strides = array<i32>} : memref<16x4x512xf32, #tpu.memory_space<vmem>>, vector<1x1x16xf32>,
        %get3A_438 = vector.shape_cast %get3A_437 : vector<1x1x16xf32> to vector<16xf32>
        %swap3A_439 = arith.constant 5 : i32
        %swap3A_440 = arith.index_cast %swap3A_439 : i32 to index
        %swap3A_441 = arith.constant 448 : index
        %swap3A_442 = tpu.vector_load %arg9[%swap3A_440, %swap3A_441] {strides = array<i32>} : memref<16x512xf32, #tpu.memory_space<vmem>>, vector<1x16xf32>,
        %swap3A_443 = vector.shape_cast %swap3A_442 : vector<1x16xf32> to vector<16xf32>
        %swap3A_444 = vector.shape_cast %get3A_438 : vector<16xf32> to vector<1x16xf32>
        tpu.vector_store %arg9[%swap3A_440, %swap3A_441], %swap3A_444 {strides = array<i32>} : memref<16x512xf32, #tpu.memory_space<vmem>>, vector<1x16xf32>,
        %get3A_445 = arith.constant 0 : i32
        %get3A_446 = arith.index_cast %add3A_90 : i32 to index
        %get3A_447 = arith.index_cast %get3A_445 : i32 to index
        %get3A_448 = arith.constant 464 : index
        %get3A_449 = tpu.vector_load %arg8[%get3A_446, %get3A_447, %get3A_448] {strides = array<i32>} : memref<16x4x512xf32, #tpu.memory_space<vmem>>, vector<1x1x16xf32>,
        %get3A_450 = vector.shape_cast %get3A_449 : vector<1x1x16xf32> to vector<16xf32>
        %swap3A_451 = arith.constant 5 : i32
        %swap3A_452 = arith.index_cast %swap3A_451 : i32 to index
        %swap3A_453 = arith.constant 464 : index
        %swap3A_454 = tpu.vector_load %arg9[%swap3A_452, %swap3A_453] {strides = array<i32>} : memref<16x512xf32, #tpu.memory_space<vmem>>, vector<1x16xf32>,
        %swap3A_455 = vector.shape_cast %swap3A_454 : vector<1x16xf32> to vector<16xf32>
        %swap3A_456 = vector.shape_cast %get3A_450 : vector<16xf32> to vector<1x16xf32>
        tpu.vector_store %arg9[%swap3A_452, %swap3A_453], %swap3A_456 {strides = array<i32>} : memref<16x512xf32, #tpu.memory_space<vmem>>, vector<1x16xf32>,
        %get3A_457 = arith.constant 0 : i32
        %get3A_458 = arith.index_cast %add3A_90 : i32 to index
        %get3A_459 = arith.index_cast %get3A_457 : i32 to index
        %get3A_460 = arith.constant 480 : index
        %get3A_461 = tpu.vector_load %arg8[%get3A_458, %get3A_459, %get3A_460] {strides = array<i32>} : memref<16x4x512xf32, #tpu.memory_space<vmem>>, vector<1x1x16xf32>,
        %get3A_462 = vector.shape_cast %get3A_461 : vector<1x1x16xf32> to vector<16xf32>
        %swap3A_463 = arith.constant 5 : i32
        %swap3A_464 = arith.index_cast %swap3A_463 : i32 to index
        %swap3A_465 = arith.constant 480 : index
        %swap3A_466 = tpu.vector_load %arg9[%swap3A_464, %swap3A_465] {strides = array<i32>} : memref<16x512xf32, #tpu.memory_space<vmem>>, vector<1x16xf32>,
        %swap3A_467 = vector.shape_cast %swap3A_466 : vector<1x16xf32> to vector<16xf32>
        %swap3A_468 = vector.shape_cast %get3A_462 : vector<16xf32> to vector<1x16xf32>
        tpu.vector_store %arg9[%swap3A_464, %swap3A_465], %swap3A_468 {strides = array<i32>} : memref<16x512xf32, #tpu.memory_space<vmem>>, vector<1x16xf32>,
        %get3A_469 = arith.constant 0 : i32
        %get3A_470 = arith.index_cast %add3A_90 : i32 to index
        %get3A_471 = arith.index_cast %get3A_469 : i32 to index
        %get3A_472 = arith.constant 496 : index
        %get3A_473 = tpu.vector_load %arg8[%get3A_470, %get3A_471, %get3A_472] {strides = array<i32>} : memref<16x4x512xf32, #tpu.memory_space<vmem>>, vector<1x1x16xf32>,
        %get3A_474 = vector.shape_cast %get3A_473 : vector<1x1x16xf32> to vector<16xf32>
        %swap3A_475 = arith.constant 5 : i32
        %swap3A_476 = arith.index_cast %swap3A_475 : i32 to index
        %swap3A_477 = arith.constant 496 : index
        %swap3A_478 = tpu.vector_load %arg9[%swap3A_476, %swap3A_477] {strides = array<i32>} : memref<16x512xf32, #tpu.memory_space<vmem>>, vector<1x16xf32>,
        %swap3A_479 = vector.shape_cast %swap3A_478 : vector<1x16xf32> to vector<16xf32>
        %swap3A_480 = vector.shape_cast %get3A_474 : vector<16xf32> to vector<1x16xf32>
        tpu.vector_store %arg9[%swap3A_476, %swap3A_477], %swap3A_480 {strides = array<i32>} : memref<16x512xf32, #tpu.memory_space<vmem>>, vector<1x16xf32>,
        %get3A_481 = arith.constant 1 : i32
        %get3A_482 = arith.index_cast %add3A_90 : i32 to index
        %get3A_483 = arith.index_cast %get3A_481 : i32 to index
        %get3A_484 = arith.constant 0 : index
        %get3A_485 = tpu.vector_load %arg8[%get3A_482, %get3A_483, %get3A_484] {strides = array<i32>} : memref<16x4x512xf32, #tpu.memory_space<vmem>>, vector<1x1x16xf32>,
        %get3A_486 = vector.shape_cast %get3A_485 : vector<1x1x16xf32> to vector<16xf32>
        %swap3A_487 = arith.constant 6 : i32
        %swap3A_488 = arith.index_cast %swap3A_487 : i32 to index
        %swap3A_489 = arith.constant 0 : index
        %swap3A_490 = tpu.vector_load %arg9[%swap3A_488, %swap3A_489] {strides = array<i32>} : memref<16x512xf32, #tpu.memory_space<vmem>>, vector<1x16xf32>,
        %swap3A_491 = vector.shape_cast %swap3A_490 : vector<1x16xf32> to vector<16xf32>
        %swap3A_492 = vector.shape_cast %get3A_486 : vector<16xf32> to vector<1x16xf32>
        tpu.vector_store %arg9[%swap3A_488, %swap3A_489], %swap3A_492 {strides = array<i32>} : memref<16x512xf32, #tpu.memory_space<vmem>>, vector<1x16xf32>,
        %get3A_493 = arith.constant 1 : i32
        %get3A_494 = arith.index_cast %add3A_90 : i32 to index
        %get3A_495 = arith.index_cast %get3A_493 : i32 to index
        %get3A_496 = arith.constant 16 : index
        %get3A_497 = tpu.vector_load %arg8[%get3A_494, %get3A_495, %get3A_496] {strides = array<i32>} : memref<16x4x512xf32, #tpu.memory_space<vmem>>, vector<1x1x16xf32>,
        %get3A_498 = vector.shape_cast %get3A_497 : vector<1x1x16xf32> to vector<16xf32>
        %swap3A_499 = arith.constant 6 : i32
        %swap3A_500 = arith.index_cast %swap3A_499 : i32 to index
        %swap3A_501 = arith.constant 16 : index
        %swap3A_502 = tpu.vector_load %arg9[%swap3A_500, %swap3A_501] {strides = array<i32>} : memref<16x512xf32, #tpu.memory_space<vmem>>, vector<1x16xf32>,
        %swap3A_503 = vector.shape_cast %swap3A_502 : vector<1x16xf32> to vector<16xf32>
        %swap3A_504 = vector.shape_cast %get3A_498 : vector<16xf32> to vector<1x16xf32>
        tpu.vector_store %arg9[%swap3A_500, %swap3A_501], %swap3A_504 {strides = array<i32>} : memref<16x512xf32, #tpu.memory_space<vmem>>, vector<1x16xf32>,
        %get3A_505 = arith.constant 1 : i32
        %get3A_506 = arith.index_cast %add3A_90 : i32 to index
        %get3A_507 = arith.index_cast %get3A_505 : i32 to index
        %get3A_508 = arith.constant 32 : index
        %get3A_509 = tpu.vector_load %arg8[%get3A_506, %get3A_507, %get3A_508] {strides = array<i32>} : memref<16x4x512xf32, #tpu.memory_space<vmem>>, vector<1x1x16xf32>,
        %get3A_510 = vector.shape_cast %get3A_509 : vector<1x1x16xf32> to vector<16xf32>
        %swap3A_511 = arith.constant 6 : i32
        %swap3A_512 = arith.index_cast %swap3A_511 : i32 to index
        %swap3A_513 = arith.constant 32 : index
        %swap3A_514 = tpu.vector_load %arg9[%swap3A_512, %swap3A_513] {strides = array<i32>} : memref<16x512xf32, #tpu.memory_space<vmem>>, vector<1x16xf32>,
        %swap3A_515 = vector.shape_cast %swap3A_514 : vector<1x16xf32> to vector<16xf32>
        %swap3A_516 = vector.shape_cast %get3A_510 : vector<16xf32> to vector<1x16xf32>
        tpu.vector_store %arg9[%swap3A_512, %swap3A_513], %swap3A_516 {strides = array<i32>} : memref<16x512xf32, #tpu.memory_space<vmem>>, vector<1x16xf32>,
        %get3A_517 = arith.constant 1 : i32
        %get3A_518 = arith.index_cast %add3A_90 : i32 to index
        %get3A_519 = arith.index_cast %get3A_517 : i32 to index
        %get3A_520 = arith.constant 48 : index
        %get3A_521 = tpu.vector_load %arg8[%get3A_518, %get3A_519, %get3A_520] {strides = array<i32>} : memref<16x4x512xf32, #tpu.memory_space<vmem>>, vector<1x1x16xf32>,
        %get3A_522 = vector.shape_cast %get3A_521 : vector<1x1x16xf32> to vector<16xf32>
        %swap3A_523 = arith.constant 6 : i32
        %swap3A_524 = arith.index_cast %swap3A_523 : i32 to index
        %swap3A_525 = arith.constant 48 : index
        %swap3A_526 = tpu.vector_load %arg9[%swap3A_524, %swap3A_525] {strides = array<i32>} : memref<16x512xf32, #tpu.memory_space<vmem>>, vector<1x16xf32>,
        %swap3A_527 = vector.shape_cast %swap3A_526 : vector<1x16xf32> to vector<16xf32>
        %swap3A_528 = vector.shape_cast %get3A_522 : vector<16xf32> to vector<1x16xf32>
        tpu.vector_store %arg9[%swap3A_524, %swap3A_525], %swap3A_528 {strides = array<i32>} : memref<16x512xf32, #tpu.memory_space<vmem>>, vector<1x16xf32>,
        %get3A_529 = arith.constant 1 : i32
        %get3A_530 = arith.index_cast %add3A_90 : i32 to index
        %get3A_531 = arith.index_cast %get3A_529 : i32 to index
        %get3A_532 = arith.constant 64 : index
        %get3A_533 = tpu.vector_load %arg8[%get3A_530, %get3A_531, %get3A_532] {strides = array<i32>} : memref<16x4x512xf32, #tpu.memory_space<vmem>>, vector<1x1x16xf32>,
        %get3A_534 = vector.shape_cast %get3A_533 : vector<1x1x16xf32> to vector<16xf32>
        %swap3A_535 = arith.constant 6 : i32
        %swap3A_536 = arith.index_cast %swap3A_535 : i32 to index
        %swap3A_537 = arith.constant 64 : index
        %swap3A_538 = tpu.vector_load %arg9[%swap3A_536, %swap3A_537] {strides = array<i32>} : memref<16x512xf32, #tpu.memory_space<vmem>>, vector<1x16xf32>,
        %swap3A_539 = vector.shape_cast %swap3A_538 : vector<1x16xf32> to vector<16xf32>
        %swap3A_540 = vector.shape_cast %get3A_534 : vector<16xf32> to vector<1x16xf32>
        tpu.vector_store %arg9[%swap3A_536, %swap3A_537], %swap3A_540 {strides = array<i32>} : memref<16x512xf32, #tpu.memory_space<vmem>>, vector<1x16xf32>,
        %get3A_541 = arith.constant 1 : i32
        %get3A_542 = arith.index_cast %add3A_90 : i32 to index
        %get3A_543 = arith.index_cast %get3A_541 : i32 to index
        %get3A_544 = arith.constant 80 : index
        %get3A_545 = tpu.vector_load %arg8[%get3A_542, %get3A_543, %get3A_544] {strides = array<i32>} : memref<16x4x512xf32, #tpu.memory_space<vmem>>, vector<1x1x16xf32>,
        %get3A_546 = vector.shape_cast %get3A_545 : vector<1x1x16xf32> to vector<16xf32>
        %swap3A_547 = arith.constant 6 : i32
        %swap3A_548 = arith.index_cast %swap3A_547 : i32 to index
        %swap3A_549 = arith.constant 80 : index
        %swap3A_550 = tpu.vector_load %arg9[%swap3A_548, %swap3A_549] {strides = array<i32>} : memref<16x512xf32, #tpu.memory_space<vmem>>, vector<1x16xf32>,
        %swap3A_551 = vector.shape_cast %swap3A_550 : vector<1x16xf32> to vector<16xf32>
        %swap3A_552 = vector.shape_cast %get3A_546 : vector<16xf32> to vector<1x16xf32>
        tpu.vector_store %arg9[%swap3A_548, %swap3A_549], %swap3A_552 {strides = array<i32>} : memref<16x512xf32, #tpu.memory_space<vmem>>, vector<1x16xf32>,
        %get3A_553 = arith.constant 1 : i32
        %get3A_554 = arith.index_cast %add3A_90 : i32 to index
        %get3A_555 = arith.index_cast %get3A_553 : i32 to index
        %get3A_556 = arith.constant 96 : index
        %get3A_557 = tpu.vector_load %arg8[%get3A_554, %get3A_555, %get3A_556] {strides = array<i32>} : memref<16x4x512xf32, #tpu.memory_space<vmem>>, vector<1x1x16xf32>,
        %get3A_558 = vector.shape_cast %get3A_557 : vector<1x1x16xf32> to vector<16xf32>
        %swap3A_559 = arith.constant 6 : i32
        %swap3A_560 = arith.index_cast %swap3A_559 : i32 to index
        %swap3A_561 = arith.constant 96 : index
        %swap3A_562 = tpu.vector_load %arg9[%swap3A_560, %swap3A_561] {strides = array<i32>} : memref<16x512xf32, #tpu.memory_space<vmem>>, vector<1x16xf32>,
        %swap3A_563 = vector.shape_cast %swap3A_562 : vector<1x16xf32> to vector<16xf32>
        %swap3A_564 = vector.shape_cast %get3A_558 : vector<16xf32> to vector<1x16xf32>
        tpu.vector_store %arg9[%swap3A_560, %swap3A_561], %swap3A_564 {strides = array<i32>} : memref<16x512xf32, #tpu.memory_space<vmem>>, vector<1x16xf32>,
        %get3A_565 = arith.constant 1 : i32
        %get3A_566 = arith.index_cast %add3A_90 : i32 to index
        %get3A_567 = arith.index_cast %get3A_565 : i32 to index
        %get3A_568 = arith.constant 112 : index
        %get3A_569 = tpu.vector_load %arg8[%get3A_566, %get3A_567, %get3A_568] {strides = array<i32>} : memref<16x4x512xf32, #tpu.memory_space<vmem>>, vector<1x1x16xf32>,
        %get3A_570 = vector.shape_cast %get3A_569 : vector<1x1x16xf32> to vector<16xf32>
        %swap3A_571 = arith.constant 6 : i32
        %swap3A_572 = arith.index_cast %swap3A_571 : i32 to index
        %swap3A_573 = arith.constant 112 : index
        %swap3A_574 = tpu.vector_load %arg9[%swap3A_572, %swap3A_573] {strides = array<i32>} : memref<16x512xf32, #tpu.memory_space<vmem>>, vector<1x16xf32>,
        %swap3A_575 = vector.shape_cast %swap3A_574 : vector<1x16xf32> to vector<16xf32>
        %swap3A_576 = vector.shape_cast %get3A_570 : vector<16xf32> to vector<1x16xf32>
        tpu.vector_store %arg9[%swap3A_572, %swap3A_573], %swap3A_576 {strides = array<i32>} : memref<16x512xf32, #tpu.memory_space<vmem>>, vector<1x16xf32>,
        %get3A_577 = arith.constant 1 : i32
        %get3A_578 = arith.index_cast %add3A_90 : i32 to index
        %get3A_579 = arith.index_cast %get3A_577 : i32 to index
        %get3A_580 = arith.constant 128 : index
        %get3A_581 = tpu.vector_load %arg8[%get3A_578, %get3A_579, %get3A_580] {strides = array<i32>} : memref<16x4x512xf32, #tpu.memory_space<vmem>>, vector<1x1x16xf32>,
        %get3A_582 = vector.shape_cast %get3A_581 : vector<1x1x16xf32> to vector<16xf32>
        %swap3A_583 = arith.constant 6 : i32
        %swap3A_584 = arith.index_cast %swap3A_583 : i32 to index
        %swap3A_585 = arith.constant 128 : index
        %swap3A_586 = tpu.vector_load %arg9[%swap3A_584, %swap3A_585] {strides = array<i32>} : memref<16x512xf32, #tpu.memory_space<vmem>>, vector<1x16xf32>,
        %swap3A_587 = vector.shape_cast %swap3A_586 : vector<1x16xf32> to vector<16xf32>
        %swap3A_588 = vector.shape_cast %get3A_582 : vector<16xf32> to vector<1x16xf32>
        tpu.vector_store %arg9[%swap3A_584, %swap3A_585], %swap3A_588 {strides = array<i32>} : memref<16x512xf32, #tpu.memory_space<vmem>>, vector<1x16xf32>,
        %get3A_589 = arith.constant 1 : i32
        %get3A_590 = arith.index_cast %add3A_90 : i32 to index
        %get3A_591 = arith.index_cast %get3A_589 : i32 to index
        %get3A_592 = arith.constant 144 : index
        %get3A_593 = tpu.vector_load %arg8[%get3A_590, %get3A_591, %get3A_592] {strides = array<i32>} : memref<16x4x512xf32, #tpu.memory_space<vmem>>, vector<1x1x16xf32>,
        %get3A_594 = vector.shape_cast %get3A_593 : vector<1x1x16xf32> to vector<16xf32>
        %swap3A_595 = arith.constant 6 : i32
        %swap3A_596 = arith.index_cast %swap3A_595 : i32 to index
        %swap3A_597 = arith.constant 144 : index
        %swap3A_598 = tpu.vector_load %arg9[%swap3A_596, %swap3A_597] {strides = array<i32>} : memref<16x512xf32, #tpu.memory_space<vmem>>, vector<1x16xf32>,
        %swap3A_599 = vector.shape_cast %swap3A_598 : vector<1x16xf32> to vector<16xf32>
        %swap3A_600 = vector.shape_cast %get3A_594 : vector<16xf32> to vector<1x16xf32>
        tpu.vector_store %arg9[%swap3A_596, %swap3A_597], %swap3A_600 {strides = array<i32>} : memref<16x512xf32, #tpu.memory_space<vmem>>, vector<1x16xf32>,
        %get3A_601 = arith.constant 1 : i32
        %get3A_602 = arith.index_cast %add3A_90 : i32 to index
        %get3A_603 = arith.index_cast %get3A_601 : i32 to index
        %get3A_604 = arith.constant 160 : index
        %get3A_605 = tpu.vector_load %arg8[%get3A_602, %get3A_603, %get3A_604] {strides = array<i32>} : memref<16x4x512xf32, #tpu.memory_space<vmem>>, vector<1x1x16xf32>,
        %get3A_606 = vector.shape_cast %get3A_605 : vector<1x1x16xf32> to vector<16xf32>
        %swap3A_607 = arith.constant 6 : i32
        %swap3A_608 = arith.index_cast %swap3A_607 : i32 to index
        %swap3A_609 = arith.constant 160 : index
        %swap3A_610 = tpu.vector_load %arg9[%swap3A_608, %swap3A_609] {strides = array<i32>} : memref<16x512xf32, #tpu.memory_space<vmem>>, vector<1x16xf32>,
        %swap3A_611 = vector.shape_cast %swap3A_610 : vector<1x16xf32> to vector<16xf32>
        %swap3A_612 = vector.shape_cast %get3A_606 : vector<16xf32> to vector<1x16xf32>
        tpu.vector_store %arg9[%swap3A_608, %swap3A_609], %swap3A_612 {strides = array<i32>} : memref<16x512xf32, #tpu.memory_space<vmem>>, vector<1x16xf32>,
        %get3A_613 = arith.constant 1 : i32
        %get3A_614 = arith.index_cast %add3A_90 : i32 to index
        %get3A_615 = arith.index_cast %get3A_613 : i32 to index
        %get3A_616 = arith.constant 176 : index
        %get3A_617 = tpu.vector_load %arg8[%get3A_614, %get3A_615, %get3A_616] {strides = array<i32>} : memref<16x4x512xf32, #tpu.memory_space<vmem>>, vector<1x1x16xf32>,
        %get3A_618 = vector.shape_cast %get3A_617 : vector<1x1x16xf32> to vector<16xf32>
        %swap3A_619 = arith.constant 6 : i32
        %swap3A_620 = arith.index_cast %swap3A_619 : i32 to index
        %swap3A_621 = arith.constant 176 : index
        %swap3A_622 = tpu.vector_load %arg9[%swap3A_620, %swap3A_621] {strides = array<i32>} : memref<16x512xf32, #tpu.memory_space<vmem>>, vector<1x16xf32>,
        %swap3A_623 = vector.shape_cast %swap3A_622 : vector<1x16xf32> to vector<16xf32>
        %swap3A_624 = vector.shape_cast %get3A_618 : vector<16xf32> to vector<1x16xf32>
        tpu.vector_store %arg9[%swap3A_620, %swap3A_621], %swap3A_624 {strides = array<i32>} : memref<16x512xf32, #tpu.memory_space<vmem>>, vector<1x16xf32>,
        %get3A_625 = arith.constant 1 : i32
        %get3A_626 = arith.index_cast %add3A_90 : i32 to index
        %get3A_627 = arith.index_cast %get3A_625 : i32 to index
        %get3A_628 = arith.constant 192 : index
        %get3A_629 = tpu.vector_load %arg8[%get3A_626, %get3A_627, %get3A_628] {strides = array<i32>} : memref<16x4x512xf32, #tpu.memory_space<vmem>>, vector<1x1x16xf32>,
        %get3A_630 = vector.shape_cast %get3A_629 : vector<1x1x16xf32> to vector<16xf32>
        %swap3A_631 = arith.constant 6 : i32
        %swap3A_632 = arith.index_cast %swap3A_631 : i32 to index
        %swap3A_633 = arith.constant 192 : index
        %swap3A_634 = tpu.vector_load %arg9[%swap3A_632, %swap3A_633] {strides = array<i32>} : memref<16x512xf32, #tpu.memory_space<vmem>>, vector<1x16xf32>,
        %swap3A_635 = vector.shape_cast %swap3A_634 : vector<1x16xf32> to vector<16xf32>
        %swap3A_636 = vector.shape_cast %get3A_630 : vector<16xf32> to vector<1x16xf32>
        tpu.vector_store %arg9[%swap3A_632, %swap3A_633], %swap3A_636 {strides = array<i32>} : memref<16x512xf32, #tpu.memory_space<vmem>>, vector<1x16xf32>,
        %get3A_637 = arith.constant 1 : i32
        %get3A_638 = arith.index_cast %add3A_90 : i32 to index
        %get3A_639 = arith.index_cast %get3A_637 : i32 to index
        %get3A_640 = arith.constant 208 : index
        %get3A_641 = tpu.vector_load %arg8[%get3A_638, %get3A_639, %get3A_640] {strides = array<i32>} : memref<16x4x512xf32, #tpu.memory_space<vmem>>, vector<1x1x16xf32>,
        %get3A_642 = vector.shape_cast %get3A_641 : vector<1x1x16xf32> to vector<16xf32>
        %swap3A_643 = arith.constant 6 : i32
        %swap3A_644 = arith.index_cast %swap3A_643 : i32 to index
        %swap3A_645 = arith.constant 208 : index
        %swap3A_646 = tpu.vector_load %arg9[%swap3A_644, %swap3A_645] {strides = array<i32>} : memref<16x512xf32, #tpu.memory_space<vmem>>, vector<1x16xf32>,
        %swap3A_647 = vector.shape_cast %swap3A_646 : vector<1x16xf32> to vector<16xf32>
        %swap3A_648 = vector.shape_cast %get3A_642 : vector<16xf32> to vector<1x16xf32>
        tpu.vector_store %arg9[%swap3A_644, %swap3A_645], %swap3A_648 {strides = array<i32>} : memref<16x512xf32, #tpu.memory_space<vmem>>, vector<1x16xf32>,
        %get3A_649 = arith.constant 1 : i32
        %get3A_650 = arith.index_cast %add3A_90 : i32 to index
        %get3A_651 = arith.index_cast %get3A_649 : i32 to index
        %get3A_652 = arith.constant 224 : index
        %get3A_653 = tpu.vector_load %arg8[%get3A_650, %get3A_651, %get3A_652] {strides = array<i32>} : memref<16x4x512xf32, #tpu.memory_space<vmem>>, vector<1x1x16xf32>,
        %get3A_654 = vector.shape_cast %get3A_653 : vector<1x1x16xf32> to vector<16xf32>
        %swap3A_655 = arith.constant 6 : i32
        %swap3A_656 = arith.index_cast %swap3A_655 : i32 to index
        %swap3A_657 = arith.constant 224 : index
        %swap3A_658 = tpu.vector_load %arg9[%swap3A_656, %swap3A_657] {strides = array<i32>} : memref<16x512xf32, #tpu.memory_space<vmem>>, vector<1x16xf32>,
        %swap3A_659 = vector.shape_cast %swap3A_658 : vector<1x16xf32> to vector<16xf32>
        %swap3A_660 = vector.shape_cast %get3A_654 : vector<16xf32> to vector<1x16xf32>
        tpu.vector_store %arg9[%swap3A_656, %swap3A_657], %swap3A_660 {strides = array<i32>} : memref<16x512xf32, #tpu.memory_space<vmem>>, vector<1x16xf32>,
        %get3A_661 = arith.constant 1 : i32
        %get3A_662 = arith.index_cast %add3A_90 : i32 to index
        %get3A_663 = arith.index_cast %get3A_661 : i32 to index
        %get3A_664 = arith.constant 240 : index
        %get3A_665 = tpu.vector_load %arg8[%get3A_662, %get3A_663, %get3A_664] {strides = array<i32>} : memref<16x4x512xf32, #tpu.memory_space<vmem>>, vector<1x1x16xf32>,
        %get3A_666 = vector.shape_cast %get3A_665 : vector<1x1x16xf32> to vector<16xf32>
        %swap3A_667 = arith.constant 6 : i32
        %swap3A_668 = arith.index_cast %swap3A_667 : i32 to index
        %swap3A_669 = arith.constant 240 : index
        %swap3A_670 = tpu.vector_load %arg9[%swap3A_668, %swap3A_669] {strides = array<i32>} : memref<16x512xf32, #tpu.memory_space<vmem>>, vector<1x16xf32>,
        %swap3A_671 = vector.shape_cast %swap3A_670 : vector<1x16xf32> to vector<16xf32>
        %swap3A_672 = vector.shape_cast %get3A_666 : vector<16xf32> to vector<1x16xf32>
        tpu.vector_store %arg9[%swap3A_668, %swap3A_669], %swap3A_672 {strides = array<i32>} : memref<16x512xf32, #tpu.memory_space<vmem>>, vector<1x16xf32>,
        %get3A_673 = arith.constant 1 : i32
        %get3A_674 = arith.index_cast %add3A_90 : i32 to index
        %get3A_675 = arith.index_cast %get3A_673 : i32 to index
        %get3A_676 = arith.constant 256 : index
        %get3A_677 = tpu.vector_load %arg8[%get3A_674, %get3A_675, %get3A_676] {strides = array<i32>} : memref<16x4x512xf32, #tpu.memory_space<vmem>>, vector<1x1x16xf32>,
        %get3A_678 = vector.shape_cast %get3A_677 : vector<1x1x16xf32> to vector<16xf32>
        %swap3A_679 = arith.constant 6 : i32
        %swap3A_680 = arith.index_cast %swap3A_679 : i32 to index
        %swap3A_681 = arith.constant 256 : index
        %swap3A_682 = tpu.vector_load %arg9[%swap3A_680, %swap3A_681] {strides = array<i32>} : memref<16x512xf32, #tpu.memory_space<vmem>>, vector<1x16xf32>,
        %swap3A_683 = vector.shape_cast %swap3A_682 : vector<1x16xf32> to vector<16xf32>
        %swap3A_684 = vector.shape_cast %get3A_678 : vector<16xf32> to vector<1x16xf32>
        tpu.vector_store %arg9[%swap3A_680, %swap3A_681], %swap3A_684 {strides = array<i32>} : memref<16x512xf32, #tpu.memory_space<vmem>>, vector<1x16xf32>,
        %get3A_685 = arith.constant 1 : i32
        %get3A_686 = arith.index_cast %add3A_90 : i32 to index
        %get3A_687 = arith.index_cast %get3A_685 : i32 to index
        %get3A_688 = arith.constant 272 : index
        %get3A_689 = tpu.vector_load %arg8[%get3A_686, %get3A_687, %get3A_688] {strides = array<i32>} : memref<16x4x512xf32, #tpu.memory_space<vmem>>, vector<1x1x16xf32>,
        %get3A_690 = vector.shape_cast %get3A_689 : vector<1x1x16xf32> to vector<16xf32>
        %swap3A_691 = arith.constant 6 : i32
        %swap3A_692 = arith.index_cast %swap3A_691 : i32 to index
        %swap3A_693 = arith.constant 272 : index
        %swap3A_694 = tpu.vector_load %arg9[%swap3A_692, %swap3A_693] {strides = array<i32>} : memref<16x512xf32, #tpu.memory_space<vmem>>, vector<1x16xf32>,
        %swap3A_695 = vector.shape_cast %swap3A_694 : vector<1x16xf32> to vector<16xf32>
        %swap3A_696 = vector.shape_cast %get3A_690 : vector<16xf32> to vector<1x16xf32>
        tpu.vector_store %arg9[%swap3A_692, %swap3A_693], %swap3A_696 {strides = array<i32>} : memref<16x512xf32, #tpu.memory_space<vmem>>, vector<1x16xf32>,
        %get3A_697 = arith.constant 1 : i32
        %get3A_698 = arith.index_cast %add3A_90 : i32 to index
        %get3A_699 = arith.index_cast %get3A_697 : i32 to index
        %get3A_700 = arith.constant 288 : index
        %get3A_701 = tpu.vector_load %arg8[%get3A_698, %get3A_699, %get3A_700] {strides = array<i32>} : memref<16x4x512xf32, #tpu.memory_space<vmem>>, vector<1x1x16xf32>,
        %get3A_702 = vector.shape_cast %get3A_701 : vector<1x1x16xf32> to vector<16xf32>
        %swap3A_703 = arith.constant 6 : i32
        %swap3A_704 = arith.index_cast %swap3A_703 : i32 to index
        %swap3A_705 = arith.constant 288 : index
        %swap3A_706 = tpu.vector_load %arg9[%swap3A_704, %swap3A_705] {strides = array<i32>} : memref<16x512xf32, #tpu.memory_space<vmem>>, vector<1x16xf32>,
        %swap3A_707 = vector.shape_cast %swap3A_706 : vector<1x16xf32> to vector<16xf32>
        %swap3A_708 = vector.shape_cast %get3A_702 : vector<16xf32> to vector<1x16xf32>
        tpu.vector_store %arg9[%swap3A_704, %swap3A_705], %swap3A_708 {strides = array<i32>} : memref<16x512xf32, #tpu.memory_space<vmem>>, vector<1x16xf32>,
        %get3A_709 = arith.constant 1 : i32
        %get3A_710 = arith.index_cast %add3A_90 : i32 to index
        %get3A_711 = arith.index_cast %get3A_709 : i32 to index
        %get3A_712 = arith.constant 304 : index
        %get3A_713 = tpu.vector_load %arg8[%get3A_710, %get3A_711, %get3A_712] {strides = array<i32>} : memref<16x4x512xf32, #tpu.memory_space<vmem>>, vector<1x1x16xf32>,
        %get3A_714 = vector.shape_cast %get3A_713 : vector<1x1x16xf32> to vector<16xf32>
        %swap3A_715 = arith.constant 6 : i32
        %swap3A_716 = arith.index_cast %swap3A_715 : i32 to index
        %swap3A_717 = arith.constant 304 : index
        %swap3A_718 = tpu.vector_load %arg9[%swap3A_716, %swap3A_717] {strides = array<i32>} : memref<16x512xf32, #tpu.memory_space<vmem>>, vector<1x16xf32>,
        %swap3A_719 = vector.shape_cast %swap3A_718 : vector<1x16xf32> to vector<16xf32>
        %swap3A_720 = vector.shape_cast %get3A_714 : vector<16xf32> to vector<1x16xf32>
        tpu.vector_store %arg9[%swap3A_716, %swap3A_717], %swap3A_720 {strides = array<i32>} : memref<16x512xf32, #tpu.memory_space<vmem>>, vector<1x16xf32>,
        %get3A_721 = arith.constant 1 : i32
        %get3A_722 = arith.index_cast %add3A_90 : i32 to index
        %get3A_723 = arith.index_cast %get3A_721 : i32 to index
        %get3A_724 = arith.constant 320 : index
        %get3A_725 = tpu.vector_load %arg8[%get3A_722, %get3A_723, %get3A_724] {strides = array<i32>} : memref<16x4x512xf32, #tpu.memory_space<vmem>>, vector<1x1x16xf32>,
        %get3A_726 = vector.shape_cast %get3A_725 : vector<1x1x16xf32> to vector<16xf32>
        %swap3A_727 = arith.constant 6 : i32
        %swap3A_728 = arith.index_cast %swap3A_727 : i32 to index
        %swap3A_729 = arith.constant 320 : index
        %swap3A_730 = tpu.vector_load %arg9[%swap3A_728, %swap3A_729] {strides = array<i32>} : memref<16x512xf32, #tpu.memory_space<vmem>>, vector<1x16xf32>,
        %swap3A_731 = vector.shape_cast %swap3A_730 : vector<1x16xf32> to vector<16xf32>
        %swap3A_732 = vector.shape_cast %get3A_726 : vector<16xf32> to vector<1x16xf32>
        tpu.vector_store %arg9[%swap3A_728, %swap3A_729], %swap3A_732 {strides = array<i32>} : memref<16x512xf32, #tpu.memory_space<vmem>>, vector<1x16xf32>,
        %get3A_733 = arith.constant 1 : i32
        %get3A_734 = arith.index_cast %add3A_90 : i32 to index
        %get3A_735 = arith.index_cast %get3A_733 : i32 to index
        %get3A_736 = arith.constant 336 : index
        %get3A_737 = tpu.vector_load %arg8[%get3A_734, %get3A_735, %get3A_736] {strides = array<i32>} : memref<16x4x512xf32, #tpu.memory_space<vmem>>, vector<1x1x16xf32>,
        %get3A_738 = vector.shape_cast %get3A_737 : vector<1x1x16xf32> to vector<16xf32>
        %swap3A_739 = arith.constant 6 : i32
        %swap3A_740 = arith.index_cast %swap3A_739 : i32 to index
        %swap3A_741 = arith.constant 336 : index
        %swap3A_742 = tpu.vector_load %arg9[%swap3A_740, %swap3A_741] {strides = array<i32>} : memref<16x512xf32, #tpu.memory_space<vmem>>, vector<1x16xf32>,
        %swap3A_743 = vector.shape_cast %swap3A_742 : vector<1x16xf32> to vector<16xf32>
        %swap3A_744 = vector.shape_cast %get3A_738 : vector<16xf32> to vector<1x16xf32>
        tpu.vector_store %arg9[%swap3A_740, %swap3A_741], %swap3A_744 {strides = array<i32>} : memref<16x512xf32, #tpu.memory_space<vmem>>, vector<1x16xf32>,
        %get3A_745 = arith.constant 1 : i32
        %get3A_746 = arith.index_cast %add3A_90 : i32 to index
        %get3A_747 = arith.index_cast %get3A_745 : i32 to index
        %get3A_748 = arith.constant 352 : index
        %get3A_749 = tpu.vector_load %arg8[%get3A_746, %get3A_747, %get3A_748] {strides = array<i32>} : memref<16x4x512xf32, #tpu.memory_space<vmem>>, vector<1x1x16xf32>,
        %get3A_750 = vector.shape_cast %get3A_749 : vector<1x1x16xf32> to vector<16xf32>
        %swap3A_751 = arith.constant 6 : i32
        %swap3A_752 = arith.index_cast %swap3A_751 : i32 to index
        %swap3A_753 = arith.constant 352 : index
        %swap3A_754 = tpu.vector_load %arg9[%swap3A_752, %swap3A_753] {strides = array<i32>} : memref<16x512xf32, #tpu.memory_space<vmem>>, vector<1x16xf32>,
        %swap3A_755 = vector.shape_cast %swap3A_754 : vector<1x16xf32> to vector<16xf32>
        %swap3A_756 = vector.shape_cast %get3A_750 : vector<16xf32> to vector<1x16xf32>
        tpu.vector_store %arg9[%swap3A_752, %swap3A_753], %swap3A_756 {strides = array<i32>} : memref<16x512xf32, #tpu.memory_space<vmem>>, vector<1x16xf32>,
        %get3A_757 = arith.constant 1 : i32
        %get3A_758 = arith.index_cast %add3A_90 : i32 to index
        %get3A_759 = arith.index_cast %get3A_757 : i32 to index
        %get3A_760 = arith.constant 368 : index
        %get3A_761 = tpu.vector_load %arg8[%get3A_758, %get3A_759, %get3A_760] {strides = array<i32>} : memref<16x4x512xf32, #tpu.memory_space<vmem>>, vector<1x1x16xf32>,
        %get3A_762 = vector.shape_cast %get3A_761 : vector<1x1x16xf32> to vector<16xf32>
        %swap3A_763 = arith.constant 6 : i32
        %swap3A_764 = arith.index_cast %swap3A_763 : i32 to index
        %swap3A_765 = arith.constant 368 : index
        %swap3A_766 = tpu.vector_load %arg9[%swap3A_764, %swap3A_765] {strides = array<i32>} : memref<16x512xf32, #tpu.memory_space<vmem>>, vector<1x16xf32>,
        %swap3A_767 = vector.shape_cast %swap3A_766 : vector<1x16xf32> to vector<16xf32>
        %swap3A_768 = vector.shape_cast %get3A_762 : vector<16xf32> to vector<1x16xf32>
        tpu.vector_store %arg9[%swap3A_764, %swap3A_765], %swap3A_768 {strides = array<i32>} : memref<16x512xf32, #tpu.memory_space<vmem>>, vector<1x16xf32>,
        %get3A_769 = arith.constant 1 : i32
        %get3A_770 = arith.index_cast %add3A_90 : i32 to index
        %get3A_771 = arith.index_cast %get3A_769 : i32 to index
        %get3A_772 = arith.constant 384 : index
        %get3A_773 = tpu.vector_load %arg8[%get3A_770, %get3A_771, %get3A_772] {strides = array<i32>} : memref<16x4x512xf32, #tpu.memory_space<vmem>>, vector<1x1x16xf32>,
        %get3A_774 = vector.shape_cast %get3A_773 : vector<1x1x16xf32> to vector<16xf32>
        %swap3A_775 = arith.constant 6 : i32
        %swap3A_776 = arith.index_cast %swap3A_775 : i32 to index
        %swap3A_777 = arith.constant 384 : index
        %swap3A_778 = tpu.vector_load %arg9[%swap3A_776, %swap3A_777] {strides = array<i32>} : memref<16x512xf32, #tpu.memory_space<vmem>>, vector<1x16xf32>,
        %swap3A_779 = vector.shape_cast %swap3A_778 : vector<1x16xf32> to vector<16xf32>
        %swap3A_780 = vector.shape_cast %get3A_774 : vector<16xf32> to vector<1x16xf32>
        tpu.vector_store %arg9[%swap3A_776, %swap3A_777], %swap3A_780 {strides = array<i32>} : memref<16x512xf32, #tpu.memory_space<vmem>>, vector<1x16xf32>,
        %get3A_781 = arith.constant 1 : i32
        %get3A_782 = arith.index_cast %add3A_90 : i32 to index
        %get3A_783 = arith.index_cast %get3A_781 : i32 to index
        %get3A_784 = arith.constant 400 : index
        %get3A_785 = tpu.vector_load %arg8[%get3A_782, %get3A_783, %get3A_784] {strides = array<i32>} : memref<16x4x512xf32, #tpu.memory_space<vmem>>, vector<1x1x16xf32>,
        %get3A_786 = vector.shape_cast %get3A_785 : vector<1x1x16xf32> to vector<16xf32>
        %swap3A_787 = arith.constant 6 : i32
        %swap3A_788 = arith.index_cast %swap3A_787 : i32 to index
        %swap3A_789 = arith.constant 400 : index
        %swap3A_790 = tpu.vector_load %arg9[%swap3A_788, %swap3A_789] {strides = array<i32>} : memref<16x512xf32, #tpu.memory_space<vmem>>, vector<1x16xf32>,
        %swap3A_791 = vector.shape_cast %swap3A_790 : vector<1x16xf32> to vector<16xf32>
        %swap3A_792 = vector.shape_cast %get3A_786 : vector<16xf32> to vector<1x16xf32>
        tpu.vector_store %arg9[%swap3A_788, %swap3A_789], %swap3A_792 {strides = array<i32>} : memref<16x512xf32, #tpu.memory_space<vmem>>, vector<1x16xf32>,
        %get3A_793 = arith.constant 1 : i32
        %get3A_794 = arith.index_cast %add3A_90 : i32 to index
        %get3A_795 = arith.index_cast %get3A_793 : i32 to index
        %get3A_796 = arith.constant 416 : index
        %get3A_797 = tpu.vector_load %arg8[%get3A_794, %get3A_795, %get3A_796] {strides = array<i32>} : memref<16x4x512xf32, #tpu.memory_space<vmem>>, vector<1x1x16xf32>,
        %get3A_798 = vector.shape_cast %get3A_797 : vector<1x1x16xf32> to vector<16xf32>
        %swap3A_799 = arith.constant 6 : i32
        %swap3A_800 = arith.index_cast %swap3A_799 : i32 to index
        %swap3A_801 = arith.constant 416 : index
        %swap3A_802 = tpu.vector_load %arg9[%swap3A_800, %swap3A_801] {strides = array<i32>} : memref<16x512xf32, #tpu.memory_space<vmem>>, vector<1x16xf32>,
        %swap3A_803 = vector.shape_cast %swap3A_802 : vector<1x16xf32> to vector<16xf32>
        %swap3A_804 = vector.shape_cast %get3A_798 : vector<16xf32> to vector<1x16xf32>
        tpu.vector_store %arg9[%swap3A_800, %swap3A_801], %swap3A_804 {strides = array<i32>} : memref<16x512xf32, #tpu.memory_space<vmem>>, vector<1x16xf32>,
        %get3A_805 = arith.constant 1 : i32
        %get3A_806 = arith.index_cast %add3A_90 : i32 to index
        %get3A_807 = arith.index_cast %get3A_805 : i32 to index
        %get3A_808 = arith.constant 432 : index
        %get3A_809 = tpu.vector_load %arg8[%get3A_806, %get3A_807, %get3A_808] {strides = array<i32>} : memref<16x4x512xf32, #tpu.memory_space<vmem>>, vector<1x1x16xf32>,
        %get3A_810 = vector.shape_cast %get3A_809 : vector<1x1x16xf32> to vector<16xf32>
        %swap3A_811 = arith.constant 6 : i32
        %swap3A_812 = arith.index_cast %swap3A_811 : i32 to index
        %swap3A_813 = arith.constant 432 : index
        %swap3A_814 = tpu.vector_load %arg9[%swap3A_812, %swap3A_813] {strides = array<i32>} : memref<16x512xf32, #tpu.memory_space<vmem>>, vector<1x16xf32>,
        %swap3A_815 = vector.shape_cast %swap3A_814 : vector<1x16xf32> to vector<16xf32>
        %swap3A_816 = vector.shape_cast %get3A_810 : vector<16xf32> to vector<1x16xf32>
        tpu.vector_store %arg9[%swap3A_812, %swap3A_813], %swap3A_816 {strides = array<i32>} : memref<16x512xf32, #tpu.memory_space<vmem>>, vector<1x16xf32>,
        %get3A_817 = arith.constant 1 : i32
        %get3A_818 = arith.index_cast %add3A_90 : i32 to index
        %get3A_819 = arith.index_cast %get3A_817 : i32 to index
        %get3A_820 = arith.constant 448 : index
        %get3A_821 = tpu.vector_load %arg8[%get3A_818, %get3A_819, %get3A_820] {strides = array<i32>} : memref<16x4x512xf32, #tpu.memory_space<vmem>>, vector<1x1x16xf32>,
        %get3A_822 = vector.shape_cast %get3A_821 : vector<1x1x16xf32> to vector<16xf32>
        %swap3A_823 = arith.constant 6 : i32
        %swap3A_824 = arith.index_cast %swap3A_823 : i32 to index
        %swap3A_825 = arith.constant 448 : index
        %swap3A_826 = tpu.vector_load %arg9[%swap3A_824, %swap3A_825] {strides = array<i32>} : memref<16x512xf32, #tpu.memory_space<vmem>>, vector<1x16xf32>,
        %swap3A_827 = vector.shape_cast %swap3A_826 : vector<1x16xf32> to vector<16xf32>
        %swap3A_828 = vector.shape_cast %get3A_822 : vector<16xf32> to vector<1x16xf32>
        tpu.vector_store %arg9[%swap3A_824, %swap3A_825], %swap3A_828 {strides = array<i32>} : memref<16x512xf32, #tpu.memory_space<vmem>>, vector<1x16xf32>,
        %get3A_829 = arith.constant 1 : i32
        %get3A_830 = arith.index_cast %add3A_90 : i32 to index
        %get3A_831 = arith.index_cast %get3A_829 : i32 to index
        %get3A_832 = arith.constant 464 : index
        %get3A_833 = tpu.vector_load %arg8[%get3A_830, %get3A_831, %get3A_832] {strides = array<i32>} : memref<16x4x512xf32, #tpu.memory_space<vmem>>, vector<1x1x16xf32>,
        %get3A_834 = vector.shape_cast %get3A_833 : vector<1x1x16xf32> to vector<16xf32>
        %swap3A_835 = arith.constant 6 : i32
        %swap3A_836 = arith.index_cast %swap3A_835 : i32 to index
        %swap3A_837 = arith.constant 464 : index
        %swap3A_838 = tpu.vector_load %arg9[%swap3A_836, %swap3A_837] {strides = array<i32>} : memref<16x512xf32, #tpu.memory_space<vmem>>, vector<1x16xf32>,
        %swap3A_839 = vector.shape_cast %swap3A_838 : vector<1x16xf32> to vector<16xf32>
        %swap3A_840 = vector.shape_cast %get3A_834 : vector<16xf32> to vector<1x16xf32>
        tpu.vector_store %arg9[%swap3A_836, %swap3A_837], %swap3A_840 {strides = array<i32>} : memref<16x512xf32, #tpu.memory_space<vmem>>, vector<1x16xf32>,
        %get3A_841 = arith.constant 1 : i32
        %get3A_842 = arith.index_cast %add3A_90 : i32 to index
        %get3A_843 = arith.index_cast %get3A_841 : i32 to index
        %get3A_844 = arith.constant 480 : index
        %get3A_845 = tpu.vector_load %arg8[%get3A_842, %get3A_843, %get3A_844] {strides = array<i32>} : memref<16x4x512xf32, #tpu.memory_space<vmem>>, vector<1x1x16xf32>,
        %get3A_846 = vector.shape_cast %get3A_845 : vector<1x1x16xf32> to vector<16xf32>
        %swap3A_847 = arith.constant 6 : i32
        %swap3A_848 = arith.index_cast %swap3A_847 : i32 to index
        %swap3A_849 = arith.constant 480 : index
        %swap3A_850 = tpu.vector_load %arg9[%swap3A_848, %swap3A_849] {strides = array<i32>} : memref<16x512xf32, #tpu.memory_space<vmem>>, vector<1x16xf32>,
        %swap3A_851 = vector.shape_cast %swap3A_850 : vector<1x16xf32> to vector<16xf32>
        %swap3A_852 = vector.shape_cast %get3A_846 : vector<16xf32> to vector<1x16xf32>
        tpu.vector_store %arg9[%swap3A_848, %swap3A_849], %swap3A_852 {strides = array<i32>} : memref<16x512xf32, #tpu.memory_space<vmem>>, vector<1x16xf32>,
        %get3A_853 = arith.constant 1 : i32
        %get3A_854 = arith.index_cast %add3A_90 : i32 to index
        %get3A_855 = arith.index_cast %get3A_853 : i32 to index
        %get3A_856 = arith.constant 496 : index
        %get3A_857 = tpu.vector_load %arg8[%get3A_854, %get3A_855, %get3A_856] {strides = array<i32>} : memref<16x4x512xf32, #tpu.memory_space<vmem>>, vector<1x1x16xf32>,
        %get3A_858 = vector.shape_cast %get3A_857 : vector<1x1x16xf32> to vector<16xf32>
        %swap3A_859 = arith.constant 6 : i32
        %swap3A_860 = arith.index_cast %swap3A_859 : i32 to index
        %swap3A_861 = arith.constant 496 : index
        %swap3A_862 = tpu.vector_load %arg9[%swap3A_860, %swap3A_861] {strides = array<i32>} : memref<16x512xf32, #tpu.memory_space<vmem>>, vector<1x16xf32>,
        %swap3A_863 = vector.shape_cast %swap3A_862 : vector<1x16xf32> to vector<16xf32>
        %swap3A_864 = vector.shape_cast %get3A_858 : vector<16xf32> to vector<1x16xf32>
        tpu.vector_store %arg9[%swap3A_860, %swap3A_861], %swap3A_864 {strides = array<i32>} : memref<16x512xf32, #tpu.memory_space<vmem>>, vector<1x16xf32>,
        %get3A_865 = arith.constant 2 : i32
        %get3A_866 = arith.index_cast %add3A_90 : i32 to index
        %get3A_867 = arith.index_cast %get3A_865 : i32 to index
        %get3A_868 = arith.constant 0 : index
        %get3A_869 = tpu.vector_load %arg8[%get3A_866, %get3A_867, %get3A_868] {strides = array<i32>} : memref<16x4x512xf32, #tpu.memory_space<vmem>>, vector<1x1x16xf32>,
        %get3A_870 = vector.shape_cast %get3A_869 : vector<1x1x16xf32> to vector<16xf32>
        %swap3A_871 = arith.constant 7 : i32
        %swap3A_872 = arith.index_cast %swap3A_871 : i32 to index
        %swap3A_873 = arith.constant 0 : index
        %swap3A_874 = tpu.vector_load %arg9[%swap3A_872, %swap3A_873] {strides = array<i32>} : memref<16x512xf32, #tpu.memory_space<vmem>>, vector<1x16xf32>,
        %swap3A_875 = vector.shape_cast %swap3A_874 : vector<1x16xf32> to vector<16xf32>
        %swap3A_876 = vector.shape_cast %get3A_870 : vector<16xf32> to vector<1x16xf32>
        tpu.vector_store %arg9[%swap3A_872, %swap3A_873], %swap3A_876 {strides = array<i32>} : memref<16x512xf32, #tpu.memory_space<vmem>>, vector<1x16xf32>,
        %get3A_877 = arith.constant 2 : i32
        %get3A_878 = arith.index_cast %add3A_90 : i32 to index
        %get3A_879 = arith.index_cast %get3A_877 : i32 to index
        %get3A_880 = arith.constant 16 : index
        %get3A_881 = tpu.vector_load %arg8[%get3A_878, %get3A_879, %get3A_880] {strides = array<i32>} : memref<16x4x512xf32, #tpu.memory_space<vmem>>, vector<1x1x16xf32>,
        %get3A_882 = vector.shape_cast %get3A_881 : vector<1x1x16xf32> to vector<16xf32>
        %swap3A_883 = arith.constant 7 : i32
        %swap3A_884 = arith.index_cast %swap3A_883 : i32 to index
        %swap3A_885 = arith.constant 16 : index
        %swap3A_886 = tpu.vector_load %arg9[%swap3A_884, %swap3A_885] {strides = array<i32>} : memref<16x512xf32, #tpu.memory_space<vmem>>, vector<1x16xf32>,
        %swap3A_887 = vector.shape_cast %swap3A_886 : vector<1x16xf32> to vector<16xf32>
        %swap3A_888 = vector.shape_cast %get3A_882 : vector<16xf32> to vector<1x16xf32>
        tpu.vector_store %arg9[%swap3A_884, %swap3A_885], %swap3A_888 {strides = array<i32>} : memref<16x512xf32, #tpu.memory_space<vmem>>, vector<1x16xf32>,
        %get3A_889 = arith.constant 2 : i32
        %get3A_890 = arith.index_cast %add3A_90 : i32 to index
        %get3A_891 = arith.index_cast %get3A_889 : i32 to index
        %get3A_892 = arith.constant 32 : index
        %get3A_893 = tpu.vector_load %arg8[%get3A_890, %get3A_891, %get3A_892] {strides = array<i32>} : memref<16x4x512xf32, #tpu.memory_space<vmem>>, vector<1x1x16xf32>,
        %get3A_894 = vector.shape_cast %get3A_893 : vector<1x1x16xf32> to vector<16xf32>
        %swap3A_895 = arith.constant 7 : i32
        %swap3A_896 = arith.index_cast %swap3A_895 : i32 to index
        %swap3A_897 = arith.constant 32 : index
        %swap3A_898 = tpu.vector_load %arg9[%swap3A_896, %swap3A_897] {strides = array<i32>} : memref<16x512xf32, #tpu.memory_space<vmem>>, vector<1x16xf32>,
        %swap3A_899 = vector.shape_cast %swap3A_898 : vector<1x16xf32> to vector<16xf32>
        %swap3A_900 = vector.shape_cast %get3A_894 : vector<16xf32> to vector<1x16xf32>
        tpu.vector_store %arg9[%swap3A_896, %swap3A_897], %swap3A_900 {strides = array<i32>} : memref<16x512xf32, #tpu.memory_space<vmem>>, vector<1x16xf32>,
        %get3A_901 = arith.constant 2 : i32
        %get3A_902 = arith.index_cast %add3A_90 : i32 to index
        %get3A_903 = arith.index_cast %get3A_901 : i32 to index
        %get3A_904 = arith.constant 48 : index
        %get3A_905 = tpu.vector_load %arg8[%get3A_902, %get3A_903, %get3A_904] {strides = array<i32>} : memref<16x4x512xf32, #tpu.memory_space<vmem>>, vector<1x1x16xf32>,
        %get3A_906 = vector.shape_cast %get3A_905 : vector<1x1x16xf32> to vector<16xf32>
        %swap3A_907 = arith.constant 7 : i32
        %swap3A_908 = arith.index_cast %swap3A_907 : i32 to index
        %swap3A_909 = arith.constant 48 : index
        %swap3A_910 = tpu.vector_load %arg9[%swap3A_908, %swap3A_909] {strides = array<i32>} : memref<16x512xf32, #tpu.memory_space<vmem>>, vector<1x16xf32>,
        %swap3A_911 = vector.shape_cast %swap3A_910 : vector<1x16xf32> to vector<16xf32>
        %swap3A_912 = vector.shape_cast %get3A_906 : vector<16xf32> to vector<1x16xf32>
        tpu.vector_store %arg9[%swap3A_908, %swap3A_909], %swap3A_912 {strides = array<i32>} : memref<16x512xf32, #tpu.memory_space<vmem>>, vector<1x16xf32>,
        %get3A_913 = arith.constant 2 : i32
        %get3A_914 = arith.index_cast %add3A_90 : i32 to index
        %get3A_915 = arith.index_cast %get3A_913 : i32 to index
        %get3A_916 = arith.constant 64 : index
        %get3A_917 = tpu.vector_load %arg8[%get3A_914, %get3A_915, %get3A_916] {strides = array<i32>} : memref<16x4x512xf32, #tpu.memory_space<vmem>>, vector<1x1x16xf32>,
        %get3A_918 = vector.shape_cast %get3A_917 : vector<1x1x16xf32> to vector<16xf32>
        %swap3A_919 = arith.constant 7 : i32
        %swap3A_920 = arith.index_cast %swap3A_919 : i32 to index
        %swap3A_921 = arith.constant 64 : index
        %swap3A_922 = tpu.vector_load %arg9[%swap3A_920, %swap3A_921] {strides = array<i32>} : memref<16x512xf32, #tpu.memory_space<vmem>>, vector<1x16xf32>,
        %swap3A_923 = vector.shape_cast %swap3A_922 : vector<1x16xf32> to vector<16xf32>
        %swap3A_924 = vector.shape_cast %get3A_918 : vector<16xf32> to vector<1x16xf32>
        tpu.vector_store %arg9[%swap3A_920, %swap3A_921], %swap3A_924 {strides = array<i32>} : memref<16x512xf32, #tpu.memory_space<vmem>>, vector<1x16xf32>,
        %get3A_925 = arith.constant 2 : i32
        %get3A_926 = arith.index_cast %add3A_90 : i32 to index
        %get3A_927 = arith.index_cast %get3A_925 : i32 to index
        %get3A_928 = arith.constant 80 : index
        %get3A_929 = tpu.vector_load %arg8[%get3A_926, %get3A_927, %get3A_928] {strides = array<i32>} : memref<16x4x512xf32, #tpu.memory_space<vmem>>, vector<1x1x16xf32>,
        %get3A_930 = vector.shape_cast %get3A_929 : vector<1x1x16xf32> to vector<16xf32>
        %swap3A_931 = arith.constant 7 : i32
        %swap3A_932 = arith.index_cast %swap3A_931 : i32 to index
        %swap3A_933 = arith.constant 80 : index
        %swap3A_934 = tpu.vector_load %arg9[%swap3A_932, %swap3A_933] {strides = array<i32>} : memref<16x512xf32, #tpu.memory_space<vmem>>, vector<1x16xf32>,
        %swap3A_935 = vector.shape_cast %swap3A_934 : vector<1x16xf32> to vector<16xf32>
        %swap3A_936 = vector.shape_cast %get3A_930 : vector<16xf32> to vector<1x16xf32>
        tpu.vector_store %arg9[%swap3A_932, %swap3A_933], %swap3A_936 {strides = array<i32>} : memref<16x512xf32, #tpu.memory_space<vmem>>, vector<1x16xf32>,
        %get3A_937 = arith.constant 2 : i32
        %get3A_938 = arith.index_cast %add3A_90 : i32 to index
        %get3A_939 = arith.index_cast %get3A_937 : i32 to index
        %get3A_940 = arith.constant 96 : index
        %get3A_941 = tpu.vector_load %arg8[%get3A_938, %get3A_939, %get3A_940] {strides = array<i32>} : memref<16x4x512xf32, #tpu.memory_space<vmem>>, vector<1x1x16xf32>,
        %get3A_942 = vector.shape_cast %get3A_941 : vector<1x1x16xf32> to vector<16xf32>
        %swap3A_943 = arith.constant 7 : i32
        %swap3A_944 = arith.index_cast %swap3A_943 : i32 to index
        %swap3A_945 = arith.constant 96 : index
        %swap3A_946 = tpu.vector_load %arg9[%swap3A_944, %swap3A_945] {strides = array<i32>} : memref<16x512xf32, #tpu.memory_space<vmem>>, vector<1x16xf32>,
        %swap3A_947 = vector.shape_cast %swap3A_946 : vector<1x16xf32> to vector<16xf32>
        %swap3A_948 = vector.shape_cast %get3A_942 : vector<16xf32> to vector<1x16xf32>
        tpu.vector_store %arg9[%swap3A_944, %swap3A_945], %swap3A_948 {strides = array<i32>} : memref<16x512xf32, #tpu.memory_space<vmem>>, vector<1x16xf32>,
        %get3A_949 = arith.constant 2 : i32
        %get3A_950 = arith.index_cast %add3A_90 : i32 to index
        %get3A_951 = arith.index_cast %get3A_949 : i32 to index
        %get3A_952 = arith.constant 112 : index
        %get3A_953 = tpu.vector_load %arg8[%get3A_950, %get3A_951, %get3A_952] {strides = array<i32>} : memref<16x4x512xf32, #tpu.memory_space<vmem>>, vector<1x1x16xf32>,
        %get3A_954 = vector.shape_cast %get3A_953 : vector<1x1x16xf32> to vector<16xf32>
        %swap3A_955 = arith.constant 7 : i32
        %swap3A_956 = arith.index_cast %swap3A_955 : i32 to index
        %swap3A_957 = arith.constant 112 : index
        %swap3A_958 = tpu.vector_load %arg9[%swap3A_956, %swap3A_957] {strides = array<i32>} : memref<16x512xf32, #tpu.memory_space<vmem>>, vector<1x16xf32>,
        %swap3A_959 = vector.shape_cast %swap3A_958 : vector<1x16xf32> to vector<16xf32>
        %swap3A_960 = vector.shape_cast %get3A_954 : vector<16xf32> to vector<1x16xf32>
        tpu.vector_store %arg9[%swap3A_956, %swap3A_957], %swap3A_960 {strides = array<i32>} : memref<16x512xf32, #tpu.memory_space<vmem>>, vector<1x16xf32>,
        %get3A_961 = arith.constant 2 : i32
        %get3A_962 = arith.index_cast %add3A_90 : i32 to index
        %get3A_963 = arith.index_cast %get3A_961 : i32 to index
        %get3A_964 = arith.constant 128 : index
        %get3A_965 = tpu.vector_load %arg8[%get3A_962, %get3A_963, %get3A_964] {strides = array<i32>} : memref<16x4x512xf32, #tpu.memory_space<vmem>>, vector<1x1x16xf32>,
        %get3A_966 = vector.shape_cast %get3A_965 : vector<1x1x16xf32> to vector<16xf32>
        %swap3A_967 = arith.constant 7 : i32
        %swap3A_968 = arith.index_cast %swap3A_967 : i32 to index
        %swap3A_969 = arith.constant 128 : index
        %swap3A_970 = tpu.vector_load %arg9[%swap3A_968, %swap3A_969] {strides = array<i32>} : memref<16x512xf32, #tpu.memory_space<vmem>>, vector<1x16xf32>,
        %swap3A_971 = vector.shape_cast %swap3A_970 : vector<1x16xf32> to vector<16xf32>
        %swap3A_972 = vector.shape_cast %get3A_966 : vector<16xf32> to vector<1x16xf32>
        tpu.vector_store %arg9[%swap3A_968, %swap3A_969], %swap3A_972 {strides = array<i32>} : memref<16x512xf32, #tpu.memory_space<vmem>>, vector<1x16xf32>,
        %get3A_973 = arith.constant 2 : i32
        %get3A_974 = arith.index_cast %add3A_90 : i32 to index
        %get3A_975 = arith.index_cast %get3A_973 : i32 to index
        %get3A_976 = arith.constant 144 : index
        %get3A_977 = tpu.vector_load %arg8[%get3A_974, %get3A_975, %get3A_976] {strides = array<i32>} : memref<16x4x512xf32, #tpu.memory_space<vmem>>, vector<1x1x16xf32>,
        %get3A_978 = vector.shape_cast %get3A_977 : vector<1x1x16xf32> to vector<16xf32>
        %swap3A_979 = arith.constant 7 : i32
        %swap3A_980 = arith.index_cast %swap3A_979 : i32 to index
        %swap3A_981 = arith.constant 144 : index
        %swap3A_982 = tpu.vector_load %arg9[%swap3A_980, %swap3A_981] {strides = array<i32>} : memref<16x512xf32, #tpu.memory_space<vmem>>, vector<1x16xf32>,
        %swap3A_983 = vector.shape_cast %swap3A_982 : vector<1x16xf32> to vector<16xf32>
        %swap3A_984 = vector.shape_cast %get3A_978 : vector<16xf32> to vector<1x16xf32>
        tpu.vector_store %arg9[%swap3A_980, %swap3A_981], %swap3A_984 {strides = array<i32>} : memref<16x512xf32, #tpu.memory_space<vmem>>, vector<1x16xf32>,
        %get3A_985 = arith.constant 2 : i32
        %get3A_986 = arith.index_cast %add3A_90 : i32 to index
        %get3A_987 = arith.index_cast %get3A_985 : i32 to index
        %get3A_988 = arith.constant 160 : index
        %get3A_989 = tpu.vector_load %arg8[%get3A_986, %get3A_987, %get3A_988] {strides = array<i32>} : memref<16x4x512xf32, #tpu.memory_space<vmem>>, vector<1x1x16xf32>,
        %get3A_990 = vector.shape_cast %get3A_989 : vector<1x1x16xf32> to vector<16xf32>
        %swap3A_991 = arith.constant 7 : i32
        %swap3A_992 = arith.index_cast %swap3A_991 : i32 to index
        %swap3A_993 = arith.constant 160 : index
        %swap3A_994 = tpu.vector_load %arg9[%swap3A_992, %swap3A_993] {strides = array<i32>} : memref<16x512xf32, #tpu.memory_space<vmem>>, vector<1x16xf32>,
        %swap3A_995 = vector.shape_cast %swap3A_994 : vector<1x16xf32> to vector<16xf32>
        %swap3A_996 = vector.shape_cast %get3A_990 : vector<16xf32> to vector<1x16xf32>
        tpu.vector_store %arg9[%swap3A_992, %swap3A_993], %swap3A_996 {strides = array<i32>} : memref<16x512xf32, #tpu.memory_space<vmem>>, vector<1x16xf32>,
        %get3A_997 = arith.constant 2 : i32
        %get3A_998 = arith.index_cast %add3A_90 : i32 to index
        %get3A_999 = arith.index_cast %get3A_997 : i32 to index
        %get3A_1000 = arith.constant 176 : index
        %get3A_1001 = tpu.vector_load %arg8[%get3A_998, %get3A_999, %get3A_1000] {strides = array<i32>} : memref<16x4x512xf32, #tpu.memory_space<vmem>>, vector<1x1x16xf32>,
        %get3A_1002 = vector.shape_cast %get3A_1001 : vector<1x1x16xf32> to vector<16xf32>
        %swap3A_1003 = arith.constant 7 : i32
        %swap3A_1004 = arith.index_cast %swap3A_1003 : i32 to index
        %swap3A_1005 = arith.constant 176 : index
        %swap3A_1006 = tpu.vector_load %arg9[%swap3A_1004, %swap3A_1005] {strides = array<i32>} : memref<16x512xf32, #tpu.memory_space<vmem>>, vector<1x16xf32>,
        %swap3A_1007 = vector.shape_cast %swap3A_1006 : vector<1x16xf32> to vector<16xf32>
        %swap3A_1008 = vector.shape_cast %get3A_1002 : vector<16xf32> to vector<1x16xf32>
        tpu.vector_store %arg9[%swap3A_1004, %swap3A_1005], %swap3A_1008 {strides = array<i32>} : memref<16x512xf32, #tpu.memory_space<vmem>>, vector<1x16xf32>,
        %get3A_1009 = arith.constant 2 : i32
        %get3A_1010 = arith.index_cast %add3A_90 : i32 to index
        %get3A_1011 = arith.index_cast %get3A_1009 : i32 to index
        %get3A_1012 = arith.constant 192 : index
        %get3A_1013 = tpu.vector_load %arg8[%get3A_1010, %get3A_1011, %get3A_1012] {strides = array<i32>} : memref<16x4x512xf32, #tpu.memory_space<vmem>>, vector<1x1x16xf32>,
        %get3A_1014 = vector.shape_cast %get3A_1013 : vector<1x1x16xf32> to vector<16xf32>
        %swap3A_1015 = arith.constant 7 : i32
        %swap3A_1016 = arith.index_cast %swap3A_1015 : i32 to index
        %swap3A_1017 = arith.constant 192 : index
        %swap3A_1018 = tpu.vector_load %arg9[%swap3A_1016, %swap3A_1017] {strides = array<i32>} : memref<16x512xf32, #tpu.memory_space<vmem>>, vector<1x16xf32>,
        %swap3A_1019 = vector.shape_cast %swap3A_1018 : vector<1x16xf32> to vector<16xf32>
        %swap3A_1020 = vector.shape_cast %get3A_1014 : vector<16xf32> to vector<1x16xf32>
        tpu.vector_store %arg9[%swap3A_1016, %swap3A_1017], %swap3A_1020 {strides = array<i32>} : memref<16x512xf32, #tpu.memory_space<vmem>>, vector<1x16xf32>,
        %get3A_1021 = arith.constant 2 : i32
        %get3A_1022 = arith.index_cast %add3A_90 : i32 to index
        %get3A_1023 = arith.index_cast %get3A_1021 : i32 to index
        %get3A_1024 = arith.constant 208 : index
        %get3A_1025 = tpu.vector_load %arg8[%get3A_1022, %get3A_1023, %get3A_1024] {strides = array<i32>} : memref<16x4x512xf32, #tpu.memory_space<vmem>>, vector<1x1x16xf32>,
        %get3A_1026 = vector.shape_cast %get3A_1025 : vector<1x1x16xf32> to vector<16xf32>
        %swap3A_1027 = arith.constant 7 : i32
        %swap3A_1028 = arith.index_cast %swap3A_1027 : i32 to index
        %swap3A_1029 = arith.constant 208 : index
        %swap3A_1030 = tpu.vector_load %arg9[%swap3A_1028, %swap3A_1029] {strides = array<i32>} : memref<16x512xf32, #tpu.memory_space<vmem>>, vector<1x16xf32>,
        %swap3A_1031 = vector.shape_cast %swap3A_1030 : vector<1x16xf32> to vector<16xf32>
        %swap3A_1032 = vector.shape_cast %get3A_1026 : vector<16xf32> to vector<1x16xf32>
        tpu.vector_store %arg9[%swap3A_1028, %swap3A_1029], %swap3A_1032 {strides = array<i32>} : memref<16x512xf32, #tpu.memory_space<vmem>>, vector<1x16xf32>,
        %get3A_1033 = arith.constant 2 : i32
        %get3A_1034 = arith.index_cast %add3A_90 : i32 to index
        %get3A_1035 = arith.index_cast %get3A_1033 : i32 to index
        %get3A_1036 = arith.constant 224 : index
        %get3A_1037 = tpu.vector_load %arg8[%get3A_1034, %get3A_1035, %get3A_1036] {strides = array<i32>} : memref<16x4x512xf32, #tpu.memory_space<vmem>>, vector<1x1x16xf32>,
        %get3A_1038 = vector.shape_cast %get3A_1037 : vector<1x1x16xf32> to vector<16xf32>
        %swap3A_1039 = arith.constant 7 : i32
        %swap3A_1040 = arith.index_cast %swap3A_1039 : i32 to index
        %swap3A_1041 = arith.constant 224 : index
        %swap3A_1042 = tpu.vector_load %arg9[%swap3A_1040, %swap3A_1041] {strides = array<i32>} : memref<16x512xf32, #tpu.memory_space<vmem>>, vector<1x16xf32>,
        %swap3A_1043 = vector.shape_cast %swap3A_1042 : vector<1x16xf32> to vector<16xf32>
        %swap3A_1044 = vector.shape_cast %get3A_1038 : vector<16xf32> to vector<1x16xf32>
        tpu.vector_store %arg9[%swap3A_1040, %swap3A_1041], %swap3A_1044 {strides = array<i32>} : memref<16x512xf32, #tpu.memory_space<vmem>>, vector<1x16xf32>,
        %get3A_1045 = arith.constant 2 : i32
        %get3A_1046 = arith.index_cast %add3A_90 : i32 to index
        %get3A_1047 = arith.index_cast %get3A_1045 : i32 to index
        %get3A_1048 = arith.constant 240 : index
        %get3A_1049 = tpu.vector_load %arg8[%get3A_1046, %get3A_1047, %get3A_1048] {strides = array<i32>} : memref<16x4x512xf32, #tpu.memory_space<vmem>>, vector<1x1x16xf32>,
        %get3A_1050 = vector.shape_cast %get3A_1049 : vector<1x1x16xf32> to vector<16xf32>
        %swap3A_1051 = arith.constant 7 : i32
        %swap3A_1052 = arith.index_cast %swap3A_1051 : i32 to index
        %swap3A_1053 = arith.constant 240 : index
        %swap3A_1054 = tpu.vector_load %arg9[%swap3A_1052, %swap3A_1053] {strides = array<i32>} : memref<16x512xf32, #tpu.memory_space<vmem>>, vector<1x16xf32>,
        %swap3A_1055 = vector.shape_cast %swap3A_1054 : vector<1x16xf32> to vector<16xf32>
        %swap3A_1056 = vector.shape_cast %get3A_1050 : vector<16xf32> to vector<1x16xf32>
        tpu.vector_store %arg9[%swap3A_1052, %swap3A_1053], %swap3A_1056 {strides = array<i32>} : memref<16x512xf32, #tpu.memory_space<vmem>>, vector<1x16xf32>,
        %get3A_1057 = arith.constant 2 : i32
        %get3A_1058 = arith.index_cast %add3A_90 : i32 to index
        %get3A_1059 = arith.index_cast %get3A_1057 : i32 to index
        %get3A_1060 = arith.constant 256 : index
        %get3A_1061 = tpu.vector_load %arg8[%get3A_1058, %get3A_1059, %get3A_1060] {strides = array<i32>} : memref<16x4x512xf32, #tpu.memory_space<vmem>>, vector<1x1x16xf32>,
        %get3A_1062 = vector.shape_cast %get3A_1061 : vector<1x1x16xf32> to vector<16xf32>
        %swap3A_1063 = arith.constant 7 : i32
        %swap3A_1064 = arith.index_cast %swap3A_1063 : i32 to index
        %swap3A_1065 = arith.constant 256 : index
        %swap3A_1066 = tpu.vector_load %arg9[%swap3A_1064, %swap3A_1065] {strides = array<i32>} : memref<16x512xf32, #tpu.memory_space<vmem>>, vector<1x16xf32>,
        %swap3A_1067 = vector.shape_cast %swap3A_1066 : vector<1x16xf32> to vector<16xf32>
        %swap3A_1068 = vector.shape_cast %get3A_1062 : vector<16xf32> to vector<1x16xf32>
        tpu.vector_store %arg9[%swap3A_1064, %swap3A_1065], %swap3A_1068 {strides = array<i32>} : memref<16x512xf32, #tpu.memory_space<vmem>>, vector<1x16xf32>,
        %get3A_1069 = arith.constant 2 : i32
        %get3A_1070 = arith.index_cast %add3A_90 : i32 to index
        %get3A_1071 = arith.index_cast %get3A_1069 : i32 to index
        %get3A_1072 = arith.constant 272 : index
        %get3A_1073 = tpu.vector_load %arg8[%get3A_1070, %get3A_1071, %get3A_1072] {strides = array<i32>} : memref<16x4x512xf32, #tpu.memory_space<vmem>>, vector<1x1x16xf32>,
        %get3A_1074 = vector.shape_cast %get3A_1073 : vector<1x1x16xf32> to vector<16xf32>
        %swap3A_1075 = arith.constant 7 : i32
        %swap3A_1076 = arith.index_cast %swap3A_1075 : i32 to index
        %swap3A_1077 = arith.constant 272 : index
        %swap3A_1078 = tpu.vector_load %arg9[%swap3A_1076, %swap3A_1077] {strides = array<i32>} : memref<16x512xf32, #tpu.memory_space<vmem>>, vector<1x16xf32>,
        %swap3A_1079 = vector.shape_cast %swap3A_1078 : vector<1x16xf32> to vector<16xf32>
        %swap3A_1080 = vector.shape_cast %get3A_1074 : vector<16xf32> to vector<1x16xf32>
        tpu.vector_store %arg9[%swap3A_1076, %swap3A_1077], %swap3A_1080 {strides = array<i32>} : memref<16x512xf32, #tpu.memory_space<vmem>>, vector<1x16xf32>,
        %get3A_1081 = arith.constant 2 : i32
        %get3A_1082 = arith.index_cast %add3A_90 : i32 to index
        %get3A_1083 = arith.index_cast %get3A_1081 : i32 to index
        %get3A_1084 = arith.constant 288 : index
        %get3A_1085 = tpu.vector_load %arg8[%get3A_1082, %get3A_1083, %get3A_1084] {strides = array<i32>} : memref<16x4x512xf32, #tpu.memory_space<vmem>>, vector<1x1x16xf32>,
        %get3A_1086 = vector.shape_cast %get3A_1085 : vector<1x1x16xf32> to vector<16xf32>
        %swap3A_1087 = arith.constant 7 : i32
        %swap3A_1088 = arith.index_cast %swap3A_1087 : i32 to index
        %swap3A_1089 = arith.constant 288 : index
        %swap3A_1090 = tpu.vector_load %arg9[%swap3A_1088, %swap3A_1089] {strides = array<i32>} : memref<16x512xf32, #tpu.memory_space<vmem>>, vector<1x16xf32>,
        %swap3A_1091 = vector.shape_cast %swap3A_1090 : vector<1x16xf32> to vector<16xf32>
        %swap3A_1092 = vector.shape_cast %get3A_1086 : vector<16xf32> to vector<1x16xf32>
        tpu.vector_store %arg9[%swap3A_1088, %swap3A_1089], %swap3A_1092 {strides = array<i32>} : memref<16x512xf32, #tpu.memory_space<vmem>>, vector<1x16xf32>,
        %get3A_1093 = arith.constant 2 : i32
        %get3A_1094 = arith.index_cast %add3A_90 : i32 to index
        %get3A_1095 = arith.index_cast %get3A_1093 : i32 to index
        %get3A_1096 = arith.constant 304 : index
        %get3A_1097 = tpu.vector_load %arg8[%get3A_1094, %get3A_1095, %get3A_1096] {strides = array<i32>} : memref<16x4x512xf32, #tpu.memory_space<vmem>>, vector<1x1x16xf32>,
        %get3A_1098 = vector.shape_cast %get3A_1097 : vector<1x1x16xf32> to vector<16xf32>
        %swap3A_1099 = arith.constant 7 : i32
        %swap3A_1100 = arith.index_cast %swap3A_1099 : i32 to index
        %swap3A_1101 = arith.constant 304 : index
        %swap3A_1102 = tpu.vector_load %arg9[%swap3A_1100, %swap3A_1101] {strides = array<i32>} : memref<16x512xf32, #tpu.memory_space<vmem>>, vector<1x16xf32>,
        %swap3A_1103 = vector.shape_cast %swap3A_1102 : vector<1x16xf32> to vector<16xf32>
        %swap3A_1104 = vector.shape_cast %get3A_1098 : vector<16xf32> to vector<1x16xf32>
        tpu.vector_store %arg9[%swap3A_1100, %swap3A_1101], %swap3A_1104 {strides = array<i32>} : memref<16x512xf32, #tpu.memory_space<vmem>>, vector<1x16xf32>,
        %get3A_1105 = arith.constant 2 : i32
        %get3A_1106 = arith.index_cast %add3A_90 : i32 to index
        %get3A_1107 = arith.index_cast %get3A_1105 : i32 to index
        %get3A_1108 = arith.constant 320 : index
        %get3A_1109 = tpu.vector_load %arg8[%get3A_1106, %get3A_1107, %get3A_1108] {strides = array<i32>} : memref<16x4x512xf32, #tpu.memory_space<vmem>>, vector<1x1x16xf32>,
        %get3A_1110 = vector.shape_cast %get3A_1109 : vector<1x1x16xf32> to vector<16xf32>
        %swap3A_1111 = arith.constant 7 : i32
        %swap3A_1112 = arith.index_cast %swap3A_1111 : i32 to index
        %swap3A_1113 = arith.constant 320 : index
        %swap3A_1114 = tpu.vector_load %arg9[%swap3A_1112, %swap3A_1113] {strides = array<i32>} : memref<16x512xf32, #tpu.memory_space<vmem>>, vector<1x16xf32>,
        %swap3A_1115 = vector.shape_cast %swap3A_1114 : vector<1x16xf32> to vector<16xf32>
        %swap3A_1116 = vector.shape_cast %get3A_1110 : vector<16xf32> to vector<1x16xf32>
        tpu.vector_store %arg9[%swap3A_1112, %swap3A_1113], %swap3A_1116 {strides = array<i32>} : memref<16x512xf32, #tpu.memory_space<vmem>>, vector<1x16xf32>,
        %get3A_1117 = arith.constant 2 : i32
        %get3A_1118 = arith.index_cast %add3A_90 : i32 to index
        %get3A_1119 = arith.index_cast %get3A_1117 : i32 to index
        %get3A_1120 = arith.constant 336 : index
        %get3A_1121 = tpu.vector_load %arg8[%get3A_1118, %get3A_1119, %get3A_1120] {strides = array<i32>} : memref<16x4x512xf32, #tpu.memory_space<vmem>>, vector<1x1x16xf32>,
        %get3A_1122 = vector.shape_cast %get3A_1121 : vector<1x1x16xf32> to vector<16xf32>
        %swap3A_1123 = arith.constant 7 : i32
        %swap3A_1124 = arith.index_cast %swap3A_1123 : i32 to index
        %swap3A_1125 = arith.constant 336 : index
        %swap3A_1126 = tpu.vector_load %arg9[%swap3A_1124, %swap3A_1125] {strides = array<i32>} : memref<16x512xf32, #tpu.memory_space<vmem>>, vector<1x16xf32>,
        %swap3A_1127 = vector.shape_cast %swap3A_1126 : vector<1x16xf32> to vector<16xf32>
        %swap3A_1128 = vector.shape_cast %get3A_1122 : vector<16xf32> to vector<1x16xf32>
        tpu.vector_store %arg9[%swap3A_1124, %swap3A_1125], %swap3A_1128 {strides = array<i32>} : memref<16x512xf32, #tpu.memory_space<vmem>>, vector<1x16xf32>,
        %get3A_1129 = arith.constant 2 : i32
        %get3A_1130 = arith.index_cast %add3A_90 : i32 to index
        %get3A_1131 = arith.index_cast %get3A_1129 : i32 to index
        %get3A_1132 = arith.constant 352 : index
        %get3A_1133 = tpu.vector_load %arg8[%get3A_1130, %get3A_1131, %get3A_1132] {strides = array<i32>} : memref<16x4x512xf32, #tpu.memory_space<vmem>>, vector<1x1x16xf32>,
        %get3A_1134 = vector.shape_cast %get3A_1133 : vector<1x1x16xf32> to vector<16xf32>
        %swap3A_1135 = arith.constant 7 : i32
        %swap3A_1136 = arith.index_cast %swap3A_1135 : i32 to index
        %swap3A_1137 = arith.constant 352 : index
        %swap3A_1138 = tpu.vector_load %arg9[%swap3A_1136, %swap3A_1137] {strides = array<i32>} : memref<16x512xf32, #tpu.memory_space<vmem>>, vector<1x16xf32>,
        %swap3A_1139 = vector.shape_cast %swap3A_1138 : vector<1x16xf32> to vector<16xf32>
        %swap3A_1140 = vector.shape_cast %get3A_1134 : vector<16xf32> to vector<1x16xf32>
        tpu.vector_store %arg9[%swap3A_1136, %swap3A_1137], %swap3A_1140 {strides = array<i32>} : memref<16x512xf32, #tpu.memory_space<vmem>>, vector<1x16xf32>,
        %get3A_1141 = arith.constant 2 : i32
        %get3A_1142 = arith.index_cast %add3A_90 : i32 to index
        %get3A_1143 = arith.index_cast %get3A_1141 : i32 to index
        %get3A_1144 = arith.constant 368 : index
        %get3A_1145 = tpu.vector_load %arg8[%get3A_1142, %get3A_1143, %get3A_1144] {strides = array<i32>} : memref<16x4x512xf32, #tpu.memory_space<vmem>>, vector<1x1x16xf32>,
        %get3A_1146 = vector.shape_cast %get3A_1145 : vector<1x1x16xf32> to vector<16xf32>
        %swap3A_1147 = arith.constant 7 : i32
        %swap3A_1148 = arith.index_cast %swap3A_1147 : i32 to index
        %swap3A_1149 = arith.constant 368 : index
        %swap3A_1150 = tpu.vector_load %arg9[%swap3A_1148, %swap3A_1149] {strides = array<i32>} : memref<16x512xf32, #tpu.memory_space<vmem>>, vector<1x16xf32>,
        %swap3A_1151 = vector.shape_cast %swap3A_1150 : vector<1x16xf32> to vector<16xf32>
        %swap3A_1152 = vector.shape_cast %get3A_1146 : vector<16xf32> to vector<1x16xf32>
        tpu.vector_store %arg9[%swap3A_1148, %swap3A_1149], %swap3A_1152 {strides = array<i32>} : memref<16x512xf32, #tpu.memory_space<vmem>>, vector<1x16xf32>,
        %get3A_1153 = arith.constant 2 : i32
        %get3A_1154 = arith.index_cast %add3A_90 : i32 to index
        %get3A_1155 = arith.index_cast %get3A_1153 : i32 to index
        %get3A_1156 = arith.constant 384 : index
        %get3A_1157 = tpu.vector_load %arg8[%get3A_1154, %get3A_1155, %get3A_1156] {strides = array<i32>} : memref<16x4x512xf32, #tpu.memory_space<vmem>>, vector<1x1x16xf32>,
        %get3A_1158 = vector.shape_cast %get3A_1157 : vector<1x1x16xf32> to vector<16xf32>
        %swap3A_1159 = arith.constant 7 : i32
        %swap3A_1160 = arith.index_cast %swap3A_1159 : i32 to index
        %swap3A_1161 = arith.constant 384 : index
        %swap3A_1162 = tpu.vector_load %arg9[%swap3A_1160, %swap3A_1161] {strides = array<i32>} : memref<16x512xf32, #tpu.memory_space<vmem>>, vector<1x16xf32>,
        %swap3A_1163 = vector.shape_cast %swap3A_1162 : vector<1x16xf32> to vector<16xf32>
        %swap3A_1164 = vector.shape_cast %get3A_1158 : vector<16xf32> to vector<1x16xf32>
        tpu.vector_store %arg9[%swap3A_1160, %swap3A_1161], %swap3A_1164 {strides = array<i32>} : memref<16x512xf32, #tpu.memory_space<vmem>>, vector<1x16xf32>,
        %get3A_1165 = arith.constant 2 : i32
        %get3A_1166 = arith.index_cast %add3A_90 : i32 to index
        %get3A_1167 = arith.index_cast %get3A_1165 : i32 to index
        %get3A_1168 = arith.constant 400 : index
        %get3A_1169 = tpu.vector_load %arg8[%get3A_1166, %get3A_1167, %get3A_1168] {strides = array<i32>} : memref<16x4x512xf32, #tpu.memory_space<vmem>>, vector<1x1x16xf32>,
        %get3A_1170 = vector.shape_cast %get3A_1169 : vector<1x1x16xf32> to vector<16xf32>
        %swap3A_1171 = arith.constant 7 : i32
        %swap3A_1172 = arith.index_cast %swap3A_1171 : i32 to index
        %swap3A_1173 = arith.constant 400 : index
        %swap3A_1174 = tpu.vector_load %arg9[%swap3A_1172, %swap3A_1173] {strides = array<i32>} : memref<16x512xf32, #tpu.memory_space<vmem>>, vector<1x16xf32>,
        %swap3A_1175 = vector.shape_cast %swap3A_1174 : vector<1x16xf32> to vector<16xf32>
        %swap3A_1176 = vector.shape_cast %get3A_1170 : vector<16xf32> to vector<1x16xf32>
        tpu.vector_store %arg9[%swap3A_1172, %swap3A_1173], %swap3A_1176 {strides = array<i32>} : memref<16x512xf32, #tpu.memory_space<vmem>>, vector<1x16xf32>,
        %get3A_1177 = arith.constant 2 : i32
        %get3A_1178 = arith.index_cast %add3A_90 : i32 to index
        %get3A_1179 = arith.index_cast %get3A_1177 : i32 to index
        %get3A_1180 = arith.constant 416 : index
        %get3A_1181 = tpu.vector_load %arg8[%get3A_1178, %get3A_1179, %get3A_1180] {strides = array<i32>} : memref<16x4x512xf32, #tpu.memory_space<vmem>>, vector<1x1x16xf32>,
        %get3A_1182 = vector.shape_cast %get3A_1181 : vector<1x1x16xf32> to vector<16xf32>
        %swap3A_1183 = arith.constant 7 : i32
        %swap3A_1184 = arith.index_cast %swap3A_1183 : i32 to index
        %swap3A_1185 = arith.constant 416 : index
        %swap3A_1186 = tpu.vector_load %arg9[%swap3A_1184, %swap3A_1185] {strides = array<i32>} : memref<16x512xf32, #tpu.memory_space<vmem>>, vector<1x16xf32>,
        %swap3A_1187 = vector.shape_cast %swap3A_1186 : vector<1x16xf32> to vector<16xf32>
        %swap3A_1188 = vector.shape_cast %get3A_1182 : vector<16xf32> to vector<1x16xf32>
        tpu.vector_store %arg9[%swap3A_1184, %swap3A_1185], %swap3A_1188 {strides = array<i32>} : memref<16x512xf32, #tpu.memory_space<vmem>>, vector<1x16xf32>,
        %get3A_1189 = arith.constant 2 : i32
        %get3A_1190 = arith.index_cast %add3A_90 : i32 to index
        %get3A_1191 = arith.index_cast %get3A_1189 : i32 to index
        %get3A_1192 = arith.constant 432 : index
        %get3A_1193 = tpu.vector_load %arg8[%get3A_1190, %get3A_1191, %get3A_1192] {strides = array<i32>} : memref<16x4x512xf32, #tpu.memory_space<vmem>>, vector<1x1x16xf32>,
        %get3A_1194 = vector.shape_cast %get3A_1193 : vector<1x1x16xf32> to vector<16xf32>
        %swap3A_1195 = arith.constant 7 : i32
        %swap3A_1196 = arith.index_cast %swap3A_1195 : i32 to index
        %swap3A_1197 = arith.constant 432 : index
        %swap3A_1198 = tpu.vector_load %arg9[%swap3A_1196, %swap3A_1197] {strides = array<i32>} : memref<16x512xf32, #tpu.memory_space<vmem>>, vector<1x16xf32>,
        %swap3A_1199 = vector.shape_cast %swap3A_1198 : vector<1x16xf32> to vector<16xf32>
        %swap3A_1200 = vector.shape_cast %get3A_1194 : vector<16xf32> to vector<1x16xf32>
        tpu.vector_store %arg9[%swap3A_1196, %swap3A_1197], %swap3A_1200 {strides = array<i32>} : memref<16x512xf32, #tpu.memory_space<vmem>>, vector<1x16xf32>,
        %get3A_1201 = arith.constant 2 : i32
        %get3A_1202 = arith.index_cast %add3A_90 : i32 to index
        %get3A_1203 = arith.index_cast %get3A_1201 : i32 to index
        %get3A_1204 = arith.constant 448 : index
        %get3A_1205 = tpu.vector_load %arg8[%get3A_1202, %get3A_1203, %get3A_1204] {strides = array<i32>} : memref<16x4x512xf32, #tpu.memory_space<vmem>>, vector<1x1x16xf32>,
        %get3A_1206 = vector.shape_cast %get3A_1205 : vector<1x1x16xf32> to vector<16xf32>
        %swap3A_1207 = arith.constant 7 : i32
        %swap3A_1208 = arith.index_cast %swap3A_1207 : i32 to index
        %swap3A_1209 = arith.constant 448 : index
        %swap3A_1210 = tpu.vector_load %arg9[%swap3A_1208, %swap3A_1209] {strides = array<i32>} : memref<16x512xf32, #tpu.memory_space<vmem>>, vector<1x16xf32>,
        %swap3A_1211 = vector.shape_cast %swap3A_1210 : vector<1x16xf32> to vector<16xf32>
        %swap3A_1212 = vector.shape_cast %get3A_1206 : vector<16xf32> to vector<1x16xf32>
        tpu.vector_store %arg9[%swap3A_1208, %swap3A_1209], %swap3A_1212 {strides = array<i32>} : memref<16x512xf32, #tpu.memory_space<vmem>>, vector<1x16xf32>,
        %get3A_1213 = arith.constant 2 : i32
        %get3A_1214 = arith.index_cast %add3A_90 : i32 to index
        %get3A_1215 = arith.index_cast %get3A_1213 : i32 to index
        %get3A_1216 = arith.constant 464 : index
        %get3A_1217 = tpu.vector_load %arg8[%get3A_1214, %get3A_1215, %get3A_1216] {strides = array<i32>} : memref<16x4x512xf32, #tpu.memory_space<vmem>>, vector<1x1x16xf32>,
        %get3A_1218 = vector.shape_cast %get3A_1217 : vector<1x1x16xf32> to vector<16xf32>
        %swap3A_1219 = arith.constant 7 : i32
        %swap3A_1220 = arith.index_cast %swap3A_1219 : i32 to index
        %swap3A_1221 = arith.constant 464 : index
        %swap3A_1222 = tpu.vector_load %arg9[%swap3A_1220, %swap3A_1221] {strides = array<i32>} : memref<16x512xf32, #tpu.memory_space<vmem>>, vector<1x16xf32>,
        %swap3A_1223 = vector.shape_cast %swap3A_1222 : vector<1x16xf32> to vector<16xf32>
        %swap3A_1224 = vector.shape_cast %get3A_1218 : vector<16xf32> to vector<1x16xf32>
        tpu.vector_store %arg9[%swap3A_1220, %swap3A_1221], %swap3A_1224 {strides = array<i32>} : memref<16x512xf32, #tpu.memory_space<vmem>>, vector<1x16xf32>,
        %get3A_1225 = arith.constant 2 : i32
        %get3A_1226 = arith.index_cast %add3A_90 : i32 to index
        %get3A_1227 = arith.index_cast %get3A_1225 : i32 to index
        %get3A_1228 = arith.constant 480 : index
        %get3A_1229 = tpu.vector_load %arg8[%get3A_1226, %get3A_1227, %get3A_1228] {strides = array<i32>} : memref<16x4x512xf32, #tpu.memory_space<vmem>>, vector<1x1x16xf32>,
        %get3A_1230 = vector.shape_cast %get3A_1229 : vector<1x1x16xf32> to vector<16xf32>
        %swap3A_1231 = arith.constant 7 : i32
        %swap3A_1232 = arith.index_cast %swap3A_1231 : i32 to index
        %swap3A_1233 = arith.constant 480 : index
        %swap3A_1234 = tpu.vector_load %arg9[%swap3A_1232, %swap3A_1233] {strides = array<i32>} : memref<16x512xf32, #tpu.memory_space<vmem>>, vector<1x16xf32>,
        %swap3A_1235 = vector.shape_cast %swap3A_1234 : vector<1x16xf32> to vector<16xf32>
        %swap3A_1236 = vector.shape_cast %get3A_1230 : vector<16xf32> to vector<1x16xf32>
        tpu.vector_store %arg9[%swap3A_1232, %swap3A_1233], %swap3A_1236 {strides = array<i32>} : memref<16x512xf32, #tpu.memory_space<vmem>>, vector<1x16xf32>,
        %get3A_1237 = arith.constant 2 : i32
        %get3A_1238 = arith.index_cast %add3A_90 : i32 to index
        %get3A_1239 = arith.index_cast %get3A_1237 : i32 to index
        %get3A_1240 = arith.constant 496 : index
        %get3A_1241 = tpu.vector_load %arg8[%get3A_1238, %get3A_1239, %get3A_1240] {strides = array<i32>} : memref<16x4x512xf32, #tpu.memory_space<vmem>>, vector<1x1x16xf32>,
        %get3A_1242 = vector.shape_cast %get3A_1241 : vector<1x1x16xf32> to vector<16xf32>
        %swap3A_1243 = arith.constant 7 : i32
        %swap3A_1244 = arith.index_cast %swap3A_1243 : i32 to index
        %swap3A_1245 = arith.constant 496 : index
        %swap3A_1246 = tpu.vector_load %arg9[%swap3A_1244, %swap3A_1245] {strides = array<i32>} : memref<16x512xf32, #tpu.memory_space<vmem>>, vector<1x16xf32>,
        %swap3A_1247 = vector.shape_cast %swap3A_1246 : vector<1x16xf32> to vector<16xf32>
        %swap3A_1248 = vector.shape_cast %get3A_1242 : vector<16xf32> to vector<1x16xf32>
        tpu.vector_store %arg9[%swap3A_1244, %swap3A_1245], %swap3A_1248 {strides = array<i32>} : memref<16x512xf32, #tpu.memory_space<vmem>>, vector<1x16xf32>,
        %get3A_1249 = arith.constant 3 : i32
        %get3A_1250 = arith.index_cast %add3A_90 : i32 to index
        %get3A_1251 = arith.index_cast %get3A_1249 : i32 to index
        %get3A_1252 = arith.constant 0 : index
        %get3A_1253 = tpu.vector_load %arg8[%get3A_1250, %get3A_1251, %get3A_1252] {strides = array<i32>} : memref<16x4x512xf32, #tpu.memory_space<vmem>>, vector<1x1x16xf32>,
        %get3A_1254 = vector.shape_cast %get3A_1253 : vector<1x1x16xf32> to vector<16xf32>
        %swap3A_1255 = arith.constant 8 : i32
        %swap3A_1256 = arith.index_cast %swap3A_1255 : i32 to index
        %swap3A_1257 = arith.constant 0 : index
        %swap3A_1258 = tpu.vector_load %arg9[%swap3A_1256, %swap3A_1257] {strides = array<i32>} : memref<16x512xf32, #tpu.memory_space<vmem>>, vector<1x16xf32>,
        %swap3A_1259 = vector.shape_cast %swap3A_1258 : vector<1x16xf32> to vector<16xf32>
        %swap3A_1260 = vector.shape_cast %get3A_1254 : vector<16xf32> to vector<1x16xf32>
        tpu.vector_store %arg9[%swap3A_1256, %swap3A_1257], %swap3A_1260 {strides = array<i32>} : memref<16x512xf32, #tpu.memory_space<vmem>>, vector<1x16xf32>,
        %get3A_1261 = arith.constant 3 : i32
        %get3A_1262 = arith.index_cast %add3A_90 : i32 to index
        %get3A_1263 = arith.index_cast %get3A_1261 : i32 to index
        %get3A_1264 = arith.constant 16 : index
        %get3A_1265 = tpu.vector_load %arg8[%get3A_1262, %get3A_1263, %get3A_1264] {strides = array<i32>} : memref<16x4x512xf32, #tpu.memory_space<vmem>>, vector<1x1x16xf32>,
        %get3A_1266 = vector.shape_cast %get3A_1265 : vector<1x1x16xf32> to vector<16xf32>
        %swap3A_1267 = arith.constant 8 : i32
        %swap3A_1268 = arith.index_cast %swap3A_1267 : i32 to index
        %swap3A_1269 = arith.constant 16 : index
        %swap3A_1270 = tpu.vector_load %arg9[%swap3A_1268, %swap3A_1269] {strides = array<i32>} : memref<16x512xf32, #tpu.memory_space<vmem>>, vector<1x16xf32>,
        %swap3A_1271 = vector.shape_cast %swap3A_1270 : vector<1x16xf32> to vector<16xf32>
        %swap3A_1272 = vector.shape_cast %get3A_1266 : vector<16xf32> to vector<1x16xf32>
        tpu.vector_store %arg9[%swap3A_1268, %swap3A_1269], %swap3A_1272 {strides = array<i32>} : memref<16x512xf32, #tpu.memory_space<vmem>>, vector<1x16xf32>,
        %get3A_1273 = arith.constant 3 : i32
        %get3A_1274 = arith.index_cast %add3A_90 : i32 to index
        %get3A_1275 = arith.index_cast %get3A_1273 : i32 to index
        %get3A_1276 = arith.constant 32 : index
        %get3A_1277 = tpu.vector_load %arg8[%get3A_1274, %get3A_1275, %get3A_1276] {strides = array<i32>} : memref<16x4x512xf32, #tpu.memory_space<vmem>>, vector<1x1x16xf32>,
        %get3A_1278 = vector.shape_cast %get3A_1277 : vector<1x1x16xf32> to vector<16xf32>
        %swap3A_1279 = arith.constant 8 : i32
        %swap3A_1280 = arith.index_cast %swap3A_1279 : i32 to index
        %swap3A_1281 = arith.constant 32 : index
        %swap3A_1282 = tpu.vector_load %arg9[%swap3A_1280, %swap3A_1281] {strides = array<i32>} : memref<16x512xf32, #tpu.memory_space<vmem>>, vector<1x16xf32>,
        %swap3A_1283 = vector.shape_cast %swap3A_1282 : vector<1x16xf32> to vector<16xf32>
        %swap3A_1284 = vector.shape_cast %get3A_1278 : vector<16xf32> to vector<1x16xf32>
        tpu.vector_store %arg9[%swap3A_1280, %swap3A_1281], %swap3A_1284 {strides = array<i32>} : memref<16x512xf32, #tpu.memory_space<vmem>>, vector<1x16xf32>,
        %get3A_1285 = arith.constant 3 : i32
        %get3A_1286 = arith.index_cast %add3A_90 : i32 to index
        %get3A_1287 = arith.index_cast %get3A_1285 : i32 to index
        %get3A_1288 = arith.constant 48 : index
        %get3A_1289 = tpu.vector_load %arg8[%get3A_1286, %get3A_1287, %get3A_1288] {strides = array<i32>} : memref<16x4x512xf32, #tpu.memory_space<vmem>>, vector<1x1x16xf32>,
        %get3A_1290 = vector.shape_cast %get3A_1289 : vector<1x1x16xf32> to vector<16xf32>
        %swap3A_1291 = arith.constant 8 : i32
        %swap3A_1292 = arith.index_cast %swap3A_1291 : i32 to index
        %swap3A_1293 = arith.constant 48 : index
        %swap3A_1294 = tpu.vector_load %arg9[%swap3A_1292, %swap3A_1293] {strides = array<i32>} : memref<16x512xf32, #tpu.memory_space<vmem>>, vector<1x16xf32>,
        %swap3A_1295 = vector.shape_cast %swap3A_1294 : vector<1x16xf32> to vector<16xf32>
        %swap3A_1296 = vector.shape_cast %get3A_1290 : vector<16xf32> to vector<1x16xf32>
        tpu.vector_store %arg9[%swap3A_1292, %swap3A_1293], %swap3A_1296 {strides = array<i32>} : memref<16x512xf32, #tpu.memory_space<vmem>>, vector<1x16xf32>,
        %get3A_1297 = arith.constant 3 : i32
        %get3A_1298 = arith.index_cast %add3A_90 : i32 to index
        %get3A_1299 = arith.index_cast %get3A_1297 : i32 to index
        %get3A_1300 = arith.constant 64 : index
        %get3A_1301 = tpu.vector_load %arg8[%get3A_1298, %get3A_1299, %get3A_1300] {strides = array<i32>} : memref<16x4x512xf32, #tpu.memory_space<vmem>>, vector<1x1x16xf32>,
        %get3A_1302 = vector.shape_cast %get3A_1301 : vector<1x1x16xf32> to vector<16xf32>
        %swap3A_1303 = arith.constant 8 : i32
        %swap3A_1304 = arith.index_cast %swap3A_1303 : i32 to index
        %swap3A_1305 = arith.constant 64 : index
        %swap3A_1306 = tpu.vector_load %arg9[%swap3A_1304, %swap3A_1305] {strides = array<i32>} : memref<16x512xf32, #tpu.memory_space<vmem>>, vector<1x16xf32>,
        %swap3A_1307 = vector.shape_cast %swap3A_1306 : vector<1x16xf32> to vector<16xf32>
        %swap3A_1308 = vector.shape_cast %get3A_1302 : vector<16xf32> to vector<1x16xf32>
        tpu.vector_store %arg9[%swap3A_1304, %swap3A_1305], %swap3A_1308 {strides = array<i32>} : memref<16x512xf32, #tpu.memory_space<vmem>>, vector<1x16xf32>,
        %get3A_1309 = arith.constant 3 : i32
        %get3A_1310 = arith.index_cast %add3A_90 : i32 to index
        %get3A_1311 = arith.index_cast %get3A_1309 : i32 to index
        %get3A_1312 = arith.constant 80 : index
        %get3A_1313 = tpu.vector_load %arg8[%get3A_1310, %get3A_1311, %get3A_1312] {strides = array<i32>} : memref<16x4x512xf32, #tpu.memory_space<vmem>>, vector<1x1x16xf32>,
        %get3A_1314 = vector.shape_cast %get3A_1313 : vector<1x1x16xf32> to vector<16xf32>
        %swap3A_1315 = arith.constant 8 : i32
        %swap3A_1316 = arith.index_cast %swap3A_1315 : i32 to index
        %swap3A_1317 = arith.constant 80 : index
        %swap3A_1318 = tpu.vector_load %arg9[%swap3A_1316, %swap3A_1317] {strides = array<i32>} : memref<16x512xf32, #tpu.memory_space<vmem>>, vector<1x16xf32>,
        %swap3A_1319 = vector.shape_cast %swap3A_1318 : vector<1x16xf32> to vector<16xf32>
        %swap3A_1320 = vector.shape_cast %get3A_1314 : vector<16xf32> to vector<1x16xf32>
        tpu.vector_store %arg9[%swap3A_1316, %swap3A_1317], %swap3A_1320 {strides = array<i32>} : memref<16x512xf32, #tpu.memory_space<vmem>>, vector<1x16xf32>,
        %get3A_1321 = arith.constant 3 : i32
        %get3A_1322 = arith.index_cast %add3A_90 : i32 to index
        %get3A_1323 = arith.index_cast %get3A_1321 : i32 to index
        %get3A_1324 = arith.constant 96 : index
        %get3A_1325 = tpu.vector_load %arg8[%get3A_1322, %get3A_1323, %get3A_1324] {strides = array<i32>} : memref<16x4x512xf32, #tpu.memory_space<vmem>>, vector<1x1x16xf32>,
        %get3A_1326 = vector.shape_cast %get3A_1325 : vector<1x1x16xf32> to vector<16xf32>
        %swap3A_1327 = arith.constant 8 : i32
        %swap3A_1328 = arith.index_cast %swap3A_1327 : i32 to index
        %swap3A_1329 = arith.constant 96 : index
        %swap3A_1330 = tpu.vector_load %arg9[%swap3A_1328, %swap3A_1329] {strides = array<i32>} : memref<16x512xf32, #tpu.memory_space<vmem>>, vector<1x16xf32>,
        %swap3A_1331 = vector.shape_cast %swap3A_1330 : vector<1x16xf32> to vector<16xf32>
        %swap3A_1332 = vector.shape_cast %get3A_1326 : vector<16xf32> to vector<1x16xf32>
        tpu.vector_store %arg9[%swap3A_1328, %swap3A_1329], %swap3A_1332 {strides = array<i32>} : memref<16x512xf32, #tpu.memory_space<vmem>>, vector<1x16xf32>,
        %get3A_1333 = arith.constant 3 : i32
        %get3A_1334 = arith.index_cast %add3A_90 : i32 to index
        %get3A_1335 = arith.index_cast %get3A_1333 : i32 to index
        %get3A_1336 = arith.constant 112 : index
        %get3A_1337 = tpu.vector_load %arg8[%get3A_1334, %get3A_1335, %get3A_1336] {strides = array<i32>} : memref<16x4x512xf32, #tpu.memory_space<vmem>>, vector<1x1x16xf32>,
        %get3A_1338 = vector.shape_cast %get3A_1337 : vector<1x1x16xf32> to vector<16xf32>
        %swap3A_1339 = arith.constant 8 : i32
        %swap3A_1340 = arith.index_cast %swap3A_1339 : i32 to index
        %swap3A_1341 = arith.constant 112 : index
        %swap3A_1342 = tpu.vector_load %arg9[%swap3A_1340, %swap3A_1341] {strides = array<i32>} : memref<16x512xf32, #tpu.memory_space<vmem>>, vector<1x16xf32>,
        %swap3A_1343 = vector.shape_cast %swap3A_1342 : vector<1x16xf32> to vector<16xf32>
        %swap3A_1344 = vector.shape_cast %get3A_1338 : vector<16xf32> to vector<1x16xf32>
        tpu.vector_store %arg9[%swap3A_1340, %swap3A_1341], %swap3A_1344 {strides = array<i32>} : memref<16x512xf32, #tpu.memory_space<vmem>>, vector<1x16xf32>,
        %get3A_1345 = arith.constant 3 : i32
        %get3A_1346 = arith.index_cast %add3A_90 : i32 to index
        %get3A_1347 = arith.index_cast %get3A_1345 : i32 to index
        %get3A_1348 = arith.constant 128 : index
        %get3A_1349 = tpu.vector_load %arg8[%get3A_1346, %get3A_1347, %get3A_1348] {strides = array<i32>} : memref<16x4x512xf32, #tpu.memory_space<vmem>>, vector<1x1x16xf32>,
        %get3A_1350 = vector.shape_cast %get3A_1349 : vector<1x1x16xf32> to vector<16xf32>
        %swap3A_1351 = arith.constant 8 : i32
        %swap3A_1352 = arith.index_cast %swap3A_1351 : i32 to index
        %swap3A_1353 = arith.constant 128 : index
        %swap3A_1354 = tpu.vector_load %arg9[%swap3A_1352, %swap3A_1353] {strides = array<i32>} : memref<16x512xf32, #tpu.memory_space<vmem>>, vector<1x16xf32>,
        %swap3A_1355 = vector.shape_cast %swap3A_1354 : vector<1x16xf32> to vector<16xf32>
        %swap3A_1356 = vector.shape_cast %get3A_1350 : vector<16xf32> to vector<1x16xf32>
        tpu.vector_store %arg9[%swap3A_1352, %swap3A_1353], %swap3A_1356 {strides = array<i32>} : memref<16x512xf32, #tpu.memory_space<vmem>>, vector<1x16xf32>,
        %get3A_1357 = arith.constant 3 : i32
        %get3A_1358 = arith.index_cast %add3A_90 : i32 to index
        %get3A_1359 = arith.index_cast %get3A_1357 : i32 to index
        %get3A_1360 = arith.constant 144 : index
        %get3A_1361 = tpu.vector_load %arg8[%get3A_1358, %get3A_1359, %get3A_1360] {strides = array<i32>} : memref<16x4x512xf32, #tpu.memory_space<vmem>>, vector<1x1x16xf32>,
        %get3A_1362 = vector.shape_cast %get3A_1361 : vector<1x1x16xf32> to vector<16xf32>
        %swap3A_1363 = arith.constant 8 : i32
        %swap3A_1364 = arith.index_cast %swap3A_1363 : i32 to index
        %swap3A_1365 = arith.constant 144 : index
        %swap3A_1366 = tpu.vector_load %arg9[%swap3A_1364, %swap3A_1365] {strides = array<i32>} : memref<16x512xf32, #tpu.memory_space<vmem>>, vector<1x16xf32>,
        %swap3A_1367 = vector.shape_cast %swap3A_1366 : vector<1x16xf32> to vector<16xf32>
        %swap3A_1368 = vector.shape_cast %get3A_1362 : vector<16xf32> to vector<1x16xf32>
        tpu.vector_store %arg9[%swap3A_1364, %swap3A_1365], %swap3A_1368 {strides = array<i32>} : memref<16x512xf32, #tpu.memory_space<vmem>>, vector<1x16xf32>,
        %get3A_1369 = arith.constant 3 : i32
        %get3A_1370 = arith.index_cast %add3A_90 : i32 to index
        %get3A_1371 = arith.index_cast %get3A_1369 : i32 to index
        %get3A_1372 = arith.constant 160 : index
        %get3A_1373 = tpu.vector_load %arg8[%get3A_1370, %get3A_1371, %get3A_1372] {strides = array<i32>} : memref<16x4x512xf32, #tpu.memory_space<vmem>>, vector<1x1x16xf32>,
        %get3A_1374 = vector.shape_cast %get3A_1373 : vector<1x1x16xf32> to vector<16xf32>
        %swap3A_1375 = arith.constant 8 : i32
        %swap3A_1376 = arith.index_cast %swap3A_1375 : i32 to index
        %swap3A_1377 = arith.constant 160 : index
        %swap3A_1378 = tpu.vector_load %arg9[%swap3A_1376, %swap3A_1377] {strides = array<i32>} : memref<16x512xf32, #tpu.memory_space<vmem>>, vector<1x16xf32>,
        %swap3A_1379 = vector.shape_cast %swap3A_1378 : vector<1x16xf32> to vector<16xf32>
        %swap3A_1380 = vector.shape_cast %get3A_1374 : vector<16xf32> to vector<1x16xf32>
        tpu.vector_store %arg9[%swap3A_1376, %swap3A_1377], %swap3A_1380 {strides = array<i32>} : memref<16x512xf32, #tpu.memory_space<vmem>>, vector<1x16xf32>,
        %get3A_1381 = arith.constant 3 : i32
        %get3A_1382 = arith.index_cast %add3A_90 : i32 to index
        %get3A_1383 = arith.index_cast %get3A_1381 : i32 to index
        %get3A_1384 = arith.constant 176 : index
        %get3A_1385 = tpu.vector_load %arg8[%get3A_1382, %get3A_1383, %get3A_1384] {strides = array<i32>} : memref<16x4x512xf32, #tpu.memory_space<vmem>>, vector<1x1x16xf32>,
        %get3A_1386 = vector.shape_cast %get3A_1385 : vector<1x1x16xf32> to vector<16xf32>
        %swap3A_1387 = arith.constant 8 : i32
        %swap3A_1388 = arith.index_cast %swap3A_1387 : i32 to index
        %swap3A_1389 = arith.constant 176 : index
        %swap3A_1390 = tpu.vector_load %arg9[%swap3A_1388, %swap3A_1389] {strides = array<i32>} : memref<16x512xf32, #tpu.memory_space<vmem>>, vector<1x16xf32>,
        %swap3A_1391 = vector.shape_cast %swap3A_1390 : vector<1x16xf32> to vector<16xf32>
        %swap3A_1392 = vector.shape_cast %get3A_1386 : vector<16xf32> to vector<1x16xf32>
        tpu.vector_store %arg9[%swap3A_1388, %swap3A_1389], %swap3A_1392 {strides = array<i32>} : memref<16x512xf32, #tpu.memory_space<vmem>>, vector<1x16xf32>,
        %get3A_1393 = arith.constant 3 : i32
        %get3A_1394 = arith.index_cast %add3A_90 : i32 to index
        %get3A_1395 = arith.index_cast %get3A_1393 : i32 to index
        %get3A_1396 = arith.constant 192 : index
        %get3A_1397 = tpu.vector_load %arg8[%get3A_1394, %get3A_1395, %get3A_1396] {strides = array<i32>} : memref<16x4x512xf32, #tpu.memory_space<vmem>>, vector<1x1x16xf32>,
        %get3A_1398 = vector.shape_cast %get3A_1397 : vector<1x1x16xf32> to vector<16xf32>
        %swap3A_1399 = arith.constant 8 : i32
        %swap3A_1400 = arith.index_cast %swap3A_1399 : i32 to index
        %swap3A_1401 = arith.constant 192 : index
        %swap3A_1402 = tpu.vector_load %arg9[%swap3A_1400, %swap3A_1401] {strides = array<i32>} : memref<16x512xf32, #tpu.memory_space<vmem>>, vector<1x16xf32>,
        %swap3A_1403 = vector.shape_cast %swap3A_1402 : vector<1x16xf32> to vector<16xf32>
        %swap3A_1404 = vector.shape_cast %get3A_1398 : vector<16xf32> to vector<1x16xf32>
        tpu.vector_store %arg9[%swap3A_1400, %swap3A_1401], %swap3A_1404 {strides = array<i32>} : memref<16x512xf32, #tpu.memory_space<vmem>>, vector<1x16xf32>,
        %get3A_1405 = arith.constant 3 : i32
        %get3A_1406 = arith.index_cast %add3A_90 : i32 to index
        %get3A_1407 = arith.index_cast %get3A_1405 : i32 to index
        %get3A_1408 = arith.constant 208 : index
        %get3A_1409 = tpu.vector_load %arg8[%get3A_1406, %get3A_1407, %get3A_1408] {strides = array<i32>} : memref<16x4x512xf32, #tpu.memory_space<vmem>>, vector<1x1x16xf32>,
        %get3A_1410 = vector.shape_cast %get3A_1409 : vector<1x1x16xf32> to vector<16xf32>
        %swap3A_1411 = arith.constant 8 : i32
        %swap3A_1412 = arith.index_cast %swap3A_1411 : i32 to index
        %swap3A_1413 = arith.constant 208 : index
        %swap3A_1414 = tpu.vector_load %arg9[%swap3A_1412, %swap3A_1413] {strides = array<i32>} : memref<16x512xf32, #tpu.memory_space<vmem>>, vector<1x16xf32>,
        %swap3A_1415 = vector.shape_cast %swap3A_1414 : vector<1x16xf32> to vector<16xf32>
        %swap3A_1416 = vector.shape_cast %get3A_1410 : vector<16xf32> to vector<1x16xf32>
        tpu.vector_store %arg9[%swap3A_1412, %swap3A_1413], %swap3A_1416 {strides = array<i32>} : memref<16x512xf32, #tpu.memory_space<vmem>>, vector<1x16xf32>,
        %get3A_1417 = arith.constant 3 : i32
        %get3A_1418 = arith.index_cast %add3A_90 : i32 to index
        %get3A_1419 = arith.index_cast %get3A_1417 : i32 to index
        %get3A_1420 = arith.constant 224 : index
        %get3A_1421 = tpu.vector_load %arg8[%get3A_1418, %get3A_1419, %get3A_1420] {strides = array<i32>} : memref<16x4x512xf32, #tpu.memory_space<vmem>>, vector<1x1x16xf32>,
        %get3A_1422 = vector.shape_cast %get3A_1421 : vector<1x1x16xf32> to vector<16xf32>
        %swap3A_1423 = arith.constant 8 : i32
        %swap3A_1424 = arith.index_cast %swap3A_1423 : i32 to index
        %swap3A_1425 = arith.constant 224 : index
        %swap3A_1426 = tpu.vector_load %arg9[%swap3A_1424, %swap3A_1425] {strides = array<i32>} : memref<16x512xf32, #tpu.memory_space<vmem>>, vector<1x16xf32>,
        %swap3A_1427 = vector.shape_cast %swap3A_1426 : vector<1x16xf32> to vector<16xf32>
        %swap3A_1428 = vector.shape_cast %get3A_1422 : vector<16xf32> to vector<1x16xf32>
        tpu.vector_store %arg9[%swap3A_1424, %swap3A_1425], %swap3A_1428 {strides = array<i32>} : memref<16x512xf32, #tpu.memory_space<vmem>>, vector<1x16xf32>,
        %get3A_1429 = arith.constant 3 : i32
        %get3A_1430 = arith.index_cast %add3A_90 : i32 to index
        %get3A_1431 = arith.index_cast %get3A_1429 : i32 to index
        %get3A_1432 = arith.constant 240 : index
        %get3A_1433 = tpu.vector_load %arg8[%get3A_1430, %get3A_1431, %get3A_1432] {strides = array<i32>} : memref<16x4x512xf32, #tpu.memory_space<vmem>>, vector<1x1x16xf32>,
        %get3A_1434 = vector.shape_cast %get3A_1433 : vector<1x1x16xf32> to vector<16xf32>
        %swap3A_1435 = arith.constant 8 : i32
        %swap3A_1436 = arith.index_cast %swap3A_1435 : i32 to index
        %swap3A_1437 = arith.constant 240 : index
        %swap3A_1438 = tpu.vector_load %arg9[%swap3A_1436, %swap3A_1437] {strides = array<i32>} : memref<16x512xf32, #tpu.memory_space<vmem>>, vector<1x16xf32>,
        %swap3A_1439 = vector.shape_cast %swap3A_1438 : vector<1x16xf32> to vector<16xf32>
        %swap3A_1440 = vector.shape_cast %get3A_1434 : vector<16xf32> to vector<1x16xf32>
        tpu.vector_store %arg9[%swap3A_1436, %swap3A_1437], %swap3A_1440 {strides = array<i32>} : memref<16x512xf32, #tpu.memory_space<vmem>>, vector<1x16xf32>,
        %get3A_1441 = arith.constant 3 : i32
        %get3A_1442 = arith.index_cast %add3A_90 : i32 to index
        %get3A_1443 = arith.index_cast %get3A_1441 : i32 to index
        %get3A_1444 = arith.constant 256 : index
        %get3A_1445 = tpu.vector_load %arg8[%get3A_1442, %get3A_1443, %get3A_1444] {strides = array<i32>} : memref<16x4x512xf32, #tpu.memory_space<vmem>>, vector<1x1x16xf32>,
        %get3A_1446 = vector.shape_cast %get3A_1445 : vector<1x1x16xf32> to vector<16xf32>
        %swap3A_1447 = arith.constant 8 : i32
        %swap3A_1448 = arith.index_cast %swap3A_1447 : i32 to index
        %swap3A_1449 = arith.constant 256 : index
        %swap3A_1450 = tpu.vector_load %arg9[%swap3A_1448, %swap3A_1449] {strides = array<i32>} : memref<16x512xf32, #tpu.memory_space<vmem>>, vector<1x16xf32>,
        %swap3A_1451 = vector.shape_cast %swap3A_1450 : vector<1x16xf32> to vector<16xf32>
        %swap3A_1452 = vector.shape_cast %get3A_1446 : vector<16xf32> to vector<1x16xf32>
        tpu.vector_store %arg9[%swap3A_1448, %swap3A_1449], %swap3A_1452 {strides = array<i32>} : memref<16x512xf32, #tpu.memory_space<vmem>>, vector<1x16xf32>,
        %get3A_1453 = arith.constant 3 : i32
        %get3A_1454 = arith.index_cast %add3A_90 : i32 to index
        %get3A_1455 = arith.index_cast %get3A_1453 : i32 to index
        %get3A_1456 = arith.constant 272 : index
        %get3A_1457 = tpu.vector_load %arg8[%get3A_1454, %get3A_1455, %get3A_1456] {strides = array<i32>} : memref<16x4x512xf32, #tpu.memory_space<vmem>>, vector<1x1x16xf32>,
        %get3A_1458 = vector.shape_cast %get3A_1457 : vector<1x1x16xf32> to vector<16xf32>
        %swap3A_1459 = arith.constant 8 : i32
        %swap3A_1460 = arith.index_cast %swap3A_1459 : i32 to index
        %swap3A_1461 = arith.constant 272 : index
        %swap3A_1462 = tpu.vector_load %arg9[%swap3A_1460, %swap3A_1461] {strides = array<i32>} : memref<16x512xf32, #tpu.memory_space<vmem>>, vector<1x16xf32>,
        %swap3A_1463 = vector.shape_cast %swap3A_1462 : vector<1x16xf32> to vector<16xf32>
        %swap3A_1464 = vector.shape_cast %get3A_1458 : vector<16xf32> to vector<1x16xf32>
        tpu.vector_store %arg9[%swap3A_1460, %swap3A_1461], %swap3A_1464 {strides = array<i32>} : memref<16x512xf32, #tpu.memory_space<vmem>>, vector<1x16xf32>,
        %get3A_1465 = arith.constant 3 : i32
        %get3A_1466 = arith.index_cast %add3A_90 : i32 to index
        %get3A_1467 = arith.index_cast %get3A_1465 : i32 to index
        %get3A_1468 = arith.constant 288 : index
        %get3A_1469 = tpu.vector_load %arg8[%get3A_1466, %get3A_1467, %get3A_1468] {strides = array<i32>} : memref<16x4x512xf32, #tpu.memory_space<vmem>>, vector<1x1x16xf32>,
        %get3A_1470 = vector.shape_cast %get3A_1469 : vector<1x1x16xf32> to vector<16xf32>
        %swap3A_1471 = arith.constant 8 : i32
        %swap3A_1472 = arith.index_cast %swap3A_1471 : i32 to index
        %swap3A_1473 = arith.constant 288 : index
        %swap3A_1474 = tpu.vector_load %arg9[%swap3A_1472, %swap3A_1473] {strides = array<i32>} : memref<16x512xf32, #tpu.memory_space<vmem>>, vector<1x16xf32>,
        %swap3A_1475 = vector.shape_cast %swap3A_1474 : vector<1x16xf32> to vector<16xf32>
        %swap3A_1476 = vector.shape_cast %get3A_1470 : vector<16xf32> to vector<1x16xf32>
        tpu.vector_store %arg9[%swap3A_1472, %swap3A_1473], %swap3A_1476 {strides = array<i32>} : memref<16x512xf32, #tpu.memory_space<vmem>>, vector<1x16xf32>,
        %get3A_1477 = arith.constant 3 : i32
        %get3A_1478 = arith.index_cast %add3A_90 : i32 to index
        %get3A_1479 = arith.index_cast %get3A_1477 : i32 to index
        %get3A_1480 = arith.constant 304 : index
        %get3A_1481 = tpu.vector_load %arg8[%get3A_1478, %get3A_1479, %get3A_1480] {strides = array<i32>} : memref<16x4x512xf32, #tpu.memory_space<vmem>>, vector<1x1x16xf32>,
        %get3A_1482 = vector.shape_cast %get3A_1481 : vector<1x1x16xf32> to vector<16xf32>
        %swap3A_1483 = arith.constant 8 : i32
        %swap3A_1484 = arith.index_cast %swap3A_1483 : i32 to index
        %swap3A_1485 = arith.constant 304 : index
        %swap3A_1486 = tpu.vector_load %arg9[%swap3A_1484, %swap3A_1485] {strides = array<i32>} : memref<16x512xf32, #tpu.memory_space<vmem>>, vector<1x16xf32>,
        %swap3A_1487 = vector.shape_cast %swap3A_1486 : vector<1x16xf32> to vector<16xf32>
        %swap3A_1488 = vector.shape_cast %get3A_1482 : vector<16xf32> to vector<1x16xf32>
        tpu.vector_store %arg9[%swap3A_1484, %swap3A_1485], %swap3A_1488 {strides = array<i32>} : memref<16x512xf32, #tpu.memory_space<vmem>>, vector<1x16xf32>,
        %get3A_1489 = arith.constant 3 : i32
        %get3A_1490 = arith.index_cast %add3A_90 : i32 to index
        %get3A_1491 = arith.index_cast %get3A_1489 : i32 to index
        %get3A_1492 = arith.constant 320 : index
        %get3A_1493 = tpu.vector_load %arg8[%get3A_1490, %get3A_1491, %get3A_1492] {strides = array<i32>} : memref<16x4x512xf32, #tpu.memory_space<vmem>>, vector<1x1x16xf32>,
        %get3A_1494 = vector.shape_cast %get3A_1493 : vector<1x1x16xf32> to vector<16xf32>
        %swap3A_1495 = arith.constant 8 : i32
        %swap3A_1496 = arith.index_cast %swap3A_1495 : i32 to index
        %swap3A_1497 = arith.constant 320 : index
        %swap3A_1498 = tpu.vector_load %arg9[%swap3A_1496, %swap3A_1497] {strides = array<i32>} : memref<16x512xf32, #tpu.memory_space<vmem>>, vector<1x16xf32>,
        %swap3A_1499 = vector.shape_cast %swap3A_1498 : vector<1x16xf32> to vector<16xf32>
        %swap3A_1500 = vector.shape_cast %get3A_1494 : vector<16xf32> to vector<1x16xf32>
        tpu.vector_store %arg9[%swap3A_1496, %swap3A_1497], %swap3A_1500 {strides = array<i32>} : memref<16x512xf32, #tpu.memory_space<vmem>>, vector<1x16xf32>,
        %get3A_1501 = arith.constant 3 : i32
        %get3A_1502 = arith.index_cast %add3A_90 : i32 to index
        %get3A_1503 = arith.index_cast %get3A_1501 : i32 to index
        %get3A_1504 = arith.constant 336 : index
        %get3A_1505 = tpu.vector_load %arg8[%get3A_1502, %get3A_1503, %get3A_1504] {strides = array<i32>} : memref<16x4x512xf32, #tpu.memory_space<vmem>>, vector<1x1x16xf32>,
        %get3A_1506 = vector.shape_cast %get3A_1505 : vector<1x1x16xf32> to vector<16xf32>
        %swap3A_1507 = arith.constant 8 : i32
        %swap3A_1508 = arith.index_cast %swap3A_1507 : i32 to index
        %swap3A_1509 = arith.constant 336 : index
        %swap3A_1510 = tpu.vector_load %arg9[%swap3A_1508, %swap3A_1509] {strides = array<i32>} : memref<16x512xf32, #tpu.memory_space<vmem>>, vector<1x16xf32>,
        %swap3A_1511 = vector.shape_cast %swap3A_1510 : vector<1x16xf32> to vector<16xf32>
        %swap3A_1512 = vector.shape_cast %get3A_1506 : vector<16xf32> to vector<1x16xf32>
        tpu.vector_store %arg9[%swap3A_1508, %swap3A_1509], %swap3A_1512 {strides = array<i32>} : memref<16x512xf32, #tpu.memory_space<vmem>>, vector<1x16xf32>,
        %get3A_1513 = arith.constant 3 : i32
        %get3A_1514 = arith.index_cast %add3A_90 : i32 to index
        %get3A_1515 = arith.index_cast %get3A_1513 : i32 to index
        %get3A_1516 = arith.constant 352 : index
        %get3A_1517 = tpu.vector_load %arg8[%get3A_1514, %get3A_1515, %get3A_1516] {strides = array<i32>} : memref<16x4x512xf32, #tpu.memory_space<vmem>>, vector<1x1x16xf32>,
        %get3A_1518 = vector.shape_cast %get3A_1517 : vector<1x1x16xf32> to vector<16xf32>
        %swap3A_1519 = arith.constant 8 : i32
        %swap3A_1520 = arith.index_cast %swap3A_1519 : i32 to index
        %swap3A_1521 = arith.constant 352 : index
        %swap3A_1522 = tpu.vector_load %arg9[%swap3A_1520, %swap3A_1521] {strides = array<i32>} : memref<16x512xf32, #tpu.memory_space<vmem>>, vector<1x16xf32>,
        %swap3A_1523 = vector.shape_cast %swap3A_1522 : vector<1x16xf32> to vector<16xf32>
        %swap3A_1524 = vector.shape_cast %get3A_1518 : vector<16xf32> to vector<1x16xf32>
        tpu.vector_store %arg9[%swap3A_1520, %swap3A_1521], %swap3A_1524 {strides = array<i32>} : memref<16x512xf32, #tpu.memory_space<vmem>>, vector<1x16xf32>,
        %get3A_1525 = arith.constant 3 : i32
        %get3A_1526 = arith.index_cast %add3A_90 : i32 to index
        %get3A_1527 = arith.index_cast %get3A_1525 : i32 to index
        %get3A_1528 = arith.constant 368 : index
        %get3A_1529 = tpu.vector_load %arg8[%get3A_1526, %get3A_1527, %get3A_1528] {strides = array<i32>} : memref<16x4x512xf32, #tpu.memory_space<vmem>>, vector<1x1x16xf32>,
        %get3A_1530 = vector.shape_cast %get3A_1529 : vector<1x1x16xf32> to vector<16xf32>
        %swap3A_1531 = arith.constant 8 : i32
        %swap3A_1532 = arith.index_cast %swap3A_1531 : i32 to index
        %swap3A_1533 = arith.constant 368 : index
        %swap3A_1534 = tpu.vector_load %arg9[%swap3A_1532, %swap3A_1533] {strides = array<i32>} : memref<16x512xf32, #tpu.memory_space<vmem>>, vector<1x16xf32>,
        %swap3A_1535 = vector.shape_cast %swap3A_1534 : vector<1x16xf32> to vector<16xf32>
        %swap3A_1536 = vector.shape_cast %get3A_1530 : vector<16xf32> to vector<1x16xf32>
        tpu.vector_store %arg9[%swap3A_1532, %swap3A_1533], %swap3A_1536 {strides = array<i32>} : memref<16x512xf32, #tpu.memory_space<vmem>>, vector<1x16xf32>,
        %get3A_1537 = arith.constant 3 : i32
        %get3A_1538 = arith.index_cast %add3A_90 : i32 to index
        %get3A_1539 = arith.index_cast %get3A_1537 : i32 to index
        %get3A_1540 = arith.constant 384 : index
        %get3A_1541 = tpu.vector_load %arg8[%get3A_1538, %get3A_1539, %get3A_1540] {strides = array<i32>} : memref<16x4x512xf32, #tpu.memory_space<vmem>>, vector<1x1x16xf32>,
        %get3A_1542 = vector.shape_cast %get3A_1541 : vector<1x1x16xf32> to vector<16xf32>
        %swap3A_1543 = arith.constant 8 : i32
        %swap3A_1544 = arith.index_cast %swap3A_1543 : i32 to index
        %swap3A_1545 = arith.constant 384 : index
        %swap3A_1546 = tpu.vector_load %arg9[%swap3A_1544, %swap3A_1545] {strides = array<i32>} : memref<16x512xf32, #tpu.memory_space<vmem>>, vector<1x16xf32>,
        %swap3A_1547 = vector.shape_cast %swap3A_1546 : vector<1x16xf32> to vector<16xf32>
        %swap3A_1548 = vector.shape_cast %get3A_1542 : vector<16xf32> to vector<1x16xf32>
        tpu.vector_store %arg9[%swap3A_1544, %swap3A_1545], %swap3A_1548 {strides = array<i32>} : memref<16x512xf32, #tpu.memory_space<vmem>>, vector<1x16xf32>,
        %get3A_1549 = arith.constant 3 : i32
        %get3A_1550 = arith.index_cast %add3A_90 : i32 to index
        %get3A_1551 = arith.index_cast %get3A_1549 : i32 to index
        %get3A_1552 = arith.constant 400 : index
        %get3A_1553 = tpu.vector_load %arg8[%get3A_1550, %get3A_1551, %get3A_1552] {strides = array<i32>} : memref<16x4x512xf32, #tpu.memory_space<vmem>>, vector<1x1x16xf32>,
        %get3A_1554 = vector.shape_cast %get3A_1553 : vector<1x1x16xf32> to vector<16xf32>
        %swap3A_1555 = arith.constant 8 : i32
        %swap3A_1556 = arith.index_cast %swap3A_1555 : i32 to index
        %swap3A_1557 = arith.constant 400 : index
        %swap3A_1558 = tpu.vector_load %arg9[%swap3A_1556, %swap3A_1557] {strides = array<i32>} : memref<16x512xf32, #tpu.memory_space<vmem>>, vector<1x16xf32>,
        %swap3A_1559 = vector.shape_cast %swap3A_1558 : vector<1x16xf32> to vector<16xf32>
        %swap3A_1560 = vector.shape_cast %get3A_1554 : vector<16xf32> to vector<1x16xf32>
        tpu.vector_store %arg9[%swap3A_1556, %swap3A_1557], %swap3A_1560 {strides = array<i32>} : memref<16x512xf32, #tpu.memory_space<vmem>>, vector<1x16xf32>,
        %get3A_1561 = arith.constant 3 : i32
        %get3A_1562 = arith.index_cast %add3A_90 : i32 to index
        %get3A_1563 = arith.index_cast %get3A_1561 : i32 to index
        %get3A_1564 = arith.constant 416 : index
        %get3A_1565 = tpu.vector_load %arg8[%get3A_1562, %get3A_1563, %get3A_1564] {strides = array<i32>} : memref<16x4x512xf32, #tpu.memory_space<vmem>>, vector<1x1x16xf32>,
        %get3A_1566 = vector.shape_cast %get3A_1565 : vector<1x1x16xf32> to vector<16xf32>
        %swap3A_1567 = arith.constant 8 : i32
        %swap3A_1568 = arith.index_cast %swap3A_1567 : i32 to index
        %swap3A_1569 = arith.constant 416 : index
        %swap3A_1570 = tpu.vector_load %arg9[%swap3A_1568, %swap3A_1569] {strides = array<i32>} : memref<16x512xf32, #tpu.memory_space<vmem>>, vector<1x16xf32>,
        %swap3A_1571 = vector.shape_cast %swap3A_1570 : vector<1x16xf32> to vector<16xf32>
        %swap3A_1572 = vector.shape_cast %get3A_1566 : vector<16xf32> to vector<1x16xf32>
        tpu.vector_store %arg9[%swap3A_1568, %swap3A_1569], %swap3A_1572 {strides = array<i32>} : memref<16x512xf32, #tpu.memory_space<vmem>>, vector<1x16xf32>,
        %get3A_1573 = arith.constant 3 : i32
        %get3A_1574 = arith.index_cast %add3A_90 : i32 to index
        %get3A_1575 = arith.index_cast %get3A_1573 : i32 to index
        %get3A_1576 = arith.constant 432 : index
        %get3A_1577 = tpu.vector_load %arg8[%get3A_1574, %get3A_1575, %get3A_1576] {strides = array<i32>} : memref<16x4x512xf32, #tpu.memory_space<vmem>>, vector<1x1x16xf32>,
        %get3A_1578 = vector.shape_cast %get3A_1577 : vector<1x1x16xf32> to vector<16xf32>
        %swap3A_1579 = arith.constant 8 : i32
        %swap3A_1580 = arith.index_cast %swap3A_1579 : i32 to index
        %swap3A_1581 = arith.constant 432 : index
        %swap3A_1582 = tpu.vector_load %arg9[%swap3A_1580, %swap3A_1581] {strides = array<i32>} : memref<16x512xf32, #tpu.memory_space<vmem>>, vector<1x16xf32>,
        %swap3A_1583 = vector.shape_cast %swap3A_1582 : vector<1x16xf32> to vector<16xf32>
        %swap3A_1584 = vector.shape_cast %get3A_1578 : vector<16xf32> to vector<1x16xf32>
        tpu.vector_store %arg9[%swap3A_1580, %swap3A_1581], %swap3A_1584 {strides = array<i32>} : memref<16x512xf32, #tpu.memory_space<vmem>>, vector<1x16xf32>,
        %get3A_1585 = arith.constant 3 : i32
        %get3A_1586 = arith.index_cast %add3A_90 : i32 to index
        %get3A_1587 = arith.index_cast %get3A_1585 : i32 to index
        %get3A_1588 = arith.constant 448 : index
        %get3A_1589 = tpu.vector_load %arg8[%get3A_1586, %get3A_1587, %get3A_1588] {strides = array<i32>} : memref<16x4x512xf32, #tpu.memory_space<vmem>>, vector<1x1x16xf32>,
        %get3A_1590 = vector.shape_cast %get3A_1589 : vector<1x1x16xf32> to vector<16xf32>
        %swap3A_1591 = arith.constant 8 : i32
        %swap3A_1592 = arith.index_cast %swap3A_1591 : i32 to index
        %swap3A_1593 = arith.constant 448 : index
        %swap3A_1594 = tpu.vector_load %arg9[%swap3A_1592, %swap3A_1593] {strides = array<i32>} : memref<16x512xf32, #tpu.memory_space<vmem>>, vector<1x16xf32>,
        %swap3A_1595 = vector.shape_cast %swap3A_1594 : vector<1x16xf32> to vector<16xf32>
        %swap3A_1596 = vector.shape_cast %get3A_1590 : vector<16xf32> to vector<1x16xf32>
        tpu.vector_store %arg9[%swap3A_1592, %swap3A_1593], %swap3A_1596 {strides = array<i32>} : memref<16x512xf32, #tpu.memory_space<vmem>>, vector<1x16xf32>,
        %get3A_1597 = arith.constant 3 : i32
        %get3A_1598 = arith.index_cast %add3A_90 : i32 to index
        %get3A_1599 = arith.index_cast %get3A_1597 : i32 to index
        %get3A_1600 = arith.constant 464 : index
        %get3A_1601 = tpu.vector_load %arg8[%get3A_1598, %get3A_1599, %get3A_1600] {strides = array<i32>} : memref<16x4x512xf32, #tpu.memory_space<vmem>>, vector<1x1x16xf32>,
        %get3A_1602 = vector.shape_cast %get3A_1601 : vector<1x1x16xf32> to vector<16xf32>
        %swap3A_1603 = arith.constant 8 : i32
        %swap3A_1604 = arith.index_cast %swap3A_1603 : i32 to index
        %swap3A_1605 = arith.constant 464 : index
        %swap3A_1606 = tpu.vector_load %arg9[%swap3A_1604, %swap3A_1605] {strides = array<i32>} : memref<16x512xf32, #tpu.memory_space<vmem>>, vector<1x16xf32>,
        %swap3A_1607 = vector.shape_cast %swap3A_1606 : vector<1x16xf32> to vector<16xf32>
        %swap3A_1608 = vector.shape_cast %get3A_1602 : vector<16xf32> to vector<1x16xf32>
        tpu.vector_store %arg9[%swap3A_1604, %swap3A_1605], %swap3A_1608 {strides = array<i32>} : memref<16x512xf32, #tpu.memory_space<vmem>>, vector<1x16xf32>,
        %get3A_1609 = arith.constant 3 : i32
        %get3A_1610 = arith.index_cast %add3A_90 : i32 to index
        %get3A_1611 = arith.index_cast %get3A_1609 : i32 to index
        %get3A_1612 = arith.constant 480 : index
        %get3A_1613 = tpu.vector_load %arg8[%get3A_1610, %get3A_1611, %get3A_1612] {strides = array<i32>} : memref<16x4x512xf32, #tpu.memory_space<vmem>>, vector<1x1x16xf32>,
        %get3A_1614 = vector.shape_cast %get3A_1613 : vector<1x1x16xf32> to vector<16xf32>
        %swap3A_1615 = arith.constant 8 : i32
        %swap3A_1616 = arith.index_cast %swap3A_1615 : i32 to index
        %swap3A_1617 = arith.constant 480 : index
        %swap3A_1618 = tpu.vector_load %arg9[%swap3A_1616, %swap3A_1617] {strides = array<i32>} : memref<16x512xf32, #tpu.memory_space<vmem>>, vector<1x16xf32>,
        %swap3A_1619 = vector.shape_cast %swap3A_1618 : vector<1x16xf32> to vector<16xf32>
        %swap3A_1620 = vector.shape_cast %get3A_1614 : vector<16xf32> to vector<1x16xf32>
        tpu.vector_store %arg9[%swap3A_1616, %swap3A_1617], %swap3A_1620 {strides = array<i32>} : memref<16x512xf32, #tpu.memory_space<vmem>>, vector<1x16xf32>,
        %get3A_1621 = arith.constant 3 : i32
        %get3A_1622 = arith.index_cast %add3A_90 : i32 to index
        %get3A_1623 = arith.index_cast %get3A_1621 : i32 to index
        %get3A_1624 = arith.constant 496 : index
        %get3A_1625 = tpu.vector_load %arg8[%get3A_1622, %get3A_1623, %get3A_1624] {strides = array<i32>} : memref<16x4x512xf32, #tpu.memory_space<vmem>>, vector<1x1x16xf32>,
        %get3A_1626 = vector.shape_cast %get3A_1625 : vector<1x1x16xf32> to vector<16xf32>
        %swap3A_1627 = arith.constant 8 : i32
        %swap3A_1628 = arith.index_cast %swap3A_1627 : i32 to index
        %swap3A_1629 = arith.constant 496 : index
        %swap3A_1630 = tpu.vector_load %arg9[%swap3A_1628, %swap3A_1629] {strides = array<i32>} : memref<16x512xf32, #tpu.memory_space<vmem>>, vector<1x16xf32>,
        %swap3A_1631 = vector.shape_cast %swap3A_1630 : vector<1x16xf32> to vector<16xf32>
        %swap3A_1632 = vector.shape_cast %get3A_1626 : vector<16xf32> to vector<1x16xf32>
        tpu.vector_store %arg9[%swap3A_1628, %swap3A_1629], %swap3A_1632 {strides = array<i32>} : memref<16x512xf32, #tpu.memory_space<vmem>>, vector<1x16xf32>,
        %add3A_1633 = arith.addi %mul3A_2, %add3A_93 : i32
        %dma_start3A_1634 = arith.constant 0 : i32
        %dma_start3A_1635 = arith.constant 0 : i32
        %dma_start3A_1636 = tpu.memref_slice %arg6[%add3A_1633, %dma_start3A_1634, %dma_start3A_1635] : memref<4096x77x512xf32, #tpu.memory_space<hbm>> -> memref<1x16x512xf32, #tpu.memory_space<hbm>>
        %dma_start3A_1637 = tpu.memref_squeeze %dma_start3A_1636 : memref<1x16x512xf32, #tpu.memory_space<hbm>> -> memref<16x512xf32, #tpu.memory_space<hbm>>
        %dma_start3A_1638 = arith.constant 0 : i32
        %dma_start3A_1639 = arith.constant 0 : i32
        %dma_start3A_1640 = tpu.memref_slice %arg6[%add3A_1633, %dma_start3A_1638, %dma_start3A_1639] : memref<4096x77x512xf32, #tpu.memory_space<hbm>> -> memref<1x16x512xf32, #tpu.memory_space<hbm>>
        %dma_start3A_1641 = tpu.memref_squeeze %dma_start3A_1640 : memref<1x16x512xf32, #tpu.memory_space<hbm>> -> memref<16x512xf32, #tpu.memory_space<hbm>>
        tpu.enqueue_dma source(%arg9 : memref<16x512xf32, #tpu.memory_space<vmem>>) target(%dma_start3A_1641 : memref<16x512xf32, #tpu.memory_space<hbm>>) target_semaphore(%arg14 : memref<!tpu.dma_semaphore, #tpu.memory_space<semaphore_mem>>)
        %add3A_1642 = arith.addi %mul3A_2, %add3A_93 : i32
        %dma_start3A_1643 = arith.constant 16 : i32
        %dma_start3A_1644 = arith.constant 0 : i32
        %dma_start3A_1645 = tpu.memref_slice %arg6[%add3A_1642, %dma_start3A_1643, %dma_start3A_1644] : memref<4096x77x512xf32, #tpu.memory_space<hbm>> -> memref<1x61x512xf32, #tpu.memory_space<hbm>>
        %dma_start3A_1646 = tpu.memref_squeeze %dma_start3A_1645 : memref<1x61x512xf32, #tpu.memory_space<hbm>> -> memref<61x512xf32, #tpu.memory_space<hbm>>
        %dma_start3A_1647 = arith.constant 16 : i32
        %dma_start3A_1648 = arith.constant 0 : i32
        %dma_start3A_1649 = tpu.memref_slice %arg6[%add3A_1642, %dma_start3A_1647, %dma_start3A_1648] : memref<4096x77x512xf32, #tpu.memory_space<hbm>> -> memref<1x61x512xf32, #tpu.memory_space<hbm>>
        %dma_start3A_1650 = tpu.memref_squeeze %dma_start3A_1649 : memref<1x61x512xf32, #tpu.memory_space<hbm>> -> memref<61x512xf32, #tpu.memory_space<hbm>>
        tpu.enqueue_dma source(%arg11 : memref<61x512xf32, #tpu.memory_space<vmem>>) target(%dma_start3A_1650 : memref<61x512xf32, #tpu.memory_space<hbm>>) target_semaphore(%arg16 : memref<!tpu.dma_semaphore, #tpu.memory_space<semaphore_mem>>)
        %add3A_1651 = arith.constant 1 : i32
        %add3A_1652 = arith.addi %mul3A_88, %add3A_1651 : i32
        %mul3A_1653 = arith.constant 16 : i32
        %mul3A_1654 = arith.muli %scan3A_64, %mul3A_1653 : i32
        %add3A_1655 = arith.addi %mul3A_1654, %add3A_1652 : i32
        %eq3A_1656 = arith.constant 0 : i32
        %eq3A_1657 = arith.cmpi eq, %scan3A_64, %eq3A_1656 : i32
        %eq3A_1658 = arith.constant 0 : i32
        %eq3A_1659 = arith.cmpi eq, %scan3A_85, %eq3A_1658 : i32
        %and3A_1660 = arith.andi %eq3A_1657, %eq3A_1659 : i1
        %not3A_1661 = arith.constant true
        %not3A_1662 = arith.xori %and3A_1660, %not3A_1661 : i1
        %convert_element_type3A_1663 = arith.extui %not3A_1662 : i1 to i32
        %cond3A_1664 = arith.constant 0 : i32
        %cond3A_1665 = arith.cmpi ne, %convert_element_type3A_1663, %cond3A_1664 : i32
        scf.if %cond3A_1665 {
          %sub3A = arith.constant 2 : i32
          %sub3A_3221 = arith.subi %add3A_1655, %sub3A : i32
          %add3A_3222 = arith.addi %mul3A_2, %sub3A_3221 : i32
          %dma_wait3A_3223 = arith.constant 0 : i32
          %dma_wait3A_3224 = arith.constant 0 : i32
          %dma_wait3A_3225 = tpu.memref_slice %arg6[%add3A_3222, %dma_wait3A_3223, %dma_wait3A_3224] : memref<4096x77x512xf32, #tpu.memory_space<hbm>> -> memref<1x16x512xf32, #tpu.memory_space<hbm>>
          %dma_wait3A_3226 = tpu.memref_squeeze %dma_wait3A_3225 : memref<1x16x512xf32, #tpu.memory_space<hbm>> -> memref<16x512xf32, #tpu.memory_space<hbm>>
          %dma_wait3A_3227 = arith.constant 0 : i32
          %dma_wait3A_3228 = arith.constant 0 : i32
          %dma_wait3A_3229 = tpu.memref_slice %arg6[%add3A_3222, %dma_wait3A_3227, %dma_wait3A_3228] : memref<4096x77x512xf32, #tpu.memory_space<hbm>> -> memref<1x16x512xf32, #tpu.memory_space<hbm>>
          %dma_wait3A_3230 = tpu.memref_squeeze %dma_wait3A_3229 : memref<1x16x512xf32, #tpu.memory_space<hbm>> -> memref<16x512xf32, #tpu.memory_space<hbm>>
          tpu.wait_dma2 semaphore(%arg15 : memref<!tpu.dma_semaphore, #tpu.memory_space<semaphore_mem>>) src(%arg10 : memref<16x512xf32, #tpu.memory_space<vmem>>) dst(%dma_wait3A_3230 : memref<16x512xf32, #tpu.memory_space<hbm>>)
          %sub3A_3231 = arith.constant 2 : i32
          %sub3A_3232 = arith.subi %add3A_1655, %sub3A_3231 : i32
          %add3A_3233 = arith.addi %mul3A_2, %sub3A_3232 : i32
          %dma_wait3A_3234 = arith.constant 16 : i32
          %dma_wait3A_3235 = arith.constant 0 : i32
          %dma_wait3A_3236 = tpu.memref_slice %arg6[%add3A_3233, %dma_wait3A_3234, %dma_wait3A_3235] : memref<4096x77x512xf32, #tpu.memory_space<hbm>> -> memref<1x61x512xf32, #tpu.memory_space<hbm>>
          %dma_wait3A_3237 = tpu.memref_squeeze %dma_wait3A_3236 : memref<1x61x512xf32, #tpu.memory_space<hbm>> -> memref<61x512xf32, #tpu.memory_space<hbm>>
          %dma_wait3A_3238 = arith.constant 16 : i32
          %dma_wait3A_3239 = arith.constant 0 : i32
          %dma_wait3A_3240 = tpu.memref_slice %arg6[%add3A_3233, %dma_wait3A_3238, %dma_wait3A_3239] : memref<4096x77x512xf32, #tpu.memory_space<hbm>> -> memref<1x61x512xf32, #tpu.memory_space<hbm>>
          %dma_wait3A_3241 = tpu.memref_squeeze %dma_wait3A_3240 : memref<1x61x512xf32, #tpu.memory_space<hbm>> -> memref<61x512xf32, #tpu.memory_space<hbm>>
          tpu.wait_dma2 semaphore(%arg17 : memref<!tpu.dma_semaphore, #tpu.memory_space<semaphore_mem>>) src(%arg11 : memref<61x512xf32, #tpu.memory_space<vmem>>) dst(%dma_wait3A_3241 : memref<61x512xf32, #tpu.memory_space<hbm>>)
        } else {
        }
        %get3A_1666 = arith.constant 0 : i32
        %get3A_1667 = arith.index_cast %add3A_1652 : i32 to index
        %get3A_1668 = arith.index_cast %get3A_1666 : i32 to index
        %get3A_1669 = arith.constant 0 : index
        %get3A_1670 = tpu.vector_load %arg8[%get3A_1667, %get3A_1668, %get3A_1669] {strides = array<i32>} : memref<16x4x512xf32, #tpu.memory_space<vmem>>, vector<1x1x16xf32>,
        %get3A_1671 = vector.shape_cast %get3A_1670 : vector<1x1x16xf32> to vector<16xf32>
        %swap3A_1672 = arith.constant 5 : i32
        %swap3A_1673 = arith.index_cast %swap3A_1672 : i32 to index
        %swap3A_1674 = arith.constant 0 : index
        %swap3A_1675 = tpu.vector_load %arg10[%swap3A_1673, %swap3A_1674] {strides = array<i32>} : memref<16x512xf32, #tpu.memory_space<vmem>>, vector<1x16xf32>,
        %swap3A_1676 = vector.shape_cast %swap3A_1675 : vector<1x16xf32> to vector<16xf32>
        %swap3A_1677 = vector.shape_cast %get3A_1671 : vector<16xf32> to vector<1x16xf32>
        tpu.vector_store %arg10[%swap3A_1673, %swap3A_1674], %swap3A_1677 {strides = array<i32>} : memref<16x512xf32, #tpu.memory_space<vmem>>, vector<1x16xf32>,
        %get3A_1678 = arith.constant 0 : i32
        %get3A_1679 = arith.index_cast %add3A_1652 : i32 to index
        %get3A_1680 = arith.index_cast %get3A_1678 : i32 to index
        %get3A_1681 = arith.constant 16 : index
        %get3A_1682 = tpu.vector_load %arg8[%get3A_1679, %get3A_1680, %get3A_1681] {strides = array<i32>} : memref<16x4x512xf32, #tpu.memory_space<vmem>>, vector<1x1x16xf32>,
        %get3A_1683 = vector.shape_cast %get3A_1682 : vector<1x1x16xf32> to vector<16xf32>
        %swap3A_1684 = arith.constant 5 : i32
        %swap3A_1685 = arith.index_cast %swap3A_1684 : i32 to index
        %swap3A_1686 = arith.constant 16 : index
        %swap3A_1687 = tpu.vector_load %arg10[%swap3A_1685, %swap3A_1686] {strides = array<i32>} : memref<16x512xf32, #tpu.memory_space<vmem>>, vector<1x16xf32>,
        %swap3A_1688 = vector.shape_cast %swap3A_1687 : vector<1x16xf32> to vector<16xf32>
        %swap3A_1689 = vector.shape_cast %get3A_1683 : vector<16xf32> to vector<1x16xf32>
        tpu.vector_store %arg10[%swap3A_1685, %swap3A_1686], %swap3A_1689 {strides = array<i32>} : memref<16x512xf32, #tpu.memory_space<vmem>>, vector<1x16xf32>,
        %get3A_1690 = arith.constant 0 : i32
        %get3A_1691 = arith.index_cast %add3A_1652 : i32 to index
        %get3A_1692 = arith.index_cast %get3A_1690 : i32 to index
        %get3A_1693 = arith.constant 32 : index
        %get3A_1694 = tpu.vector_load %arg8[%get3A_1691, %get3A_1692, %get3A_1693] {strides = array<i32>} : memref<16x4x512xf32, #tpu.memory_space<vmem>>, vector<1x1x16xf32>,
        %get3A_1695 = vector.shape_cast %get3A_1694 : vector<1x1x16xf32> to vector<16xf32>
        %swap3A_1696 = arith.constant 5 : i32
        %swap3A_1697 = arith.index_cast %swap3A_1696 : i32 to index
        %swap3A_1698 = arith.constant 32 : index
        %swap3A_1699 = tpu.vector_load %arg10[%swap3A_1697, %swap3A_1698] {strides = array<i32>} : memref<16x512xf32, #tpu.memory_space<vmem>>, vector<1x16xf32>,
        %swap3A_1700 = vector.shape_cast %swap3A_1699 : vector<1x16xf32> to vector<16xf32>
        %swap3A_1701 = vector.shape_cast %get3A_1695 : vector<16xf32> to vector<1x16xf32>
        tpu.vector_store %arg10[%swap3A_1697, %swap3A_1698], %swap3A_1701 {strides = array<i32>} : memref<16x512xf32, #tpu.memory_space<vmem>>, vector<1x16xf32>,
        %get3A_1702 = arith.constant 0 : i32
        %get3A_1703 = arith.index_cast %add3A_1652 : i32 to index
        %get3A_1704 = arith.index_cast %get3A_1702 : i32 to index
        %get3A_1705 = arith.constant 48 : index
        %get3A_1706 = tpu.vector_load %arg8[%get3A_1703, %get3A_1704, %get3A_1705] {strides = array<i32>} : memref<16x4x512xf32, #tpu.memory_space<vmem>>, vector<1x1x16xf32>,
        %get3A_1707 = vector.shape_cast %get3A_1706 : vector<1x1x16xf32> to vector<16xf32>
        %swap3A_1708 = arith.constant 5 : i32
        %swap3A_1709 = arith.index_cast %swap3A_1708 : i32 to index
        %swap3A_1710 = arith.constant 48 : index
        %swap3A_1711 = tpu.vector_load %arg10[%swap3A_1709, %swap3A_1710] {strides = array<i32>} : memref<16x512xf32, #tpu.memory_space<vmem>>, vector<1x16xf32>,
        %swap3A_1712 = vector.shape_cast %swap3A_1711 : vector<1x16xf32> to vector<16xf32>
        %swap3A_1713 = vector.shape_cast %get3A_1707 : vector<16xf32> to vector<1x16xf32>
        tpu.vector_store %arg10[%swap3A_1709, %swap3A_1710], %swap3A_1713 {strides = array<i32>} : memref<16x512xf32, #tpu.memory_space<vmem>>, vector<1x16xf32>,
        %get3A_1714 = arith.constant 0 : i32
        %get3A_1715 = arith.index_cast %add3A_1652 : i32 to index
        %get3A_1716 = arith.index_cast %get3A_1714 : i32 to index
        %get3A_1717 = arith.constant 64 : index
        %get3A_1718 = tpu.vector_load %arg8[%get3A_1715, %get3A_1716, %get3A_1717] {strides = array<i32>} : memref<16x4x512xf32, #tpu.memory_space<vmem>>, vector<1x1x16xf32>,
        %get3A_1719 = vector.shape_cast %get3A_1718 : vector<1x1x16xf32> to vector<16xf32>
        %swap3A_1720 = arith.constant 5 : i32
        %swap3A_1721 = arith.index_cast %swap3A_1720 : i32 to index
        %swap3A_1722 = arith.constant 64 : index
        %swap3A_1723 = tpu.vector_load %arg10[%swap3A_1721, %swap3A_1722] {strides = array<i32>} : memref<16x512xf32, #tpu.memory_space<vmem>>, vector<1x16xf32>,
        %swap3A_1724 = vector.shape_cast %swap3A_1723 : vector<1x16xf32> to vector<16xf32>
        %swap3A_1725 = vector.shape_cast %get3A_1719 : vector<16xf32> to vector<1x16xf32>
        tpu.vector_store %arg10[%swap3A_1721, %swap3A_1722], %swap3A_1725 {strides = array<i32>} : memref<16x512xf32, #tpu.memory_space<vmem>>, vector<1x16xf32>,
        %get3A_1726 = arith.constant 0 : i32
        %get3A_1727 = arith.index_cast %add3A_1652 : i32 to index
        %get3A_1728 = arith.index_cast %get3A_1726 : i32 to index
        %get3A_1729 = arith.constant 80 : index
        %get3A_1730 = tpu.vector_load %arg8[%get3A_1727, %get3A_1728, %get3A_1729] {strides = array<i32>} : memref<16x4x512xf32, #tpu.memory_space<vmem>>, vector<1x1x16xf32>,
        %get3A_1731 = vector.shape_cast %get3A_1730 : vector<1x1x16xf32> to vector<16xf32>
        %swap3A_1732 = arith.constant 5 : i32
        %swap3A_1733 = arith.index_cast %swap3A_1732 : i32 to index
        %swap3A_1734 = arith.constant 80 : index
        %swap3A_1735 = tpu.vector_load %arg10[%swap3A_1733, %swap3A_1734] {strides = array<i32>} : memref<16x512xf32, #tpu.memory_space<vmem>>, vector<1x16xf32>,
        %swap3A_1736 = vector.shape_cast %swap3A_1735 : vector<1x16xf32> to vector<16xf32>
        %swap3A_1737 = vector.shape_cast %get3A_1731 : vector<16xf32> to vector<1x16xf32>
        tpu.vector_store %arg10[%swap3A_1733, %swap3A_1734], %swap3A_1737 {strides = array<i32>} : memref<16x512xf32, #tpu.memory_space<vmem>>, vector<1x16xf32>,
        %get3A_1738 = arith.constant 0 : i32
        %get3A_1739 = arith.index_cast %add3A_1652 : i32 to index
        %get3A_1740 = arith.index_cast %get3A_1738 : i32 to index
        %get3A_1741 = arith.constant 96 : index
        %get3A_1742 = tpu.vector_load %arg8[%get3A_1739, %get3A_1740, %get3A_1741] {strides = array<i32>} : memref<16x4x512xf32, #tpu.memory_space<vmem>>, vector<1x1x16xf32>,
        %get3A_1743 = vector.shape_cast %get3A_1742 : vector<1x1x16xf32> to vector<16xf32>
        %swap3A_1744 = arith.constant 5 : i32
        %swap3A_1745 = arith.index_cast %swap3A_1744 : i32 to index
        %swap3A_1746 = arith.constant 96 : index
        %swap3A_1747 = tpu.vector_load %arg10[%swap3A_1745, %swap3A_1746] {strides = array<i32>} : memref<16x512xf32, #tpu.memory_space<vmem>>, vector<1x16xf32>,
        %swap3A_1748 = vector.shape_cast %swap3A_1747 : vector<1x16xf32> to vector<16xf32>
        %swap3A_1749 = vector.shape_cast %get3A_1743 : vector<16xf32> to vector<1x16xf32>
        tpu.vector_store %arg10[%swap3A_1745, %swap3A_1746], %swap3A_1749 {strides = array<i32>} : memref<16x512xf32, #tpu.memory_space<vmem>>, vector<1x16xf32>,
        %get3A_1750 = arith.constant 0 : i32
        %get3A_1751 = arith.index_cast %add3A_1652 : i32 to index
        %get3A_1752 = arith.index_cast %get3A_1750 : i32 to index
        %get3A_1753 = arith.constant 112 : index
        %get3A_1754 = tpu.vector_load %arg8[%get3A_1751, %get3A_1752, %get3A_1753] {strides = array<i32>} : memref<16x4x512xf32, #tpu.memory_space<vmem>>, vector<1x1x16xf32>,
        %get3A_1755 = vector.shape_cast %get3A_1754 : vector<1x1x16xf32> to vector<16xf32>
        %swap3A_1756 = arith.constant 5 : i32
        %swap3A_1757 = arith.index_cast %swap3A_1756 : i32 to index
        %swap3A_1758 = arith.constant 112 : index
        %swap3A_1759 = tpu.vector_load %arg10[%swap3A_1757, %swap3A_1758] {strides = array<i32>} : memref<16x512xf32, #tpu.memory_space<vmem>>, vector<1x16xf32>,
        %swap3A_1760 = vector.shape_cast %swap3A_1759 : vector<1x16xf32> to vector<16xf32>
        %swap3A_1761 = vector.shape_cast %get3A_1755 : vector<16xf32> to vector<1x16xf32>
        tpu.vector_store %arg10[%swap3A_1757, %swap3A_1758], %swap3A_1761 {strides = array<i32>} : memref<16x512xf32, #tpu.memory_space<vmem>>, vector<1x16xf32>,
        %get3A_1762 = arith.constant 0 : i32
        %get3A_1763 = arith.index_cast %add3A_1652 : i32 to index
        %get3A_1764 = arith.index_cast %get3A_1762 : i32 to index
        %get3A_1765 = arith.constant 128 : index
        %get3A_1766 = tpu.vector_load %arg8[%get3A_1763, %get3A_1764, %get3A_1765] {strides = array<i32>} : memref<16x4x512xf32, #tpu.memory_space<vmem>>, vector<1x1x16xf32>,
        %get3A_1767 = vector.shape_cast %get3A_1766 : vector<1x1x16xf32> to vector<16xf32>
        %swap3A_1768 = arith.constant 5 : i32
        %swap3A_1769 = arith.index_cast %swap3A_1768 : i32 to index
        %swap3A_1770 = arith.constant 128 : index
        %swap3A_1771 = tpu.vector_load %arg10[%swap3A_1769, %swap3A_1770] {strides = array<i32>} : memref<16x512xf32, #tpu.memory_space<vmem>>, vector<1x16xf32>,
        %swap3A_1772 = vector.shape_cast %swap3A_1771 : vector<1x16xf32> to vector<16xf32>
        %swap3A_1773 = vector.shape_cast %get3A_1767 : vector<16xf32> to vector<1x16xf32>
        tpu.vector_store %arg10[%swap3A_1769, %swap3A_1770], %swap3A_1773 {strides = array<i32>} : memref<16x512xf32, #tpu.memory_space<vmem>>, vector<1x16xf32>,
        %get3A_1774 = arith.constant 0 : i32
        %get3A_1775 = arith.index_cast %add3A_1652 : i32 to index
        %get3A_1776 = arith.index_cast %get3A_1774 : i32 to index
        %get3A_1777 = arith.constant 144 : index
        %get3A_1778 = tpu.vector_load %arg8[%get3A_1775, %get3A_1776, %get3A_1777] {strides = array<i32>} : memref<16x4x512xf32, #tpu.memory_space<vmem>>, vector<1x1x16xf32>,
        %get3A_1779 = vector.shape_cast %get3A_1778 : vector<1x1x16xf32> to vector<16xf32>
        %swap3A_1780 = arith.constant 5 : i32
        %swap3A_1781 = arith.index_cast %swap3A_1780 : i32 to index
        %swap3A_1782 = arith.constant 144 : index
        %swap3A_1783 = tpu.vector_load %arg10[%swap3A_1781, %swap3A_1782] {strides = array<i32>} : memref<16x512xf32, #tpu.memory_space<vmem>>, vector<1x16xf32>,
        %swap3A_1784 = vector.shape_cast %swap3A_1783 : vector<1x16xf32> to vector<16xf32>
        %swap3A_1785 = vector.shape_cast %get3A_1779 : vector<16xf32> to vector<1x16xf32>
        tpu.vector_store %arg10[%swap3A_1781, %swap3A_1782], %swap3A_1785 {strides = array<i32>} : memref<16x512xf32, #tpu.memory_space<vmem>>, vector<1x16xf32>,
        %get3A_1786 = arith.constant 0 : i32
        %get3A_1787 = arith.index_cast %add3A_1652 : i32 to index
        %get3A_1788 = arith.index_cast %get3A_1786 : i32 to index
        %get3A_1789 = arith.constant 160 : index
        %get3A_1790 = tpu.vector_load %arg8[%get3A_1787, %get3A_1788, %get3A_1789] {strides = array<i32>} : memref<16x4x512xf32, #tpu.memory_space<vmem>>, vector<1x1x16xf32>,
        %get3A_1791 = vector.shape_cast %get3A_1790 : vector<1x1x16xf32> to vector<16xf32>
        %swap3A_1792 = arith.constant 5 : i32
        %swap3A_1793 = arith.index_cast %swap3A_1792 : i32 to index
        %swap3A_1794 = arith.constant 160 : index
        %swap3A_1795 = tpu.vector_load %arg10[%swap3A_1793, %swap3A_1794] {strides = array<i32>} : memref<16x512xf32, #tpu.memory_space<vmem>>, vector<1x16xf32>,
        %swap3A_1796 = vector.shape_cast %swap3A_1795 : vector<1x16xf32> to vector<16xf32>
        %swap3A_1797 = vector.shape_cast %get3A_1791 : vector<16xf32> to vector<1x16xf32>
        tpu.vector_store %arg10[%swap3A_1793, %swap3A_1794], %swap3A_1797 {strides = array<i32>} : memref<16x512xf32, #tpu.memory_space<vmem>>, vector<1x16xf32>,
        %get3A_1798 = arith.constant 0 : i32
        %get3A_1799 = arith.index_cast %add3A_1652 : i32 to index
        %get3A_1800 = arith.index_cast %get3A_1798 : i32 to index
        %get3A_1801 = arith.constant 176 : index
        %get3A_1802 = tpu.vector_load %arg8[%get3A_1799, %get3A_1800, %get3A_1801] {strides = array<i32>} : memref<16x4x512xf32, #tpu.memory_space<vmem>>, vector<1x1x16xf32>,
        %get3A_1803 = vector.shape_cast %get3A_1802 : vector<1x1x16xf32> to vector<16xf32>
        %swap3A_1804 = arith.constant 5 : i32
        %swap3A_1805 = arith.index_cast %swap3A_1804 : i32 to index
        %swap3A_1806 = arith.constant 176 : index
        %swap3A_1807 = tpu.vector_load %arg10[%swap3A_1805, %swap3A_1806] {strides = array<i32>} : memref<16x512xf32, #tpu.memory_space<vmem>>, vector<1x16xf32>,
        %swap3A_1808 = vector.shape_cast %swap3A_1807 : vector<1x16xf32> to vector<16xf32>
        %swap3A_1809 = vector.shape_cast %get3A_1803 : vector<16xf32> to vector<1x16xf32>
        tpu.vector_store %arg10[%swap3A_1805, %swap3A_1806], %swap3A_1809 {strides = array<i32>} : memref<16x512xf32, #tpu.memory_space<vmem>>, vector<1x16xf32>,
        %get3A_1810 = arith.constant 0 : i32
        %get3A_1811 = arith.index_cast %add3A_1652 : i32 to index
        %get3A_1812 = arith.index_cast %get3A_1810 : i32 to index
        %get3A_1813 = arith.constant 192 : index
        %get3A_1814 = tpu.vector_load %arg8[%get3A_1811, %get3A_1812, %get3A_1813] {strides = array<i32>} : memref<16x4x512xf32, #tpu.memory_space<vmem>>, vector<1x1x16xf32>,
        %get3A_1815 = vector.shape_cast %get3A_1814 : vector<1x1x16xf32> to vector<16xf32>
        %swap3A_1816 = arith.constant 5 : i32
        %swap3A_1817 = arith.index_cast %swap3A_1816 : i32 to index
        %swap3A_1818 = arith.constant 192 : index
        %swap3A_1819 = tpu.vector_load %arg10[%swap3A_1817, %swap3A_1818] {strides = array<i32>} : memref<16x512xf32, #tpu.memory_space<vmem>>, vector<1x16xf32>,
        %swap3A_1820 = vector.shape_cast %swap3A_1819 : vector<1x16xf32> to vector<16xf32>
        %swap3A_1821 = vector.shape_cast %get3A_1815 : vector<16xf32> to vector<1x16xf32>
        tpu.vector_store %arg10[%swap3A_1817, %swap3A_1818], %swap3A_1821 {strides = array<i32>} : memref<16x512xf32, #tpu.memory_space<vmem>>, vector<1x16xf32>,
        %get3A_1822 = arith.constant 0 : i32
        %get3A_1823 = arith.index_cast %add3A_1652 : i32 to index
        %get3A_1824 = arith.index_cast %get3A_1822 : i32 to index
        %get3A_1825 = arith.constant 208 : index
        %get3A_1826 = tpu.vector_load %arg8[%get3A_1823, %get3A_1824, %get3A_1825] {strides = array<i32>} : memref<16x4x512xf32, #tpu.memory_space<vmem>>, vector<1x1x16xf32>,
        %get3A_1827 = vector.shape_cast %get3A_1826 : vector<1x1x16xf32> to vector<16xf32>
        %swap3A_1828 = arith.constant 5 : i32
        %swap3A_1829 = arith.index_cast %swap3A_1828 : i32 to index
        %swap3A_1830 = arith.constant 208 : index
        %swap3A_1831 = tpu.vector_load %arg10[%swap3A_1829, %swap3A_1830] {strides = array<i32>} : memref<16x512xf32, #tpu.memory_space<vmem>>, vector<1x16xf32>,
        %swap3A_1832 = vector.shape_cast %swap3A_1831 : vector<1x16xf32> to vector<16xf32>
        %swap3A_1833 = vector.shape_cast %get3A_1827 : vector<16xf32> to vector<1x16xf32>
        tpu.vector_store %arg10[%swap3A_1829, %swap3A_1830], %swap3A_1833 {strides = array<i32>} : memref<16x512xf32, #tpu.memory_space<vmem>>, vector<1x16xf32>,
        %get3A_1834 = arith.constant 0 : i32
        %get3A_1835 = arith.index_cast %add3A_1652 : i32 to index
        %get3A_1836 = arith.index_cast %get3A_1834 : i32 to index
        %get3A_1837 = arith.constant 224 : index
        %get3A_1838 = tpu.vector_load %arg8[%get3A_1835, %get3A_1836, %get3A_1837] {strides = array<i32>} : memref<16x4x512xf32, #tpu.memory_space<vmem>>, vector<1x1x16xf32>,
        %get3A_1839 = vector.shape_cast %get3A_1838 : vector<1x1x16xf32> to vector<16xf32>
        %swap3A_1840 = arith.constant 5 : i32
        %swap3A_1841 = arith.index_cast %swap3A_1840 : i32 to index
        %swap3A_1842 = arith.constant 224 : index
        %swap3A_1843 = tpu.vector_load %arg10[%swap3A_1841, %swap3A_1842] {strides = array<i32>} : memref<16x512xf32, #tpu.memory_space<vmem>>, vector<1x16xf32>,
        %swap3A_1844 = vector.shape_cast %swap3A_1843 : vector<1x16xf32> to vector<16xf32>
        %swap3A_1845 = vector.shape_cast %get3A_1839 : vector<16xf32> to vector<1x16xf32>
        tpu.vector_store %arg10[%swap3A_1841, %swap3A_1842], %swap3A_1845 {strides = array<i32>} : memref<16x512xf32, #tpu.memory_space<vmem>>, vector<1x16xf32>,
        %get3A_1846 = arith.constant 0 : i32
        %get3A_1847 = arith.index_cast %add3A_1652 : i32 to index
        %get3A_1848 = arith.index_cast %get3A_1846 : i32 to index
        %get3A_1849 = arith.constant 240 : index
        %get3A_1850 = tpu.vector_load %arg8[%get3A_1847, %get3A_1848, %get3A_1849] {strides = array<i32>} : memref<16x4x512xf32, #tpu.memory_space<vmem>>, vector<1x1x16xf32>,
        %get3A_1851 = vector.shape_cast %get3A_1850 : vector<1x1x16xf32> to vector<16xf32>
        %swap3A_1852 = arith.constant 5 : i32
        %swap3A_1853 = arith.index_cast %swap3A_1852 : i32 to index
        %swap3A_1854 = arith.constant 240 : index
        %swap3A_1855 = tpu.vector_load %arg10[%swap3A_1853, %swap3A_1854] {strides = array<i32>} : memref<16x512xf32, #tpu.memory_space<vmem>>, vector<1x16xf32>,
        %swap3A_1856 = vector.shape_cast %swap3A_1855 : vector<1x16xf32> to vector<16xf32>
        %swap3A_1857 = vector.shape_cast %get3A_1851 : vector<16xf32> to vector<1x16xf32>
        tpu.vector_store %arg10[%swap3A_1853, %swap3A_1854], %swap3A_1857 {strides = array<i32>} : memref<16x512xf32, #tpu.memory_space<vmem>>, vector<1x16xf32>,
        %get3A_1858 = arith.constant 0 : i32
        %get3A_1859 = arith.index_cast %add3A_1652 : i32 to index
        %get3A_1860 = arith.index_cast %get3A_1858 : i32 to index
        %get3A_1861 = arith.constant 256 : index
        %get3A_1862 = tpu.vector_load %arg8[%get3A_1859, %get3A_1860, %get3A_1861] {strides = array<i32>} : memref<16x4x512xf32, #tpu.memory_space<vmem>>, vector<1x1x16xf32>,
        %get3A_1863 = vector.shape_cast %get3A_1862 : vector<1x1x16xf32> to vector<16xf32>
        %swap3A_1864 = arith.constant 5 : i32
        %swap3A_1865 = arith.index_cast %swap3A_1864 : i32 to index
        %swap3A_1866 = arith.constant 256 : index
        %swap3A_1867 = tpu.vector_load %arg10[%swap3A_1865, %swap3A_1866] {strides = array<i32>} : memref<16x512xf32, #tpu.memory_space<vmem>>, vector<1x16xf32>,
        %swap3A_1868 = vector.shape_cast %swap3A_1867 : vector<1x16xf32> to vector<16xf32>
        %swap3A_1869 = vector.shape_cast %get3A_1863 : vector<16xf32> to vector<1x16xf32>
        tpu.vector_store %arg10[%swap3A_1865, %swap3A_1866], %swap3A_1869 {strides = array<i32>} : memref<16x512xf32, #tpu.memory_space<vmem>>, vector<1x16xf32>,
        %get3A_1870 = arith.constant 0 : i32
        %get3A_1871 = arith.index_cast %add3A_1652 : i32 to index
        %get3A_1872 = arith.index_cast %get3A_1870 : i32 to index
        %get3A_1873 = arith.constant 272 : index
        %get3A_1874 = tpu.vector_load %arg8[%get3A_1871, %get3A_1872, %get3A_1873] {strides = array<i32>} : memref<16x4x512xf32, #tpu.memory_space<vmem>>, vector<1x1x16xf32>,
        %get3A_1875 = vector.shape_cast %get3A_1874 : vector<1x1x16xf32> to vector<16xf32>
        %swap3A_1876 = arith.constant 5 : i32
        %swap3A_1877 = arith.index_cast %swap3A_1876 : i32 to index
        %swap3A_1878 = arith.constant 272 : index
        %swap3A_1879 = tpu.vector_load %arg10[%swap3A_1877, %swap3A_1878] {strides = array<i32>} : memref<16x512xf32, #tpu.memory_space<vmem>>, vector<1x16xf32>,
        %swap3A_1880 = vector.shape_cast %swap3A_1879 : vector<1x16xf32> to vector<16xf32>
        %swap3A_1881 = vector.shape_cast %get3A_1875 : vector<16xf32> to vector<1x16xf32>
        tpu.vector_store %arg10[%swap3A_1877, %swap3A_1878], %swap3A_1881 {strides = array<i32>} : memref<16x512xf32, #tpu.memory_space<vmem>>, vector<1x16xf32>,
        %get3A_1882 = arith.constant 0 : i32
        %get3A_1883 = arith.index_cast %add3A_1652 : i32 to index
        %get3A_1884 = arith.index_cast %get3A_1882 : i32 to index
        %get3A_1885 = arith.constant 288 : index
        %get3A_1886 = tpu.vector_load %arg8[%get3A_1883, %get3A_1884, %get3A_1885] {strides = array<i32>} : memref<16x4x512xf32, #tpu.memory_space<vmem>>, vector<1x1x16xf32>,
        %get3A_1887 = vector.shape_cast %get3A_1886 : vector<1x1x16xf32> to vector<16xf32>
        %swap3A_1888 = arith.constant 5 : i32
        %swap3A_1889 = arith.index_cast %swap3A_1888 : i32 to index
        %swap3A_1890 = arith.constant 288 : index
        %swap3A_1891 = tpu.vector_load %arg10[%swap3A_1889, %swap3A_1890] {strides = array<i32>} : memref<16x512xf32, #tpu.memory_space<vmem>>, vector<1x16xf32>,
        %swap3A_1892 = vector.shape_cast %swap3A_1891 : vector<1x16xf32> to vector<16xf32>
        %swap3A_1893 = vector.shape_cast %get3A_1887 : vector<16xf32> to vector<1x16xf32>
        tpu.vector_store %arg10[%swap3A_1889, %swap3A_1890], %swap3A_1893 {strides = array<i32>} : memref<16x512xf32, #tpu.memory_space<vmem>>, vector<1x16xf32>,
        %get3A_1894 = arith.constant 0 : i32
        %get3A_1895 = arith.index_cast %add3A_1652 : i32 to index
        %get3A_1896 = arith.index_cast %get3A_1894 : i32 to index
        %get3A_1897 = arith.constant 304 : index
        %get3A_1898 = tpu.vector_load %arg8[%get3A_1895, %get3A_1896, %get3A_1897] {strides = array<i32>} : memref<16x4x512xf32, #tpu.memory_space<vmem>>, vector<1x1x16xf32>,
        %get3A_1899 = vector.shape_cast %get3A_1898 : vector<1x1x16xf32> to vector<16xf32>
        %swap3A_1900 = arith.constant 5 : i32
        %swap3A_1901 = arith.index_cast %swap3A_1900 : i32 to index
        %swap3A_1902 = arith.constant 304 : index
        %swap3A_1903 = tpu.vector_load %arg10[%swap3A_1901, %swap3A_1902] {strides = array<i32>} : memref<16x512xf32, #tpu.memory_space<vmem>>, vector<1x16xf32>,
        %swap3A_1904 = vector.shape_cast %swap3A_1903 : vector<1x16xf32> to vector<16xf32>
        %swap3A_1905 = vector.shape_cast %get3A_1899 : vector<16xf32> to vector<1x16xf32>
        tpu.vector_store %arg10[%swap3A_1901, %swap3A_1902], %swap3A_1905 {strides = array<i32>} : memref<16x512xf32, #tpu.memory_space<vmem>>, vector<1x16xf32>,
        %get3A_1906 = arith.constant 0 : i32
        %get3A_1907 = arith.index_cast %add3A_1652 : i32 to index
        %get3A_1908 = arith.index_cast %get3A_1906 : i32 to index
        %get3A_1909 = arith.constant 320 : index
        %get3A_1910 = tpu.vector_load %arg8[%get3A_1907, %get3A_1908, %get3A_1909] {strides = array<i32>} : memref<16x4x512xf32, #tpu.memory_space<vmem>>, vector<1x1x16xf32>,
        %get3A_1911 = vector.shape_cast %get3A_1910 : vector<1x1x16xf32> to vector<16xf32>
        %swap3A_1912 = arith.constant 5 : i32
        %swap3A_1913 = arith.index_cast %swap3A_1912 : i32 to index
        %swap3A_1914 = arith.constant 320 : index
        %swap3A_1915 = tpu.vector_load %arg10[%swap3A_1913, %swap3A_1914] {strides = array<i32>} : memref<16x512xf32, #tpu.memory_space<vmem>>, vector<1x16xf32>,
        %swap3A_1916 = vector.shape_cast %swap3A_1915 : vector<1x16xf32> to vector<16xf32>
        %swap3A_1917 = vector.shape_cast %get3A_1911 : vector<16xf32> to vector<1x16xf32>
        tpu.vector_store %arg10[%swap3A_1913, %swap3A_1914], %swap3A_1917 {strides = array<i32>} : memref<16x512xf32, #tpu.memory_space<vmem>>, vector<1x16xf32>,
        %get3A_1918 = arith.constant 0 : i32
        %get3A_1919 = arith.index_cast %add3A_1652 : i32 to index
        %get3A_1920 = arith.index_cast %get3A_1918 : i32 to index
        %get3A_1921 = arith.constant 336 : index
        %get3A_1922 = tpu.vector_load %arg8[%get3A_1919, %get3A_1920, %get3A_1921] {strides = array<i32>} : memref<16x4x512xf32, #tpu.memory_space<vmem>>, vector<1x1x16xf32>,
        %get3A_1923 = vector.shape_cast %get3A_1922 : vector<1x1x16xf32> to vector<16xf32>
        %swap3A_1924 = arith.constant 5 : i32
        %swap3A_1925 = arith.index_cast %swap3A_1924 : i32 to index
        %swap3A_1926 = arith.constant 336 : index
        %swap3A_1927 = tpu.vector_load %arg10[%swap3A_1925, %swap3A_1926] {strides = array<i32>} : memref<16x512xf32, #tpu.memory_space<vmem>>, vector<1x16xf32>,
        %swap3A_1928 = vector.shape_cast %swap3A_1927 : vector<1x16xf32> to vector<16xf32>
        %swap3A_1929 = vector.shape_cast %get3A_1923 : vector<16xf32> to vector<1x16xf32>
        tpu.vector_store %arg10[%swap3A_1925, %swap3A_1926], %swap3A_1929 {strides = array<i32>} : memref<16x512xf32, #tpu.memory_space<vmem>>, vector<1x16xf32>,
        %get3A_1930 = arith.constant 0 : i32
        %get3A_1931 = arith.index_cast %add3A_1652 : i32 to index
        %get3A_1932 = arith.index_cast %get3A_1930 : i32 to index
        %get3A_1933 = arith.constant 352 : index
        %get3A_1934 = tpu.vector_load %arg8[%get3A_1931, %get3A_1932, %get3A_1933] {strides = array<i32>} : memref<16x4x512xf32, #tpu.memory_space<vmem>>, vector<1x1x16xf32>,
        %get3A_1935 = vector.shape_cast %get3A_1934 : vector<1x1x16xf32> to vector<16xf32>
        %swap3A_1936 = arith.constant 5 : i32
        %swap3A_1937 = arith.index_cast %swap3A_1936 : i32 to index
        %swap3A_1938 = arith.constant 352 : index
        %swap3A_1939 = tpu.vector_load %arg10[%swap3A_1937, %swap3A_1938] {strides = array<i32>} : memref<16x512xf32, #tpu.memory_space<vmem>>, vector<1x16xf32>,
        %swap3A_1940 = vector.shape_cast %swap3A_1939 : vector<1x16xf32> to vector<16xf32>
        %swap3A_1941 = vector.shape_cast %get3A_1935 : vector<16xf32> to vector<1x16xf32>
        tpu.vector_store %arg10[%swap3A_1937, %swap3A_1938], %swap3A_1941 {strides = array<i32>} : memref<16x512xf32, #tpu.memory_space<vmem>>, vector<1x16xf32>,
        %get3A_1942 = arith.constant 0 : i32
        %get3A_1943 = arith.index_cast %add3A_1652 : i32 to index
        %get3A_1944 = arith.index_cast %get3A_1942 : i32 to index
        %get3A_1945 = arith.constant 368 : index
        %get3A_1946 = tpu.vector_load %arg8[%get3A_1943, %get3A_1944, %get3A_1945] {strides = array<i32>} : memref<16x4x512xf32, #tpu.memory_space<vmem>>, vector<1x1x16xf32>,
        %get3A_1947 = vector.shape_cast %get3A_1946 : vector<1x1x16xf32> to vector<16xf32>
        %swap3A_1948 = arith.constant 5 : i32
        %swap3A_1949 = arith.index_cast %swap3A_1948 : i32 to index
        %swap3A_1950 = arith.constant 368 : index
        %swap3A_1951 = tpu.vector_load %arg10[%swap3A_1949, %swap3A_1950] {strides = array<i32>} : memref<16x512xf32, #tpu.memory_space<vmem>>, vector<1x16xf32>,
        %swap3A_1952 = vector.shape_cast %swap3A_1951 : vector<1x16xf32> to vector<16xf32>
        %swap3A_1953 = vector.shape_cast %get3A_1947 : vector<16xf32> to vector<1x16xf32>
        tpu.vector_store %arg10[%swap3A_1949, %swap3A_1950], %swap3A_1953 {strides = array<i32>} : memref<16x512xf32, #tpu.memory_space<vmem>>, vector<1x16xf32>,
        %get3A_1954 = arith.constant 0 : i32
        %get3A_1955 = arith.index_cast %add3A_1652 : i32 to index
        %get3A_1956 = arith.index_cast %get3A_1954 : i32 to index
        %get3A_1957 = arith.constant 384 : index
        %get3A_1958 = tpu.vector_load %arg8[%get3A_1955, %get3A_1956, %get3A_1957] {strides = array<i32>} : memref<16x4x512xf32, #tpu.memory_space<vmem>>, vector<1x1x16xf32>,
        %get3A_1959 = vector.shape_cast %get3A_1958 : vector<1x1x16xf32> to vector<16xf32>
        %swap3A_1960 = arith.constant 5 : i32
        %swap3A_1961 = arith.index_cast %swap3A_1960 : i32 to index
        %swap3A_1962 = arith.constant 384 : index
        %swap3A_1963 = tpu.vector_load %arg10[%swap3A_1961, %swap3A_1962] {strides = array<i32>} : memref<16x512xf32, #tpu.memory_space<vmem>>, vector<1x16xf32>,
        %swap3A_1964 = vector.shape_cast %swap3A_1963 : vector<1x16xf32> to vector<16xf32>
        %swap3A_1965 = vector.shape_cast %get3A_1959 : vector<16xf32> to vector<1x16xf32>
        tpu.vector_store %arg10[%swap3A_1961, %swap3A_1962], %swap3A_1965 {strides = array<i32>} : memref<16x512xf32, #tpu.memory_space<vmem>>, vector<1x16xf32>,
        %get3A_1966 = arith.constant 0 : i32
        %get3A_1967 = arith.index_cast %add3A_1652 : i32 to index
        %get3A_1968 = arith.index_cast %get3A_1966 : i32 to index
        %get3A_1969 = arith.constant 400 : index
        %get3A_1970 = tpu.vector_load %arg8[%get3A_1967, %get3A_1968, %get3A_1969] {strides = array<i32>} : memref<16x4x512xf32, #tpu.memory_space<vmem>>, vector<1x1x16xf32>,
        %get3A_1971 = vector.shape_cast %get3A_1970 : vector<1x1x16xf32> to vector<16xf32>
        %swap3A_1972 = arith.constant 5 : i32
        %swap3A_1973 = arith.index_cast %swap3A_1972 : i32 to index
        %swap3A_1974 = arith.constant 400 : index
        %swap3A_1975 = tpu.vector_load %arg10[%swap3A_1973, %swap3A_1974] {strides = array<i32>} : memref<16x512xf32, #tpu.memory_space<vmem>>, vector<1x16xf32>,
        %swap3A_1976 = vector.shape_cast %swap3A_1975 : vector<1x16xf32> to vector<16xf32>
        %swap3A_1977 = vector.shape_cast %get3A_1971 : vector<16xf32> to vector<1x16xf32>
        tpu.vector_store %arg10[%swap3A_1973, %swap3A_1974], %swap3A_1977 {strides = array<i32>} : memref<16x512xf32, #tpu.memory_space<vmem>>, vector<1x16xf32>,
        %get3A_1978 = arith.constant 0 : i32
        %get3A_1979 = arith.index_cast %add3A_1652 : i32 to index
        %get3A_1980 = arith.index_cast %get3A_1978 : i32 to index
        %get3A_1981 = arith.constant 416 : index
        %get3A_1982 = tpu.vector_load %arg8[%get3A_1979, %get3A_1980, %get3A_1981] {strides = array<i32>} : memref<16x4x512xf32, #tpu.memory_space<vmem>>, vector<1x1x16xf32>,
        %get3A_1983 = vector.shape_cast %get3A_1982 : vector<1x1x16xf32> to vector<16xf32>
        %swap3A_1984 = arith.constant 5 : i32
        %swap3A_1985 = arith.index_cast %swap3A_1984 : i32 to index
        %swap3A_1986 = arith.constant 416 : index
        %swap3A_1987 = tpu.vector_load %arg10[%swap3A_1985, %swap3A_1986] {strides = array<i32>} : memref<16x512xf32, #tpu.memory_space<vmem>>, vector<1x16xf32>,
        %swap3A_1988 = vector.shape_cast %swap3A_1987 : vector<1x16xf32> to vector<16xf32>
        %swap3A_1989 = vector.shape_cast %get3A_1983 : vector<16xf32> to vector<1x16xf32>
        tpu.vector_store %arg10[%swap3A_1985, %swap3A_1986], %swap3A_1989 {strides = array<i32>} : memref<16x512xf32, #tpu.memory_space<vmem>>, vector<1x16xf32>,
        %get3A_1990 = arith.constant 0 : i32
        %get3A_1991 = arith.index_cast %add3A_1652 : i32 to index
        %get3A_1992 = arith.index_cast %get3A_1990 : i32 to index
        %get3A_1993 = arith.constant 432 : index
        %get3A_1994 = tpu.vector_load %arg8[%get3A_1991, %get3A_1992, %get3A_1993] {strides = array<i32>} : memref<16x4x512xf32, #tpu.memory_space<vmem>>, vector<1x1x16xf32>,
        %get3A_1995 = vector.shape_cast %get3A_1994 : vector<1x1x16xf32> to vector<16xf32>
        %swap3A_1996 = arith.constant 5 : i32
        %swap3A_1997 = arith.index_cast %swap3A_1996 : i32 to index
        %swap3A_1998 = arith.constant 432 : index
        %swap3A_1999 = tpu.vector_load %arg10[%swap3A_1997, %swap3A_1998] {strides = array<i32>} : memref<16x512xf32, #tpu.memory_space<vmem>>, vector<1x16xf32>,
        %swap3A_2000 = vector.shape_cast %swap3A_1999 : vector<1x16xf32> to vector<16xf32>
        %swap3A_2001 = vector.shape_cast %get3A_1995 : vector<16xf32> to vector<1x16xf32>
        tpu.vector_store %arg10[%swap3A_1997, %swap3A_1998], %swap3A_2001 {strides = array<i32>} : memref<16x512xf32, #tpu.memory_space<vmem>>, vector<1x16xf32>,
        %get3A_2002 = arith.constant 0 : i32
        %get3A_2003 = arith.index_cast %add3A_1652 : i32 to index
        %get3A_2004 = arith.index_cast %get3A_2002 : i32 to index
        %get3A_2005 = arith.constant 448 : index
        %get3A_2006 = tpu.vector_load %arg8[%get3A_2003, %get3A_2004, %get3A_2005] {strides = array<i32>} : memref<16x4x512xf32, #tpu.memory_space<vmem>>, vector<1x1x16xf32>,
        %get3A_2007 = vector.shape_cast %get3A_2006 : vector<1x1x16xf32> to vector<16xf32>
        %swap3A_2008 = arith.constant 5 : i32
        %swap3A_2009 = arith.index_cast %swap3A_2008 : i32 to index
        %swap3A_2010 = arith.constant 448 : index
        %swap3A_2011 = tpu.vector_load %arg10[%swap3A_2009, %swap3A_2010] {strides = array<i32>} : memref<16x512xf32, #tpu.memory_space<vmem>>, vector<1x16xf32>,
        %swap3A_2012 = vector.shape_cast %swap3A_2011 : vector<1x16xf32> to vector<16xf32>
        %swap3A_2013 = vector.shape_cast %get3A_2007 : vector<16xf32> to vector<1x16xf32>
        tpu.vector_store %arg10[%swap3A_2009, %swap3A_2010], %swap3A_2013 {strides = array<i32>} : memref<16x512xf32, #tpu.memory_space<vmem>>, vector<1x16xf32>,
        %get3A_2014 = arith.constant 0 : i32
        %get3A_2015 = arith.index_cast %add3A_1652 : i32 to index
        %get3A_2016 = arith.index_cast %get3A_2014 : i32 to index
        %get3A_2017 = arith.constant 464 : index
        %get3A_2018 = tpu.vector_load %arg8[%get3A_2015, %get3A_2016, %get3A_2017] {strides = array<i32>} : memref<16x4x512xf32, #tpu.memory_space<vmem>>, vector<1x1x16xf32>,
        %get3A_2019 = vector.shape_cast %get3A_2018 : vector<1x1x16xf32> to vector<16xf32>
        %swap3A_2020 = arith.constant 5 : i32
        %swap3A_2021 = arith.index_cast %swap3A_2020 : i32 to index
        %swap3A_2022 = arith.constant 464 : index
        %swap3A_2023 = tpu.vector_load %arg10[%swap3A_2021, %swap3A_2022] {strides = array<i32>} : memref<16x512xf32, #tpu.memory_space<vmem>>, vector<1x16xf32>,
        %swap3A_2024 = vector.shape_cast %swap3A_2023 : vector<1x16xf32> to vector<16xf32>
        %swap3A_2025 = vector.shape_cast %get3A_2019 : vector<16xf32> to vector<1x16xf32>
        tpu.vector_store %arg10[%swap3A_2021, %swap3A_2022], %swap3A_2025 {strides = array<i32>} : memref<16x512xf32, #tpu.memory_space<vmem>>, vector<1x16xf32>,
        %get3A_2026 = arith.constant 0 : i32
        %get3A_2027 = arith.index_cast %add3A_1652 : i32 to index
        %get3A_2028 = arith.index_cast %get3A_2026 : i32 to index
        %get3A_2029 = arith.constant 480 : index
        %get3A_2030 = tpu.vector_load %arg8[%get3A_2027, %get3A_2028, %get3A_2029] {strides = array<i32>} : memref<16x4x512xf32, #tpu.memory_space<vmem>>, vector<1x1x16xf32>,
        %get3A_2031 = vector.shape_cast %get3A_2030 : vector<1x1x16xf32> to vector<16xf32>
        %swap3A_2032 = arith.constant 5 : i32
        %swap3A_2033 = arith.index_cast %swap3A_2032 : i32 to index
        %swap3A_2034 = arith.constant 480 : index
        %swap3A_2035 = tpu.vector_load %arg10[%swap3A_2033, %swap3A_2034] {strides = array<i32>} : memref<16x512xf32, #tpu.memory_space<vmem>>, vector<1x16xf32>,
        %swap3A_2036 = vector.shape_cast %swap3A_2035 : vector<1x16xf32> to vector<16xf32>
        %swap3A_2037 = vector.shape_cast %get3A_2031 : vector<16xf32> to vector<1x16xf32>
        tpu.vector_store %arg10[%swap3A_2033, %swap3A_2034], %swap3A_2037 {strides = array<i32>} : memref<16x512xf32, #tpu.memory_space<vmem>>, vector<1x16xf32>,
        %get3A_2038 = arith.constant 0 : i32
        %get3A_2039 = arith.index_cast %add3A_1652 : i32 to index
        %get3A_2040 = arith.index_cast %get3A_2038 : i32 to index
        %get3A_2041 = arith.constant 496 : index
        %get3A_2042 = tpu.vector_load %arg8[%get3A_2039, %get3A_2040, %get3A_2041] {strides = array<i32>} : memref<16x4x512xf32, #tpu.memory_space<vmem>>, vector<1x1x16xf32>,
        %get3A_2043 = vector.shape_cast %get3A_2042 : vector<1x1x16xf32> to vector<16xf32>
        %swap3A_2044 = arith.constant 5 : i32
        %swap3A_2045 = arith.index_cast %swap3A_2044 : i32 to index
        %swap3A_2046 = arith.constant 496 : index
        %swap3A_2047 = tpu.vector_load %arg10[%swap3A_2045, %swap3A_2046] {strides = array<i32>} : memref<16x512xf32, #tpu.memory_space<vmem>>, vector<1x16xf32>,
        %swap3A_2048 = vector.shape_cast %swap3A_2047 : vector<1x16xf32> to vector<16xf32>
        %swap3A_2049 = vector.shape_cast %get3A_2043 : vector<16xf32> to vector<1x16xf32>
        tpu.vector_store %arg10[%swap3A_2045, %swap3A_2046], %swap3A_2049 {strides = array<i32>} : memref<16x512xf32, #tpu.memory_space<vmem>>, vector<1x16xf32>,
        %get3A_2050 = arith.constant 1 : i32
        %get3A_2051 = arith.index_cast %add3A_1652 : i32 to index
        %get3A_2052 = arith.index_cast %get3A_2050 : i32 to index
        %get3A_2053 = arith.constant 0 : index
        %get3A_2054 = tpu.vector_load %arg8[%get3A_2051, %get3A_2052, %get3A_2053] {strides = array<i32>} : memref<16x4x512xf32, #tpu.memory_space<vmem>>, vector<1x1x16xf32>,
        %get3A_2055 = vector.shape_cast %get3A_2054 : vector<1x1x16xf32> to vector<16xf32>
        %swap3A_2056 = arith.constant 6 : i32
        %swap3A_2057 = arith.index_cast %swap3A_2056 : i32 to index
        %swap3A_2058 = arith.constant 0 : index
        %swap3A_2059 = tpu.vector_load %arg10[%swap3A_2057, %swap3A_2058] {strides = array<i32>} : memref<16x512xf32, #tpu.memory_space<vmem>>, vector<1x16xf32>,
        %swap3A_2060 = vector.shape_cast %swap3A_2059 : vector<1x16xf32> to vector<16xf32>
        %swap3A_2061 = vector.shape_cast %get3A_2055 : vector<16xf32> to vector<1x16xf32>
        tpu.vector_store %arg10[%swap3A_2057, %swap3A_2058], %swap3A_2061 {strides = array<i32>} : memref<16x512xf32, #tpu.memory_space<vmem>>, vector<1x16xf32>,
        %get3A_2062 = arith.constant 1 : i32
        %get3A_2063 = arith.index_cast %add3A_1652 : i32 to index
        %get3A_2064 = arith.index_cast %get3A_2062 : i32 to index
        %get3A_2065 = arith.constant 16 : index
        %get3A_2066 = tpu.vector_load %arg8[%get3A_2063, %get3A_2064, %get3A_2065] {strides = array<i32>} : memref<16x4x512xf32, #tpu.memory_space<vmem>>, vector<1x1x16xf32>,
        %get3A_2067 = vector.shape_cast %get3A_2066 : vector<1x1x16xf32> to vector<16xf32>
        %swap3A_2068 = arith.constant 6 : i32
        %swap3A_2069 = arith.index_cast %swap3A_2068 : i32 to index
        %swap3A_2070 = arith.constant 16 : index
        %swap3A_2071 = tpu.vector_load %arg10[%swap3A_2069, %swap3A_2070] {strides = array<i32>} : memref<16x512xf32, #tpu.memory_space<vmem>>, vector<1x16xf32>,
        %swap3A_2072 = vector.shape_cast %swap3A_2071 : vector<1x16xf32> to vector<16xf32>
        %swap3A_2073 = vector.shape_cast %get3A_2067 : vector<16xf32> to vector<1x16xf32>
        tpu.vector_store %arg10[%swap3A_2069, %swap3A_2070], %swap3A_2073 {strides = array<i32>} : memref<16x512xf32, #tpu.memory_space<vmem>>, vector<1x16xf32>,
        %get3A_2074 = arith.constant 1 : i32
        %get3A_2075 = arith.index_cast %add3A_1652 : i32 to index
        %get3A_2076 = arith.index_cast %get3A_2074 : i32 to index
        %get3A_2077 = arith.constant 32 : index
        %get3A_2078 = tpu.vector_load %arg8[%get3A_2075, %get3A_2076, %get3A_2077] {strides = array<i32>} : memref<16x4x512xf32, #tpu.memory_space<vmem>>, vector<1x1x16xf32>,
        %get3A_2079 = vector.shape_cast %get3A_2078 : vector<1x1x16xf32> to vector<16xf32>
        %swap3A_2080 = arith.constant 6 : i32
        %swap3A_2081 = arith.index_cast %swap3A_2080 : i32 to index
        %swap3A_2082 = arith.constant 32 : index
        %swap3A_2083 = tpu.vector_load %arg10[%swap3A_2081, %swap3A_2082] {strides = array<i32>} : memref<16x512xf32, #tpu.memory_space<vmem>>, vector<1x16xf32>,
        %swap3A_2084 = vector.shape_cast %swap3A_2083 : vector<1x16xf32> to vector<16xf32>
        %swap3A_2085 = vector.shape_cast %get3A_2079 : vector<16xf32> to vector<1x16xf32>
        tpu.vector_store %arg10[%swap3A_2081, %swap3A_2082], %swap3A_2085 {strides = array<i32>} : memref<16x512xf32, #tpu.memory_space<vmem>>, vector<1x16xf32>,
        %get3A_2086 = arith.constant 1 : i32
        %get3A_2087 = arith.index_cast %add3A_1652 : i32 to index
        %get3A_2088 = arith.index_cast %get3A_2086 : i32 to index
        %get3A_2089 = arith.constant 48 : index
        %get3A_2090 = tpu.vector_load %arg8[%get3A_2087, %get3A_2088, %get3A_2089] {strides = array<i32>} : memref<16x4x512xf32, #tpu.memory_space<vmem>>, vector<1x1x16xf32>,
        %get3A_2091 = vector.shape_cast %get3A_2090 : vector<1x1x16xf32> to vector<16xf32>
        %swap3A_2092 = arith.constant 6 : i32
        %swap3A_2093 = arith.index_cast %swap3A_2092 : i32 to index
        %swap3A_2094 = arith.constant 48 : index
        %swap3A_2095 = tpu.vector_load %arg10[%swap3A_2093, %swap3A_2094] {strides = array<i32>} : memref<16x512xf32, #tpu.memory_space<vmem>>, vector<1x16xf32>,
        %swap3A_2096 = vector.shape_cast %swap3A_2095 : vector<1x16xf32> to vector<16xf32>
        %swap3A_2097 = vector.shape_cast %get3A_2091 : vector<16xf32> to vector<1x16xf32>
        tpu.vector_store %arg10[%swap3A_2093, %swap3A_2094], %swap3A_2097 {strides = array<i32>} : memref<16x512xf32, #tpu.memory_space<vmem>>, vector<1x16xf32>,
        %get3A_2098 = arith.constant 1 : i32
        %get3A_2099 = arith.index_cast %add3A_1652 : i32 to index
        %get3A_2100 = arith.index_cast %get3A_2098 : i32 to index
        %get3A_2101 = arith.constant 64 : index
        %get3A_2102 = tpu.vector_load %arg8[%get3A_2099, %get3A_2100, %get3A_2101] {strides = array<i32>} : memref<16x4x512xf32, #tpu.memory_space<vmem>>, vector<1x1x16xf32>,
        %get3A_2103 = vector.shape_cast %get3A_2102 : vector<1x1x16xf32> to vector<16xf32>
        %swap3A_2104 = arith.constant 6 : i32
        %swap3A_2105 = arith.index_cast %swap3A_2104 : i32 to index
        %swap3A_2106 = arith.constant 64 : index
        %swap3A_2107 = tpu.vector_load %arg10[%swap3A_2105, %swap3A_2106] {strides = array<i32>} : memref<16x512xf32, #tpu.memory_space<vmem>>, vector<1x16xf32>,
        %swap3A_2108 = vector.shape_cast %swap3A_2107 : vector<1x16xf32> to vector<16xf32>
        %swap3A_2109 = vector.shape_cast %get3A_2103 : vector<16xf32> to vector<1x16xf32>
        tpu.vector_store %arg10[%swap3A_2105, %swap3A_2106], %swap3A_2109 {strides = array<i32>} : memref<16x512xf32, #tpu.memory_space<vmem>>, vector<1x16xf32>,
        %get3A_2110 = arith.constant 1 : i32
        %get3A_2111 = arith.index_cast %add3A_1652 : i32 to index
        %get3A_2112 = arith.index_cast %get3A_2110 : i32 to index
        %get3A_2113 = arith.constant 80 : index
        %get3A_2114 = tpu.vector_load %arg8[%get3A_2111, %get3A_2112, %get3A_2113] {strides = array<i32>} : memref<16x4x512xf32, #tpu.memory_space<vmem>>, vector<1x1x16xf32>,
        %get3A_2115 = vector.shape_cast %get3A_2114 : vector<1x1x16xf32> to vector<16xf32>
        %swap3A_2116 = arith.constant 6 : i32
        %swap3A_2117 = arith.index_cast %swap3A_2116 : i32 to index
        %swap3A_2118 = arith.constant 80 : index
        %swap3A_2119 = tpu.vector_load %arg10[%swap3A_2117, %swap3A_2118] {strides = array<i32>} : memref<16x512xf32, #tpu.memory_space<vmem>>, vector<1x16xf32>,
        %swap3A_2120 = vector.shape_cast %swap3A_2119 : vector<1x16xf32> to vector<16xf32>
        %swap3A_2121 = vector.shape_cast %get3A_2115 : vector<16xf32> to vector<1x16xf32>
        tpu.vector_store %arg10[%swap3A_2117, %swap3A_2118], %swap3A_2121 {strides = array<i32>} : memref<16x512xf32, #tpu.memory_space<vmem>>, vector<1x16xf32>,
        %get3A_2122 = arith.constant 1 : i32
        %get3A_2123 = arith.index_cast %add3A_1652 : i32 to index
        %get3A_2124 = arith.index_cast %get3A_2122 : i32 to index
        %get3A_2125 = arith.constant 96 : index
        %get3A_2126 = tpu.vector_load %arg8[%get3A_2123, %get3A_2124, %get3A_2125] {strides = array<i32>} : memref<16x4x512xf32, #tpu.memory_space<vmem>>, vector<1x1x16xf32>,
        %get3A_2127 = vector.shape_cast %get3A_2126 : vector<1x1x16xf32> to vector<16xf32>
        %swap3A_2128 = arith.constant 6 : i32
        %swap3A_2129 = arith.index_cast %swap3A_2128 : i32 to index
        %swap3A_2130 = arith.constant 96 : index
        %swap3A_2131 = tpu.vector_load %arg10[%swap3A_2129, %swap3A_2130] {strides = array<i32>} : memref<16x512xf32, #tpu.memory_space<vmem>>, vector<1x16xf32>,
        %swap3A_2132 = vector.shape_cast %swap3A_2131 : vector<1x16xf32> to vector<16xf32>
        %swap3A_2133 = vector.shape_cast %get3A_2127 : vector<16xf32> to vector<1x16xf32>
        tpu.vector_store %arg10[%swap3A_2129, %swap3A_2130], %swap3A_2133 {strides = array<i32>} : memref<16x512xf32, #tpu.memory_space<vmem>>, vector<1x16xf32>,
        %get3A_2134 = arith.constant 1 : i32
        %get3A_2135 = arith.index_cast %add3A_1652 : i32 to index
        %get3A_2136 = arith.index_cast %get3A_2134 : i32 to index
        %get3A_2137 = arith.constant 112 : index
        %get3A_2138 = tpu.vector_load %arg8[%get3A_2135, %get3A_2136, %get3A_2137] {strides = array<i32>} : memref<16x4x512xf32, #tpu.memory_space<vmem>>, vector<1x1x16xf32>,
        %get3A_2139 = vector.shape_cast %get3A_2138 : vector<1x1x16xf32> to vector<16xf32>
        %swap3A_2140 = arith.constant 6 : i32
        %swap3A_2141 = arith.index_cast %swap3A_2140 : i32 to index
        %swap3A_2142 = arith.constant 112 : index
        %swap3A_2143 = tpu.vector_load %arg10[%swap3A_2141, %swap3A_2142] {strides = array<i32>} : memref<16x512xf32, #tpu.memory_space<vmem>>, vector<1x16xf32>,
        %swap3A_2144 = vector.shape_cast %swap3A_2143 : vector<1x16xf32> to vector<16xf32>
        %swap3A_2145 = vector.shape_cast %get3A_2139 : vector<16xf32> to vector<1x16xf32>
        tpu.vector_store %arg10[%swap3A_2141, %swap3A_2142], %swap3A_2145 {strides = array<i32>} : memref<16x512xf32, #tpu.memory_space<vmem>>, vector<1x16xf32>,
        %get3A_2146 = arith.constant 1 : i32
        %get3A_2147 = arith.index_cast %add3A_1652 : i32 to index
        %get3A_2148 = arith.index_cast %get3A_2146 : i32 to index
        %get3A_2149 = arith.constant 128 : index
        %get3A_2150 = tpu.vector_load %arg8[%get3A_2147, %get3A_2148, %get3A_2149] {strides = array<i32>} : memref<16x4x512xf32, #tpu.memory_space<vmem>>, vector<1x1x16xf32>,
        %get3A_2151 = vector.shape_cast %get3A_2150 : vector<1x1x16xf32> to vector<16xf32>
        %swap3A_2152 = arith.constant 6 : i32
        %swap3A_2153 = arith.index_cast %swap3A_2152 : i32 to index
        %swap3A_2154 = arith.constant 128 : index
        %swap3A_2155 = tpu.vector_load %arg10[%swap3A_2153, %swap3A_2154] {strides = array<i32>} : memref<16x512xf32, #tpu.memory_space<vmem>>, vector<1x16xf32>,
        %swap3A_2156 = vector.shape_cast %swap3A_2155 : vector<1x16xf32> to vector<16xf32>
        %swap3A_2157 = vector.shape_cast %get3A_2151 : vector<16xf32> to vector<1x16xf32>
        tpu.vector_store %arg10[%swap3A_2153, %swap3A_2154], %swap3A_2157 {strides = array<i32>} : memref<16x512xf32, #tpu.memory_space<vmem>>, vector<1x16xf32>,
        %get3A_2158 = arith.constant 1 : i32
        %get3A_2159 = arith.index_cast %add3A_1652 : i32 to index
        %get3A_2160 = arith.index_cast %get3A_2158 : i32 to index
        %get3A_2161 = arith.constant 144 : index
        %get3A_2162 = tpu.vector_load %arg8[%get3A_2159, %get3A_2160, %get3A_2161] {strides = array<i32>} : memref<16x4x512xf32, #tpu.memory_space<vmem>>, vector<1x1x16xf32>,
        %get3A_2163 = vector.shape_cast %get3A_2162 : vector<1x1x16xf32> to vector<16xf32>
        %swap3A_2164 = arith.constant 6 : i32
        %swap3A_2165 = arith.index_cast %swap3A_2164 : i32 to index
        %swap3A_2166 = arith.constant 144 : index
        %swap3A_2167 = tpu.vector_load %arg10[%swap3A_2165, %swap3A_2166] {strides = array<i32>} : memref<16x512xf32, #tpu.memory_space<vmem>>, vector<1x16xf32>,
        %swap3A_2168 = vector.shape_cast %swap3A_2167 : vector<1x16xf32> to vector<16xf32>
        %swap3A_2169 = vector.shape_cast %get3A_2163 : vector<16xf32> to vector<1x16xf32>
        tpu.vector_store %arg10[%swap3A_2165, %swap3A_2166], %swap3A_2169 {strides = array<i32>} : memref<16x512xf32, #tpu.memory_space<vmem>>, vector<1x16xf32>,
        %get3A_2170 = arith.constant 1 : i32
        %get3A_2171 = arith.index_cast %add3A_1652 : i32 to index
        %get3A_2172 = arith.index_cast %get3A_2170 : i32 to index
        %get3A_2173 = arith.constant 160 : index
        %get3A_2174 = tpu.vector_load %arg8[%get3A_2171, %get3A_2172, %get3A_2173] {strides = array<i32>} : memref<16x4x512xf32, #tpu.memory_space<vmem>>, vector<1x1x16xf32>,
        %get3A_2175 = vector.shape_cast %get3A_2174 : vector<1x1x16xf32> to vector<16xf32>
        %swap3A_2176 = arith.constant 6 : i32
        %swap3A_2177 = arith.index_cast %swap3A_2176 : i32 to index
        %swap3A_2178 = arith.constant 160 : index
        %swap3A_2179 = tpu.vector_load %arg10[%swap3A_2177, %swap3A_2178] {strides = array<i32>} : memref<16x512xf32, #tpu.memory_space<vmem>>, vector<1x16xf32>,
        %swap3A_2180 = vector.shape_cast %swap3A_2179 : vector<1x16xf32> to vector<16xf32>
        %swap3A_2181 = vector.shape_cast %get3A_2175 : vector<16xf32> to vector<1x16xf32>
        tpu.vector_store %arg10[%swap3A_2177, %swap3A_2178], %swap3A_2181 {strides = array<i32>} : memref<16x512xf32, #tpu.memory_space<vmem>>, vector<1x16xf32>,
        %get3A_2182 = arith.constant 1 : i32
        %get3A_2183 = arith.index_cast %add3A_1652 : i32 to index
        %get3A_2184 = arith.index_cast %get3A_2182 : i32 to index
        %get3A_2185 = arith.constant 176 : index
        %get3A_2186 = tpu.vector_load %arg8[%get3A_2183, %get3A_2184, %get3A_2185] {strides = array<i32>} : memref<16x4x512xf32, #tpu.memory_space<vmem>>, vector<1x1x16xf32>,
        %get3A_2187 = vector.shape_cast %get3A_2186 : vector<1x1x16xf32> to vector<16xf32>
        %swap3A_2188 = arith.constant 6 : i32
        %swap3A_2189 = arith.index_cast %swap3A_2188 : i32 to index
        %swap3A_2190 = arith.constant 176 : index
        %swap3A_2191 = tpu.vector_load %arg10[%swap3A_2189, %swap3A_2190] {strides = array<i32>} : memref<16x512xf32, #tpu.memory_space<vmem>>, vector<1x16xf32>,
        %swap3A_2192 = vector.shape_cast %swap3A_2191 : vector<1x16xf32> to vector<16xf32>
        %swap3A_2193 = vector.shape_cast %get3A_2187 : vector<16xf32> to vector<1x16xf32>
        tpu.vector_store %arg10[%swap3A_2189, %swap3A_2190], %swap3A_2193 {strides = array<i32>} : memref<16x512xf32, #tpu.memory_space<vmem>>, vector<1x16xf32>,
        %get3A_2194 = arith.constant 1 : i32
        %get3A_2195 = arith.index_cast %add3A_1652 : i32 to index
        %get3A_2196 = arith.index_cast %get3A_2194 : i32 to index
        %get3A_2197 = arith.constant 192 : index
        %get3A_2198 = tpu.vector_load %arg8[%get3A_2195, %get3A_2196, %get3A_2197] {strides = array<i32>} : memref<16x4x512xf32, #tpu.memory_space<vmem>>, vector<1x1x16xf32>,
        %get3A_2199 = vector.shape_cast %get3A_2198 : vector<1x1x16xf32> to vector<16xf32>
        %swap3A_2200 = arith.constant 6 : i32
        %swap3A_2201 = arith.index_cast %swap3A_2200 : i32 to index
        %swap3A_2202 = arith.constant 192 : index
        %swap3A_2203 = tpu.vector_load %arg10[%swap3A_2201, %swap3A_2202] {strides = array<i32>} : memref<16x512xf32, #tpu.memory_space<vmem>>, vector<1x16xf32>,
        %swap3A_2204 = vector.shape_cast %swap3A_2203 : vector<1x16xf32> to vector<16xf32>
        %swap3A_2205 = vector.shape_cast %get3A_2199 : vector<16xf32> to vector<1x16xf32>
        tpu.vector_store %arg10[%swap3A_2201, %swap3A_2202], %swap3A_2205 {strides = array<i32>} : memref<16x512xf32, #tpu.memory_space<vmem>>, vector<1x16xf32>,
        %get3A_2206 = arith.constant 1 : i32
        %get3A_2207 = arith.index_cast %add3A_1652 : i32 to index
        %get3A_2208 = arith.index_cast %get3A_2206 : i32 to index
        %get3A_2209 = arith.constant 208 : index
        %get3A_2210 = tpu.vector_load %arg8[%get3A_2207, %get3A_2208, %get3A_2209] {strides = array<i32>} : memref<16x4x512xf32, #tpu.memory_space<vmem>>, vector<1x1x16xf32>,
        %get3A_2211 = vector.shape_cast %get3A_2210 : vector<1x1x16xf32> to vector<16xf32>
        %swap3A_2212 = arith.constant 6 : i32
        %swap3A_2213 = arith.index_cast %swap3A_2212 : i32 to index
        %swap3A_2214 = arith.constant 208 : index
        %swap3A_2215 = tpu.vector_load %arg10[%swap3A_2213, %swap3A_2214] {strides = array<i32>} : memref<16x512xf32, #tpu.memory_space<vmem>>, vector<1x16xf32>,
        %swap3A_2216 = vector.shape_cast %swap3A_2215 : vector<1x16xf32> to vector<16xf32>
        %swap3A_2217 = vector.shape_cast %get3A_2211 : vector<16xf32> to vector<1x16xf32>
        tpu.vector_store %arg10[%swap3A_2213, %swap3A_2214], %swap3A_2217 {strides = array<i32>} : memref<16x512xf32, #tpu.memory_space<vmem>>, vector<1x16xf32>,
        %get3A_2218 = arith.constant 1 : i32
        %get3A_2219 = arith.index_cast %add3A_1652 : i32 to index
        %get3A_2220 = arith.index_cast %get3A_2218 : i32 to index
        %get3A_2221 = arith.constant 224 : index
        %get3A_2222 = tpu.vector_load %arg8[%get3A_2219, %get3A_2220, %get3A_2221] {strides = array<i32>} : memref<16x4x512xf32, #tpu.memory_space<vmem>>, vector<1x1x16xf32>,
        %get3A_2223 = vector.shape_cast %get3A_2222 : vector<1x1x16xf32> to vector<16xf32>
        %swap3A_2224 = arith.constant 6 : i32
        %swap3A_2225 = arith.index_cast %swap3A_2224 : i32 to index
        %swap3A_2226 = arith.constant 224 : index
        %swap3A_2227 = tpu.vector_load %arg10[%swap3A_2225, %swap3A_2226] {strides = array<i32>} : memref<16x512xf32, #tpu.memory_space<vmem>>, vector<1x16xf32>,
        %swap3A_2228 = vector.shape_cast %swap3A_2227 : vector<1x16xf32> to vector<16xf32>
        %swap3A_2229 = vector.shape_cast %get3A_2223 : vector<16xf32> to vector<1x16xf32>
        tpu.vector_store %arg10[%swap3A_2225, %swap3A_2226], %swap3A_2229 {strides = array<i32>} : memref<16x512xf32, #tpu.memory_space<vmem>>, vector<1x16xf32>,
        %get3A_2230 = arith.constant 1 : i32
        %get3A_2231 = arith.index_cast %add3A_1652 : i32 to index
        %get3A_2232 = arith.index_cast %get3A_2230 : i32 to index
        %get3A_2233 = arith.constant 240 : index
        %get3A_2234 = tpu.vector_load %arg8[%get3A_2231, %get3A_2232, %get3A_2233] {strides = array<i32>} : memref<16x4x512xf32, #tpu.memory_space<vmem>>, vector<1x1x16xf32>,
        %get3A_2235 = vector.shape_cast %get3A_2234 : vector<1x1x16xf32> to vector<16xf32>
        %swap3A_2236 = arith.constant 6 : i32
        %swap3A_2237 = arith.index_cast %swap3A_2236 : i32 to index
        %swap3A_2238 = arith.constant 240 : index
        %swap3A_2239 = tpu.vector_load %arg10[%swap3A_2237, %swap3A_2238] {strides = array<i32>} : memref<16x512xf32, #tpu.memory_space<vmem>>, vector<1x16xf32>,
        %swap3A_2240 = vector.shape_cast %swap3A_2239 : vector<1x16xf32> to vector<16xf32>
        %swap3A_2241 = vector.shape_cast %get3A_2235 : vector<16xf32> to vector<1x16xf32>
        tpu.vector_store %arg10[%swap3A_2237, %swap3A_2238], %swap3A_2241 {strides = array<i32>} : memref<16x512xf32, #tpu.memory_space<vmem>>, vector<1x16xf32>,
        %get3A_2242 = arith.constant 1 : i32
        %get3A_2243 = arith.index_cast %add3A_1652 : i32 to index
        %get3A_2244 = arith.index_cast %get3A_2242 : i32 to index
        %get3A_2245 = arith.constant 256 : index
        %get3A_2246 = tpu.vector_load %arg8[%get3A_2243, %get3A_2244, %get3A_2245] {strides = array<i32>} : memref<16x4x512xf32, #tpu.memory_space<vmem>>, vector<1x1x16xf32>,
        %get3A_2247 = vector.shape_cast %get3A_2246 : vector<1x1x16xf32> to vector<16xf32>
        %swap3A_2248 = arith.constant 6 : i32
        %swap3A_2249 = arith.index_cast %swap3A_2248 : i32 to index
        %swap3A_2250 = arith.constant 256 : index
        %swap3A_2251 = tpu.vector_load %arg10[%swap3A_2249, %swap3A_2250] {strides = array<i32>} : memref<16x512xf32, #tpu.memory_space<vmem>>, vector<1x16xf32>,
        %swap3A_2252 = vector.shape_cast %swap3A_2251 : vector<1x16xf32> to vector<16xf32>
        %swap3A_2253 = vector.shape_cast %get3A_2247 : vector<16xf32> to vector<1x16xf32>
        tpu.vector_store %arg10[%swap3A_2249, %swap3A_2250], %swap3A_2253 {strides = array<i32>} : memref<16x512xf32, #tpu.memory_space<vmem>>, vector<1x16xf32>,
        %get3A_2254 = arith.constant 1 : i32
        %get3A_2255 = arith.index_cast %add3A_1652 : i32 to index
        %get3A_2256 = arith.index_cast %get3A_2254 : i32 to index
        %get3A_2257 = arith.constant 272 : index
        %get3A_2258 = tpu.vector_load %arg8[%get3A_2255, %get3A_2256, %get3A_2257] {strides = array<i32>} : memref<16x4x512xf32, #tpu.memory_space<vmem>>, vector<1x1x16xf32>,
        %get3A_2259 = vector.shape_cast %get3A_2258 : vector<1x1x16xf32> to vector<16xf32>
        %swap3A_2260 = arith.constant 6 : i32
        %swap3A_2261 = arith.index_cast %swap3A_2260 : i32 to index
        %swap3A_2262 = arith.constant 272 : index
        %swap3A_2263 = tpu.vector_load %arg10[%swap3A_2261, %swap3A_2262] {strides = array<i32>} : memref<16x512xf32, #tpu.memory_space<vmem>>, vector<1x16xf32>,
        %swap3A_2264 = vector.shape_cast %swap3A_2263 : vector<1x16xf32> to vector<16xf32>
        %swap3A_2265 = vector.shape_cast %get3A_2259 : vector<16xf32> to vector<1x16xf32>
        tpu.vector_store %arg10[%swap3A_2261, %swap3A_2262], %swap3A_2265 {strides = array<i32>} : memref<16x512xf32, #tpu.memory_space<vmem>>, vector<1x16xf32>,
        %get3A_2266 = arith.constant 1 : i32
        %get3A_2267 = arith.index_cast %add3A_1652 : i32 to index
        %get3A_2268 = arith.index_cast %get3A_2266 : i32 to index
        %get3A_2269 = arith.constant 288 : index
        %get3A_2270 = tpu.vector_load %arg8[%get3A_2267, %get3A_2268, %get3A_2269] {strides = array<i32>} : memref<16x4x512xf32, #tpu.memory_space<vmem>>, vector<1x1x16xf32>,
        %get3A_2271 = vector.shape_cast %get3A_2270 : vector<1x1x16xf32> to vector<16xf32>
        %swap3A_2272 = arith.constant 6 : i32
        %swap3A_2273 = arith.index_cast %swap3A_2272 : i32 to index
        %swap3A_2274 = arith.constant 288 : index
        %swap3A_2275 = tpu.vector_load %arg10[%swap3A_2273, %swap3A_2274] {strides = array<i32>} : memref<16x512xf32, #tpu.memory_space<vmem>>, vector<1x16xf32>,
        %swap3A_2276 = vector.shape_cast %swap3A_2275 : vector<1x16xf32> to vector<16xf32>
        %swap3A_2277 = vector.shape_cast %get3A_2271 : vector<16xf32> to vector<1x16xf32>
        tpu.vector_store %arg10[%swap3A_2273, %swap3A_2274], %swap3A_2277 {strides = array<i32>} : memref<16x512xf32, #tpu.memory_space<vmem>>, vector<1x16xf32>,
        %get3A_2278 = arith.constant 1 : i32
        %get3A_2279 = arith.index_cast %add3A_1652 : i32 to index
        %get3A_2280 = arith.index_cast %get3A_2278 : i32 to index
        %get3A_2281 = arith.constant 304 : index
        %get3A_2282 = tpu.vector_load %arg8[%get3A_2279, %get3A_2280, %get3A_2281] {strides = array<i32>} : memref<16x4x512xf32, #tpu.memory_space<vmem>>, vector<1x1x16xf32>,
        %get3A_2283 = vector.shape_cast %get3A_2282 : vector<1x1x16xf32> to vector<16xf32>
        %swap3A_2284 = arith.constant 6 : i32
        %swap3A_2285 = arith.index_cast %swap3A_2284 : i32 to index
        %swap3A_2286 = arith.constant 304 : index
        %swap3A_2287 = tpu.vector_load %arg10[%swap3A_2285, %swap3A_2286] {strides = array<i32>} : memref<16x512xf32, #tpu.memory_space<vmem>>, vector<1x16xf32>,
        %swap3A_2288 = vector.shape_cast %swap3A_2287 : vector<1x16xf32> to vector<16xf32>
        %swap3A_2289 = vector.shape_cast %get3A_2283 : vector<16xf32> to vector<1x16xf32>
        tpu.vector_store %arg10[%swap3A_2285, %swap3A_2286], %swap3A_2289 {strides = array<i32>} : memref<16x512xf32, #tpu.memory_space<vmem>>, vector<1x16xf32>,
        %get3A_2290 = arith.constant 1 : i32
        %get3A_2291 = arith.index_cast %add3A_1652 : i32 to index
        %get3A_2292 = arith.index_cast %get3A_2290 : i32 to index
        %get3A_2293 = arith.constant 320 : index
        %get3A_2294 = tpu.vector_load %arg8[%get3A_2291, %get3A_2292, %get3A_2293] {strides = array<i32>} : memref<16x4x512xf32, #tpu.memory_space<vmem>>, vector<1x1x16xf32>,
        %get3A_2295 = vector.shape_cast %get3A_2294 : vector<1x1x16xf32> to vector<16xf32>
        %swap3A_2296 = arith.constant 6 : i32
        %swap3A_2297 = arith.index_cast %swap3A_2296 : i32 to index
        %swap3A_2298 = arith.constant 320 : index
        %swap3A_2299 = tpu.vector_load %arg10[%swap3A_2297, %swap3A_2298] {strides = array<i32>} : memref<16x512xf32, #tpu.memory_space<vmem>>, vector<1x16xf32>,
        %swap3A_2300 = vector.shape_cast %swap3A_2299 : vector<1x16xf32> to vector<16xf32>
        %swap3A_2301 = vector.shape_cast %get3A_2295 : vector<16xf32> to vector<1x16xf32>
        tpu.vector_store %arg10[%swap3A_2297, %swap3A_2298], %swap3A_2301 {strides = array<i32>} : memref<16x512xf32, #tpu.memory_space<vmem>>, vector<1x16xf32>,
        %get3A_2302 = arith.constant 1 : i32
        %get3A_2303 = arith.index_cast %add3A_1652 : i32 to index
        %get3A_2304 = arith.index_cast %get3A_2302 : i32 to index
        %get3A_2305 = arith.constant 336 : index
        %get3A_2306 = tpu.vector_load %arg8[%get3A_2303, %get3A_2304, %get3A_2305] {strides = array<i32>} : memref<16x4x512xf32, #tpu.memory_space<vmem>>, vector<1x1x16xf32>,
        %get3A_2307 = vector.shape_cast %get3A_2306 : vector<1x1x16xf32> to vector<16xf32>
        %swap3A_2308 = arith.constant 6 : i32
        %swap3A_2309 = arith.index_cast %swap3A_2308 : i32 to index
        %swap3A_2310 = arith.constant 336 : index
        %swap3A_2311 = tpu.vector_load %arg10[%swap3A_2309, %swap3A_2310] {strides = array<i32>} : memref<16x512xf32, #tpu.memory_space<vmem>>, vector<1x16xf32>,
        %swap3A_2312 = vector.shape_cast %swap3A_2311 : vector<1x16xf32> to vector<16xf32>
        %swap3A_2313 = vector.shape_cast %get3A_2307 : vector<16xf32> to vector<1x16xf32>
        tpu.vector_store %arg10[%swap3A_2309, %swap3A_2310], %swap3A_2313 {strides = array<i32>} : memref<16x512xf32, #tpu.memory_space<vmem>>, vector<1x16xf32>,
        %get3A_2314 = arith.constant 1 : i32
        %get3A_2315 = arith.index_cast %add3A_1652 : i32 to index
        %get3A_2316 = arith.index_cast %get3A_2314 : i32 to index
        %get3A_2317 = arith.constant 352 : index
        %get3A_2318 = tpu.vector_load %arg8[%get3A_2315, %get3A_2316, %get3A_2317] {strides = array<i32>} : memref<16x4x512xf32, #tpu.memory_space<vmem>>, vector<1x1x16xf32>,
        %get3A_2319 = vector.shape_cast %get3A_2318 : vector<1x1x16xf32> to vector<16xf32>
        %swap3A_2320 = arith.constant 6 : i32
        %swap3A_2321 = arith.index_cast %swap3A_2320 : i32 to index
        %swap3A_2322 = arith.constant 352 : index
        %swap3A_2323 = tpu.vector_load %arg10[%swap3A_2321, %swap3A_2322] {strides = array<i32>} : memref<16x512xf32, #tpu.memory_space<vmem>>, vector<1x16xf32>,
        %swap3A_2324 = vector.shape_cast %swap3A_2323 : vector<1x16xf32> to vector<16xf32>
        %swap3A_2325 = vector.shape_cast %get3A_2319 : vector<16xf32> to vector<1x16xf32>
        tpu.vector_store %arg10[%swap3A_2321, %swap3A_2322], %swap3A_2325 {strides = array<i32>} : memref<16x512xf32, #tpu.memory_space<vmem>>, vector<1x16xf32>,
        %get3A_2326 = arith.constant 1 : i32
        %get3A_2327 = arith.index_cast %add3A_1652 : i32 to index
        %get3A_2328 = arith.index_cast %get3A_2326 : i32 to index
        %get3A_2329 = arith.constant 368 : index
        %get3A_2330 = tpu.vector_load %arg8[%get3A_2327, %get3A_2328, %get3A_2329] {strides = array<i32>} : memref<16x4x512xf32, #tpu.memory_space<vmem>>, vector<1x1x16xf32>,
        %get3A_2331 = vector.shape_cast %get3A_2330 : vector<1x1x16xf32> to vector<16xf32>
        %swap3A_2332 = arith.constant 6 : i32
        %swap3A_2333 = arith.index_cast %swap3A_2332 : i32 to index
        %swap3A_2334 = arith.constant 368 : index
        %swap3A_2335 = tpu.vector_load %arg10[%swap3A_2333, %swap3A_2334] {strides = array<i32>} : memref<16x512xf32, #tpu.memory_space<vmem>>, vector<1x16xf32>,
        %swap3A_2336 = vector.shape_cast %swap3A_2335 : vector<1x16xf32> to vector<16xf32>
        %swap3A_2337 = vector.shape_cast %get3A_2331 : vector<16xf32> to vector<1x16xf32>
        tpu.vector_store %arg10[%swap3A_2333, %swap3A_2334], %swap3A_2337 {strides = array<i32>} : memref<16x512xf32, #tpu.memory_space<vmem>>, vector<1x16xf32>,
        %get3A_2338 = arith.constant 1 : i32
        %get3A_2339 = arith.index_cast %add3A_1652 : i32 to index
        %get3A_2340 = arith.index_cast %get3A_2338 : i32 to index
        %get3A_2341 = arith.constant 384 : index
        %get3A_2342 = tpu.vector_load %arg8[%get3A_2339, %get3A_2340, %get3A_2341] {strides = array<i32>} : memref<16x4x512xf32, #tpu.memory_space<vmem>>, vector<1x1x16xf32>,
        %get3A_2343 = vector.shape_cast %get3A_2342 : vector<1x1x16xf32> to vector<16xf32>
        %swap3A_2344 = arith.constant 6 : i32
        %swap3A_2345 = arith.index_cast %swap3A_2344 : i32 to index
        %swap3A_2346 = arith.constant 384 : index
        %swap3A_2347 = tpu.vector_load %arg10[%swap3A_2345, %swap3A_2346] {strides = array<i32>} : memref<16x512xf32, #tpu.memory_space<vmem>>, vector<1x16xf32>,
        %swap3A_2348 = vector.shape_cast %swap3A_2347 : vector<1x16xf32> to vector<16xf32>
        %swap3A_2349 = vector.shape_cast %get3A_2343 : vector<16xf32> to vector<1x16xf32>
        tpu.vector_store %arg10[%swap3A_2345, %swap3A_2346], %swap3A_2349 {strides = array<i32>} : memref<16x512xf32, #tpu.memory_space<vmem>>, vector<1x16xf32>,
        %get3A_2350 = arith.constant 1 : i32
        %get3A_2351 = arith.index_cast %add3A_1652 : i32 to index
        %get3A_2352 = arith.index_cast %get3A_2350 : i32 to index
        %get3A_2353 = arith.constant 400 : index
        %get3A_2354 = tpu.vector_load %arg8[%get3A_2351, %get3A_2352, %get3A_2353] {strides = array<i32>} : memref<16x4x512xf32, #tpu.memory_space<vmem>>, vector<1x1x16xf32>,
        %get3A_2355 = vector.shape_cast %get3A_2354 : vector<1x1x16xf32> to vector<16xf32>
        %swap3A_2356 = arith.constant 6 : i32
        %swap3A_2357 = arith.index_cast %swap3A_2356 : i32 to index
        %swap3A_2358 = arith.constant 400 : index
        %swap3A_2359 = tpu.vector_load %arg10[%swap3A_2357, %swap3A_2358] {strides = array<i32>} : memref<16x512xf32, #tpu.memory_space<vmem>>, vector<1x16xf32>,
        %swap3A_2360 = vector.shape_cast %swap3A_2359 : vector<1x16xf32> to vector<16xf32>
        %swap3A_2361 = vector.shape_cast %get3A_2355 : vector<16xf32> to vector<1x16xf32>
        tpu.vector_store %arg10[%swap3A_2357, %swap3A_2358], %swap3A_2361 {strides = array<i32>} : memref<16x512xf32, #tpu.memory_space<vmem>>, vector<1x16xf32>,
        %get3A_2362 = arith.constant 1 : i32
        %get3A_2363 = arith.index_cast %add3A_1652 : i32 to index
        %get3A_2364 = arith.index_cast %get3A_2362 : i32 to index
        %get3A_2365 = arith.constant 416 : index
        %get3A_2366 = tpu.vector_load %arg8[%get3A_2363, %get3A_2364, %get3A_2365] {strides = array<i32>} : memref<16x4x512xf32, #tpu.memory_space<vmem>>, vector<1x1x16xf32>,
        %get3A_2367 = vector.shape_cast %get3A_2366 : vector<1x1x16xf32> to vector<16xf32>
        %swap3A_2368 = arith.constant 6 : i32
        %swap3A_2369 = arith.index_cast %swap3A_2368 : i32 to index
        %swap3A_2370 = arith.constant 416 : index
        %swap3A_2371 = tpu.vector_load %arg10[%swap3A_2369, %swap3A_2370] {strides = array<i32>} : memref<16x512xf32, #tpu.memory_space<vmem>>, vector<1x16xf32>,
        %swap3A_2372 = vector.shape_cast %swap3A_2371 : vector<1x16xf32> to vector<16xf32>
        %swap3A_2373 = vector.shape_cast %get3A_2367 : vector<16xf32> to vector<1x16xf32>
        tpu.vector_store %arg10[%swap3A_2369, %swap3A_2370], %swap3A_2373 {strides = array<i32>} : memref<16x512xf32, #tpu.memory_space<vmem>>, vector<1x16xf32>,
        %get3A_2374 = arith.constant 1 : i32
        %get3A_2375 = arith.index_cast %add3A_1652 : i32 to index
        %get3A_2376 = arith.index_cast %get3A_2374 : i32 to index
        %get3A_2377 = arith.constant 432 : index
        %get3A_2378 = tpu.vector_load %arg8[%get3A_2375, %get3A_2376, %get3A_2377] {strides = array<i32>} : memref<16x4x512xf32, #tpu.memory_space<vmem>>, vector<1x1x16xf32>,
        %get3A_2379 = vector.shape_cast %get3A_2378 : vector<1x1x16xf32> to vector<16xf32>
        %swap3A_2380 = arith.constant 6 : i32
        %swap3A_2381 = arith.index_cast %swap3A_2380 : i32 to index
        %swap3A_2382 = arith.constant 432 : index
        %swap3A_2383 = tpu.vector_load %arg10[%swap3A_2381, %swap3A_2382] {strides = array<i32>} : memref<16x512xf32, #tpu.memory_space<vmem>>, vector<1x16xf32>,
        %swap3A_2384 = vector.shape_cast %swap3A_2383 : vector<1x16xf32> to vector<16xf32>
        %swap3A_2385 = vector.shape_cast %get3A_2379 : vector<16xf32> to vector<1x16xf32>
        tpu.vector_store %arg10[%swap3A_2381, %swap3A_2382], %swap3A_2385 {strides = array<i32>} : memref<16x512xf32, #tpu.memory_space<vmem>>, vector<1x16xf32>,
        %get3A_2386 = arith.constant 1 : i32
        %get3A_2387 = arith.index_cast %add3A_1652 : i32 to index
        %get3A_2388 = arith.index_cast %get3A_2386 : i32 to index
        %get3A_2389 = arith.constant 448 : index
        %get3A_2390 = tpu.vector_load %arg8[%get3A_2387, %get3A_2388, %get3A_2389] {strides = array<i32>} : memref<16x4x512xf32, #tpu.memory_space<vmem>>, vector<1x1x16xf32>,
        %get3A_2391 = vector.shape_cast %get3A_2390 : vector<1x1x16xf32> to vector<16xf32>
        %swap3A_2392 = arith.constant 6 : i32
        %swap3A_2393 = arith.index_cast %swap3A_2392 : i32 to index
        %swap3A_2394 = arith.constant 448 : index
        %swap3A_2395 = tpu.vector_load %arg10[%swap3A_2393, %swap3A_2394] {strides = array<i32>} : memref<16x512xf32, #tpu.memory_space<vmem>>, vector<1x16xf32>,
        %swap3A_2396 = vector.shape_cast %swap3A_2395 : vector<1x16xf32> to vector<16xf32>
        %swap3A_2397 = vector.shape_cast %get3A_2391 : vector<16xf32> to vector<1x16xf32>
        tpu.vector_store %arg10[%swap3A_2393, %swap3A_2394], %swap3A_2397 {strides = array<i32>} : memref<16x512xf32, #tpu.memory_space<vmem>>, vector<1x16xf32>,
        %get3A_2398 = arith.constant 1 : i32
        %get3A_2399 = arith.index_cast %add3A_1652 : i32 to index
        %get3A_2400 = arith.index_cast %get3A_2398 : i32 to index
        %get3A_2401 = arith.constant 464 : index
        %get3A_2402 = tpu.vector_load %arg8[%get3A_2399, %get3A_2400, %get3A_2401] {strides = array<i32>} : memref<16x4x512xf32, #tpu.memory_space<vmem>>, vector<1x1x16xf32>,
        %get3A_2403 = vector.shape_cast %get3A_2402 : vector<1x1x16xf32> to vector<16xf32>
        %swap3A_2404 = arith.constant 6 : i32
        %swap3A_2405 = arith.index_cast %swap3A_2404 : i32 to index
        %swap3A_2406 = arith.constant 464 : index
        %swap3A_2407 = tpu.vector_load %arg10[%swap3A_2405, %swap3A_2406] {strides = array<i32>} : memref<16x512xf32, #tpu.memory_space<vmem>>, vector<1x16xf32>,
        %swap3A_2408 = vector.shape_cast %swap3A_2407 : vector<1x16xf32> to vector<16xf32>
        %swap3A_2409 = vector.shape_cast %get3A_2403 : vector<16xf32> to vector<1x16xf32>
        tpu.vector_store %arg10[%swap3A_2405, %swap3A_2406], %swap3A_2409 {strides = array<i32>} : memref<16x512xf32, #tpu.memory_space<vmem>>, vector<1x16xf32>,
        %get3A_2410 = arith.constant 1 : i32
        %get3A_2411 = arith.index_cast %add3A_1652 : i32 to index
        %get3A_2412 = arith.index_cast %get3A_2410 : i32 to index
        %get3A_2413 = arith.constant 480 : index
        %get3A_2414 = tpu.vector_load %arg8[%get3A_2411, %get3A_2412, %get3A_2413] {strides = array<i32>} : memref<16x4x512xf32, #tpu.memory_space<vmem>>, vector<1x1x16xf32>,
        %get3A_2415 = vector.shape_cast %get3A_2414 : vector<1x1x16xf32> to vector<16xf32>
        %swap3A_2416 = arith.constant 6 : i32
        %swap3A_2417 = arith.index_cast %swap3A_2416 : i32 to index
        %swap3A_2418 = arith.constant 480 : index
        %swap3A_2419 = tpu.vector_load %arg10[%swap3A_2417, %swap3A_2418] {strides = array<i32>} : memref<16x512xf32, #tpu.memory_space<vmem>>, vector<1x16xf32>,
        %swap3A_2420 = vector.shape_cast %swap3A_2419 : vector<1x16xf32> to vector<16xf32>
        %swap3A_2421 = vector.shape_cast %get3A_2415 : vector<16xf32> to vector<1x16xf32>
        tpu.vector_store %arg10[%swap3A_2417, %swap3A_2418], %swap3A_2421 {strides = array<i32>} : memref<16x512xf32, #tpu.memory_space<vmem>>, vector<1x16xf32>,
        %get3A_2422 = arith.constant 1 : i32
        %get3A_2423 = arith.index_cast %add3A_1652 : i32 to index
        %get3A_2424 = arith.index_cast %get3A_2422 : i32 to index
        %get3A_2425 = arith.constant 496 : index
        %get3A_2426 = tpu.vector_load %arg8[%get3A_2423, %get3A_2424, %get3A_2425] {strides = array<i32>} : memref<16x4x512xf32, #tpu.memory_space<vmem>>, vector<1x1x16xf32>,
        %get3A_2427 = vector.shape_cast %get3A_2426 : vector<1x1x16xf32> to vector<16xf32>
        %swap3A_2428 = arith.constant 6 : i32
        %swap3A_2429 = arith.index_cast %swap3A_2428 : i32 to index
        %swap3A_2430 = arith.constant 496 : index
        %swap3A_2431 = tpu.vector_load %arg10[%swap3A_2429, %swap3A_2430] {strides = array<i32>} : memref<16x512xf32, #tpu.memory_space<vmem>>, vector<1x16xf32>,
        %swap3A_2432 = vector.shape_cast %swap3A_2431 : vector<1x16xf32> to vector<16xf32>
        %swap3A_2433 = vector.shape_cast %get3A_2427 : vector<16xf32> to vector<1x16xf32>
        tpu.vector_store %arg10[%swap3A_2429, %swap3A_2430], %swap3A_2433 {strides = array<i32>} : memref<16x512xf32, #tpu.memory_space<vmem>>, vector<1x16xf32>,
        %get3A_2434 = arith.constant 2 : i32
        %get3A_2435 = arith.index_cast %add3A_1652 : i32 to index
        %get3A_2436 = arith.index_cast %get3A_2434 : i32 to index
        %get3A_2437 = arith.constant 0 : index
        %get3A_2438 = tpu.vector_load %arg8[%get3A_2435, %get3A_2436, %get3A_2437] {strides = array<i32>} : memref<16x4x512xf32, #tpu.memory_space<vmem>>, vector<1x1x16xf32>,
        %get3A_2439 = vector.shape_cast %get3A_2438 : vector<1x1x16xf32> to vector<16xf32>
        %swap3A_2440 = arith.constant 7 : i32
        %swap3A_2441 = arith.index_cast %swap3A_2440 : i32 to index
        %swap3A_2442 = arith.constant 0 : index
        %swap3A_2443 = tpu.vector_load %arg10[%swap3A_2441, %swap3A_2442] {strides = array<i32>} : memref<16x512xf32, #tpu.memory_space<vmem>>, vector<1x16xf32>,
        %swap3A_2444 = vector.shape_cast %swap3A_2443 : vector<1x16xf32> to vector<16xf32>
        %swap3A_2445 = vector.shape_cast %get3A_2439 : vector<16xf32> to vector<1x16xf32>
        tpu.vector_store %arg10[%swap3A_2441, %swap3A_2442], %swap3A_2445 {strides = array<i32>} : memref<16x512xf32, #tpu.memory_space<vmem>>, vector<1x16xf32>,
        %get3A_2446 = arith.constant 2 : i32
        %get3A_2447 = arith.index_cast %add3A_1652 : i32 to index
        %get3A_2448 = arith.index_cast %get3A_2446 : i32 to index
        %get3A_2449 = arith.constant 16 : index
        %get3A_2450 = tpu.vector_load %arg8[%get3A_2447, %get3A_2448, %get3A_2449] {strides = array<i32>} : memref<16x4x512xf32, #tpu.memory_space<vmem>>, vector<1x1x16xf32>,
        %get3A_2451 = vector.shape_cast %get3A_2450 : vector<1x1x16xf32> to vector<16xf32>
        %swap3A_2452 = arith.constant 7 : i32
        %swap3A_2453 = arith.index_cast %swap3A_2452 : i32 to index
        %swap3A_2454 = arith.constant 16 : index
        %swap3A_2455 = tpu.vector_load %arg10[%swap3A_2453, %swap3A_2454] {strides = array<i32>} : memref<16x512xf32, #tpu.memory_space<vmem>>, vector<1x16xf32>,
        %swap3A_2456 = vector.shape_cast %swap3A_2455 : vector<1x16xf32> to vector<16xf32>
        %swap3A_2457 = vector.shape_cast %get3A_2451 : vector<16xf32> to vector<1x16xf32>
        tpu.vector_store %arg10[%swap3A_2453, %swap3A_2454], %swap3A_2457 {strides = array<i32>} : memref<16x512xf32, #tpu.memory_space<vmem>>, vector<1x16xf32>,
        %get3A_2458 = arith.constant 2 : i32
        %get3A_2459 = arith.index_cast %add3A_1652 : i32 to index
        %get3A_2460 = arith.index_cast %get3A_2458 : i32 to index
        %get3A_2461 = arith.constant 32 : index
        %get3A_2462 = tpu.vector_load %arg8[%get3A_2459, %get3A_2460, %get3A_2461] {strides = array<i32>} : memref<16x4x512xf32, #tpu.memory_space<vmem>>, vector<1x1x16xf32>,
        %get3A_2463 = vector.shape_cast %get3A_2462 : vector<1x1x16xf32> to vector<16xf32>
        %swap3A_2464 = arith.constant 7 : i32
        %swap3A_2465 = arith.index_cast %swap3A_2464 : i32 to index
        %swap3A_2466 = arith.constant 32 : index
        %swap3A_2467 = tpu.vector_load %arg10[%swap3A_2465, %swap3A_2466] {strides = array<i32>} : memref<16x512xf32, #tpu.memory_space<vmem>>, vector<1x16xf32>,
        %swap3A_2468 = vector.shape_cast %swap3A_2467 : vector<1x16xf32> to vector<16xf32>
        %swap3A_2469 = vector.shape_cast %get3A_2463 : vector<16xf32> to vector<1x16xf32>
        tpu.vector_store %arg10[%swap3A_2465, %swap3A_2466], %swap3A_2469 {strides = array<i32>} : memref<16x512xf32, #tpu.memory_space<vmem>>, vector<1x16xf32>,
        %get3A_2470 = arith.constant 2 : i32
        %get3A_2471 = arith.index_cast %add3A_1652 : i32 to index
        %get3A_2472 = arith.index_cast %get3A_2470 : i32 to index
        %get3A_2473 = arith.constant 48 : index
        %get3A_2474 = tpu.vector_load %arg8[%get3A_2471, %get3A_2472, %get3A_2473] {strides = array<i32>} : memref<16x4x512xf32, #tpu.memory_space<vmem>>, vector<1x1x16xf32>,
        %get3A_2475 = vector.shape_cast %get3A_2474 : vector<1x1x16xf32> to vector<16xf32>
        %swap3A_2476 = arith.constant 7 : i32
        %swap3A_2477 = arith.index_cast %swap3A_2476 : i32 to index
        %swap3A_2478 = arith.constant 48 : index
        %swap3A_2479 = tpu.vector_load %arg10[%swap3A_2477, %swap3A_2478] {strides = array<i32>} : memref<16x512xf32, #tpu.memory_space<vmem>>, vector<1x16xf32>,
        %swap3A_2480 = vector.shape_cast %swap3A_2479 : vector<1x16xf32> to vector<16xf32>
        %swap3A_2481 = vector.shape_cast %get3A_2475 : vector<16xf32> to vector<1x16xf32>
        tpu.vector_store %arg10[%swap3A_2477, %swap3A_2478], %swap3A_2481 {strides = array<i32>} : memref<16x512xf32, #tpu.memory_space<vmem>>, vector<1x16xf32>,
        %get3A_2482 = arith.constant 2 : i32
        %get3A_2483 = arith.index_cast %add3A_1652 : i32 to index
        %get3A_2484 = arith.index_cast %get3A_2482 : i32 to index
        %get3A_2485 = arith.constant 64 : index
        %get3A_2486 = tpu.vector_load %arg8[%get3A_2483, %get3A_2484, %get3A_2485] {strides = array<i32>} : memref<16x4x512xf32, #tpu.memory_space<vmem>>, vector<1x1x16xf32>,
        %get3A_2487 = vector.shape_cast %get3A_2486 : vector<1x1x16xf32> to vector<16xf32>
        %swap3A_2488 = arith.constant 7 : i32
        %swap3A_2489 = arith.index_cast %swap3A_2488 : i32 to index
        %swap3A_2490 = arith.constant 64 : index
        %swap3A_2491 = tpu.vector_load %arg10[%swap3A_2489, %swap3A_2490] {strides = array<i32>} : memref<16x512xf32, #tpu.memory_space<vmem>>, vector<1x16xf32>,
        %swap3A_2492 = vector.shape_cast %swap3A_2491 : vector<1x16xf32> to vector<16xf32>
        %swap3A_2493 = vector.shape_cast %get3A_2487 : vector<16xf32> to vector<1x16xf32>
        tpu.vector_store %arg10[%swap3A_2489, %swap3A_2490], %swap3A_2493 {strides = array<i32>} : memref<16x512xf32, #tpu.memory_space<vmem>>, vector<1x16xf32>,
        %get3A_2494 = arith.constant 2 : i32
        %get3A_2495 = arith.index_cast %add3A_1652 : i32 to index
        %get3A_2496 = arith.index_cast %get3A_2494 : i32 to index
        %get3A_2497 = arith.constant 80 : index
        %get3A_2498 = tpu.vector_load %arg8[%get3A_2495, %get3A_2496, %get3A_2497] {strides = array<i32>} : memref<16x4x512xf32, #tpu.memory_space<vmem>>, vector<1x1x16xf32>,
        %get3A_2499 = vector.shape_cast %get3A_2498 : vector<1x1x16xf32> to vector<16xf32>
        %swap3A_2500 = arith.constant 7 : i32
        %swap3A_2501 = arith.index_cast %swap3A_2500 : i32 to index
        %swap3A_2502 = arith.constant 80 : index
        %swap3A_2503 = tpu.vector_load %arg10[%swap3A_2501, %swap3A_2502] {strides = array<i32>} : memref<16x512xf32, #tpu.memory_space<vmem>>, vector<1x16xf32>,
        %swap3A_2504 = vector.shape_cast %swap3A_2503 : vector<1x16xf32> to vector<16xf32>
        %swap3A_2505 = vector.shape_cast %get3A_2499 : vector<16xf32> to vector<1x16xf32>
        tpu.vector_store %arg10[%swap3A_2501, %swap3A_2502], %swap3A_2505 {strides = array<i32>} : memref<16x512xf32, #tpu.memory_space<vmem>>, vector<1x16xf32>,
        %get3A_2506 = arith.constant 2 : i32
        %get3A_2507 = arith.index_cast %add3A_1652 : i32 to index
        %get3A_2508 = arith.index_cast %get3A_2506 : i32 to index
        %get3A_2509 = arith.constant 96 : index
        %get3A_2510 = tpu.vector_load %arg8[%get3A_2507, %get3A_2508, %get3A_2509] {strides = array<i32>} : memref<16x4x512xf32, #tpu.memory_space<vmem>>, vector<1x1x16xf32>,
        %get3A_2511 = vector.shape_cast %get3A_2510 : vector<1x1x16xf32> to vector<16xf32>
        %swap3A_2512 = arith.constant 7 : i32
        %swap3A_2513 = arith.index_cast %swap3A_2512 : i32 to index
        %swap3A_2514 = arith.constant 96 : index
        %swap3A_2515 = tpu.vector_load %arg10[%swap3A_2513, %swap3A_2514] {strides = array<i32>} : memref<16x512xf32, #tpu.memory_space<vmem>>, vector<1x16xf32>,
        %swap3A_2516 = vector.shape_cast %swap3A_2515 : vector<1x16xf32> to vector<16xf32>
        %swap3A_2517 = vector.shape_cast %get3A_2511 : vector<16xf32> to vector<1x16xf32>
        tpu.vector_store %arg10[%swap3A_2513, %swap3A_2514], %swap3A_2517 {strides = array<i32>} : memref<16x512xf32, #tpu.memory_space<vmem>>, vector<1x16xf32>,
        %get3A_2518 = arith.constant 2 : i32
        %get3A_2519 = arith.index_cast %add3A_1652 : i32 to index
        %get3A_2520 = arith.index_cast %get3A_2518 : i32 to index
        %get3A_2521 = arith.constant 112 : index
        %get3A_2522 = tpu.vector_load %arg8[%get3A_2519, %get3A_2520, %get3A_2521] {strides = array<i32>} : memref<16x4x512xf32, #tpu.memory_space<vmem>>, vector<1x1x16xf32>,
        %get3A_2523 = vector.shape_cast %get3A_2522 : vector<1x1x16xf32> to vector<16xf32>
        %swap3A_2524 = arith.constant 7 : i32
        %swap3A_2525 = arith.index_cast %swap3A_2524 : i32 to index
        %swap3A_2526 = arith.constant 112 : index
        %swap3A_2527 = tpu.vector_load %arg10[%swap3A_2525, %swap3A_2526] {strides = array<i32>} : memref<16x512xf32, #tpu.memory_space<vmem>>, vector<1x16xf32>,
        %swap3A_2528 = vector.shape_cast %swap3A_2527 : vector<1x16xf32> to vector<16xf32>
        %swap3A_2529 = vector.shape_cast %get3A_2523 : vector<16xf32> to vector<1x16xf32>
        tpu.vector_store %arg10[%swap3A_2525, %swap3A_2526], %swap3A_2529 {strides = array<i32>} : memref<16x512xf32, #tpu.memory_space<vmem>>, vector<1x16xf32>,
        %get3A_2530 = arith.constant 2 : i32
        %get3A_2531 = arith.index_cast %add3A_1652 : i32 to index
        %get3A_2532 = arith.index_cast %get3A_2530 : i32 to index
        %get3A_2533 = arith.constant 128 : index
        %get3A_2534 = tpu.vector_load %arg8[%get3A_2531, %get3A_2532, %get3A_2533] {strides = array<i32>} : memref<16x4x512xf32, #tpu.memory_space<vmem>>, vector<1x1x16xf32>,
        %get3A_2535 = vector.shape_cast %get3A_2534 : vector<1x1x16xf32> to vector<16xf32>
        %swap3A_2536 = arith.constant 7 : i32
        %swap3A_2537 = arith.index_cast %swap3A_2536 : i32 to index
        %swap3A_2538 = arith.constant 128 : index
        %swap3A_2539 = tpu.vector_load %arg10[%swap3A_2537, %swap3A_2538] {strides = array<i32>} : memref<16x512xf32, #tpu.memory_space<vmem>>, vector<1x16xf32>,
        %swap3A_2540 = vector.shape_cast %swap3A_2539 : vector<1x16xf32> to vector<16xf32>
        %swap3A_2541 = vector.shape_cast %get3A_2535 : vector<16xf32> to vector<1x16xf32>
        tpu.vector_store %arg10[%swap3A_2537, %swap3A_2538], %swap3A_2541 {strides = array<i32>} : memref<16x512xf32, #tpu.memory_space<vmem>>, vector<1x16xf32>,
        %get3A_2542 = arith.constant 2 : i32
        %get3A_2543 = arith.index_cast %add3A_1652 : i32 to index
        %get3A_2544 = arith.index_cast %get3A_2542 : i32 to index
        %get3A_2545 = arith.constant 144 : index
        %get3A_2546 = tpu.vector_load %arg8[%get3A_2543, %get3A_2544, %get3A_2545] {strides = array<i32>} : memref<16x4x512xf32, #tpu.memory_space<vmem>>, vector<1x1x16xf32>,
        %get3A_2547 = vector.shape_cast %get3A_2546 : vector<1x1x16xf32> to vector<16xf32>
        %swap3A_2548 = arith.constant 7 : i32
        %swap3A_2549 = arith.index_cast %swap3A_2548 : i32 to index
        %swap3A_2550 = arith.constant 144 : index
        %swap3A_2551 = tpu.vector_load %arg10[%swap3A_2549, %swap3A_2550] {strides = array<i32>} : memref<16x512xf32, #tpu.memory_space<vmem>>, vector<1x16xf32>,
        %swap3A_2552 = vector.shape_cast %swap3A_2551 : vector<1x16xf32> to vector<16xf32>
        %swap3A_2553 = vector.shape_cast %get3A_2547 : vector<16xf32> to vector<1x16xf32>
        tpu.vector_store %arg10[%swap3A_2549, %swap3A_2550], %swap3A_2553 {strides = array<i32>} : memref<16x512xf32, #tpu.memory_space<vmem>>, vector<1x16xf32>,
        %get3A_2554 = arith.constant 2 : i32
        %get3A_2555 = arith.index_cast %add3A_1652 : i32 to index
        %get3A_2556 = arith.index_cast %get3A_2554 : i32 to index
        %get3A_2557 = arith.constant 160 : index
        %get3A_2558 = tpu.vector_load %arg8[%get3A_2555, %get3A_2556, %get3A_2557] {strides = array<i32>} : memref<16x4x512xf32, #tpu.memory_space<vmem>>, vector<1x1x16xf32>,
        %get3A_2559 = vector.shape_cast %get3A_2558 : vector<1x1x16xf32> to vector<16xf32>
        %swap3A_2560 = arith.constant 7 : i32
        %swap3A_2561 = arith.index_cast %swap3A_2560 : i32 to index
        %swap3A_2562 = arith.constant 160 : index
        %swap3A_2563 = tpu.vector_load %arg10[%swap3A_2561, %swap3A_2562] {strides = array<i32>} : memref<16x512xf32, #tpu.memory_space<vmem>>, vector<1x16xf32>,
        %swap3A_2564 = vector.shape_cast %swap3A_2563 : vector<1x16xf32> to vector<16xf32>
        %swap3A_2565 = vector.shape_cast %get3A_2559 : vector<16xf32> to vector<1x16xf32>
        tpu.vector_store %arg10[%swap3A_2561, %swap3A_2562], %swap3A_2565 {strides = array<i32>} : memref<16x512xf32, #tpu.memory_space<vmem>>, vector<1x16xf32>,
        %get3A_2566 = arith.constant 2 : i32
        %get3A_2567 = arith.index_cast %add3A_1652 : i32 to index
        %get3A_2568 = arith.index_cast %get3A_2566 : i32 to index
        %get3A_2569 = arith.constant 176 : index
        %get3A_2570 = tpu.vector_load %arg8[%get3A_2567, %get3A_2568, %get3A_2569] {strides = array<i32>} : memref<16x4x512xf32, #tpu.memory_space<vmem>>, vector<1x1x16xf32>,
        %get3A_2571 = vector.shape_cast %get3A_2570 : vector<1x1x16xf32> to vector<16xf32>
        %swap3A_2572 = arith.constant 7 : i32
        %swap3A_2573 = arith.index_cast %swap3A_2572 : i32 to index
        %swap3A_2574 = arith.constant 176 : index
        %swap3A_2575 = tpu.vector_load %arg10[%swap3A_2573, %swap3A_2574] {strides = array<i32>} : memref<16x512xf32, #tpu.memory_space<vmem>>, vector<1x16xf32>,
        %swap3A_2576 = vector.shape_cast %swap3A_2575 : vector<1x16xf32> to vector<16xf32>
        %swap3A_2577 = vector.shape_cast %get3A_2571 : vector<16xf32> to vector<1x16xf32>
        tpu.vector_store %arg10[%swap3A_2573, %swap3A_2574], %swap3A_2577 {strides = array<i32>} : memref<16x512xf32, #tpu.memory_space<vmem>>, vector<1x16xf32>,
        %get3A_2578 = arith.constant 2 : i32
        %get3A_2579 = arith.index_cast %add3A_1652 : i32 to index
        %get3A_2580 = arith.index_cast %get3A_2578 : i32 to index
        %get3A_2581 = arith.constant 192 : index
        %get3A_2582 = tpu.vector_load %arg8[%get3A_2579, %get3A_2580, %get3A_2581] {strides = array<i32>} : memref<16x4x512xf32, #tpu.memory_space<vmem>>, vector<1x1x16xf32>,
        %get3A_2583 = vector.shape_cast %get3A_2582 : vector<1x1x16xf32> to vector<16xf32>
        %swap3A_2584 = arith.constant 7 : i32
        %swap3A_2585 = arith.index_cast %swap3A_2584 : i32 to index
        %swap3A_2586 = arith.constant 192 : index
        %swap3A_2587 = tpu.vector_load %arg10[%swap3A_2585, %swap3A_2586] {strides = array<i32>} : memref<16x512xf32, #tpu.memory_space<vmem>>, vector<1x16xf32>,
        %swap3A_2588 = vector.shape_cast %swap3A_2587 : vector<1x16xf32> to vector<16xf32>
        %swap3A_2589 = vector.shape_cast %get3A_2583 : vector<16xf32> to vector<1x16xf32>
        tpu.vector_store %arg10[%swap3A_2585, %swap3A_2586], %swap3A_2589 {strides = array<i32>} : memref<16x512xf32, #tpu.memory_space<vmem>>, vector<1x16xf32>,
        %get3A_2590 = arith.constant 2 : i32
        %get3A_2591 = arith.index_cast %add3A_1652 : i32 to index
        %get3A_2592 = arith.index_cast %get3A_2590 : i32 to index
        %get3A_2593 = arith.constant 208 : index
        %get3A_2594 = tpu.vector_load %arg8[%get3A_2591, %get3A_2592, %get3A_2593] {strides = array<i32>} : memref<16x4x512xf32, #tpu.memory_space<vmem>>, vector<1x1x16xf32>,
        %get3A_2595 = vector.shape_cast %get3A_2594 : vector<1x1x16xf32> to vector<16xf32>
        %swap3A_2596 = arith.constant 7 : i32
        %swap3A_2597 = arith.index_cast %swap3A_2596 : i32 to index
        %swap3A_2598 = arith.constant 208 : index
        %swap3A_2599 = tpu.vector_load %arg10[%swap3A_2597, %swap3A_2598] {strides = array<i32>} : memref<16x512xf32, #tpu.memory_space<vmem>>, vector<1x16xf32>,
        %swap3A_2600 = vector.shape_cast %swap3A_2599 : vector<1x16xf32> to vector<16xf32>
        %swap3A_2601 = vector.shape_cast %get3A_2595 : vector<16xf32> to vector<1x16xf32>
        tpu.vector_store %arg10[%swap3A_2597, %swap3A_2598], %swap3A_2601 {strides = array<i32>} : memref<16x512xf32, #tpu.memory_space<vmem>>, vector<1x16xf32>,
        %get3A_2602 = arith.constant 2 : i32
        %get3A_2603 = arith.index_cast %add3A_1652 : i32 to index
        %get3A_2604 = arith.index_cast %get3A_2602 : i32 to index
        %get3A_2605 = arith.constant 224 : index
        %get3A_2606 = tpu.vector_load %arg8[%get3A_2603, %get3A_2604, %get3A_2605] {strides = array<i32>} : memref<16x4x512xf32, #tpu.memory_space<vmem>>, vector<1x1x16xf32>,
        %get3A_2607 = vector.shape_cast %get3A_2606 : vector<1x1x16xf32> to vector<16xf32>
        %swap3A_2608 = arith.constant 7 : i32
        %swap3A_2609 = arith.index_cast %swap3A_2608 : i32 to index
        %swap3A_2610 = arith.constant 224 : index
        %swap3A_2611 = tpu.vector_load %arg10[%swap3A_2609, %swap3A_2610] {strides = array<i32>} : memref<16x512xf32, #tpu.memory_space<vmem>>, vector<1x16xf32>,
        %swap3A_2612 = vector.shape_cast %swap3A_2611 : vector<1x16xf32> to vector<16xf32>
        %swap3A_2613 = vector.shape_cast %get3A_2607 : vector<16xf32> to vector<1x16xf32>
        tpu.vector_store %arg10[%swap3A_2609, %swap3A_2610], %swap3A_2613 {strides = array<i32>} : memref<16x512xf32, #tpu.memory_space<vmem>>, vector<1x16xf32>,
        %get3A_2614 = arith.constant 2 : i32
        %get3A_2615 = arith.index_cast %add3A_1652 : i32 to index
        %get3A_2616 = arith.index_cast %get3A_2614 : i32 to index
        %get3A_2617 = arith.constant 240 : index
        %get3A_2618 = tpu.vector_load %arg8[%get3A_2615, %get3A_2616, %get3A_2617] {strides = array<i32>} : memref<16x4x512xf32, #tpu.memory_space<vmem>>, vector<1x1x16xf32>,
        %get3A_2619 = vector.shape_cast %get3A_2618 : vector<1x1x16xf32> to vector<16xf32>
        %swap3A_2620 = arith.constant 7 : i32
        %swap3A_2621 = arith.index_cast %swap3A_2620 : i32 to index
        %swap3A_2622 = arith.constant 240 : index
        %swap3A_2623 = tpu.vector_load %arg10[%swap3A_2621, %swap3A_2622] {strides = array<i32>} : memref<16x512xf32, #tpu.memory_space<vmem>>, vector<1x16xf32>,
        %swap3A_2624 = vector.shape_cast %swap3A_2623 : vector<1x16xf32> to vector<16xf32>
        %swap3A_2625 = vector.shape_cast %get3A_2619 : vector<16xf32> to vector<1x16xf32>
        tpu.vector_store %arg10[%swap3A_2621, %swap3A_2622], %swap3A_2625 {strides = array<i32>} : memref<16x512xf32, #tpu.memory_space<vmem>>, vector<1x16xf32>,
        %get3A_2626 = arith.constant 2 : i32
        %get3A_2627 = arith.index_cast %add3A_1652 : i32 to index
        %get3A_2628 = arith.index_cast %get3A_2626 : i32 to index
        %get3A_2629 = arith.constant 256 : index
        %get3A_2630 = tpu.vector_load %arg8[%get3A_2627, %get3A_2628, %get3A_2629] {strides = array<i32>} : memref<16x4x512xf32, #tpu.memory_space<vmem>>, vector<1x1x16xf32>,
        %get3A_2631 = vector.shape_cast %get3A_2630 : vector<1x1x16xf32> to vector<16xf32>
        %swap3A_2632 = arith.constant 7 : i32
        %swap3A_2633 = arith.index_cast %swap3A_2632 : i32 to index
        %swap3A_2634 = arith.constant 256 : index
        %swap3A_2635 = tpu.vector_load %arg10[%swap3A_2633, %swap3A_2634] {strides = array<i32>} : memref<16x512xf32, #tpu.memory_space<vmem>>, vector<1x16xf32>,
        %swap3A_2636 = vector.shape_cast %swap3A_2635 : vector<1x16xf32> to vector<16xf32>
        %swap3A_2637 = vector.shape_cast %get3A_2631 : vector<16xf32> to vector<1x16xf32>
        tpu.vector_store %arg10[%swap3A_2633, %swap3A_2634], %swap3A_2637 {strides = array<i32>} : memref<16x512xf32, #tpu.memory_space<vmem>>, vector<1x16xf32>,
        %get3A_2638 = arith.constant 2 : i32
        %get3A_2639 = arith.index_cast %add3A_1652 : i32 to index
        %get3A_2640 = arith.index_cast %get3A_2638 : i32 to index
        %get3A_2641 = arith.constant 272 : index
        %get3A_2642 = tpu.vector_load %arg8[%get3A_2639, %get3A_2640, %get3A_2641] {strides = array<i32>} : memref<16x4x512xf32, #tpu.memory_space<vmem>>, vector<1x1x16xf32>,
        %get3A_2643 = vector.shape_cast %get3A_2642 : vector<1x1x16xf32> to vector<16xf32>
        %swap3A_2644 = arith.constant 7 : i32
        %swap3A_2645 = arith.index_cast %swap3A_2644 : i32 to index
        %swap3A_2646 = arith.constant 272 : index
        %swap3A_2647 = tpu.vector_load %arg10[%swap3A_2645, %swap3A_2646] {strides = array<i32>} : memref<16x512xf32, #tpu.memory_space<vmem>>, vector<1x16xf32>,
        %swap3A_2648 = vector.shape_cast %swap3A_2647 : vector<1x16xf32> to vector<16xf32>
        %swap3A_2649 = vector.shape_cast %get3A_2643 : vector<16xf32> to vector<1x16xf32>
        tpu.vector_store %arg10[%swap3A_2645, %swap3A_2646], %swap3A_2649 {strides = array<i32>} : memref<16x512xf32, #tpu.memory_space<vmem>>, vector<1x16xf32>,
        %get3A_2650 = arith.constant 2 : i32
        %get3A_2651 = arith.index_cast %add3A_1652 : i32 to index
        %get3A_2652 = arith.index_cast %get3A_2650 : i32 to index
        %get3A_2653 = arith.constant 288 : index
        %get3A_2654 = tpu.vector_load %arg8[%get3A_2651, %get3A_2652, %get3A_2653] {strides = array<i32>} : memref<16x4x512xf32, #tpu.memory_space<vmem>>, vector<1x1x16xf32>,
        %get3A_2655 = vector.shape_cast %get3A_2654 : vector<1x1x16xf32> to vector<16xf32>
        %swap3A_2656 = arith.constant 7 : i32
        %swap3A_2657 = arith.index_cast %swap3A_2656 : i32 to index
        %swap3A_2658 = arith.constant 288 : index
        %swap3A_2659 = tpu.vector_load %arg10[%swap3A_2657, %swap3A_2658] {strides = array<i32>} : memref<16x512xf32, #tpu.memory_space<vmem>>, vector<1x16xf32>,
        %swap3A_2660 = vector.shape_cast %swap3A_2659 : vector<1x16xf32> to vector<16xf32>
        %swap3A_2661 = vector.shape_cast %get3A_2655 : vector<16xf32> to vector<1x16xf32>
        tpu.vector_store %arg10[%swap3A_2657, %swap3A_2658], %swap3A_2661 {strides = array<i32>} : memref<16x512xf32, #tpu.memory_space<vmem>>, vector<1x16xf32>,
        %get3A_2662 = arith.constant 2 : i32
        %get3A_2663 = arith.index_cast %add3A_1652 : i32 to index
        %get3A_2664 = arith.index_cast %get3A_2662 : i32 to index
        %get3A_2665 = arith.constant 304 : index
        %get3A_2666 = tpu.vector_load %arg8[%get3A_2663, %get3A_2664, %get3A_2665] {strides = array<i32>} : memref<16x4x512xf32, #tpu.memory_space<vmem>>, vector<1x1x16xf32>,
        %get3A_2667 = vector.shape_cast %get3A_2666 : vector<1x1x16xf32> to vector<16xf32>
        %swap3A_2668 = arith.constant 7 : i32
        %swap3A_2669 = arith.index_cast %swap3A_2668 : i32 to index
        %swap3A_2670 = arith.constant 304 : index
        %swap3A_2671 = tpu.vector_load %arg10[%swap3A_2669, %swap3A_2670] {strides = array<i32>} : memref<16x512xf32, #tpu.memory_space<vmem>>, vector<1x16xf32>,
        %swap3A_2672 = vector.shape_cast %swap3A_2671 : vector<1x16xf32> to vector<16xf32>
        %swap3A_2673 = vector.shape_cast %get3A_2667 : vector<16xf32> to vector<1x16xf32>
        tpu.vector_store %arg10[%swap3A_2669, %swap3A_2670], %swap3A_2673 {strides = array<i32>} : memref<16x512xf32, #tpu.memory_space<vmem>>, vector<1x16xf32>,
        %get3A_2674 = arith.constant 2 : i32
        %get3A_2675 = arith.index_cast %add3A_1652 : i32 to index
        %get3A_2676 = arith.index_cast %get3A_2674 : i32 to index
        %get3A_2677 = arith.constant 320 : index
        %get3A_2678 = tpu.vector_load %arg8[%get3A_2675, %get3A_2676, %get3A_2677] {strides = array<i32>} : memref<16x4x512xf32, #tpu.memory_space<vmem>>, vector<1x1x16xf32>,
        %get3A_2679 = vector.shape_cast %get3A_2678 : vector<1x1x16xf32> to vector<16xf32>
        %swap3A_2680 = arith.constant 7 : i32
        %swap3A_2681 = arith.index_cast %swap3A_2680 : i32 to index
        %swap3A_2682 = arith.constant 320 : index
        %swap3A_2683 = tpu.vector_load %arg10[%swap3A_2681, %swap3A_2682] {strides = array<i32>} : memref<16x512xf32, #tpu.memory_space<vmem>>, vector<1x16xf32>,
        %swap3A_2684 = vector.shape_cast %swap3A_2683 : vector<1x16xf32> to vector<16xf32>
        %swap3A_2685 = vector.shape_cast %get3A_2679 : vector<16xf32> to vector<1x16xf32>
        tpu.vector_store %arg10[%swap3A_2681, %swap3A_2682], %swap3A_2685 {strides = array<i32>} : memref<16x512xf32, #tpu.memory_space<vmem>>, vector<1x16xf32>,
        %get3A_2686 = arith.constant 2 : i32
        %get3A_2687 = arith.index_cast %add3A_1652 : i32 to index
        %get3A_2688 = arith.index_cast %get3A_2686 : i32 to index
        %get3A_2689 = arith.constant 336 : index
        %get3A_2690 = tpu.vector_load %arg8[%get3A_2687, %get3A_2688, %get3A_2689] {strides = array<i32>} : memref<16x4x512xf32, #tpu.memory_space<vmem>>, vector<1x1x16xf32>,
        %get3A_2691 = vector.shape_cast %get3A_2690 : vector<1x1x16xf32> to vector<16xf32>
        %swap3A_2692 = arith.constant 7 : i32
        %swap3A_2693 = arith.index_cast %swap3A_2692 : i32 to index
        %swap3A_2694 = arith.constant 336 : index
        %swap3A_2695 = tpu.vector_load %arg10[%swap3A_2693, %swap3A_2694] {strides = array<i32>} : memref<16x512xf32, #tpu.memory_space<vmem>>, vector<1x16xf32>,
        %swap3A_2696 = vector.shape_cast %swap3A_2695 : vector<1x16xf32> to vector<16xf32>
        %swap3A_2697 = vector.shape_cast %get3A_2691 : vector<16xf32> to vector<1x16xf32>
        tpu.vector_store %arg10[%swap3A_2693, %swap3A_2694], %swap3A_2697 {strides = array<i32>} : memref<16x512xf32, #tpu.memory_space<vmem>>, vector<1x16xf32>,
        %get3A_2698 = arith.constant 2 : i32
        %get3A_2699 = arith.index_cast %add3A_1652 : i32 to index
        %get3A_2700 = arith.index_cast %get3A_2698 : i32 to index
        %get3A_2701 = arith.constant 352 : index
        %get3A_2702 = tpu.vector_load %arg8[%get3A_2699, %get3A_2700, %get3A_2701] {strides = array<i32>} : memref<16x4x512xf32, #tpu.memory_space<vmem>>, vector<1x1x16xf32>,
        %get3A_2703 = vector.shape_cast %get3A_2702 : vector<1x1x16xf32> to vector<16xf32>
        %swap3A_2704 = arith.constant 7 : i32
        %swap3A_2705 = arith.index_cast %swap3A_2704 : i32 to index
        %swap3A_2706 = arith.constant 352 : index
        %swap3A_2707 = tpu.vector_load %arg10[%swap3A_2705, %swap3A_2706] {strides = array<i32>} : memref<16x512xf32, #tpu.memory_space<vmem>>, vector<1x16xf32>,
        %swap3A_2708 = vector.shape_cast %swap3A_2707 : vector<1x16xf32> to vector<16xf32>
        %swap3A_2709 = vector.shape_cast %get3A_2703 : vector<16xf32> to vector<1x16xf32>
        tpu.vector_store %arg10[%swap3A_2705, %swap3A_2706], %swap3A_2709 {strides = array<i32>} : memref<16x512xf32, #tpu.memory_space<vmem>>, vector<1x16xf32>,
        %get3A_2710 = arith.constant 2 : i32
        %get3A_2711 = arith.index_cast %add3A_1652 : i32 to index
        %get3A_2712 = arith.index_cast %get3A_2710 : i32 to index
        %get3A_2713 = arith.constant 368 : index
        %get3A_2714 = tpu.vector_load %arg8[%get3A_2711, %get3A_2712, %get3A_2713] {strides = array<i32>} : memref<16x4x512xf32, #tpu.memory_space<vmem>>, vector<1x1x16xf32>,
        %get3A_2715 = vector.shape_cast %get3A_2714 : vector<1x1x16xf32> to vector<16xf32>
        %swap3A_2716 = arith.constant 7 : i32
        %swap3A_2717 = arith.index_cast %swap3A_2716 : i32 to index
        %swap3A_2718 = arith.constant 368 : index
        %swap3A_2719 = tpu.vector_load %arg10[%swap3A_2717, %swap3A_2718] {strides = array<i32>} : memref<16x512xf32, #tpu.memory_space<vmem>>, vector<1x16xf32>,
        %swap3A_2720 = vector.shape_cast %swap3A_2719 : vector<1x16xf32> to vector<16xf32>
        %swap3A_2721 = vector.shape_cast %get3A_2715 : vector<16xf32> to vector<1x16xf32>
        tpu.vector_store %arg10[%swap3A_2717, %swap3A_2718], %swap3A_2721 {strides = array<i32>} : memref<16x512xf32, #tpu.memory_space<vmem>>, vector<1x16xf32>,
        %get3A_2722 = arith.constant 2 : i32
        %get3A_2723 = arith.index_cast %add3A_1652 : i32 to index
        %get3A_2724 = arith.index_cast %get3A_2722 : i32 to index
        %get3A_2725 = arith.constant 384 : index
        %get3A_2726 = tpu.vector_load %arg8[%get3A_2723, %get3A_2724, %get3A_2725] {strides = array<i32>} : memref<16x4x512xf32, #tpu.memory_space<vmem>>, vector<1x1x16xf32>,
        %get3A_2727 = vector.shape_cast %get3A_2726 : vector<1x1x16xf32> to vector<16xf32>
        %swap3A_2728 = arith.constant 7 : i32
        %swap3A_2729 = arith.index_cast %swap3A_2728 : i32 to index
        %swap3A_2730 = arith.constant 384 : index
        %swap3A_2731 = tpu.vector_load %arg10[%swap3A_2729, %swap3A_2730] {strides = array<i32>} : memref<16x512xf32, #tpu.memory_space<vmem>>, vector<1x16xf32>,
        %swap3A_2732 = vector.shape_cast %swap3A_2731 : vector<1x16xf32> to vector<16xf32>
        %swap3A_2733 = vector.shape_cast %get3A_2727 : vector<16xf32> to vector<1x16xf32>
        tpu.vector_store %arg10[%swap3A_2729, %swap3A_2730], %swap3A_2733 {strides = array<i32>} : memref<16x512xf32, #tpu.memory_space<vmem>>, vector<1x16xf32>,
        %get3A_2734 = arith.constant 2 : i32
        %get3A_2735 = arith.index_cast %add3A_1652 : i32 to index
        %get3A_2736 = arith.index_cast %get3A_2734 : i32 to index
        %get3A_2737 = arith.constant 400 : index
        %get3A_2738 = tpu.vector_load %arg8[%get3A_2735, %get3A_2736, %get3A_2737] {strides = array<i32>} : memref<16x4x512xf32, #tpu.memory_space<vmem>>, vector<1x1x16xf32>,
        %get3A_2739 = vector.shape_cast %get3A_2738 : vector<1x1x16xf32> to vector<16xf32>
        %swap3A_2740 = arith.constant 7 : i32
        %swap3A_2741 = arith.index_cast %swap3A_2740 : i32 to index
        %swap3A_2742 = arith.constant 400 : index
        %swap3A_2743 = tpu.vector_load %arg10[%swap3A_2741, %swap3A_2742] {strides = array<i32>} : memref<16x512xf32, #tpu.memory_space<vmem>>, vector<1x16xf32>,
        %swap3A_2744 = vector.shape_cast %swap3A_2743 : vector<1x16xf32> to vector<16xf32>
        %swap3A_2745 = vector.shape_cast %get3A_2739 : vector<16xf32> to vector<1x16xf32>
        tpu.vector_store %arg10[%swap3A_2741, %swap3A_2742], %swap3A_2745 {strides = array<i32>} : memref<16x512xf32, #tpu.memory_space<vmem>>, vector<1x16xf32>,
        %get3A_2746 = arith.constant 2 : i32
        %get3A_2747 = arith.index_cast %add3A_1652 : i32 to index
        %get3A_2748 = arith.index_cast %get3A_2746 : i32 to index
        %get3A_2749 = arith.constant 416 : index
        %get3A_2750 = tpu.vector_load %arg8[%get3A_2747, %get3A_2748, %get3A_2749] {strides = array<i32>} : memref<16x4x512xf32, #tpu.memory_space<vmem>>, vector<1x1x16xf32>,
        %get3A_2751 = vector.shape_cast %get3A_2750 : vector<1x1x16xf32> to vector<16xf32>
        %swap3A_2752 = arith.constant 7 : i32
        %swap3A_2753 = arith.index_cast %swap3A_2752 : i32 to index
        %swap3A_2754 = arith.constant 416 : index
        %swap3A_2755 = tpu.vector_load %arg10[%swap3A_2753, %swap3A_2754] {strides = array<i32>} : memref<16x512xf32, #tpu.memory_space<vmem>>, vector<1x16xf32>,
        %swap3A_2756 = vector.shape_cast %swap3A_2755 : vector<1x16xf32> to vector<16xf32>
        %swap3A_2757 = vector.shape_cast %get3A_2751 : vector<16xf32> to vector<1x16xf32>
        tpu.vector_store %arg10[%swap3A_2753, %swap3A_2754], %swap3A_2757 {strides = array<i32>} : memref<16x512xf32, #tpu.memory_space<vmem>>, vector<1x16xf32>,
        %get3A_2758 = arith.constant 2 : i32
        %get3A_2759 = arith.index_cast %add3A_1652 : i32 to index
        %get3A_2760 = arith.index_cast %get3A_2758 : i32 to index
        %get3A_2761 = arith.constant 432 : index
        %get3A_2762 = tpu.vector_load %arg8[%get3A_2759, %get3A_2760, %get3A_2761] {strides = array<i32>} : memref<16x4x512xf32, #tpu.memory_space<vmem>>, vector<1x1x16xf32>,
        %get3A_2763 = vector.shape_cast %get3A_2762 : vector<1x1x16xf32> to vector<16xf32>
        %swap3A_2764 = arith.constant 7 : i32
        %swap3A_2765 = arith.index_cast %swap3A_2764 : i32 to index
        %swap3A_2766 = arith.constant 432 : index
        %swap3A_2767 = tpu.vector_load %arg10[%swap3A_2765, %swap3A_2766] {strides = array<i32>} : memref<16x512xf32, #tpu.memory_space<vmem>>, vector<1x16xf32>,
        %swap3A_2768 = vector.shape_cast %swap3A_2767 : vector<1x16xf32> to vector<16xf32>
        %swap3A_2769 = vector.shape_cast %get3A_2763 : vector<16xf32> to vector<1x16xf32>
        tpu.vector_store %arg10[%swap3A_2765, %swap3A_2766], %swap3A_2769 {strides = array<i32>} : memref<16x512xf32, #tpu.memory_space<vmem>>, vector<1x16xf32>,
        %get3A_2770 = arith.constant 2 : i32
        %get3A_2771 = arith.index_cast %add3A_1652 : i32 to index
        %get3A_2772 = arith.index_cast %get3A_2770 : i32 to index
        %get3A_2773 = arith.constant 448 : index
        %get3A_2774 = tpu.vector_load %arg8[%get3A_2771, %get3A_2772, %get3A_2773] {strides = array<i32>} : memref<16x4x512xf32, #tpu.memory_space<vmem>>, vector<1x1x16xf32>,
        %get3A_2775 = vector.shape_cast %get3A_2774 : vector<1x1x16xf32> to vector<16xf32>
        %swap3A_2776 = arith.constant 7 : i32
        %swap3A_2777 = arith.index_cast %swap3A_2776 : i32 to index
        %swap3A_2778 = arith.constant 448 : index
        %swap3A_2779 = tpu.vector_load %arg10[%swap3A_2777, %swap3A_2778] {strides = array<i32>} : memref<16x512xf32, #tpu.memory_space<vmem>>, vector<1x16xf32>,
        %swap3A_2780 = vector.shape_cast %swap3A_2779 : vector<1x16xf32> to vector<16xf32>
        %swap3A_2781 = vector.shape_cast %get3A_2775 : vector<16xf32> to vector<1x16xf32>
        tpu.vector_store %arg10[%swap3A_2777, %swap3A_2778], %swap3A_2781 {strides = array<i32>} : memref<16x512xf32, #tpu.memory_space<vmem>>, vector<1x16xf32>,
        %get3A_2782 = arith.constant 2 : i32
        %get3A_2783 = arith.index_cast %add3A_1652 : i32 to index
        %get3A_2784 = arith.index_cast %get3A_2782 : i32 to index
        %get3A_2785 = arith.constant 464 : index
        %get3A_2786 = tpu.vector_load %arg8[%get3A_2783, %get3A_2784, %get3A_2785] {strides = array<i32>} : memref<16x4x512xf32, #tpu.memory_space<vmem>>, vector<1x1x16xf32>,
        %get3A_2787 = vector.shape_cast %get3A_2786 : vector<1x1x16xf32> to vector<16xf32>
        %swap3A_2788 = arith.constant 7 : i32
        %swap3A_2789 = arith.index_cast %swap3A_2788 : i32 to index
        %swap3A_2790 = arith.constant 464 : index
        %swap3A_2791 = tpu.vector_load %arg10[%swap3A_2789, %swap3A_2790] {strides = array<i32>} : memref<16x512xf32, #tpu.memory_space<vmem>>, vector<1x16xf32>,
        %swap3A_2792 = vector.shape_cast %swap3A_2791 : vector<1x16xf32> to vector<16xf32>
        %swap3A_2793 = vector.shape_cast %get3A_2787 : vector<16xf32> to vector<1x16xf32>
        tpu.vector_store %arg10[%swap3A_2789, %swap3A_2790], %swap3A_2793 {strides = array<i32>} : memref<16x512xf32, #tpu.memory_space<vmem>>, vector<1x16xf32>,
        %get3A_2794 = arith.constant 2 : i32
        %get3A_2795 = arith.index_cast %add3A_1652 : i32 to index
        %get3A_2796 = arith.index_cast %get3A_2794 : i32 to index
        %get3A_2797 = arith.constant 480 : index
        %get3A_2798 = tpu.vector_load %arg8[%get3A_2795, %get3A_2796, %get3A_2797] {strides = array<i32>} : memref<16x4x512xf32, #tpu.memory_space<vmem>>, vector<1x1x16xf32>,
        %get3A_2799 = vector.shape_cast %get3A_2798 : vector<1x1x16xf32> to vector<16xf32>
        %swap3A_2800 = arith.constant 7 : i32
        %swap3A_2801 = arith.index_cast %swap3A_2800 : i32 to index
        %swap3A_2802 = arith.constant 480 : index
        %swap3A_2803 = tpu.vector_load %arg10[%swap3A_2801, %swap3A_2802] {strides = array<i32>} : memref<16x512xf32, #tpu.memory_space<vmem>>, vector<1x16xf32>,
        %swap3A_2804 = vector.shape_cast %swap3A_2803 : vector<1x16xf32> to vector<16xf32>
        %swap3A_2805 = vector.shape_cast %get3A_2799 : vector<16xf32> to vector<1x16xf32>
        tpu.vector_store %arg10[%swap3A_2801, %swap3A_2802], %swap3A_2805 {strides = array<i32>} : memref<16x512xf32, #tpu.memory_space<vmem>>, vector<1x16xf32>,
        %get3A_2806 = arith.constant 2 : i32
        %get3A_2807 = arith.index_cast %add3A_1652 : i32 to index
        %get3A_2808 = arith.index_cast %get3A_2806 : i32 to index
        %get3A_2809 = arith.constant 496 : index
        %get3A_2810 = tpu.vector_load %arg8[%get3A_2807, %get3A_2808, %get3A_2809] {strides = array<i32>} : memref<16x4x512xf32, #tpu.memory_space<vmem>>, vector<1x1x16xf32>,
        %get3A_2811 = vector.shape_cast %get3A_2810 : vector<1x1x16xf32> to vector<16xf32>
        %swap3A_2812 = arith.constant 7 : i32
        %swap3A_2813 = arith.index_cast %swap3A_2812 : i32 to index
        %swap3A_2814 = arith.constant 496 : index
        %swap3A_2815 = tpu.vector_load %arg10[%swap3A_2813, %swap3A_2814] {strides = array<i32>} : memref<16x512xf32, #tpu.memory_space<vmem>>, vector<1x16xf32>,
        %swap3A_2816 = vector.shape_cast %swap3A_2815 : vector<1x16xf32> to vector<16xf32>
        %swap3A_2817 = vector.shape_cast %get3A_2811 : vector<16xf32> to vector<1x16xf32>
        tpu.vector_store %arg10[%swap3A_2813, %swap3A_2814], %swap3A_2817 {strides = array<i32>} : memref<16x512xf32, #tpu.memory_space<vmem>>, vector<1x16xf32>,
        %get3A_2818 = arith.constant 3 : i32
        %get3A_2819 = arith.index_cast %add3A_1652 : i32 to index
        %get3A_2820 = arith.index_cast %get3A_2818 : i32 to index
        %get3A_2821 = arith.constant 0 : index
        %get3A_2822 = tpu.vector_load %arg8[%get3A_2819, %get3A_2820, %get3A_2821] {strides = array<i32>} : memref<16x4x512xf32, #tpu.memory_space<vmem>>, vector<1x1x16xf32>,
        %get3A_2823 = vector.shape_cast %get3A_2822 : vector<1x1x16xf32> to vector<16xf32>
        %swap3A_2824 = arith.constant 8 : i32
        %swap3A_2825 = arith.index_cast %swap3A_2824 : i32 to index
        %swap3A_2826 = arith.constant 0 : index
        %swap3A_2827 = tpu.vector_load %arg10[%swap3A_2825, %swap3A_2826] {strides = array<i32>} : memref<16x512xf32, #tpu.memory_space<vmem>>, vector<1x16xf32>,
        %swap3A_2828 = vector.shape_cast %swap3A_2827 : vector<1x16xf32> to vector<16xf32>
        %swap3A_2829 = vector.shape_cast %get3A_2823 : vector<16xf32> to vector<1x16xf32>
        tpu.vector_store %arg10[%swap3A_2825, %swap3A_2826], %swap3A_2829 {strides = array<i32>} : memref<16x512xf32, #tpu.memory_space<vmem>>, vector<1x16xf32>,
        %get3A_2830 = arith.constant 3 : i32
        %get3A_2831 = arith.index_cast %add3A_1652 : i32 to index
        %get3A_2832 = arith.index_cast %get3A_2830 : i32 to index
        %get3A_2833 = arith.constant 16 : index
        %get3A_2834 = tpu.vector_load %arg8[%get3A_2831, %get3A_2832, %get3A_2833] {strides = array<i32>} : memref<16x4x512xf32, #tpu.memory_space<vmem>>, vector<1x1x16xf32>,
        %get3A_2835 = vector.shape_cast %get3A_2834 : vector<1x1x16xf32> to vector<16xf32>
        %swap3A_2836 = arith.constant 8 : i32
        %swap3A_2837 = arith.index_cast %swap3A_2836 : i32 to index
        %swap3A_2838 = arith.constant 16 : index
        %swap3A_2839 = tpu.vector_load %arg10[%swap3A_2837, %swap3A_2838] {strides = array<i32>} : memref<16x512xf32, #tpu.memory_space<vmem>>, vector<1x16xf32>,
        %swap3A_2840 = vector.shape_cast %swap3A_2839 : vector<1x16xf32> to vector<16xf32>
        %swap3A_2841 = vector.shape_cast %get3A_2835 : vector<16xf32> to vector<1x16xf32>
        tpu.vector_store %arg10[%swap3A_2837, %swap3A_2838], %swap3A_2841 {strides = array<i32>} : memref<16x512xf32, #tpu.memory_space<vmem>>, vector<1x16xf32>,
        %get3A_2842 = arith.constant 3 : i32
        %get3A_2843 = arith.index_cast %add3A_1652 : i32 to index
        %get3A_2844 = arith.index_cast %get3A_2842 : i32 to index
        %get3A_2845 = arith.constant 32 : index
        %get3A_2846 = tpu.vector_load %arg8[%get3A_2843, %get3A_2844, %get3A_2845] {strides = array<i32>} : memref<16x4x512xf32, #tpu.memory_space<vmem>>, vector<1x1x16xf32>,
        %get3A_2847 = vector.shape_cast %get3A_2846 : vector<1x1x16xf32> to vector<16xf32>
        %swap3A_2848 = arith.constant 8 : i32
        %swap3A_2849 = arith.index_cast %swap3A_2848 : i32 to index
        %swap3A_2850 = arith.constant 32 : index
        %swap3A_2851 = tpu.vector_load %arg10[%swap3A_2849, %swap3A_2850] {strides = array<i32>} : memref<16x512xf32, #tpu.memory_space<vmem>>, vector<1x16xf32>,
        %swap3A_2852 = vector.shape_cast %swap3A_2851 : vector<1x16xf32> to vector<16xf32>
        %swap3A_2853 = vector.shape_cast %get3A_2847 : vector<16xf32> to vector<1x16xf32>
        tpu.vector_store %arg10[%swap3A_2849, %swap3A_2850], %swap3A_2853 {strides = array<i32>} : memref<16x512xf32, #tpu.memory_space<vmem>>, vector<1x16xf32>,
        %get3A_2854 = arith.constant 3 : i32
        %get3A_2855 = arith.index_cast %add3A_1652 : i32 to index
        %get3A_2856 = arith.index_cast %get3A_2854 : i32 to index
        %get3A_2857 = arith.constant 48 : index
        %get3A_2858 = tpu.vector_load %arg8[%get3A_2855, %get3A_2856, %get3A_2857] {strides = array<i32>} : memref<16x4x512xf32, #tpu.memory_space<vmem>>, vector<1x1x16xf32>,
        %get3A_2859 = vector.shape_cast %get3A_2858 : vector<1x1x16xf32> to vector<16xf32>
        %swap3A_2860 = arith.constant 8 : i32
        %swap3A_2861 = arith.index_cast %swap3A_2860 : i32 to index
        %swap3A_2862 = arith.constant 48 : index
        %swap3A_2863 = tpu.vector_load %arg10[%swap3A_2861, %swap3A_2862] {strides = array<i32>} : memref<16x512xf32, #tpu.memory_space<vmem>>, vector<1x16xf32>,
        %swap3A_2864 = vector.shape_cast %swap3A_2863 : vector<1x16xf32> to vector<16xf32>
        %swap3A_2865 = vector.shape_cast %get3A_2859 : vector<16xf32> to vector<1x16xf32>
        tpu.vector_store %arg10[%swap3A_2861, %swap3A_2862], %swap3A_2865 {strides = array<i32>} : memref<16x512xf32, #tpu.memory_space<vmem>>, vector<1x16xf32>,
        %get3A_2866 = arith.constant 3 : i32
        %get3A_2867 = arith.index_cast %add3A_1652 : i32 to index
        %get3A_2868 = arith.index_cast %get3A_2866 : i32 to index
        %get3A_2869 = arith.constant 64 : index
        %get3A_2870 = tpu.vector_load %arg8[%get3A_2867, %get3A_2868, %get3A_2869] {strides = array<i32>} : memref<16x4x512xf32, #tpu.memory_space<vmem>>, vector<1x1x16xf32>,
        %get3A_2871 = vector.shape_cast %get3A_2870 : vector<1x1x16xf32> to vector<16xf32>
        %swap3A_2872 = arith.constant 8 : i32
        %swap3A_2873 = arith.index_cast %swap3A_2872 : i32 to index
        %swap3A_2874 = arith.constant 64 : index
        %swap3A_2875 = tpu.vector_load %arg10[%swap3A_2873, %swap3A_2874] {strides = array<i32>} : memref<16x512xf32, #tpu.memory_space<vmem>>, vector<1x16xf32>,
        %swap3A_2876 = vector.shape_cast %swap3A_2875 : vector<1x16xf32> to vector<16xf32>
        %swap3A_2877 = vector.shape_cast %get3A_2871 : vector<16xf32> to vector<1x16xf32>
        tpu.vector_store %arg10[%swap3A_2873, %swap3A_2874], %swap3A_2877 {strides = array<i32>} : memref<16x512xf32, #tpu.memory_space<vmem>>, vector<1x16xf32>,
        %get3A_2878 = arith.constant 3 : i32
        %get3A_2879 = arith.index_cast %add3A_1652 : i32 to index
        %get3A_2880 = arith.index_cast %get3A_2878 : i32 to index
        %get3A_2881 = arith.constant 80 : index
        %get3A_2882 = tpu.vector_load %arg8[%get3A_2879, %get3A_2880, %get3A_2881] {strides = array<i32>} : memref<16x4x512xf32, #tpu.memory_space<vmem>>, vector<1x1x16xf32>,
        %get3A_2883 = vector.shape_cast %get3A_2882 : vector<1x1x16xf32> to vector<16xf32>
        %swap3A_2884 = arith.constant 8 : i32
        %swap3A_2885 = arith.index_cast %swap3A_2884 : i32 to index
        %swap3A_2886 = arith.constant 80 : index
        %swap3A_2887 = tpu.vector_load %arg10[%swap3A_2885, %swap3A_2886] {strides = array<i32>} : memref<16x512xf32, #tpu.memory_space<vmem>>, vector<1x16xf32>,
        %swap3A_2888 = vector.shape_cast %swap3A_2887 : vector<1x16xf32> to vector<16xf32>
        %swap3A_2889 = vector.shape_cast %get3A_2883 : vector<16xf32> to vector<1x16xf32>
        tpu.vector_store %arg10[%swap3A_2885, %swap3A_2886], %swap3A_2889 {strides = array<i32>} : memref<16x512xf32, #tpu.memory_space<vmem>>, vector<1x16xf32>,
        %get3A_2890 = arith.constant 3 : i32
        %get3A_2891 = arith.index_cast %add3A_1652 : i32 to index
        %get3A_2892 = arith.index_cast %get3A_2890 : i32 to index
        %get3A_2893 = arith.constant 96 : index
        %get3A_2894 = tpu.vector_load %arg8[%get3A_2891, %get3A_2892, %get3A_2893] {strides = array<i32>} : memref<16x4x512xf32, #tpu.memory_space<vmem>>, vector<1x1x16xf32>,
        %get3A_2895 = vector.shape_cast %get3A_2894 : vector<1x1x16xf32> to vector<16xf32>
        %swap3A_2896 = arith.constant 8 : i32
        %swap3A_2897 = arith.index_cast %swap3A_2896 : i32 to index
        %swap3A_2898 = arith.constant 96 : index
        %swap3A_2899 = tpu.vector_load %arg10[%swap3A_2897, %swap3A_2898] {strides = array<i32>} : memref<16x512xf32, #tpu.memory_space<vmem>>, vector<1x16xf32>,
        %swap3A_2900 = vector.shape_cast %swap3A_2899 : vector<1x16xf32> to vector<16xf32>
        %swap3A_2901 = vector.shape_cast %get3A_2895 : vector<16xf32> to vector<1x16xf32>
        tpu.vector_store %arg10[%swap3A_2897, %swap3A_2898], %swap3A_2901 {strides = array<i32>} : memref<16x512xf32, #tpu.memory_space<vmem>>, vector<1x16xf32>,
        %get3A_2902 = arith.constant 3 : i32
        %get3A_2903 = arith.index_cast %add3A_1652 : i32 to index
        %get3A_2904 = arith.index_cast %get3A_2902 : i32 to index
        %get3A_2905 = arith.constant 112 : index
        %get3A_2906 = tpu.vector_load %arg8[%get3A_2903, %get3A_2904, %get3A_2905] {strides = array<i32>} : memref<16x4x512xf32, #tpu.memory_space<vmem>>, vector<1x1x16xf32>,
        %get3A_2907 = vector.shape_cast %get3A_2906 : vector<1x1x16xf32> to vector<16xf32>
        %swap3A_2908 = arith.constant 8 : i32
        %swap3A_2909 = arith.index_cast %swap3A_2908 : i32 to index
        %swap3A_2910 = arith.constant 112 : index
        %swap3A_2911 = tpu.vector_load %arg10[%swap3A_2909, %swap3A_2910] {strides = array<i32>} : memref<16x512xf32, #tpu.memory_space<vmem>>, vector<1x16xf32>,
        %swap3A_2912 = vector.shape_cast %swap3A_2911 : vector<1x16xf32> to vector<16xf32>
        %swap3A_2913 = vector.shape_cast %get3A_2907 : vector<16xf32> to vector<1x16xf32>
        tpu.vector_store %arg10[%swap3A_2909, %swap3A_2910], %swap3A_2913 {strides = array<i32>} : memref<16x512xf32, #tpu.memory_space<vmem>>, vector<1x16xf32>,
        %get3A_2914 = arith.constant 3 : i32
        %get3A_2915 = arith.index_cast %add3A_1652 : i32 to index
        %get3A_2916 = arith.index_cast %get3A_2914 : i32 to index
        %get3A_2917 = arith.constant 128 : index
        %get3A_2918 = tpu.vector_load %arg8[%get3A_2915, %get3A_2916, %get3A_2917] {strides = array<i32>} : memref<16x4x512xf32, #tpu.memory_space<vmem>>, vector<1x1x16xf32>,
        %get3A_2919 = vector.shape_cast %get3A_2918 : vector<1x1x16xf32> to vector<16xf32>
        %swap3A_2920 = arith.constant 8 : i32
        %swap3A_2921 = arith.index_cast %swap3A_2920 : i32 to index
        %swap3A_2922 = arith.constant 128 : index
        %swap3A_2923 = tpu.vector_load %arg10[%swap3A_2921, %swap3A_2922] {strides = array<i32>} : memref<16x512xf32, #tpu.memory_space<vmem>>, vector<1x16xf32>,
        %swap3A_2924 = vector.shape_cast %swap3A_2923 : vector<1x16xf32> to vector<16xf32>
        %swap3A_2925 = vector.shape_cast %get3A_2919 : vector<16xf32> to vector<1x16xf32>
        tpu.vector_store %arg10[%swap3A_2921, %swap3A_2922], %swap3A_2925 {strides = array<i32>} : memref<16x512xf32, #tpu.memory_space<vmem>>, vector<1x16xf32>,
        %get3A_2926 = arith.constant 3 : i32
        %get3A_2927 = arith.index_cast %add3A_1652 : i32 to index
        %get3A_2928 = arith.index_cast %get3A_2926 : i32 to index
        %get3A_2929 = arith.constant 144 : index
        %get3A_2930 = tpu.vector_load %arg8[%get3A_2927, %get3A_2928, %get3A_2929] {strides = array<i32>} : memref<16x4x512xf32, #tpu.memory_space<vmem>>, vector<1x1x16xf32>,
        %get3A_2931 = vector.shape_cast %get3A_2930 : vector<1x1x16xf32> to vector<16xf32>
        %swap3A_2932 = arith.constant 8 : i32
        %swap3A_2933 = arith.index_cast %swap3A_2932 : i32 to index
        %swap3A_2934 = arith.constant 144 : index
        %swap3A_2935 = tpu.vector_load %arg10[%swap3A_2933, %swap3A_2934] {strides = array<i32>} : memref<16x512xf32, #tpu.memory_space<vmem>>, vector<1x16xf32>,
        %swap3A_2936 = vector.shape_cast %swap3A_2935 : vector<1x16xf32> to vector<16xf32>
        %swap3A_2937 = vector.shape_cast %get3A_2931 : vector<16xf32> to vector<1x16xf32>
        tpu.vector_store %arg10[%swap3A_2933, %swap3A_2934], %swap3A_2937 {strides = array<i32>} : memref<16x512xf32, #tpu.memory_space<vmem>>, vector<1x16xf32>,
        %get3A_2938 = arith.constant 3 : i32
        %get3A_2939 = arith.index_cast %add3A_1652 : i32 to index
        %get3A_2940 = arith.index_cast %get3A_2938 : i32 to index
        %get3A_2941 = arith.constant 160 : index
        %get3A_2942 = tpu.vector_load %arg8[%get3A_2939, %get3A_2940, %get3A_2941] {strides = array<i32>} : memref<16x4x512xf32, #tpu.memory_space<vmem>>, vector<1x1x16xf32>,
        %get3A_2943 = vector.shape_cast %get3A_2942 : vector<1x1x16xf32> to vector<16xf32>
        %swap3A_2944 = arith.constant 8 : i32
        %swap3A_2945 = arith.index_cast %swap3A_2944 : i32 to index
        %swap3A_2946 = arith.constant 160 : index
        %swap3A_2947 = tpu.vector_load %arg10[%swap3A_2945, %swap3A_2946] {strides = array<i32>} : memref<16x512xf32, #tpu.memory_space<vmem>>, vector<1x16xf32>,
        %swap3A_2948 = vector.shape_cast %swap3A_2947 : vector<1x16xf32> to vector<16xf32>
        %swap3A_2949 = vector.shape_cast %get3A_2943 : vector<16xf32> to vector<1x16xf32>
        tpu.vector_store %arg10[%swap3A_2945, %swap3A_2946], %swap3A_2949 {strides = array<i32>} : memref<16x512xf32, #tpu.memory_space<vmem>>, vector<1x16xf32>,
        %get3A_2950 = arith.constant 3 : i32
        %get3A_2951 = arith.index_cast %add3A_1652 : i32 to index
        %get3A_2952 = arith.index_cast %get3A_2950 : i32 to index
        %get3A_2953 = arith.constant 176 : index
        %get3A_2954 = tpu.vector_load %arg8[%get3A_2951, %get3A_2952, %get3A_2953] {strides = array<i32>} : memref<16x4x512xf32, #tpu.memory_space<vmem>>, vector<1x1x16xf32>,
        %get3A_2955 = vector.shape_cast %get3A_2954 : vector<1x1x16xf32> to vector<16xf32>
        %swap3A_2956 = arith.constant 8 : i32
        %swap3A_2957 = arith.index_cast %swap3A_2956 : i32 to index
        %swap3A_2958 = arith.constant 176 : index
        %swap3A_2959 = tpu.vector_load %arg10[%swap3A_2957, %swap3A_2958] {strides = array<i32>} : memref<16x512xf32, #tpu.memory_space<vmem>>, vector<1x16xf32>,
        %swap3A_2960 = vector.shape_cast %swap3A_2959 : vector<1x16xf32> to vector<16xf32>
        %swap3A_2961 = vector.shape_cast %get3A_2955 : vector<16xf32> to vector<1x16xf32>
        tpu.vector_store %arg10[%swap3A_2957, %swap3A_2958], %swap3A_2961 {strides = array<i32>} : memref<16x512xf32, #tpu.memory_space<vmem>>, vector<1x16xf32>,
        %get3A_2962 = arith.constant 3 : i32
        %get3A_2963 = arith.index_cast %add3A_1652 : i32 to index
        %get3A_2964 = arith.index_cast %get3A_2962 : i32 to index
        %get3A_2965 = arith.constant 192 : index
        %get3A_2966 = tpu.vector_load %arg8[%get3A_2963, %get3A_2964, %get3A_2965] {strides = array<i32>} : memref<16x4x512xf32, #tpu.memory_space<vmem>>, vector<1x1x16xf32>,
        %get3A_2967 = vector.shape_cast %get3A_2966 : vector<1x1x16xf32> to vector<16xf32>
        %swap3A_2968 = arith.constant 8 : i32
        %swap3A_2969 = arith.index_cast %swap3A_2968 : i32 to index
        %swap3A_2970 = arith.constant 192 : index
        %swap3A_2971 = tpu.vector_load %arg10[%swap3A_2969, %swap3A_2970] {strides = array<i32>} : memref<16x512xf32, #tpu.memory_space<vmem>>, vector<1x16xf32>,
        %swap3A_2972 = vector.shape_cast %swap3A_2971 : vector<1x16xf32> to vector<16xf32>
        %swap3A_2973 = vector.shape_cast %get3A_2967 : vector<16xf32> to vector<1x16xf32>
        tpu.vector_store %arg10[%swap3A_2969, %swap3A_2970], %swap3A_2973 {strides = array<i32>} : memref<16x512xf32, #tpu.memory_space<vmem>>, vector<1x16xf32>,
        %get3A_2974 = arith.constant 3 : i32
        %get3A_2975 = arith.index_cast %add3A_1652 : i32 to index
        %get3A_2976 = arith.index_cast %get3A_2974 : i32 to index
        %get3A_2977 = arith.constant 208 : index
        %get3A_2978 = tpu.vector_load %arg8[%get3A_2975, %get3A_2976, %get3A_2977] {strides = array<i32>} : memref<16x4x512xf32, #tpu.memory_space<vmem>>, vector<1x1x16xf32>,
        %get3A_2979 = vector.shape_cast %get3A_2978 : vector<1x1x16xf32> to vector<16xf32>
        %swap3A_2980 = arith.constant 8 : i32
        %swap3A_2981 = arith.index_cast %swap3A_2980 : i32 to index
        %swap3A_2982 = arith.constant 208 : index
        %swap3A_2983 = tpu.vector_load %arg10[%swap3A_2981, %swap3A_2982] {strides = array<i32>} : memref<16x512xf32, #tpu.memory_space<vmem>>, vector<1x16xf32>,
        %swap3A_2984 = vector.shape_cast %swap3A_2983 : vector<1x16xf32> to vector<16xf32>
        %swap3A_2985 = vector.shape_cast %get3A_2979 : vector<16xf32> to vector<1x16xf32>
        tpu.vector_store %arg10[%swap3A_2981, %swap3A_2982], %swap3A_2985 {strides = array<i32>} : memref<16x512xf32, #tpu.memory_space<vmem>>, vector<1x16xf32>,
        %get3A_2986 = arith.constant 3 : i32
        %get3A_2987 = arith.index_cast %add3A_1652 : i32 to index
        %get3A_2988 = arith.index_cast %get3A_2986 : i32 to index
        %get3A_2989 = arith.constant 224 : index
        %get3A_2990 = tpu.vector_load %arg8[%get3A_2987, %get3A_2988, %get3A_2989] {strides = array<i32>} : memref<16x4x512xf32, #tpu.memory_space<vmem>>, vector<1x1x16xf32>,
        %get3A_2991 = vector.shape_cast %get3A_2990 : vector<1x1x16xf32> to vector<16xf32>
        %swap3A_2992 = arith.constant 8 : i32
        %swap3A_2993 = arith.index_cast %swap3A_2992 : i32 to index
        %swap3A_2994 = arith.constant 224 : index
        %swap3A_2995 = tpu.vector_load %arg10[%swap3A_2993, %swap3A_2994] {strides = array<i32>} : memref<16x512xf32, #tpu.memory_space<vmem>>, vector<1x16xf32>,
        %swap3A_2996 = vector.shape_cast %swap3A_2995 : vector<1x16xf32> to vector<16xf32>
        %swap3A_2997 = vector.shape_cast %get3A_2991 : vector<16xf32> to vector<1x16xf32>
        tpu.vector_store %arg10[%swap3A_2993, %swap3A_2994], %swap3A_2997 {strides = array<i32>} : memref<16x512xf32, #tpu.memory_space<vmem>>, vector<1x16xf32>,
        %get3A_2998 = arith.constant 3 : i32
        %get3A_2999 = arith.index_cast %add3A_1652 : i32 to index
        %get3A_3000 = arith.index_cast %get3A_2998 : i32 to index
        %get3A_3001 = arith.constant 240 : index
        %get3A_3002 = tpu.vector_load %arg8[%get3A_2999, %get3A_3000, %get3A_3001] {strides = array<i32>} : memref<16x4x512xf32, #tpu.memory_space<vmem>>, vector<1x1x16xf32>,
        %get3A_3003 = vector.shape_cast %get3A_3002 : vector<1x1x16xf32> to vector<16xf32>
        %swap3A_3004 = arith.constant 8 : i32
        %swap3A_3005 = arith.index_cast %swap3A_3004 : i32 to index
        %swap3A_3006 = arith.constant 240 : index
        %swap3A_3007 = tpu.vector_load %arg10[%swap3A_3005, %swap3A_3006] {strides = array<i32>} : memref<16x512xf32, #tpu.memory_space<vmem>>, vector<1x16xf32>,
        %swap3A_3008 = vector.shape_cast %swap3A_3007 : vector<1x16xf32> to vector<16xf32>
        %swap3A_3009 = vector.shape_cast %get3A_3003 : vector<16xf32> to vector<1x16xf32>
        tpu.vector_store %arg10[%swap3A_3005, %swap3A_3006], %swap3A_3009 {strides = array<i32>} : memref<16x512xf32, #tpu.memory_space<vmem>>, vector<1x16xf32>,
        %get3A_3010 = arith.constant 3 : i32
        %get3A_3011 = arith.index_cast %add3A_1652 : i32 to index
        %get3A_3012 = arith.index_cast %get3A_3010 : i32 to index
        %get3A_3013 = arith.constant 256 : index
        %get3A_3014 = tpu.vector_load %arg8[%get3A_3011, %get3A_3012, %get3A_3013] {strides = array<i32>} : memref<16x4x512xf32, #tpu.memory_space<vmem>>, vector<1x1x16xf32>,
        %get3A_3015 = vector.shape_cast %get3A_3014 : vector<1x1x16xf32> to vector<16xf32>
        %swap3A_3016 = arith.constant 8 : i32
        %swap3A_3017 = arith.index_cast %swap3A_3016 : i32 to index
        %swap3A_3018 = arith.constant 256 : index
        %swap3A_3019 = tpu.vector_load %arg10[%swap3A_3017, %swap3A_3018] {strides = array<i32>} : memref<16x512xf32, #tpu.memory_space<vmem>>, vector<1x16xf32>,
        %swap3A_3020 = vector.shape_cast %swap3A_3019 : vector<1x16xf32> to vector<16xf32>
        %swap3A_3021 = vector.shape_cast %get3A_3015 : vector<16xf32> to vector<1x16xf32>
        tpu.vector_store %arg10[%swap3A_3017, %swap3A_3018], %swap3A_3021 {strides = array<i32>} : memref<16x512xf32, #tpu.memory_space<vmem>>, vector<1x16xf32>,
        %get3A_3022 = arith.constant 3 : i32
        %get3A_3023 = arith.index_cast %add3A_1652 : i32 to index
        %get3A_3024 = arith.index_cast %get3A_3022 : i32 to index
        %get3A_3025 = arith.constant 272 : index
        %get3A_3026 = tpu.vector_load %arg8[%get3A_3023, %get3A_3024, %get3A_3025] {strides = array<i32>} : memref<16x4x512xf32, #tpu.memory_space<vmem>>, vector<1x1x16xf32>,
        %get3A_3027 = vector.shape_cast %get3A_3026 : vector<1x1x16xf32> to vector<16xf32>
        %swap3A_3028 = arith.constant 8 : i32
        %swap3A_3029 = arith.index_cast %swap3A_3028 : i32 to index
        %swap3A_3030 = arith.constant 272 : index
        %swap3A_3031 = tpu.vector_load %arg10[%swap3A_3029, %swap3A_3030] {strides = array<i32>} : memref<16x512xf32, #tpu.memory_space<vmem>>, vector<1x16xf32>,
        %swap3A_3032 = vector.shape_cast %swap3A_3031 : vector<1x16xf32> to vector<16xf32>
        %swap3A_3033 = vector.shape_cast %get3A_3027 : vector<16xf32> to vector<1x16xf32>
        tpu.vector_store %arg10[%swap3A_3029, %swap3A_3030], %swap3A_3033 {strides = array<i32>} : memref<16x512xf32, #tpu.memory_space<vmem>>, vector<1x16xf32>,
        %get3A_3034 = arith.constant 3 : i32
        %get3A_3035 = arith.index_cast %add3A_1652 : i32 to index
        %get3A_3036 = arith.index_cast %get3A_3034 : i32 to index
        %get3A_3037 = arith.constant 288 : index
        %get3A_3038 = tpu.vector_load %arg8[%get3A_3035, %get3A_3036, %get3A_3037] {strides = array<i32>} : memref<16x4x512xf32, #tpu.memory_space<vmem>>, vector<1x1x16xf32>,
        %get3A_3039 = vector.shape_cast %get3A_3038 : vector<1x1x16xf32> to vector<16xf32>
        %swap3A_3040 = arith.constant 8 : i32
        %swap3A_3041 = arith.index_cast %swap3A_3040 : i32 to index
        %swap3A_3042 = arith.constant 288 : index
        %swap3A_3043 = tpu.vector_load %arg10[%swap3A_3041, %swap3A_3042] {strides = array<i32>} : memref<16x512xf32, #tpu.memory_space<vmem>>, vector<1x16xf32>,
        %swap3A_3044 = vector.shape_cast %swap3A_3043 : vector<1x16xf32> to vector<16xf32>
        %swap3A_3045 = vector.shape_cast %get3A_3039 : vector<16xf32> to vector<1x16xf32>
        tpu.vector_store %arg10[%swap3A_3041, %swap3A_3042], %swap3A_3045 {strides = array<i32>} : memref<16x512xf32, #tpu.memory_space<vmem>>, vector<1x16xf32>,
        %get3A_3046 = arith.constant 3 : i32
        %get3A_3047 = arith.index_cast %add3A_1652 : i32 to index
        %get3A_3048 = arith.index_cast %get3A_3046 : i32 to index
        %get3A_3049 = arith.constant 304 : index
        %get3A_3050 = tpu.vector_load %arg8[%get3A_3047, %get3A_3048, %get3A_3049] {strides = array<i32>} : memref<16x4x512xf32, #tpu.memory_space<vmem>>, vector<1x1x16xf32>,
        %get3A_3051 = vector.shape_cast %get3A_3050 : vector<1x1x16xf32> to vector<16xf32>
        %swap3A_3052 = arith.constant 8 : i32
        %swap3A_3053 = arith.index_cast %swap3A_3052 : i32 to index
        %swap3A_3054 = arith.constant 304 : index
        %swap3A_3055 = tpu.vector_load %arg10[%swap3A_3053, %swap3A_3054] {strides = array<i32>} : memref<16x512xf32, #tpu.memory_space<vmem>>, vector<1x16xf32>,
        %swap3A_3056 = vector.shape_cast %swap3A_3055 : vector<1x16xf32> to vector<16xf32>
        %swap3A_3057 = vector.shape_cast %get3A_3051 : vector<16xf32> to vector<1x16xf32>
        tpu.vector_store %arg10[%swap3A_3053, %swap3A_3054], %swap3A_3057 {strides = array<i32>} : memref<16x512xf32, #tpu.memory_space<vmem>>, vector<1x16xf32>,
        %get3A_3058 = arith.constant 3 : i32
        %get3A_3059 = arith.index_cast %add3A_1652 : i32 to index
        %get3A_3060 = arith.index_cast %get3A_3058 : i32 to index
        %get3A_3061 = arith.constant 320 : index
        %get3A_3062 = tpu.vector_load %arg8[%get3A_3059, %get3A_3060, %get3A_3061] {strides = array<i32>} : memref<16x4x512xf32, #tpu.memory_space<vmem>>, vector<1x1x16xf32>,
        %get3A_3063 = vector.shape_cast %get3A_3062 : vector<1x1x16xf32> to vector<16xf32>
        %swap3A_3064 = arith.constant 8 : i32
        %swap3A_3065 = arith.index_cast %swap3A_3064 : i32 to index
        %swap3A_3066 = arith.constant 320 : index
        %swap3A_3067 = tpu.vector_load %arg10[%swap3A_3065, %swap3A_3066] {strides = array<i32>} : memref<16x512xf32, #tpu.memory_space<vmem>>, vector<1x16xf32>,
        %swap3A_3068 = vector.shape_cast %swap3A_3067 : vector<1x16xf32> to vector<16xf32>
        %swap3A_3069 = vector.shape_cast %get3A_3063 : vector<16xf32> to vector<1x16xf32>
        tpu.vector_store %arg10[%swap3A_3065, %swap3A_3066], %swap3A_3069 {strides = array<i32>} : memref<16x512xf32, #tpu.memory_space<vmem>>, vector<1x16xf32>,
        %get3A_3070 = arith.constant 3 : i32
        %get3A_3071 = arith.index_cast %add3A_1652 : i32 to index
        %get3A_3072 = arith.index_cast %get3A_3070 : i32 to index
        %get3A_3073 = arith.constant 336 : index
        %get3A_3074 = tpu.vector_load %arg8[%get3A_3071, %get3A_3072, %get3A_3073] {strides = array<i32>} : memref<16x4x512xf32, #tpu.memory_space<vmem>>, vector<1x1x16xf32>,
        %get3A_3075 = vector.shape_cast %get3A_3074 : vector<1x1x16xf32> to vector<16xf32>
        %swap3A_3076 = arith.constant 8 : i32
        %swap3A_3077 = arith.index_cast %swap3A_3076 : i32 to index
        %swap3A_3078 = arith.constant 336 : index
        %swap3A_3079 = tpu.vector_load %arg10[%swap3A_3077, %swap3A_3078] {strides = array<i32>} : memref<16x512xf32, #tpu.memory_space<vmem>>, vector<1x16xf32>,
        %swap3A_3080 = vector.shape_cast %swap3A_3079 : vector<1x16xf32> to vector<16xf32>
        %swap3A_3081 = vector.shape_cast %get3A_3075 : vector<16xf32> to vector<1x16xf32>
        tpu.vector_store %arg10[%swap3A_3077, %swap3A_3078], %swap3A_3081 {strides = array<i32>} : memref<16x512xf32, #tpu.memory_space<vmem>>, vector<1x16xf32>,
        %get3A_3082 = arith.constant 3 : i32
        %get3A_3083 = arith.index_cast %add3A_1652 : i32 to index
        %get3A_3084 = arith.index_cast %get3A_3082 : i32 to index
        %get3A_3085 = arith.constant 352 : index
        %get3A_3086 = tpu.vector_load %arg8[%get3A_3083, %get3A_3084, %get3A_3085] {strides = array<i32>} : memref<16x4x512xf32, #tpu.memory_space<vmem>>, vector<1x1x16xf32>,
        %get3A_3087 = vector.shape_cast %get3A_3086 : vector<1x1x16xf32> to vector<16xf32>
        %swap3A_3088 = arith.constant 8 : i32
        %swap3A_3089 = arith.index_cast %swap3A_3088 : i32 to index
        %swap3A_3090 = arith.constant 352 : index
        %swap3A_3091 = tpu.vector_load %arg10[%swap3A_3089, %swap3A_3090] {strides = array<i32>} : memref<16x512xf32, #tpu.memory_space<vmem>>, vector<1x16xf32>,
        %swap3A_3092 = vector.shape_cast %swap3A_3091 : vector<1x16xf32> to vector<16xf32>
        %swap3A_3093 = vector.shape_cast %get3A_3087 : vector<16xf32> to vector<1x16xf32>
        tpu.vector_store %arg10[%swap3A_3089, %swap3A_3090], %swap3A_3093 {strides = array<i32>} : memref<16x512xf32, #tpu.memory_space<vmem>>, vector<1x16xf32>,
        %get3A_3094 = arith.constant 3 : i32
        %get3A_3095 = arith.index_cast %add3A_1652 : i32 to index
        %get3A_3096 = arith.index_cast %get3A_3094 : i32 to index
        %get3A_3097 = arith.constant 368 : index
        %get3A_3098 = tpu.vector_load %arg8[%get3A_3095, %get3A_3096, %get3A_3097] {strides = array<i32>} : memref<16x4x512xf32, #tpu.memory_space<vmem>>, vector<1x1x16xf32>,
        %get3A_3099 = vector.shape_cast %get3A_3098 : vector<1x1x16xf32> to vector<16xf32>
        %swap3A_3100 = arith.constant 8 : i32
        %swap3A_3101 = arith.index_cast %swap3A_3100 : i32 to index
        %swap3A_3102 = arith.constant 368 : index
        %swap3A_3103 = tpu.vector_load %arg10[%swap3A_3101, %swap3A_3102] {strides = array<i32>} : memref<16x512xf32, #tpu.memory_space<vmem>>, vector<1x16xf32>,
        %swap3A_3104 = vector.shape_cast %swap3A_3103 : vector<1x16xf32> to vector<16xf32>
        %swap3A_3105 = vector.shape_cast %get3A_3099 : vector<16xf32> to vector<1x16xf32>
        tpu.vector_store %arg10[%swap3A_3101, %swap3A_3102], %swap3A_3105 {strides = array<i32>} : memref<16x512xf32, #tpu.memory_space<vmem>>, vector<1x16xf32>,
        %get3A_3106 = arith.constant 3 : i32
        %get3A_3107 = arith.index_cast %add3A_1652 : i32 to index
        %get3A_3108 = arith.index_cast %get3A_3106 : i32 to index
        %get3A_3109 = arith.constant 384 : index
        %get3A_3110 = tpu.vector_load %arg8[%get3A_3107, %get3A_3108, %get3A_3109] {strides = array<i32>} : memref<16x4x512xf32, #tpu.memory_space<vmem>>, vector<1x1x16xf32>,
        %get3A_3111 = vector.shape_cast %get3A_3110 : vector<1x1x16xf32> to vector<16xf32>
        %swap3A_3112 = arith.constant 8 : i32
        %swap3A_3113 = arith.index_cast %swap3A_3112 : i32 to index
        %swap3A_3114 = arith.constant 384 : index
        %swap3A_3115 = tpu.vector_load %arg10[%swap3A_3113, %swap3A_3114] {strides = array<i32>} : memref<16x512xf32, #tpu.memory_space<vmem>>, vector<1x16xf32>,
        %swap3A_3116 = vector.shape_cast %swap3A_3115 : vector<1x16xf32> to vector<16xf32>
        %swap3A_3117 = vector.shape_cast %get3A_3111 : vector<16xf32> to vector<1x16xf32>
        tpu.vector_store %arg10[%swap3A_3113, %swap3A_3114], %swap3A_3117 {strides = array<i32>} : memref<16x512xf32, #tpu.memory_space<vmem>>, vector<1x16xf32>,
        %get3A_3118 = arith.constant 3 : i32
        %get3A_3119 = arith.index_cast %add3A_1652 : i32 to index
        %get3A_3120 = arith.index_cast %get3A_3118 : i32 to index
        %get3A_3121 = arith.constant 400 : index
        %get3A_3122 = tpu.vector_load %arg8[%get3A_3119, %get3A_3120, %get3A_3121] {strides = array<i32>} : memref<16x4x512xf32, #tpu.memory_space<vmem>>, vector<1x1x16xf32>,
        %get3A_3123 = vector.shape_cast %get3A_3122 : vector<1x1x16xf32> to vector<16xf32>
        %swap3A_3124 = arith.constant 8 : i32
        %swap3A_3125 = arith.index_cast %swap3A_3124 : i32 to index
        %swap3A_3126 = arith.constant 400 : index
        %swap3A_3127 = tpu.vector_load %arg10[%swap3A_3125, %swap3A_3126] {strides = array<i32>} : memref<16x512xf32, #tpu.memory_space<vmem>>, vector<1x16xf32>,
        %swap3A_3128 = vector.shape_cast %swap3A_3127 : vector<1x16xf32> to vector<16xf32>
        %swap3A_3129 = vector.shape_cast %get3A_3123 : vector<16xf32> to vector<1x16xf32>
        tpu.vector_store %arg10[%swap3A_3125, %swap3A_3126], %swap3A_3129 {strides = array<i32>} : memref<16x512xf32, #tpu.memory_space<vmem>>, vector<1x16xf32>,
        %get3A_3130 = arith.constant 3 : i32
        %get3A_3131 = arith.index_cast %add3A_1652 : i32 to index
        %get3A_3132 = arith.index_cast %get3A_3130 : i32 to index
        %get3A_3133 = arith.constant 416 : index
        %get3A_3134 = tpu.vector_load %arg8[%get3A_3131, %get3A_3132, %get3A_3133] {strides = array<i32>} : memref<16x4x512xf32, #tpu.memory_space<vmem>>, vector<1x1x16xf32>,
        %get3A_3135 = vector.shape_cast %get3A_3134 : vector<1x1x16xf32> to vector<16xf32>
        %swap3A_3136 = arith.constant 8 : i32
        %swap3A_3137 = arith.index_cast %swap3A_3136 : i32 to index
        %swap3A_3138 = arith.constant 416 : index
        %swap3A_3139 = tpu.vector_load %arg10[%swap3A_3137, %swap3A_3138] {strides = array<i32>} : memref<16x512xf32, #tpu.memory_space<vmem>>, vector<1x16xf32>,
        %swap3A_3140 = vector.shape_cast %swap3A_3139 : vector<1x16xf32> to vector<16xf32>
        %swap3A_3141 = vector.shape_cast %get3A_3135 : vector<16xf32> to vector<1x16xf32>
        tpu.vector_store %arg10[%swap3A_3137, %swap3A_3138], %swap3A_3141 {strides = array<i32>} : memref<16x512xf32, #tpu.memory_space<vmem>>, vector<1x16xf32>,
        %get3A_3142 = arith.constant 3 : i32
        %get3A_3143 = arith.index_cast %add3A_1652 : i32 to index
        %get3A_3144 = arith.index_cast %get3A_3142 : i32 to index
        %get3A_3145 = arith.constant 432 : index
        %get3A_3146 = tpu.vector_load %arg8[%get3A_3143, %get3A_3144, %get3A_3145] {strides = array<i32>} : memref<16x4x512xf32, #tpu.memory_space<vmem>>, vector<1x1x16xf32>,
        %get3A_3147 = vector.shape_cast %get3A_3146 : vector<1x1x16xf32> to vector<16xf32>
        %swap3A_3148 = arith.constant 8 : i32
        %swap3A_3149 = arith.index_cast %swap3A_3148 : i32 to index
        %swap3A_3150 = arith.constant 432 : index
        %swap3A_3151 = tpu.vector_load %arg10[%swap3A_3149, %swap3A_3150] {strides = array<i32>} : memref<16x512xf32, #tpu.memory_space<vmem>>, vector<1x16xf32>,
        %swap3A_3152 = vector.shape_cast %swap3A_3151 : vector<1x16xf32> to vector<16xf32>
        %swap3A_3153 = vector.shape_cast %get3A_3147 : vector<16xf32> to vector<1x16xf32>
        tpu.vector_store %arg10[%swap3A_3149, %swap3A_3150], %swap3A_3153 {strides = array<i32>} : memref<16x512xf32, #tpu.memory_space<vmem>>, vector<1x16xf32>,
        %get3A_3154 = arith.constant 3 : i32
        %get3A_3155 = arith.index_cast %add3A_1652 : i32 to index
        %get3A_3156 = arith.index_cast %get3A_3154 : i32 to index
        %get3A_3157 = arith.constant 448 : index
        %get3A_3158 = tpu.vector_load %arg8[%get3A_3155, %get3A_3156, %get3A_3157] {strides = array<i32>} : memref<16x4x512xf32, #tpu.memory_space<vmem>>, vector<1x1x16xf32>,
        %get3A_3159 = vector.shape_cast %get3A_3158 : vector<1x1x16xf32> to vector<16xf32>
        %swap3A_3160 = arith.constant 8 : i32
        %swap3A_3161 = arith.index_cast %swap3A_3160 : i32 to index
        %swap3A_3162 = arith.constant 448 : index
        %swap3A_3163 = tpu.vector_load %arg10[%swap3A_3161, %swap3A_3162] {strides = array<i32>} : memref<16x512xf32, #tpu.memory_space<vmem>>, vector<1x16xf32>,
        %swap3A_3164 = vector.shape_cast %swap3A_3163 : vector<1x16xf32> to vector<16xf32>
        %swap3A_3165 = vector.shape_cast %get3A_3159 : vector<16xf32> to vector<1x16xf32>
        tpu.vector_store %arg10[%swap3A_3161, %swap3A_3162], %swap3A_3165 {strides = array<i32>} : memref<16x512xf32, #tpu.memory_space<vmem>>, vector<1x16xf32>,
        %get3A_3166 = arith.constant 3 : i32
        %get3A_3167 = arith.index_cast %add3A_1652 : i32 to index
        %get3A_3168 = arith.index_cast %get3A_3166 : i32 to index
        %get3A_3169 = arith.constant 464 : index
        %get3A_3170 = tpu.vector_load %arg8[%get3A_3167, %get3A_3168, %get3A_3169] {strides = array<i32>} : memref<16x4x512xf32, #tpu.memory_space<vmem>>, vector<1x1x16xf32>,
        %get3A_3171 = vector.shape_cast %get3A_3170 : vector<1x1x16xf32> to vector<16xf32>
        %swap3A_3172 = arith.constant 8 : i32
        %swap3A_3173 = arith.index_cast %swap3A_3172 : i32 to index
        %swap3A_3174 = arith.constant 464 : index
        %swap3A_3175 = tpu.vector_load %arg10[%swap3A_3173, %swap3A_3174] {strides = array<i32>} : memref<16x512xf32, #tpu.memory_space<vmem>>, vector<1x16xf32>,
        %swap3A_3176 = vector.shape_cast %swap3A_3175 : vector<1x16xf32> to vector<16xf32>
        %swap3A_3177 = vector.shape_cast %get3A_3171 : vector<16xf32> to vector<1x16xf32>
        tpu.vector_store %arg10[%swap3A_3173, %swap3A_3174], %swap3A_3177 {strides = array<i32>} : memref<16x512xf32, #tpu.memory_space<vmem>>, vector<1x16xf32>,
        %get3A_3178 = arith.constant 3 : i32
        %get3A_3179 = arith.index_cast %add3A_1652 : i32 to index
        %get3A_3180 = arith.index_cast %get3A_3178 : i32 to index
        %get3A_3181 = arith.constant 480 : index
        %get3A_3182 = tpu.vector_load %arg8[%get3A_3179, %get3A_3180, %get3A_3181] {strides = array<i32>} : memref<16x4x512xf32, #tpu.memory_space<vmem>>, vector<1x1x16xf32>,
        %get3A_3183 = vector.shape_cast %get3A_3182 : vector<1x1x16xf32> to vector<16xf32>
        %swap3A_3184 = arith.constant 8 : i32
        %swap3A_3185 = arith.index_cast %swap3A_3184 : i32 to index
        %swap3A_3186 = arith.constant 480 : index
        %swap3A_3187 = tpu.vector_load %arg10[%swap3A_3185, %swap3A_3186] {strides = array<i32>} : memref<16x512xf32, #tpu.memory_space<vmem>>, vector<1x16xf32>,
        %swap3A_3188 = vector.shape_cast %swap3A_3187 : vector<1x16xf32> to vector<16xf32>
        %swap3A_3189 = vector.shape_cast %get3A_3183 : vector<16xf32> to vector<1x16xf32>
        tpu.vector_store %arg10[%swap3A_3185, %swap3A_3186], %swap3A_3189 {strides = array<i32>} : memref<16x512xf32, #tpu.memory_space<vmem>>, vector<1x16xf32>,
        %get3A_3190 = arith.constant 3 : i32
        %get3A_3191 = arith.index_cast %add3A_1652 : i32 to index
        %get3A_3192 = arith.index_cast %get3A_3190 : i32 to index
        %get3A_3193 = arith.constant 496 : index
        %get3A_3194 = tpu.vector_load %arg8[%get3A_3191, %get3A_3192, %get3A_3193] {strides = array<i32>} : memref<16x4x512xf32, #tpu.memory_space<vmem>>, vector<1x1x16xf32>,
        %get3A_3195 = vector.shape_cast %get3A_3194 : vector<1x1x16xf32> to vector<16xf32>
        %swap3A_3196 = arith.constant 8 : i32
        %swap3A_3197 = arith.index_cast %swap3A_3196 : i32 to index
        %swap3A_3198 = arith.constant 496 : index
        %swap3A_3199 = tpu.vector_load %arg10[%swap3A_3197, %swap3A_3198] {strides = array<i32>} : memref<16x512xf32, #tpu.memory_space<vmem>>, vector<1x16xf32>,
        %swap3A_3200 = vector.shape_cast %swap3A_3199 : vector<1x16xf32> to vector<16xf32>
        %swap3A_3201 = vector.shape_cast %get3A_3195 : vector<16xf32> to vector<1x16xf32>
        tpu.vector_store %arg10[%swap3A_3197, %swap3A_3198], %swap3A_3201 {strides = array<i32>} : memref<16x512xf32, #tpu.memory_space<vmem>>, vector<1x16xf32>,
        %add3A_3202 = arith.addi %mul3A_2, %add3A_1655 : i32
        %dma_start3A_3203 = arith.constant 0 : i32
        %dma_start3A_3204 = arith.constant 0 : i32
        %dma_start3A_3205 = tpu.memref_slice %arg6[%add3A_3202, %dma_start3A_3203, %dma_start3A_3204] : memref<4096x77x512xf32, #tpu.memory_space<hbm>> -> memref<1x16x512xf32, #tpu.memory_space<hbm>>
        %dma_start3A_3206 = tpu.memref_squeeze %dma_start3A_3205 : memref<1x16x512xf32, #tpu.memory_space<hbm>> -> memref<16x512xf32, #tpu.memory_space<hbm>>
        %dma_start3A_3207 = arith.constant 0 : i32
        %dma_start3A_3208 = arith.constant 0 : i32
        %dma_start3A_3209 = tpu.memref_slice %arg6[%add3A_3202, %dma_start3A_3207, %dma_start3A_3208] : memref<4096x77x512xf32, #tpu.memory_space<hbm>> -> memref<1x16x512xf32, #tpu.memory_space<hbm>>
        %dma_start3A_3210 = tpu.memref_squeeze %dma_start3A_3209 : memref<1x16x512xf32, #tpu.memory_space<hbm>> -> memref<16x512xf32, #tpu.memory_space<hbm>>
        tpu.enqueue_dma source(%arg10 : memref<16x512xf32, #tpu.memory_space<vmem>>) target(%dma_start3A_3210 : memref<16x512xf32, #tpu.memory_space<hbm>>) target_semaphore(%arg15 : memref<!tpu.dma_semaphore, #tpu.memory_space<semaphore_mem>>)
        %add3A_3211 = arith.addi %mul3A_2, %add3A_1655 : i32
        %dma_start3A_3212 = arith.constant 16 : i32
        %dma_start3A_3213 = arith.constant 0 : i32
        %dma_start3A_3214 = tpu.memref_slice %arg6[%add3A_3211, %dma_start3A_3212, %dma_start3A_3213] : memref<4096x77x512xf32, #tpu.memory_space<hbm>> -> memref<1x61x512xf32, #tpu.memory_space<hbm>>
        %dma_start3A_3215 = tpu.memref_squeeze %dma_start3A_3214 : memref<1x61x512xf32, #tpu.memory_space<hbm>> -> memref<61x512xf32, #tpu.memory_space<hbm>>
        %dma_start3A_3216 = arith.constant 16 : i32
        %dma_start3A_3217 = arith.constant 0 : i32
        %dma_start3A_3218 = tpu.memref_slice %arg6[%add3A_3211, %dma_start3A_3216, %dma_start3A_3217] : memref<4096x77x512xf32, #tpu.memory_space<hbm>> -> memref<1x61x512xf32, #tpu.memory_space<hbm>>
        %dma_start3A_3219 = tpu.memref_squeeze %dma_start3A_3218 : memref<1x61x512xf32, #tpu.memory_space<hbm>> -> memref<61x512xf32, #tpu.memory_space<hbm>>
        tpu.enqueue_dma source(%arg11 : memref<61x512xf32, #tpu.memory_space<vmem>>) target(%dma_start3A_3219 : memref<61x512xf32, #tpu.memory_space<hbm>>) target_semaphore(%arg17 : memref<!tpu.dma_semaphore, #tpu.memory_space<semaphore_mem>>)
        %scan3A_3220 = arith.constant 0 : i32
        scf.yield %scan3A_3220 : i32
      }
      %scan3A_83 = arith.constant 8 : i32
      %scan3A_84 = arith.constant 0 : i32
      scf.yield %scan3A_84 : i32
    }
    %scan3A_24 = arith.constant 8 : i32
    %add3A_25 = arith.constant 126 : i32
    %add3A_26 = arith.addi %mul3A_2, %add3A_25 : i32
    %dma_wait3A = arith.constant 0 : i32
    %dma_wait3A_27 = arith.constant 0 : i32
    %dma_wait3A_28 = tpu.memref_slice %arg6[%add3A_26, %dma_wait3A, %dma_wait3A_27] : memref<4096x77x512xf32, #tpu.memory_space<hbm>> -> memref<1x16x512xf32, #tpu.memory_space<hbm>>
    %dma_wait3A_29 = tpu.memref_squeeze %dma_wait3A_28 : memref<1x16x512xf32, #tpu.memory_space<hbm>> -> memref<16x512xf32, #tpu.memory_space<hbm>>
    %dma_wait3A_30 = arith.constant 0 : i32
    %dma_wait3A_31 = arith.constant 0 : i32
    %dma_wait3A_32 = tpu.memref_slice %arg6[%add3A_26, %dma_wait3A_30, %dma_wait3A_31] : memref<4096x77x512xf32, #tpu.memory_space<hbm>> -> memref<1x16x512xf32, #tpu.memory_space<hbm>>
    %dma_wait3A_33 = tpu.memref_squeeze %dma_wait3A_32 : memref<1x16x512xf32, #tpu.memory_space<hbm>> -> memref<16x512xf32, #tpu.memory_space<hbm>>
    tpu.wait_dma2 semaphore(%arg14 : memref<!tpu.dma_semaphore, #tpu.memory_space<semaphore_mem>>) src(%arg9 : memref<16x512xf32, #tpu.memory_space<vmem>>) dst(%dma_wait3A_33 : memref<16x512xf32, #tpu.memory_space<hbm>>)
    %add3A_34 = arith.constant 126 : i32
    %add3A_35 = arith.addi %mul3A_2, %add3A_34 : i32
    %dma_wait3A_36 = arith.constant 16 : i32
    %dma_wait3A_37 = arith.constant 0 : i32
    %dma_wait3A_38 = tpu.memref_slice %arg6[%add3A_35, %dma_wait3A_36, %dma_wait3A_37] : memref<4096x77x512xf32, #tpu.memory_space<hbm>> -> memref<1x61x512xf32, #tpu.memory_space<hbm>>
    %dma_wait3A_39 = tpu.memref_squeeze %dma_wait3A_38 : memref<1x61x512xf32, #tpu.memory_space<hbm>> -> memref<61x512xf32, #tpu.memory_space<hbm>>
    %dma_wait3A_40 = arith.constant 16 : i32
    %dma_wait3A_41 = arith.constant 0 : i32
    %dma_wait3A_42 = tpu.memref_slice %arg6[%add3A_35, %dma_wait3A_40, %dma_wait3A_41] : memref<4096x77x512xf32, #tpu.memory_space<hbm>> -> memref<1x61x512xf32, #tpu.memory_space<hbm>>
    %dma_wait3A_43 = tpu.memref_squeeze %dma_wait3A_42 : memref<1x61x512xf32, #tpu.memory_space<hbm>> -> memref<61x512xf32, #tpu.memory_space<hbm>>
    tpu.wait_dma2 semaphore(%arg16 : memref<!tpu.dma_semaphore, #tpu.memory_space<semaphore_mem>>) src(%arg11 : memref<61x512xf32, #tpu.memory_space<vmem>>) dst(%dma_wait3A_43 : memref<61x512xf32, #tpu.memory_space<hbm>>)
    %add3A_44 = arith.constant 127 : i32
    %add3A_45 = arith.addi %mul3A_2, %add3A_44 : i32
    %dma_wait3A_46 = arith.constant 0 : i32
    %dma_wait3A_47 = arith.constant 0 : i32
    %dma_wait3A_48 = tpu.memref_slice %arg6[%add3A_45, %dma_wait3A_46, %dma_wait3A_47] : memref<4096x77x512xf32, #tpu.memory_space<hbm>> -> memref<1x16x512xf32, #tpu.memory_space<hbm>>
    %dma_wait3A_49 = tpu.memref_squeeze %dma_wait3A_48 : memref<1x16x512xf32, #tpu.memory_space<hbm>> -> memref<16x512xf32, #tpu.memory_space<hbm>>
    %dma_wait3A_50 = arith.constant 0 : i32
    %dma_wait3A_51 = arith.constant 0 : i32
    %dma_wait3A_52 = tpu.memref_slice %arg6[%add3A_45, %dma_wait3A_50, %dma_wait3A_51] : memref<4096x77x512xf32, #tpu.memory_space<hbm>> -> memref<1x16x512xf32, #tpu.memory_space<hbm>>
    %dma_wait3A_53 = tpu.memref_squeeze %dma_wait3A_52 : memref<1x16x512xf32, #tpu.memory_space<hbm>> -> memref<16x512xf32, #tpu.memory_space<hbm>>
    tpu.wait_dma2 semaphore(%arg15 : memref<!tpu.dma_semaphore, #tpu.memory_space<semaphore_mem>>) src(%arg10 : memref<16x512xf32, #tpu.memory_space<vmem>>) dst(%dma_wait3A_53 : memref<16x512xf32, #tpu.memory_space<hbm>>)
    %add3A_54 = arith.constant 127 : i32
    %add3A_55 = arith.addi %mul3A_2, %add3A_54 : i32
    %dma_wait3A_56 = arith.constant 16 : i32
    %dma_wait3A_57 = arith.constant 0 : i32
    %dma_wait3A_58 = tpu.memref_slice %arg6[%add3A_55, %dma_wait3A_56, %dma_wait3A_57] : memref<4096x77x512xf32, #tpu.memory_space<hbm>> -> memref<1x61x512xf32, #tpu.memory_space<hbm>>
    %dma_wait3A_59 = tpu.memref_squeeze %dma_wait3A_58 : memref<1x61x512xf32, #tpu.memory_space<hbm>> -> memref<61x512xf32, #tpu.memory_space<hbm>>
    %dma_wait3A_60 = arith.constant 16 : i32
    %dma_wait3A_61 = arith.constant 0 : i32
    %dma_wait3A_62 = tpu.memref_slice %arg6[%add3A_55, %dma_wait3A_60, %dma_wait3A_61] : memref<4096x77x512xf32, #tpu.memory_space<hbm>> -> memref<1x61x512xf32, #tpu.memory_space<hbm>>
    %dma_wait3A_63 = tpu.memref_squeeze %dma_wait3A_62 : memref<1x61x512xf32, #tpu.memory_space<hbm>> -> memref<61x512xf32, #tpu.memory_space<hbm>>
    tpu.wait_dma2 semaphore(%arg17 : memref<!tpu.dma_semaphore, #tpu.memory_space<semaphore_mem>>) src(%arg11 : memref<61x512xf32, #tpu.memory_space<vmem>>) dst(%dma_wait3A_63 : memref<61x512xf32, #tpu.memory_space<hbm>>)
    return
  }
}

</mosaic_0001>

<sc_bundles>
// kernel: kernel.3.cloned.1.call-start
scs
__scs_entry_jumppad:
0x0: {  	(pc) =	sbr.rel $0x88, $3  }
0x1: {  	(tag) =	ssettag $0x0;
	lr =	simm.s32 $0x1  }
0x2: {  	[smem:$0x3F9D] =	sst lr;
	_ =	strace $0xD0000000  }
0x3: {  	_ = 	snop  }
0x4: {  	_ = 	snop  }
0x5: {  	_ = 	snop  }
0x6: {  	_ = 	snop  }
0x7: {  	_ = 	snop  }
__scs_overlays_trampoline_lowered:
0x8: {  	[smem:$0x3FAC] =	sst s0  }
0x9: {  	[smem:$0x3FAD] =	sst s1  }
0xa: {  	[smem:$0x3FAE] =	sst s2  }
0xb: {  	[smem:$0x3FAF] =	sst s3  }
0xc: {  	[smem:$0x3FB0] =	sst s4  }
0xd: {  	[smem:$0x3FB1] =	sst s5  }
0xe: {  	[smem:$0x3FB2] =	sst s6  }
0xf: {  	[smem:$0x3FB3] =	sst s7  }
0x10: {  	[smem:$0x3FB4] =	sst s8  }
0x11: {  	[smem:$0x3FB5] =	sst s9;
	s0 =	simm.s32 @!p0 $0x0  }
0x12: {  	s1 =	sld [smem:$0x3F9B];
	s0 =	simm.s32 @p0 $0x1  }
0x13: {  	[smem:$0x3FB6] =	sst s0;
	s0 =	simm.s32 @!p1 $0x0  }
0x14: {  	s2 =	sld [smem:$0x3F9A];
	s0 =	simm.s32 @p1 $0x1  }
0x15: {  	[smem:$0x3FB7] =	sst s0;
	s0 =	simm.s32 @!p2 $0x0  }
0x16: {  	s3 =	sld [smem:$0x3FDB];
	s0 =	simm.s32 @p2 $0x1  }
0x17: {  	s4 =	simm.s32 $0x1BF5;
	[smem:$0x3FB9] =	sst s0  }
0x18: {  	s0 =	sld [smem:$0x3F9C];
	_ =	swait.ge [sflag:s4], $0x0  }
0x19: {  	s7 =	sld [smem:$0x3F9D]  }
0x1a: {  	s8 =	sadd.s32 $0xFFFFE003, lr  }
0x1b: {  	s9 =	sadd.s32 $0xFFFFFEF7, lr;
	s5 =	simm.s32 $0xFFFFFFFF;
	p2 =	slt.u32 s8, $0xFFFFF086  }
0x1c: {  	p1 =	slt.u32 s9, $0xF7A;
	s5 =	simm.s32 @!p2 $0x0  }
0x1d: {  	s5 =	simm.s32 @p1 $0x1;
	p0 =	seq.s32 s7, s2  }
0x1e: {  	s7 =	smul.u32 @!p0 $0xF7A, s2;
	p2 =	seq.s32 @!p0 s5, $0x0  }
0x1f: {  	s9 =	smul.u32 $0xF7A, s1;
	s8 =	simm.s32 @!p0 $0x1BF5;
	p2 =	por !p2, p0  }
0x20: {  	[sflag:s8] =	ssyncset.s32 @!p0 $0xFFFFF086;
	s6 =	sadd.s32 @!p0 s3, s7;
	s7 =	simm.s32 @!p0 $0x108  }
0x21: {  	s3 =	sadd.s32 s3, s9;
	s6 =	sadd.s32 @!p0 $0x88, s6;
	s7 =	simm.s32 @p2 $0x1082  }
0x22: {  	[simem:s7], [sflag:s8] =	dma.local @!p0 [hbm:s6], $0xF7A  }
0x23: {  	s9 =	sor.u32 $0xD0000000, s2;
	s6 =	simm.s32 $0x108;
	_ =	swait.ge @!p0 [sflag:s8], $0x0  }
0x24: {  	s3 =	sadd.s32 $0x88, s3;
	s6 =	simm.s32 @!p1 $0x1082;
	[sflag:s4] =	ssyncset.s32 $0xFFFFF086  }
0x25: {  	[simem:s6], [sflag:s4] =	dma.local [hbm:s3], $0xF7A  }
0x26: {  	[smem:$0x3F9D] =	sst s1;
	(tag) =	ssettag s2;
	_ =	strace s9  }
0x27: {  	s1 =	sld [smem:$0x3FAD]  }
0x28: {  	s2 =	sld [smem:$0x3FAE]  }
0x29: {  	s4 =	sld [smem:$0x3FB0]  }
0x2a: {  	p0 =	seq.s32 s5, $0x0;
	s5 =	sld [smem:$0x3FB1]  }
0x2b: {  	s6 =	sld [smem:$0x3FB2]  }
0x2c: {  	s7 =	sld [smem:$0x3FB3]  }
0x2d: {  	s3 =	simm.s32 $0x108;
	s8 =	sld [smem:$0x3FB4]  }
0x2e: {  	s3 =	simm.s32 @!p0 $0x1082;
	s9 =	sld [smem:$0x3FB5]  }
0x2f: {  	lr =	sadd.s32 s0, s3;
	s0 =	sld [smem:$0x3FAC]  }
0x30: {  	s3 =	sld [smem:$0x3FAF]  }
0x31: {  	[smem:$0x3FB8] =	sst s10  }
0x32: {  	s10 =	sld [smem:$0x3FB6];
	_ =	sdelay $0x3  }
0x33: {  	p0 =	seq.s32 s10, $0x1;
	s10 =	sld [smem:$0x3FB8];
	_ =	sdelay $0x3  }
0x34: {  	[smem:$0x3FB8] =	sst s10  }
0x35: {  	s10 =	sld [smem:$0x3FB7];
	_ =	sdelay $0x3  }
0x36: {  	p1 =	seq.s32 s10, $0x1;
	s10 =	sld [smem:$0x3FB8];
	_ =	sdelay $0x3  }
0x37: {  	[smem:$0x3FB8] =	sst s10  }
0x38: {  	s10 =	sld [smem:$0x3FB9]  }
0x39: {  	_ = 	snop;
	(pc) =	sbr.ind lr, $3  }
0x3a: {  	_ = 	snop  }
0x3b: {  	_ = 	snop  }
0x3c: {  	p2 =	seq.s32 s10, $0x1;
	s10 =	sld [smem:$0x3FB8]  }
0x3d: {  	_ =	shalt  }
0x3e: {  	_ =	shalt  }
0x3f: {  	_ =	shalt  }
0x40: {  	_ =	shalt  }
0x41: {  	_ =	shalt  }
0x42: {  	_ =	shalt  }
0x43: {  	_ =	shalt  }
0x44: {  	_ =	shalt  }
0x45: {  	_ =	shalt  }
0x46: {  	_ =	shalt  }
0x47: {  	_ =	shalt  }
0x48: {  	_ =	shalt  }
0x49: {  	_ =	shalt  }
0x4a: {  	_ =	shalt  }
0x4b: {  	_ =	shalt  }
0x4c: {  	_ =	shalt  }
0x4d: {  	_ =	shalt  }
0x4e: {  	_ =	shalt  }
0x4f: {  	_ =	shalt  }
0x50: {  	_ =	shalt  }
0x51: {  	_ =	shalt  }
0x52: {  	_ =	shalt  }
0x53: {  	_ =	shalt  }
0x54: {  	_ =	shalt  }
0x55: {  	_ =	shalt  }
0x56: {  	_ =	shalt  }
0x57: {  	_ =	shalt  }
0x58: {  	_ =	shalt  }
0x59: {  	_ =	shalt  }
0x5a: {  	_ =	shalt  }
0x5b: {  	_ =	shalt  }
0x5c: {  	_ =	shalt  }
0x5d: {  	_ =	shalt  }
0x5e: {  	_ =	shalt  }
0x5f: {  	_ =	shalt  }
0x60: {  	_ =	shalt  }
0x61: {  	_ =	shalt  }
0x62: {  	_ =	shalt  }
0x63: {  	_ =	shalt  }
0x64: {  	_ =	shalt  }
0x65: {  	_ =	shalt  }
0x66: {  	_ =	shalt  }
0x67: {  	_ =	shalt  }
0x68: {  	_ =	shalt  }
0x69: {  	_ =	shalt  }
0x6a: {  	_ =	shalt  }
0x6b: {  	_ =	shalt  }
0x6c: {  	_ =	shalt  }
0x6d: {  	_ =	shalt  }
0x6e: {  	_ =	shalt  }
0x6f: {  	_ =	shalt  }
0x70: {  	_ =	shalt  }
0x71: {  	_ =	shalt  }
0x72: {  	_ =	shalt  }
0x73: {  	_ =	shalt  }
0x74: {  	_ =	shalt  }
0x75: {  	_ =	shalt  }
0x76: {  	_ =	shalt  }
0x77: {  	_ =	shalt  }
0x78: {  	_ =	shalt  }
0x79: {  	_ =	shalt  }
0x7a: {  	_ =	shalt  }
0x7b: {  	_ =	shalt  }
0x7c: {  	_ =	shalt  }
0x7d: {  	_ =	shalt  }
0x7e: {  	_ =	shalt  }
0x7f: {  	_ =	shalt  }
0x80: {  	_ =	shalt  }
0x81: {  	_ =	shalt  }
0x82: {  	_ =	shalt  }
0x83: {  	_ =	shalt  }
0x84: {  	_ =	shalt  }
0x85: {  	_ =	shalt  }
0x86: {  	_ =	shalt  }
0x87: {  	_ =	shalt  }
.Lfunc_end0:
.L_simem_size_0:
called_computation_lowered:
.L_overlay_start_0:
0x88: {  	s2 =	sld [smem:$0x3FD9]  }
0x89: {  	s3 =	sld [smem:$0x3FFE];
	_ =	sdelay $0x1  }
0x8a: {  	s1 =	srdreg.scid  }
0x8b: {  	s0 =	sand.u32 $0x1, s1  }
0x8c: {  	s17 =	sshll.u32 s0, $0xA;
	s2 =	sadd.s32 s3, s2  }
0x8d: {  	s2 =	sadd.s32 s2, s17  }
0x8e: {  	[smem:$0x3FC4] =	sst s2  }
0x8f: {  	_ = 	snop  }
0x90: {  	s2 =	sld [smem:$0x3FC9]  }
0x91: {  	s18 =	sld [smem:$0x3FC8]  }
0x92: {  	s4 =	sld [smem:$0x3FD0];
	(tm) =	ssettm $0x1  }
0x93: {  	s5 =	sld [smem:$0x3FFB];
	_ =	sdelay $0x3  }
0x94: {  	_ =	strace s5  }
0x95: {  	s5 =	sld [smem:$0x3FFC];
	_ =	sdelay $0x3  }
0x96: {  	_ =	strace s5  }
0x97: {  	s5 =	sld [smem:$0x3FFD];
	_ =	sdelay $0x3  }
0x98: {  	_ =	strace s5  }
0x99: {  	_ =	strace $0x8FFFFFFF  }
0x9a: {  	s19 =	sld [smem:$0x3FDB];
	_ =	sdelay $0x1  }
0x9b: {  	s6 =	simm.s32 $_scs_section_size  }
0x9c: {  	s7 =	simm.s32 $_size__tile_overlayer_lowered;
	s8 =	simm.s32 $_tile_overlayer_lowered  }
0x9d: {  	s22 =	simm.s32 $0x1BFF;
	s21 =	sshll.u32 s8, $0x1;
	s5 =	sadd.s32 s6, s19  }
0x9e: {  	s9 =	simm.s32 $0x0;
	s20 =	sshll.u32 s7, $0x1;
	s7 =	sadd.s32 s21, s5  }
0x9f: {  	[timem:s9], [sflag:s22] =	dma.local [hbm:s7], s20  }
0xa0: {  	_ =	swait.ge [sflag:s22], s20  }
0xa1: {  	s6 =	ssub.s32 $0x0, s20;
	[sflag:s22] =	ssyncset.done $0x0  }
0xa2: {  	[sflag:s22] =	ssyncadd.s32 s6;
	_ =	sdelay $0x1  }
0xa3: {  	s23 =	simm.s32 $0x1B8B  }
0xa4: {  	_ =	swait.ge [sflag:s23], $0x1  }
0xa5: {  	[sflag:s23] =	ssyncset.done $0x0  }
0xa6: {  	s25 =	simm.s32 $0x1B8E;
	s24 =	sld [smem:$0x3FFE];
	[sflag:s23] =	ssyncadd.s32 $0xFFFFFFFF  }
0xa7: {  	s26 =	simm.s32 $execute0_lowered;
	[smem:$0x3FD2] =	sst s25  }
0xa8: {  	s7 =	sshll.u32 s26, $0x1;
	_ =	strace $0x80000046;
	[dreg:$0x1] =	wrdreg $0xFFFFFFFF  }
0xa9: {  	s28 =	simm.s32 $_size_execute0_lowered;
	s5 =	sadd.s32 s5, s7;
	[dreg:$0x0] =	wrdreg $0x0  }
0xaa: {  	s7 =	sshll.u32 s28, $0x1;
	[dreg:$0x2] =	wrdreg s5  }
0xab: {  	[dreg:$0x3] =	wrdreg s7  }
0xac: {  	[dreg:$0x4] =	wrdreg $0xC0  }
0xad: {  	_ =	task [dreg:s9], $0x5FFFF  }
0xae: {  	[dreg:$0x1] =	wrdreg $0xFFFFFFFF  }
0xaf: {  	[dreg:$0x0] =	wrdreg $0x60  }
0xb0: {  	[dreg:$0x2] =	wrdreg s2  }
0xb1: {  	[dreg:$0x3] =	wrdreg s18  }
0xb2: {  	[dreg:$0x4] =	wrdreg s24  }
0xb3: {  	[dreg:$0x5] =	wrdreg s4  }
0xb4: {  	[dreg:$0x6] =	wrdreg $0x9  }
0xb5: {  	_ =	task.clear_ibuf [dreg:s9], $0x7FFFF;
	_ =	strace $0x90000046  }
0xb6: {  	s29 =	simm.s32 $0x9;
	_ =	strace $0x80000048  }
0xb7: {  	_ =	swait.ge [sflag:s29], $0x1  }
0xb8: {  	[sflag:s29] =	ssyncadd.s32 $0xFFFFFFFF  }
0xb9: {  	_ =	strace $0x90000048  }
0xba: {  	_ =	sfence  }
0xbb: {  	s30 =	sld [smem:$0x0];
	_ =	sdelay $0x2  }
0xbc: {  	s31 =	sshll.u32 s1, $0xD;
	s1 =	sshrl.u32 s1, $0x2  }
0xbd: {  	s3 =	sand.u32 $0x4000, s31;
	s1 =	sadd.s32 s1, s30  }
0xbe: {  	s0 =	sor.u32 s3, s0;
	s1 =	sshll.u32 s1, $0x11  }
0xbf: {  	s0 =	sor.u32 s1, s0  }
0xc0: {  	s0 =	sadd.s32 $0x8F2B, s0  }
0xc1: {  	[sflag:s0] =	ssyncadd.remote.s32 $0x1  }
0xc2: {  	_ =	sfence.sel $0xFFFF  }
0xc3: {  	[dreg:$0x0] =	wrdreg $0xFFFFFFFF;
	(pc) =	sbr.abs _section_cstart, $3  }
0xc4: {  	[dreg:$0x1] =	wrdreg $0xFFFFFFFF  }
0xc5: {  	_ =	task.clear_ibuf [dreg:s9], $0x2FFFF;
	_ =	strace $0x9FFFFFFF  }
0xc6: {  	(tm) =	ssettm $0x7FFFFFFF  }
0xc7: {  	_ =	shalt  }
tec
execute0_lowered:
.L_overlay_start_1:
0x0: {  	(tag) =	ssettag $0x1  }
0x1: {  	s0 =	rddreg [dreg:$0x0]  }
0x2: {  	s1 =	rddreg [dreg:$0x1]  }
0x3: {  	s2 =	rddreg [dreg:$0x2];
	s4 =	simm.s32 $0x0  }
0x4: {  	s3 =	srdreg.scid;
	s5 =	stileid.u32;
	s14 =	simm.s32 $0x6  }
0x5: {  	s16 =	simm.s32 $0x8080;
	s20 =	simm.s32 $0xA080;
	s22 =	simm.s32 $0xA880  }
0x6: {  	s23 =	simm.s32 $0xAC80;
	s24 =	simm.s32 $0x80;
	s28 =	simm.s32 $0x2  }
0x7: {  	s29 =	simm.s32 $0x4;
	s30 =	simm.s32 $0x3;
	s31 =	simm.s32 $0x5  }
0x8: {  	[smem:$0x7FF] =	sst s4;
	s3 =	sand.u32 $0x1, s3;
	s6 =	sshll.u32 s5, $0x8  }
0x9: {  	s5 =	sadd.s32 $0x400, s2;
	s7 =	sadd.s32 $0x600, s2;
	s11 =	sadd.s32 $0x480, s2  }
0xa: {  	s12 =	sadd.s32 $0x500, s2;
	s8 =	ssub.s32 $0x2, s3;
	s3 =	sshll.u32 s3, $0x7  }
0xb: {  	s13 =	sadd.s32 $0x580, s2;
	s9 =	sshrl.u32 s8, $0x1;
	s6 =	sor.u32 s3, s6  }
0xc: {  	_ =	strace $0x80000047;
	s25 =	ssub.s32 s8, s9;
	s26 =	sshrl.u32 s6, $0x3  }
0xd: {  	s9 =	sadd.s32 $0xA00, s2;
	s8 =	sadd.s32 s0, s26;
	s10 =	smax.u32 s25, $0x1  }
0xe: {  	v0 =	vlaneseq.u32;
	vm0 =	vmmov $0xffff;
	s25 =	simm.s32 $0x1;
	s26 =	simm.s32 $0xC080;
	s0 =	simm.s32 $0x0  }
.LBB2_1:
0xf: {  	[tilespmem:s4], [sflag:$0x6] =	stream.linear.gather [hbm4b:s8+s4], $0x80, $0x38;
	[tilespmem:$0x1D080] =	vst v63  }
0x10: {  	_ =	swait.ge [sflag:s14], $0x80  }
0x11: {  	[sflag:s14] =	ssyncset.done $0x0  }
0x12: {  	[sflag:s14] =	ssyncadd.s32 $0xFFFFFF80  }
0x13: {  	s3 =	simm.s32 $0x14080;
	s2 =	rddreg [dreg:$0x3]  }
0x14: {  	[tilespmem:s3], [sflag:$0x6] =	stream.linear.gather [hbm4b:s2+s4], $0x9000, $0x38;
	[tilespmem:$0x1D080] =	vst v63  }
0x15: {  	_ =	swait.ge [sflag:s14], $0x9000  }
0x16: {  	[sflag:s14] =	ssyncset.done $0x0  }
0x17: {  	[sflag:s14] =	ssyncadd.s32 $0xFFFF7000  }
0x18: {  	[tilespmem:s16], [sflag:$0x6] =	stream.linear.gather [hbm4b:s5+s4], $0x280, $0x38;
	[tilespmem:$0x1D080] =	vst v63  }
0x19: {  	s15 =	simm.s32 $0x8480  }
0x1a: {  	[tilespmem:s15], [sflag:$0x6] =	stream.linear.gather [hbm4b:s11+s4], $0x280, $0x38;
	[tilespmem:$0x1D080] =	vst v63  }
0x1b: {  	s17 =	simm.s32 $0x8880  }
0x1c: {  	[tilespmem:s17], [sflag:$0x6] =	stream.linear.gather [hbm4b:s12+s4], $0x280, $0x38;
	[tilespmem:$0x1D080] =	vst v63  }
0x1d: {  	s18 =	simm.s32 $0x8C80  }
0x1e: {  	[tilespmem:s18], [sflag:$0x6] =	stream.linear.gather [hbm4b:s13+s4], $0x280, $0x38;
	[tilespmem:$0x1D080] =	vst v63  }
0x1f: {  	_ =	swait.ge [sflag:s14], $0xA00  }
0x20: {  	[sflag:s14] =	ssyncset.done $0x0  }
0x21: {  	[sflag:s14] =	ssyncadd.s32 $0xFFFFF600  }
0x22: {  	[tilespmem:s20], [sflag:$0x6] =	stream.linear.gather [hbm4b:s5+s4], $0x280, $0x38;
	[tilespmem:$0x1D080] =	vst v63  }
0x23: {  	s19 =	simm.s32 $0xA480  }
0x24: {  	[tilespmem:s19], [sflag:$0x6] =	stream.linear.gather [hbm4b:s11+s4], $0x280, $0x38;
	[tilespmem:$0x1D080] =	vst v63  }
0x25: {  	_ = 	snop  }
0x26: {  	[tilespmem:s22], [sflag:$0x6] =	stream.linear.gather [hbm4b:s12+s4], $0x280, $0x38;
	[tilespmem:$0x1D080] =	vst v63  }
0x27: {  	_ = 	snop  }
0x28: {  	[tilespmem:s23], [sflag:$0x6] =	stream.linear.gather [hbm4b:s13+s4], $0x280, $0x38;
	[tilespmem:$0x1D080] =	vst v63  }
0x29: {  	_ =	swait.ge [sflag:s14], $0xA00  }
0x2a: {  	[sflag:s14] =	ssyncset.done $0x0  }
0x2b: {  	s21 =	simm.s32 $0x0;
	[sflag:s14] =	ssyncadd.s32 $0xFFFFF600  }
0x2c: {  	v1 =	vld [tilespmem:s21+$0x14080];
	_ =	sdelay $0x1  }
0x2d: {  	s3 =	simm.s32 $0x1200  }
0x2e: {  	s15 =	sand.u32 $0x3FFFF000, s3  }
0x2f: {  	s17 =	sadd.s32 $0x0, s15  }
0x30: {  	[tilespmem:s17+$0x8100] =	vst v1  }
0x31: {  	v1 =	vld [tilespmem:s21+$0x14090];
	_ =	sdelay $0x4  }
0x32: {  	[tilespmem:s17+$0x8110] =	vst v1  }
0x33: {  	v1 =	vld [tilespmem:s21+$0x140A0];
	_ =	sdelay $0x4  }
0x34: {  	[tilespmem:s17+$0x8120] =	vst v1  }
0x35: {  	v1 =	vld [tilespmem:s21+$0x140B0];
	_ =	sdelay $0x4  }
0x36: {  	[tilespmem:s17+$0x8130] =	vst v1  }
0x37: {  	v1 =	vld [tilespmem:s21+$0x140C0];
	_ =	sdelay $0x4  }
0x38: {  	[tilespmem:s17+$0x8140] =	vst v1  }
0x39: {  	v1 =	vld [tilespmem:s21+$0x140D0];
	_ =	sdelay $0x4  }
0x3a: {  	[tilespmem:s17+$0x8150] =	vst v1  }
0x3b: {  	v1 =	vld [tilespmem:s21+$0x140E0];
	_ =	sdelay $0x4  }
0x3c: {  	[tilespmem:s17+$0x8160] =	vst v1  }
0x3d: {  	v1 =	vld [tilespmem:s21+$0x140F0];
	_ =	sdelay $0x4  }
0x3e: {  	[tilespmem:s17+$0x8170] =	vst v1  }
0x3f: {  	v1 =	vld [tilespmem:s21+$0x14480];
	_ =	sdelay $0x4  }
0x40: {  	[tilespmem:s17+$0x8500] =	vst v1  }
0x41: {  	v1 =	vld [tilespmem:s21+$0x14490];
	_ =	sdelay $0x4  }
0x42: {  	[tilespmem:s17+$0x8510] =	vst v1  }
0x43: {  	v1 =	vld [tilespmem:s21+$0x144A0];
	_ =	sdelay $0x4  }
0x44: {  	[tilespmem:s17+$0x8520] =	vst v1  }
0x45: {  	v1 =	vld [tilespmem:s21+$0x144B0];
	_ =	sdelay $0x4  }
0x46: {  	[tilespmem:s17+$0x8530] =	vst v1  }
0x47: {  	v1 =	vld [tilespmem:s21+$0x144C0];
	_ =	sdelay $0x4  }
0x48: {  	[tilespmem:s17+$0x8540] =	vst v1  }
0x49: {  	v1 =	vld [tilespmem:s21+$0x144D0];
	_ =	sdelay $0x4  }
0x4a: {  	[tilespmem:s17+$0x8550] =	vst v1  }
0x4b: {  	v1 =	vld [tilespmem:s21+$0x144E0];
	_ =	sdelay $0x4  }
0x4c: {  	[tilespmem:s17+$0x8560] =	vst v1  }
0x4d: {  	v1 =	vld [tilespmem:s21+$0x144F0];
	_ =	sdelay $0x4  }
0x4e: {  	[tilespmem:s17+$0x8570] =	vst v1  }
0x4f: {  	v1 =	vld [tilespmem:s21+$0x14880];
	_ =	sdelay $0x4  }
0x50: {  	[tilespmem:s17+$0x8900] =	vst v1  }
0x51: {  	v1 =	vld [tilespmem:s21+$0x14890];
	_ =	sdelay $0x4  }
0x52: {  	[tilespmem:s17+$0x8910] =	vst v1  }
0x53: {  	v1 =	vld [tilespmem:s21+$0x148A0];
	_ =	sdelay $0x4  }
0x54: {  	[tilespmem:s17+$0x8920] =	vst v1  }
0x55: {  	v1 =	vld [tilespmem:s21+$0x148B0];
	_ =	sdelay $0x4  }
0x56: {  	[tilespmem:s17+$0x8930] =	vst v1  }
0x57: {  	v1 =	vld [tilespmem:s21+$0x148C0];
	_ =	sdelay $0x4  }
0x58: {  	[tilespmem:s17+$0x8940] =	vst v1  }
0x59: {  	v1 =	vld [tilespmem:s21+$0x148D0];
	_ =	sdelay $0x4  }
0x5a: {  	[tilespmem:s17+$0x8950] =	vst v1  }
0x5b: {  	v1 =	vld [tilespmem:s21+$0x148E0];
	_ =	sdelay $0x4  }
0x5c: {  	[tilespmem:s17+$0x8960] =	vst v1  }
0x5d: {  	v1 =	vld [tilespmem:s21+$0x148F0];
	_ =	sdelay $0x4  }
0x5e: {  	[tilespmem:s17+$0x8970] =	vst v1  }
0x5f: {  	v1 =	vld [tilespmem:s21+$0x14C80];
	_ =	sdelay $0x4  }
0x60: {  	[tilespmem:s17+$0x8D00] =	vst v1  }
0x61: {  	v1 =	vld [tilespmem:s21+$0x14C90];
	_ =	sdelay $0x4  }
0x62: {  	[tilespmem:s17+$0x8D10] =	vst v1  }
0x63: {  	v1 =	vld [tilespmem:s21+$0x14CA0];
	_ =	sdelay $0x4  }
0x64: {  	[tilespmem:s17+$0x8D20] =	vst v1  }
0x65: {  	v1 =	vld [tilespmem:s21+$0x14CB0];
	_ =	sdelay $0x4  }
0x66: {  	[tilespmem:s17+$0x8D30] =	vst v1  }
0x67: {  	v1 =	vld [tilespmem:s21+$0x14CC0];
	_ =	sdelay $0x4  }
0x68: {  	[tilespmem:s17+$0x8D40] =	vst v1  }
0x69: {  	v1 =	vld [tilespmem:s21+$0x14CD0];
	_ =	sdelay $0x4  }
0x6a: {  	[tilespmem:s17+$0x8D50] =	vst v1  }
0x6b: {  	v1 =	vld [tilespmem:s21+$0x14CE0];
	_ =	sdelay $0x4  }
0x6c: {  	[tilespmem:s17+$0x8D60] =	vst v1  }
0x6d: {  	v1 =	vld [tilespmem:s21+$0x14CF0];
	_ =	sdelay $0x4  }
0x6e: {  	[tilespmem:s17+$0x8D70] =	vst v1  }
0x6f: {  	v1 =	vld [tilespmem:s21+$0x14080];
	_ =	sdelay $0x4  }
0x70: {  	[tilespmem:s17+$0xA100] =	vst v1  }
0x71: {  	v1 =	vld [tilespmem:s21+$0x14090];
	_ =	sdelay $0x4  }
0x72: {  	[tilespmem:s17+$0xA110] =	vst v1  }
0x73: {  	v1 =	vld [tilespmem:s21+$0x140A0];
	_ =	sdelay $0x4  }
0x74: {  	[tilespmem:s17+$0xA120] =	vst v1  }
0x75: {  	v1 =	vld [tilespmem:s21+$0x140B0];
	_ =	sdelay $0x4  }
0x76: {  	[tilespmem:s17+$0xA130] =	vst v1  }
0x77: {  	v1 =	vld [tilespmem:s21+$0x140C0];
	_ =	sdelay $0x4  }
0x78: {  	[tilespmem:s17+$0xA140] =	vst v1  }
0x79: {  	v1 =	vld [tilespmem:s21+$0x140D0];
	_ =	sdelay $0x4  }
0x7a: {  	[tilespmem:s17+$0xA150] =	vst v1  }
0x7b: {  	v1 =	vld [tilespmem:s21+$0x140E0];
	_ =	sdelay $0x4  }
0x7c: {  	[tilespmem:s17+$0xA160] =	vst v1  }
0x7d: {  	v1 =	vld [tilespmem:s21+$0x140F0];
	_ =	sdelay $0x4  }
0x7e: {  	[tilespmem:s17+$0xA170] =	vst v1  }
0x7f: {  	v1 =	vld [tilespmem:s21+$0x14480];
	_ =	sdelay $0x4  }
0x80: {  	[tilespmem:s17+$0xA500] =	vst v1  }
0x81: {  	v1 =	vld [tilespmem:s21+$0x14490];
	_ =	sdelay $0x4  }
0x82: {  	[tilespmem:s17+$0xA510] =	vst v1  }
0x83: {  	v1 =	vld [tilespmem:s21+$0x144A0];
	_ =	sdelay $0x4  }
0x84: {  	[tilespmem:s17+$0xA520] =	vst v1  }
0x85: {  	v1 =	vld [tilespmem:s21+$0x144B0];
	_ =	sdelay $0x4  }
0x86: {  	[tilespmem:s17+$0xA530] =	vst v1  }
0x87: {  	v1 =	vld [tilespmem:s21+$0x144C0];
	_ =	sdelay $0x4  }
0x88: {  	[tilespmem:s17+$0xA540] =	vst v1  }
0x89: {  	v1 =	vld [tilespmem:s21+$0x144D0];
	_ =	sdelay $0x4  }
0x8a: {  	[tilespmem:s17+$0xA550] =	vst v1  }
0x8b: {  	v1 =	vld [tilespmem:s21+$0x144E0];
	_ =	sdelay $0x4  }
0x8c: {  	[tilespmem:s17+$0xA560] =	vst v1  }
0x8d: {  	v1 =	vld [tilespmem:s21+$0x144F0];
	_ =	sdelay $0x4  }
0x8e: {  	[tilespmem:s17+$0xA570] =	vst v1  }
0x8f: {  	v1 =	vld [tilespmem:s21+$0x14880];
	_ =	sdelay $0x4  }
0x90: {  	[tilespmem:s17+$0xA900] =	vst v1  }
0x91: {  	v1 =	vld [tilespmem:s21+$0x14890];
	_ =	sdelay $0x4  }
0x92: {  	[tilespmem:s17+$0xA910] =	vst v1  }
0x93: {  	v1 =	vld [tilespmem:s21+$0x148A0];
	_ =	sdelay $0x4  }
0x94: {  	[tilespmem:s17+$0xA920] =	vst v1  }
0x95: {  	v1 =	vld [tilespmem:s21+$0x148B0];
	_ =	sdelay $0x4  }
0x96: {  	[tilespmem:s17+$0xA930] =	vst v1  }
0x97: {  	v1 =	vld [tilespmem:s21+$0x148C0];
	_ =	sdelay $0x4  }
0x98: {  	[tilespmem:s17+$0xA940] =	vst v1  }
0x99: {  	v1 =	vld [tilespmem:s21+$0x148D0];
	_ =	sdelay $0x4  }
0x9a: {  	[tilespmem:s17+$0xA950] =	vst v1  }
0x9b: {  	v1 =	vld [tilespmem:s21+$0x148E0];
	_ =	sdelay $0x4  }
0x9c: {  	[tilespmem:s17+$0xA960] =	vst v1  }
0x9d: {  	v1 =	vld [tilespmem:s21+$0x148F0];
	_ =	sdelay $0x4  }
0x9e: {  	[tilespmem:s17+$0xA970] =	vst v1  }
0x9f: {  	v1 =	vld [tilespmem:s21+$0x14C80];
	_ =	sdelay $0x4  }
0xa0: {  	[tilespmem:s17+$0xAD00] =	vst v1  }
0xa1: {  	v1 =	vld [tilespmem:s21+$0x14C90];
	_ =	sdelay $0x4  }
0xa2: {  	[tilespmem:s17+$0xAD10] =	vst v1  }
0xa3: {  	v1 =	vld [tilespmem:s21+$0x14CA0];
	_ =	sdelay $0x4  }
0xa4: {  	[tilespmem:s17+$0xAD20] =	vst v1  }
0xa5: {  	v1 =	vld [tilespmem:s21+$0x14CB0];
	_ =	sdelay $0x4  }
0xa6: {  	[tilespmem:s17+$0xAD30] =	vst v1  }
0xa7: {  	v1 =	vld [tilespmem:s21+$0x14CC0];
	_ =	sdelay $0x4  }
0xa8: {  	[tilespmem:s17+$0xAD40] =	vst v1  }
0xa9: {  	v1 =	vld [tilespmem:s21+$0x14CD0];
	_ =	sdelay $0x4  }
0xaa: {  	[tilespmem:s17+$0xAD50] =	vst v1  }
0xab: {  	v1 =	vld [tilespmem:s21+$0x14CE0];
	_ =	sdelay $0x4  }
0xac: {  	[tilespmem:s17+$0xAD60] =	vst v1  }
0xad: {  	v1 =	vld [tilespmem:s21+$0x14CF0];
	_ =	sdelay $0x4  }
0xae: {  	s2 =	simm.s32 $0x80;
	s15 =	simm.s32 $0x400;
	[tilespmem:s17+$0xAD70] =	vst v1  }
.LBB2_2:
0xaf: {  	p0 =	sne.s32 s15, $0xC00;
	v1 =	vld [tilespmem:s2+$0x14080];
	_ =	sdelay $0x1  }
0xb0: {  	s3 =	sadd.s32 $0x200, s3  }
0xb1: {  	s17 =	sand.u32 $0x3FFFF000, s3  }
0xb2: {  	s17 =	sadd.s32 s2, s17  }
0xb3: {  	[tilespmem:s17+$0x8100] =	vst v1  }
0xb4: {  	v1 =	vld [tilespmem:s2+$0x14090];
	_ =	sdelay $0x4  }
0xb5: {  	[tilespmem:s17+$0x8110] =	vst v1  }
0xb6: {  	v1 =	vld [tilespmem:s2+$0x140A0];
	_ =	sdelay $0x4  }
0xb7: {  	[tilespmem:s17+$0x8120] =	vst v1  }
0xb8: {  	v1 =	vld [tilespmem:s2+$0x140B0];
	_ =	sdelay $0x4  }
0xb9: {  	[tilespmem:s17+$0x8130] =	vst v1  }
0xba: {  	v1 =	vld [tilespmem:s2+$0x140C0];
	_ =	sdelay $0x4  }
0xbb: {  	[tilespmem:s17+$0x8140] =	vst v1  }
0xbc: {  	v1 =	vld [tilespmem:s2+$0x140D0];
	_ =	sdelay $0x4  }
0xbd: {  	[tilespmem:s17+$0x8150] =	vst v1  }
0xbe: {  	v1 =	vld [tilespmem:s2+$0x140E0];
	_ =	sdelay $0x4  }
0xbf: {  	[tilespmem:s17+$0x8160] =	vst v1  }
0xc0: {  	v1 =	vld [tilespmem:s2+$0x140F0];
	_ =	sdelay $0x4  }
0xc1: {  	[tilespmem:s17+$0x8170] =	vst v1  }
0xc2: {  	v1 =	vld [tilespmem:s2+$0x14480];
	_ =	sdelay $0x4  }
0xc3: {  	[tilespmem:s17+$0x8500] =	vst v1  }
0xc4: {  	v1 =	vld [tilespmem:s2+$0x14490];
	_ =	sdelay $0x4  }
0xc5: {  	[tilespmem:s17+$0x8510] =	vst v1  }
0xc6: {  	v1 =	vld [tilespmem:s2+$0x144A0];
	_ =	sdelay $0x4  }
0xc7: {  	[tilespmem:s17+$0x8520] =	vst v1  }
0xc8: {  	v1 =	vld [tilespmem:s2+$0x144B0];
	_ =	sdelay $0x4  }
0xc9: {  	[tilespmem:s17+$0x8530] =	vst v1  }
0xca: {  	v1 =	vld [tilespmem:s2+$0x144C0];
	_ =	sdelay $0x4  }
0xcb: {  	[tilespmem:s17+$0x8540] =	vst v1  }
0xcc: {  	v1 =	vld [tilespmem:s2+$0x144D0];
	_ =	sdelay $0x4  }
0xcd: {  	[tilespmem:s17+$0x8550] =	vst v1  }
0xce: {  	v1 =	vld [tilespmem:s2+$0x144E0];
	_ =	sdelay $0x4  }
0xcf: {  	[tilespmem:s17+$0x8560] =	vst v1  }
0xd0: {  	v1 =	vld [tilespmem:s2+$0x144F0];
	_ =	sdelay $0x4  }
0xd1: {  	[tilespmem:s17+$0x8570] =	vst v1  }
0xd2: {  	v1 =	vld [tilespmem:s2+$0x14880];
	_ =	sdelay $0x4  }
0xd3: {  	[tilespmem:s17+$0x8900] =	vst v1  }
0xd4: {  	v1 =	vld [tilespmem:s2+$0x14890];
	_ =	sdelay $0x4  }
0xd5: {  	[tilespmem:s17+$0x8910] =	vst v1  }
0xd6: {  	v1 =	vld [tilespmem:s2+$0x148A0];
	_ =	sdelay $0x4  }
0xd7: {  	[tilespmem:s17+$0x8920] =	vst v1  }
0xd8: {  	v1 =	vld [tilespmem:s2+$0x148B0];
	_ =	sdelay $0x4  }
0xd9: {  	[tilespmem:s17+$0x8930] =	vst v1  }
0xda: {  	v1 =	vld [tilespmem:s2+$0x148C0];
	_ =	sdelay $0x4  }
0xdb: {  	[tilespmem:s17+$0x8940] =	vst v1  }
0xdc: {  	v1 =	vld [tilespmem:s2+$0x148D0];
	_ =	sdelay $0x4  }
0xdd: {  	[tilespmem:s17+$0x8950] =	vst v1  }
0xde: {  	v1 =	vld [tilespmem:s2+$0x148E0];
	_ =	sdelay $0x4  }
0xdf: {  	[tilespmem:s17+$0x8960] =	vst v1  }
0xe0: {  	v1 =	vld [tilespmem:s2+$0x148F0];
	_ =	sdelay $0x4  }
0xe1: {  	[tilespmem:s17+$0x8970] =	vst v1  }
0xe2: {  	v1 =	vld [tilespmem:s2+$0x14C80];
	_ =	sdelay $0x4  }
0xe3: {  	[tilespmem:s17+$0x8D00] =	vst v1  }
0xe4: {  	v1 =	vld [tilespmem:s2+$0x14C90];
	_ =	sdelay $0x4  }
0xe5: {  	[tilespmem:s17+$0x8D10] =	vst v1  }
0xe6: {  	v1 =	vld [tilespmem:s2+$0x14CA0];
	_ =	sdelay $0x4  }
0xe7: {  	[tilespmem:s17+$0x8D20] =	vst v1  }
0xe8: {  	v1 =	vld [tilespmem:s2+$0x14CB0];
	_ =	sdelay $0x4  }
0xe9: {  	[tilespmem:s17+$0x8D30] =	vst v1  }
0xea: {  	v1 =	vld [tilespmem:s2+$0x14CC0];
	_ =	sdelay $0x4  }
0xeb: {  	[tilespmem:s17+$0x8D40] =	vst v1  }
0xec: {  	v1 =	vld [tilespmem:s2+$0x14CD0];
	_ =	sdelay $0x4  }
0xed: {  	[tilespmem:s17+$0x8D50] =	vst v1  }
0xee: {  	v1 =	vld [tilespmem:s2+$0x14CE0];
	_ =	sdelay $0x4  }
0xef: {  	[tilespmem:s17+$0x8D60] =	vst v1  }
0xf0: {  	v1 =	vld [tilespmem:s2+$0x14CF0];
	_ =	sdelay $0x4  }
0xf1: {  	[tilespmem:s17+$0x8D70] =	vst v1  }
0xf2: {  	v1 =	vld [tilespmem:s2+$0x14080];
	_ =	sdelay $0x4  }
0xf3: {  	[tilespmem:s17+$0xA100] =	vst v1  }
0xf4: {  	v1 =	vld [tilespmem:s2+$0x14090];
	_ =	sdelay $0x4  }
0xf5: {  	[tilespmem:s17+$0xA110] =	vst v1  }
0xf6: {  	v1 =	vld [tilespmem:s2+$0x140A0];
	_ =	sdelay $0x4  }
0xf7: {  	[tilespmem:s17+$0xA120] =	vst v1  }
0xf8: {  	v1 =	vld [tilespmem:s2+$0x140B0];
	_ =	sdelay $0x4  }
0xf9: {  	[tilespmem:s17+$0xA130] =	vst v1  }
0xfa: {  	v1 =	vld [tilespmem:s2+$0x140C0];
	_ =	sdelay $0x4  }
0xfb: {  	[tilespmem:s17+$0xA140] =	vst v1  }
0xfc: {  	v1 =	vld [tilespmem:s2+$0x140D0];
	_ =	sdelay $0x4  }
0xfd: {  	[tilespmem:s17+$0xA150] =	vst v1  }
0xfe: {  	v1 =	vld [tilespmem:s2+$0x140E0];
	_ =	sdelay $0x4  }
0xff: {  	[tilespmem:s17+$0xA160] =	vst v1  }
0x100: {  	v1 =	vld [tilespmem:s2+$0x140F0];
	_ =	sdelay $0x4  }
0x101: {  	[tilespmem:s17+$0xA170] =	vst v1  }
0x102: {  	v1 =	vld [tilespmem:s2+$0x14480];
	_ =	sdelay $0x4  }
0x103: {  	[tilespmem:s17+$0xA500] =	vst v1  }
0x104: {  	v1 =	vld [tilespmem:s2+$0x14490];
	_ =	sdelay $0x4  }
0x105: {  	[tilespmem:s17+$0xA510] =	vst v1  }
0x106: {  	v1 =	vld [tilespmem:s2+$0x144A0];
	_ =	sdelay $0x4  }
0x107: {  	[tilespmem:s17+$0xA520] =	vst v1  }
0x108: {  	v1 =	vld [tilespmem:s2+$0x144B0];
	_ =	sdelay $0x4  }
0x109: {  	[tilespmem:s17+$0xA530] =	vst v1  }
0x10a: {  	v1 =	vld [tilespmem:s2+$0x144C0];
	_ =	sdelay $0x4  }
0x10b: {  	[tilespmem:s17+$0xA540] =	vst v1  }
0x10c: {  	v1 =	vld [tilespmem:s2+$0x144D0];
	_ =	sdelay $0x4  }
0x10d: {  	[tilespmem:s17+$0xA550] =	vst v1  }
0x10e: {  	v1 =	vld [tilespmem:s2+$0x144E0];
	_ =	sdelay $0x4  }
0x10f: {  	[tilespmem:s17+$0xA560] =	vst v1  }
0x110: {  	v1 =	vld [tilespmem:s2+$0x144F0];
	_ =	sdelay $0x4  }
0x111: {  	[tilespmem:s17+$0xA570] =	vst v1  }
0x112: {  	v1 =	vld [tilespmem:s2+$0x14880];
	_ =	sdelay $0x4  }
0x113: {  	[tilespmem:s17+$0xA900] =	vst v1  }
0x114: {  	v1 =	vld [tilespmem:s2+$0x14890];
	_ =	sdelay $0x4  }
0x115: {  	[tilespmem:s17+$0xA910] =	vst v1  }
0x116: {  	v1 =	vld [tilespmem:s2+$0x148A0];
	_ =	sdelay $0x4  }
0x117: {  	[tilespmem:s17+$0xA920] =	vst v1  }
0x118: {  	v1 =	vld [tilespmem:s2+$0x148B0];
	_ =	sdelay $0x4  }
0x119: {  	[tilespmem:s17+$0xA930] =	vst v1  }
0x11a: {  	v1 =	vld [tilespmem:s2+$0x148C0];
	_ =	sdelay $0x4  }
0x11b: {  	[tilespmem:s17+$0xA940] =	vst v1  }
0x11c: {  	v1 =	vld [tilespmem:s2+$0x148D0];
	_ =	sdelay $0x4  }
0x11d: {  	[tilespmem:s17+$0xA950] =	vst v1  }
0x11e: {  	v1 =	vld [tilespmem:s2+$0x148E0];
	_ =	sdelay $0x4  }
0x11f: {  	[tilespmem:s17+$0xA960] =	vst v1  }
0x120: {  	v1 =	vld [tilespmem:s2+$0x148F0];
	_ =	sdelay $0x4  }
0x121: {  	[tilespmem:s17+$0xA970] =	vst v1  }
0x122: {  	v1 =	vld [tilespmem:s2+$0x14C80];
	_ =	sdelay $0x4  }
0x123: {  	[tilespmem:s17+$0xAD00] =	vst v1  }
0x124: {  	v1 =	vld [tilespmem:s2+$0x14C90];
	_ =	sdelay $0x4  }
0x125: {  	[tilespmem:s17+$0xAD10] =	vst v1  }
0x126: {  	v1 =	vld [tilespmem:s2+$0x14CA0];
	_ =	sdelay $0x4  }
0x127: {  	[tilespmem:s17+$0xAD20] =	vst v1  }
0x128: {  	v1 =	vld [tilespmem:s2+$0x14CB0];
	_ =	sdelay $0x4  }
0x129: {  	[tilespmem:s17+$0xAD30] =	vst v1  }
0x12a: {  	v1 =	vld [tilespmem:s2+$0x14CC0];
	_ =	sdelay $0x4  }
0x12b: {  	[tilespmem:s17+$0xAD40] =	vst v1  }
0x12c: {  	v1 =	vld [tilespmem:s2+$0x14CD0];
	_ =	sdelay $0x4  }
0x12d: {  	[tilespmem:s17+$0xAD50] =	vst v1  }
0x12e: {  	v1 =	vld [tilespmem:s2+$0x14CE0];
	_ =	sdelay $0x4  }
0x12f: {  	[tilespmem:s17+$0xAD60] =	vst v1  }
0x130: {  	v1 =	vld [tilespmem:s2+$0x14CF0]  }
.Ltmp0:
0x131: {  	(pc) =	sbr.rel @p0 .LBB2_2-.Ltmp0, $2  }
0x132: {  	_ =	sdelay $0x2  }
0x133: {  	s2 =	sshra.s32 s15, $0x2;
	s15 =	sadd.s32 $0x200, s15;
	[tilespmem:s17+$0xAD70] =	vst v1  }
0x134: {  	v1 =	vld [tilespmem:s2+$0x14080];
	_ =	sdelay $0x1  }
0x135: {  	s3 =	sadd.s32 $0x200, s3  }
0x136: {  	s3 =	sand.u32 $0x3FFFF000, s3  }
0x137: {  	s3 =	sadd.s32 s2, s3  }
0x138: {  	[tilespmem:s3+$0x8100] =	vst v1  }
0x139: {  	v1 =	vld [tilespmem:s2+$0x14090];
	_ =	sdelay $0x4  }
0x13a: {  	[tilespmem:s3+$0x8110] =	vst v1  }
0x13b: {  	v1 =	vld [tilespmem:s2+$0x140A0];
	_ =	sdelay $0x4  }
0x13c: {  	[tilespmem:s3+$0x8120] =	vst v1  }
0x13d: {  	v1 =	vld [tilespmem:s2+$0x140B0];
	_ =	sdelay $0x4  }
0x13e: {  	[tilespmem:s3+$0x8130] =	vst v1  }
0x13f: {  	v1 =	vld [tilespmem:s2+$0x140C0];
	_ =	sdelay $0x4  }
0x140: {  	[tilespmem:s3+$0x8140] =	vst v1  }
0x141: {  	v1 =	vld [tilespmem:s2+$0x140D0];
	_ =	sdelay $0x4  }
0x142: {  	[tilespmem:s3+$0x8150] =	vst v1  }
0x143: {  	v1 =	vld [tilespmem:s2+$0x140E0];
	_ =	sdelay $0x4  }
0x144: {  	[tilespmem:s3+$0x8160] =	vst v1  }
0x145: {  	v1 =	vld [tilespmem:s2+$0x140F0];
	_ =	sdelay $0x4  }
0x146: {  	[tilespmem:s3+$0x8170] =	vst v1  }
0x147: {  	v1 =	vld [tilespmem:s2+$0x14480];
	_ =	sdelay $0x4  }
0x148: {  	[tilespmem:s3+$0x8500] =	vst v1  }
0x149: {  	v1 =	vld [tilespmem:s2+$0x14490];
	_ =	sdelay $0x4  }
0x14a: {  	[tilespmem:s3+$0x8510] =	vst v1  }
0x14b: {  	v1 =	vld [tilespmem:s2+$0x144A0];
	_ =	sdelay $0x4  }
0x14c: {  	[tilespmem:s3+$0x8520] =	vst v1  }
0x14d: {  	v1 =	vld [tilespmem:s2+$0x144B0];
	_ =	sdelay $0x4  }
0x14e: {  	[tilespmem:s3+$0x8530] =	vst v1  }
0x14f: {  	v1 =	vld [tilespmem:s2+$0x144C0];
	_ =	sdelay $0x4  }
0x150: {  	[tilespmem:s3+$0x8540] =	vst v1  }
0x151: {  	v1 =	vld [tilespmem:s2+$0x144D0];
	_ =	sdelay $0x4  }
0x152: {  	[tilespmem:s3+$0x8550] =	vst v1  }
0x153: {  	v1 =	vld [tilespmem:s2+$0x144E0];
	_ =	sdelay $0x4  }
0x154: {  	[tilespmem:s3+$0x8560] =	vst v1  }
0x155: {  	v1 =	vld [tilespmem:s2+$0x144F0];
	_ =	sdelay $0x4  }
0x156: {  	[tilespmem:s3+$0x8570] =	vst v1  }
0x157: {  	v1 =	vld [tilespmem:s2+$0x14880];
	_ =	sdelay $0x4  }
0x158: {  	[tilespmem:s3+$0x8900] =	vst v1  }
0x159: {  	v1 =	vld [tilespmem:s2+$0x14890];
	_ =	sdelay $0x4  }
0x15a: {  	[tilespmem:s3+$0x8910] =	vst v1  }
0x15b: {  	v1 =	vld [tilespmem:s2+$0x148A0];
	_ =	sdelay $0x4  }
0x15c: {  	[tilespmem:s3+$0x8920] =	vst v1  }
0x15d: {  	v1 =	vld [tilespmem:s2+$0x148B0];
	_ =	sdelay $0x4  }
0x15e: {  	[tilespmem:s3+$0x8930] =	vst v1  }
0x15f: {  	v1 =	vld [tilespmem:s2+$0x148C0];
	_ =	sdelay $0x4  }
0x160: {  	[tilespmem:s3+$0x8940] =	vst v1  }
0x161: {  	v1 =	vld [tilespmem:s2+$0x148D0];
	_ =	sdelay $0x4  }
0x162: {  	[tilespmem:s3+$0x8950] =	vst v1  }
0x163: {  	v1 =	vld [tilespmem:s2+$0x148E0];
	_ =	sdelay $0x4  }
0x164: {  	[tilespmem:s3+$0x8960] =	vst v1  }
0x165: {  	v1 =	vld [tilespmem:s2+$0x148F0];
	_ =	sdelay $0x4  }
0x166: {  	[tilespmem:s3+$0x8970] =	vst v1  }
0x167: {  	v1 =	vld [tilespmem:s2+$0x14C80];
	_ =	sdelay $0x4  }
0x168: {  	[tilespmem:s3+$0x8D00] =	vst v1  }
0x169: {  	v1 =	vld [tilespmem:s2+$0x14C90];
	_ =	sdelay $0x4  }
0x16a: {  	[tilespmem:s3+$0x8D10] =	vst v1  }
0x16b: {  	v1 =	vld [tilespmem:s2+$0x14CA0];
	_ =	sdelay $0x4  }
0x16c: {  	[tilespmem:s3+$0x8D20] =	vst v1  }
0x16d: {  	v1 =	vld [tilespmem:s2+$0x14CB0];
	_ =	sdelay $0x4  }
0x16e: {  	[tilespmem:s3+$0x8D30] =	vst v1  }
0x16f: {  	v1 =	vld [tilespmem:s2+$0x14CC0];
	_ =	sdelay $0x4  }
0x170: {  	[tilespmem:s3+$0x8D40] =	vst v1  }
0x171: {  	v1 =	vld [tilespmem:s2+$0x14CD0];
	_ =	sdelay $0x4  }
0x172: {  	[tilespmem:s3+$0x8D50] =	vst v1  }
0x173: {  	v1 =	vld [tilespmem:s2+$0x14CE0];
	_ =	sdelay $0x4  }
0x174: {  	[tilespmem:s3+$0x8D60] =	vst v1  }
0x175: {  	v1 =	vld [tilespmem:s2+$0x14CF0];
	_ =	sdelay $0x4  }
0x176: {  	[tilespmem:s3+$0x8D70] =	vst v1  }
0x177: {  	v1 =	vld [tilespmem:s2+$0x14080];
	_ =	sdelay $0x4  }
0x178: {  	[tilespmem:s3+$0xA100] =	vst v1  }
0x179: {  	v1 =	vld [tilespmem:s2+$0x14090];
	_ =	sdelay $0x4  }
0x17a: {  	[tilespmem:s3+$0xA110] =	vst v1  }
0x17b: {  	v1 =	vld [tilespmem:s2+$0x140A0];
	_ =	sdelay $0x4  }
0x17c: {  	[tilespmem:s3+$0xA120] =	vst v1  }
0x17d: {  	v1 =	vld [tilespmem:s2+$0x140B0];
	_ =	sdelay $0x4  }
0x17e: {  	[tilespmem:s3+$0xA130] =	vst v1  }
0x17f: {  	v1 =	vld [tilespmem:s2+$0x140C0];
	_ =	sdelay $0x4  }
0x180: {  	[tilespmem:s3+$0xA140] =	vst v1  }
0x181: {  	v1 =	vld [tilespmem:s2+$0x140D0];
	_ =	sdelay $0x4  }
0x182: {  	[tilespmem:s3+$0xA150] =	vst v1  }
0x183: {  	v1 =	vld [tilespmem:s2+$0x140E0];
	_ =	sdelay $0x4  }
0x184: {  	[tilespmem:s3+$0xA160] =	vst v1  }
0x185: {  	v1 =	vld [tilespmem:s2+$0x140F0];
	_ =	sdelay $0x4  }
0x186: {  	[tilespmem:s3+$0xA170] =	vst v1  }
0x187: {  	v1 =	vld [tilespmem:s2+$0x14480];
	_ =	sdelay $0x4  }
0x188: {  	[tilespmem:s3+$0xA500] =	vst v1  }
0x189: {  	v1 =	vld [tilespmem:s2+$0x14490];
	_ =	sdelay $0x4  }
0x18a: {  	[tilespmem:s3+$0xA510] =	vst v1  }
0x18b: {  	v1 =	vld [tilespmem:s2+$0x144A0];
	_ =	sdelay $0x4  }
0x18c: {  	[tilespmem:s3+$0xA520] =	vst v1  }
0x18d: {  	v1 =	vld [tilespmem:s2+$0x144B0];
	_ =	sdelay $0x4  }
0x18e: {  	[tilespmem:s3+$0xA530] =	vst v1  }
0x18f: {  	v1 =	vld [tilespmem:s2+$0x144C0];
	_ =	sdelay $0x4  }
0x190: {  	[tilespmem:s3+$0xA540] =	vst v1  }
0x191: {  	v1 =	vld [tilespmem:s2+$0x144D0];
	_ =	sdelay $0x4  }
0x192: {  	[tilespmem:s3+$0xA550] =	vst v1  }
0x193: {  	v1 =	vld [tilespmem:s2+$0x144E0];
	_ =	sdelay $0x4  }
0x194: {  	[tilespmem:s3+$0xA560] =	vst v1  }
0x195: {  	v1 =	vld [tilespmem:s2+$0x144F0];
	_ =	sdelay $0x4  }
0x196: {  	[tilespmem:s3+$0xA570] =	vst v1  }
0x197: {  	v1 =	vld [tilespmem:s2+$0x14880];
	_ =	sdelay $0x4  }
0x198: {  	[tilespmem:s3+$0xA900] =	vst v1  }
0x199: {  	v1 =	vld [tilespmem:s2+$0x14890];
	_ =	sdelay $0x4  }
0x19a: {  	[tilespmem:s3+$0xA910] =	vst v1  }
0x19b: {  	v1 =	vld [tilespmem:s2+$0x148A0];
	_ =	sdelay $0x4  }
0x19c: {  	[tilespmem:s3+$0xA920] =	vst v1  }
0x19d: {  	v1 =	vld [tilespmem:s2+$0x148B0];
	_ =	sdelay $0x4  }
0x19e: {  	[tilespmem:s3+$0xA930] =	vst v1  }
0x19f: {  	v1 =	vld [tilespmem:s2+$0x148C0];
	_ =	sdelay $0x4  }
0x1a0: {  	[tilespmem:s3+$0xA940] =	vst v1  }
0x1a1: {  	v1 =	vld [tilespmem:s2+$0x148D0];
	_ =	sdelay $0x4  }
0x1a2: {  	[tilespmem:s3+$0xA950] =	vst v1  }
0x1a3: {  	v1 =	vld [tilespmem:s2+$0x148E0];
	_ =	sdelay $0x4  }
0x1a4: {  	[tilespmem:s3+$0xA960] =	vst v1  }
0x1a5: {  	v1 =	vld [tilespmem:s2+$0x148F0];
	_ =	sdelay $0x4  }
0x1a6: {  	[tilespmem:s3+$0xA970] =	vst v1  }
0x1a7: {  	v1 =	vld [tilespmem:s2+$0x14C80];
	_ =	sdelay $0x4  }
0x1a8: {  	[tilespmem:s3+$0xAD00] =	vst v1  }
0x1a9: {  	v1 =	vld [tilespmem:s2+$0x14C90];
	_ =	sdelay $0x4  }
0x1aa: {  	[tilespmem:s3+$0xAD10] =	vst v1  }
0x1ab: {  	v1 =	vld [tilespmem:s2+$0x14CA0];
	_ =	sdelay $0x4  }
0x1ac: {  	[tilespmem:s3+$0xAD20] =	vst v1  }
0x1ad: {  	v1 =	vld [tilespmem:s2+$0x14CB0];
	_ =	sdelay $0x4  }
0x1ae: {  	[tilespmem:s3+$0xAD30] =	vst v1  }
0x1af: {  	v1 =	vld [tilespmem:s2+$0x14CC0];
	_ =	sdelay $0x4  }
0x1b0: {  	[tilespmem:s3+$0xAD40] =	vst v1  }
0x1b1: {  	v1 =	vld [tilespmem:s2+$0x14CD0];
	_ =	sdelay $0x4  }
0x1b2: {  	[tilespmem:s3+$0xAD50] =	vst v1  }
0x1b3: {  	v1 =	vld [tilespmem:s2+$0x14CE0];
	_ =	sdelay $0x4  }
0x1b4: {  	[tilespmem:s3+$0xAD60] =	vst v1  }
0x1b5: {  	v1 =	vld [tilespmem:s2+$0x14CF0];
	_ =	sdelay $0x2  }
0x1b6: {  	s18 =	simm.s32 $0x380;
	s15 =	simm.s32 $0xE00  }
0x1b7: {  	s15 =	sand.u32 $0xF000, s15;
	s2 =	sand.u32 $0x380, s18  }
0x1b8: {  	s15 =	sor.u32 s2, s15;
	[tilespmem:s3+$0xAD70] =	vst v1  }
0x1b9: {  	v1 =	vld [tilespmem:s15+$0x14080];
	_ =	sdelay $0x1  }
0x1ba: {  	s19 =	simm.s32 $0x0;
	s3 =	simm.s32 $0x0  }
0x1bb: {  	s2 =	sand.u32 $0x380, s19;
	s17 =	sand.u32 $0x7000, s3  }
0x1bc: {  	s2 =	sor.u32 s2, s17  }
0x1bd: {  	s21 =	sadd.s32 $0x14080, s15;
	[tilespmem:s2+$0xC080] =	vst v1  }
0x1be: {  	v1 =	vld [tilespmem:s21+$0x10];
	_ =	sdelay $0x4  }
0x1bf: {  	[tilespmem:s2+$0xC090] =	vst v1  }
0x1c0: {  	v1 =	vld [tilespmem:s21+$0x20];
	_ =	sdelay $0x4  }
0x1c1: {  	[tilespmem:s2+$0xC0A0] =	vst v1  }
0x1c2: {  	v1 =	vld [tilespmem:s21+$0x30];
	_ =	sdelay $0x4  }
0x1c3: {  	[tilespmem:s2+$0xC0B0] =	vst v1  }
0x1c4: {  	v1 =	vld [tilespmem:s21+$0x40];
	_ =	sdelay $0x4  }
0x1c5: {  	[tilespmem:s2+$0xC0C0] =	vst v1  }
0x1c6: {  	v1 =	vld [tilespmem:s21+$0x50];
	_ =	sdelay $0x4  }
0x1c7: {  	[tilespmem:s2+$0xC0D0] =	vst v1  }
0x1c8: {  	v1 =	vld [tilespmem:s21+$0x60];
	_ =	sdelay $0x4  }
0x1c9: {  	[tilespmem:s2+$0xC0E0] =	vst v1  }
0x1ca: {  	v1 =	vld [tilespmem:s21+$0x70];
	_ =	sdelay $0x4  }
0x1cb: {  	[tilespmem:s2+$0xC0F0] =	vst v1  }
0x1cc: {  	v1 =	vld [tilespmem:s21+$0x400];
	_ =	sdelay $0x4  }
0x1cd: {  	[tilespmem:s2+$0xC480] =	vst v1  }
0x1ce: {  	v1 =	vld [tilespmem:s21+$0x410];
	_ =	sdelay $0x4  }
0x1cf: {  	[tilespmem:s2+$0xC490] =	vst v1  }
0x1d0: {  	v1 =	vld [tilespmem:s21+$0x420];
	_ =	sdelay $0x4  }
0x1d1: {  	[tilespmem:s2+$0xC4A0] =	vst v1  }
0x1d2: {  	v1 =	vld [tilespmem:s21+$0x430];
	_ =	sdelay $0x4  }
0x1d3: {  	[tilespmem:s2+$0xC4B0] =	vst v1  }
0x1d4: {  	v1 =	vld [tilespmem:s21+$0x440];
	_ =	sdelay $0x4  }
0x1d5: {  	[tilespmem:s2+$0xC4C0] =	vst v1  }
0x1d6: {  	v1 =	vld [tilespmem:s21+$0x450];
	_ =	sdelay $0x4  }
0x1d7: {  	[tilespmem:s2+$0xC4D0] =	vst v1  }
0x1d8: {  	v1 =	vld [tilespmem:s21+$0x460];
	_ =	sdelay $0x4  }
0x1d9: {  	[tilespmem:s2+$0xC4E0] =	vst v1  }
0x1da: {  	v1 =	vld [tilespmem:s21+$0x470];
	_ =	sdelay $0x4  }
0x1db: {  	[tilespmem:s2+$0xC4F0] =	vst v1  }
0x1dc: {  	v1 =	vld [tilespmem:s21+$0x800];
	_ =	sdelay $0x4  }
0x1dd: {  	[tilespmem:s2+$0xC880] =	vst v1  }
0x1de: {  	v1 =	vld [tilespmem:s21+$0x810];
	_ =	sdelay $0x4  }
0x1df: {  	[tilespmem:s2+$0xC890] =	vst v1  }
0x1e0: {  	v1 =	vld [tilespmem:s21+$0x820];
	_ =	sdelay $0x4  }
0x1e1: {  	[tilespmem:s2+$0xC8A0] =	vst v1  }
0x1e2: {  	v1 =	vld [tilespmem:s21+$0x830];
	_ =	sdelay $0x4  }
0x1e3: {  	[tilespmem:s2+$0xC8B0] =	vst v1  }
0x1e4: {  	v1 =	vld [tilespmem:s21+$0x840];
	_ =	sdelay $0x4  }
0x1e5: {  	[tilespmem:s2+$0xC8C0] =	vst v1  }
0x1e6: {  	v1 =	vld [tilespmem:s21+$0x850];
	_ =	sdelay $0x4  }
0x1e7: {  	[tilespmem:s2+$0xC8D0] =	vst v1  }
0x1e8: {  	v1 =	vld [tilespmem:s21+$0x860];
	_ =	sdelay $0x4  }
0x1e9: {  	[tilespmem:s2+$0xC8E0] =	vst v1  }
0x1ea: {  	v1 =	vld [tilespmem:s21+$0x870];
	_ =	sdelay $0x4  }
0x1eb: {  	[tilespmem:s2+$0xC8F0] =	vst v1  }
0x1ec: {  	v1 =	vld [tilespmem:s21+$0xC00];
	_ =	sdelay $0x4  }
0x1ed: {  	[tilespmem:s2+$0xCC80] =	vst v1  }
0x1ee: {  	v1 =	vld [tilespmem:s21+$0xC10];
	_ =	sdelay $0x4  }
0x1ef: {  	[tilespmem:s2+$0xCC90] =	vst v1  }
0x1f0: {  	v1 =	vld [tilespmem:s21+$0xC20];
	_ =	sdelay $0x4  }
0x1f1: {  	[tilespmem:s2+$0xCCA0] =	vst v1  }
0x1f2: {  	v1 =	vld [tilespmem:s21+$0xC30];
	_ =	sdelay $0x4  }
0x1f3: {  	[tilespmem:s2+$0xCCB0] =	vst v1  }
0x1f4: {  	v1 =	vld [tilespmem:s21+$0xC40];
	_ =	sdelay $0x4  }
0x1f5: {  	[tilespmem:s2+$0xCCC0] =	vst v1  }
0x1f6: {  	v1 =	vld [tilespmem:s21+$0xC50];
	_ =	sdelay $0x4  }
0x1f7: {  	[tilespmem:s2+$0xCCD0] =	vst v1  }
0x1f8: {  	v1 =	vld [tilespmem:s21+$0xC60];
	_ =	sdelay $0x4  }
0x1f9: {  	[tilespmem:s2+$0xCCE0] =	vst v1  }
0x1fa: {  	v1 =	vld [tilespmem:s21+$0xC70];
	_ =	sdelay $0x1  }
0x1fb: {  	s18 =	simm.s32 $0x480  }
0x1fc: {  	s19 =	simm.s32 $0x1000;
	s15 =	simm.s32 $0x400;
	s17 =	simm.s32 $0x200  }
.LBB2_4:
0x1fd: {  	p0 =	sne.s32 s18, $0x2180;
	s19 =	sand.u32 $0xF000, s19;
	s21 =	sand.u32 $0x380, s15  }
0x1fe: {  	s19 =	sor.u32 s21, s19;
	[tilespmem:s2+$0xCCF0] =	vst v1  }
0x1ff: {  	v1 =	vld [tilespmem:s19+$0x14080];
	_ =	sdelay $0x1  }
0x200: {  	s2 =	sadd.s32 $0xFFFFFC80, s15;
	s15 =	smov.u32 s18  }
0x201: {  	s21 =	sand.u32 $0x7000, s17;
	s2 =	sand.u32 $0x380, s2  }
0x202: {  	s2 =	sor.u32 s2, s21  }
0x203: {  	s19 =	sadd.s32 $0x14080, s19;
	[tilespmem:s2+$0xC080] =	vst v1  }
0x204: {  	v1 =	vld [tilespmem:s19+$0x10];
	_ =	sdelay $0x4  }
0x205: {  	[tilespmem:s2+$0xC090] =	vst v1  }
0x206: {  	v1 =	vld [tilespmem:s19+$0x20];
	_ =	sdelay $0x4  }
0x207: {  	[tilespmem:s2+$0xC0A0] =	vst v1  }
0x208: {  	v1 =	vld [tilespmem:s19+$0x30];
	_ =	sdelay $0x4  }
0x209: {  	[tilespmem:s2+$0xC0B0] =	vst v1  }
0x20a: {  	v1 =	vld [tilespmem:s19+$0x40];
	_ =	sdelay $0x4  }
0x20b: {  	[tilespmem:s2+$0xC0C0] =	vst v1  }
0x20c: {  	v1 =	vld [tilespmem:s19+$0x50];
	_ =	sdelay $0x4  }
0x20d: {  	[tilespmem:s2+$0xC0D0] =	vst v1  }
0x20e: {  	v1 =	vld [tilespmem:s19+$0x60];
	_ =	sdelay $0x4  }
0x20f: {  	[tilespmem:s2+$0xC0E0] =	vst v1  }
0x210: {  	v1 =	vld [tilespmem:s19+$0x70];
	_ =	sdelay $0x4  }
0x211: {  	[tilespmem:s2+$0xC0F0] =	vst v1  }
0x212: {  	v1 =	vld [tilespmem:s19+$0x400];
	_ =	sdelay $0x4  }
0x213: {  	[tilespmem:s2+$0xC480] =	vst v1  }
0x214: {  	v1 =	vld [tilespmem:s19+$0x410];
	_ =	sdelay $0x4  }
0x215: {  	[tilespmem:s2+$0xC490] =	vst v1  }
0x216: {  	v1 =	vld [tilespmem:s19+$0x420];
	_ =	sdelay $0x4  }
0x217: {  	[tilespmem:s2+$0xC4A0] =	vst v1  }
0x218: {  	v1 =	vld [tilespmem:s19+$0x430];
	_ =	sdelay $0x4  }
0x219: {  	[tilespmem:s2+$0xC4B0] =	vst v1  }
0x21a: {  	v1 =	vld [tilespmem:s19+$0x440];
	_ =	sdelay $0x4  }
0x21b: {  	[tilespmem:s2+$0xC4C0] =	vst v1  }
0x21c: {  	v1 =	vld [tilespmem:s19+$0x450];
	_ =	sdelay $0x4  }
0x21d: {  	[tilespmem:s2+$0xC4D0] =	vst v1  }
0x21e: {  	v1 =	vld [tilespmem:s19+$0x460];
	_ =	sdelay $0x4  }
0x21f: {  	[tilespmem:s2+$0xC4E0] =	vst v1  }
0x220: {  	v1 =	vld [tilespmem:s19+$0x470];
	_ =	sdelay $0x4  }
0x221: {  	[tilespmem:s2+$0xC4F0] =	vst v1  }
0x222: {  	v1 =	vld [tilespmem:s19+$0x800];
	_ =	sdelay $0x4  }
0x223: {  	[tilespmem:s2+$0xC880] =	vst v1  }
0x224: {  	v1 =	vld [tilespmem:s19+$0x810];
	_ =	sdelay $0x4  }
0x225: {  	[tilespmem:s2+$0xC890] =	vst v1  }
0x226: {  	v1 =	vld [tilespmem:s19+$0x820];
	_ =	sdelay $0x4  }
0x227: {  	[tilespmem:s2+$0xC8A0] =	vst v1  }
0x228: {  	v1 =	vld [tilespmem:s19+$0x830];
	_ =	sdelay $0x4  }
0x229: {  	[tilespmem:s2+$0xC8B0] =	vst v1  }
0x22a: {  	v1 =	vld [tilespmem:s19+$0x840];
	_ =	sdelay $0x4  }
0x22b: {  	[tilespmem:s2+$0xC8C0] =	vst v1  }
0x22c: {  	v1 =	vld [tilespmem:s19+$0x850];
	_ =	sdelay $0x4  }
0x22d: {  	[tilespmem:s2+$0xC8D0] =	vst v1  }
0x22e: {  	v1 =	vld [tilespmem:s19+$0x860];
	_ =	sdelay $0x4  }
0x22f: {  	[tilespmem:s2+$0xC8E0] =	vst v1  }
0x230: {  	v1 =	vld [tilespmem:s19+$0x870];
	_ =	sdelay $0x4  }
0x231: {  	[tilespmem:s2+$0xC8F0] =	vst v1  }
0x232: {  	v1 =	vld [tilespmem:s19+$0xC00];
	_ =	sdelay $0x4  }
0x233: {  	[tilespmem:s2+$0xCC80] =	vst v1  }
0x234: {  	v1 =	vld [tilespmem:s19+$0xC10];
	_ =	sdelay $0x4  }
0x235: {  	[tilespmem:s2+$0xCC90] =	vst v1  }
0x236: {  	v1 =	vld [tilespmem:s19+$0xC20];
	_ =	sdelay $0x4  }
0x237: {  	[tilespmem:s2+$0xCCA0] =	vst v1  }
0x238: {  	v1 =	vld [tilespmem:s19+$0xC30];
	_ =	sdelay $0x4  }
0x239: {  	[tilespmem:s2+$0xCCB0] =	vst v1  }
0x23a: {  	v1 =	vld [tilespmem:s19+$0xC40];
	_ =	sdelay $0x4  }
0x23b: {  	[tilespmem:s2+$0xCCC0] =	vst v1  }
0x23c: {  	v1 =	vld [tilespmem:s19+$0xC50];
	_ =	sdelay $0x4  }
0x23d: {  	[tilespmem:s2+$0xCCD0] =	vst v1  }
0x23e: {  	v1 =	vld [tilespmem:s19+$0xC60];
	_ =	sdelay $0x4  }
.Ltmp1:
0x23f: {  	[tilespmem:s2+$0xCCE0] =	vst v1;
	(pc) =	sbr.rel @p0 .LBB2_4-.Ltmp1, $3  }
0x240: {  	v1 =	vld [tilespmem:s19+$0xC70];
	_ =	sdelay $0x1  }
0x241: {  	s17 =	sadd.s32 $0x200, s17  }
0x242: {  	s18 =	sadd.s32 $0x80, s18;
	s19 =	sadd.s32 $0xE00, s17  }
0x243: {  	s18 =	sand.u32 $0xF000, s19;
	s21 =	sand.u32 $0x380, s15  }
0x244: {  	s18 =	sor.u32 s21, s18;
	[tilespmem:s2+$0xCCF0] =	vst v1  }
0x245: {  	v1 =	vld [tilespmem:s18+$0x14080];
	_ =	sdelay $0x1  }
0x246: {  	s15 =	sadd.s32 $0xFFFFFC80, s15  }
0x247: {  	s19 =	sand.u32 $0x7000, s17;
	s2 =	sand.u32 $0x380, s15  }
0x248: {  	s2 =	sor.u32 s2, s19  }
0x249: {  	s21 =	sadd.s32 $0x14080, s18;
	[tilespmem:s2+$0xC080] =	vst v1  }
0x24a: {  	v1 =	vld [tilespmem:s21+$0x10];
	_ =	sdelay $0x4  }
0x24b: {  	[tilespmem:s2+$0xC090] =	vst v1  }
0x24c: {  	v1 =	vld [tilespmem:s21+$0x20];
	_ =	sdelay $0x4  }
0x24d: {  	[tilespmem:s2+$0xC0A0] =	vst v1  }
0x24e: {  	v1 =	vld [tilespmem:s21+$0x30];
	_ =	sdelay $0x4  }
0x24f: {  	[tilespmem:s2+$0xC0B0] =	vst v1  }
0x250: {  	v1 =	vld [tilespmem:s21+$0x40];
	_ =	sdelay $0x4  }
0x251: {  	[tilespmem:s2+$0xC0C0] =	vst v1  }
0x252: {  	v1 =	vld [tilespmem:s21+$0x50];
	_ =	sdelay $0x4  }
0x253: {  	[tilespmem:s2+$0xC0D0] =	vst v1  }
0x254: {  	v1 =	vld [tilespmem:s21+$0x60];
	_ =	sdelay $0x4  }
0x255: {  	[tilespmem:s2+$0xC0E0] =	vst v1  }
0x256: {  	v1 =	vld [tilespmem:s21+$0x70];
	_ =	sdelay $0x4  }
0x257: {  	[tilespmem:s2+$0xC0F0] =	vst v1  }
0x258: {  	v1 =	vld [tilespmem:s21+$0x400];
	_ =	sdelay $0x4  }
0x259: {  	[tilespmem:s2+$0xC480] =	vst v1  }
0x25a: {  	v1 =	vld [tilespmem:s21+$0x410];
	_ =	sdelay $0x4  }
0x25b: {  	[tilespmem:s2+$0xC490] =	vst v1  }
0x25c: {  	v1 =	vld [tilespmem:s21+$0x420];
	_ =	sdelay $0x4  }
0x25d: {  	[tilespmem:s2+$0xC4A0] =	vst v1  }
0x25e: {  	v1 =	vld [tilespmem:s21+$0x430];
	_ =	sdelay $0x4  }
0x25f: {  	[tilespmem:s2+$0xC4B0] =	vst v1  }
0x260: {  	v1 =	vld [tilespmem:s21+$0x440];
	_ =	sdelay $0x4  }
0x261: {  	[tilespmem:s2+$0xC4C0] =	vst v1  }
0x262: {  	v1 =	vld [tilespmem:s21+$0x450];
	_ =	sdelay $0x4  }
0x263: {  	[tilespmem:s2+$0xC4D0] =	vst v1  }
0x264: {  	v1 =	vld [tilespmem:s21+$0x460];
	_ =	sdelay $0x4  }
0x265: {  	[tilespmem:s2+$0xC4E0] =	vst v1  }
0x266: {  	v1 =	vld [tilespmem:s21+$0x470];
	_ =	sdelay $0x4  }
0x267: {  	[tilespmem:s2+$0xC4F0] =	vst v1  }
0x268: {  	v1 =	vld [tilespmem:s21+$0x800];
	_ =	sdelay $0x4  }
0x269: {  	[tilespmem:s2+$0xC880] =	vst v1  }
0x26a: {  	v1 =	vld [tilespmem:s21+$0x810];
	_ =	sdelay $0x4  }
0x26b: {  	[tilespmem:s2+$0xC890] =	vst v1  }
0x26c: {  	v1 =	vld [tilespmem:s21+$0x820];
	_ =	sdelay $0x4  }
0x26d: {  	[tilespmem:s2+$0xC8A0] =	vst v1  }
0x26e: {  	v1 =	vld [tilespmem:s21+$0x830];
	_ =	sdelay $0x4  }
0x26f: {  	[tilespmem:s2+$0xC8B0] =	vst v1  }
0x270: {  	v1 =	vld [tilespmem:s21+$0x840];
	_ =	sdelay $0x4  }
0x271: {  	[tilespmem:s2+$0xC8C0] =	vst v1  }
0x272: {  	v1 =	vld [tilespmem:s21+$0x850];
	_ =	sdelay $0x4  }
0x273: {  	[tilespmem:s2+$0xC8D0] =	vst v1  }
0x274: {  	v1 =	vld [tilespmem:s21+$0x860];
	_ =	sdelay $0x4  }
0x275: {  	[tilespmem:s2+$0xC8E0] =	vst v1  }
0x276: {  	v1 =	vld [tilespmem:s21+$0x870];
	_ =	sdelay $0x4  }
0x277: {  	[tilespmem:s2+$0xC8F0] =	vst v1  }
0x278: {  	v1 =	vld [tilespmem:s21+$0xC00];
	_ =	sdelay $0x4  }
0x279: {  	[tilespmem:s2+$0xCC80] =	vst v1  }
0x27a: {  	v1 =	vld [tilespmem:s21+$0xC10];
	_ =	sdelay $0x4  }
0x27b: {  	[tilespmem:s2+$0xCC90] =	vst v1  }
0x27c: {  	v1 =	vld [tilespmem:s21+$0xC20];
	_ =	sdelay $0x4  }
0x27d: {  	[tilespmem:s2+$0xCCA0] =	vst v1  }
0x27e: {  	v1 =	vld [tilespmem:s21+$0xC30];
	_ =	sdelay $0x4  }
0x27f: {  	[tilespmem:s2+$0xCCB0] =	vst v1  }
0x280: {  	v1 =	vld [tilespmem:s21+$0xC40];
	_ =	sdelay $0x4  }
0x281: {  	[tilespmem:s2+$0xCCC0] =	vst v1  }
0x282: {  	v1 =	vld [tilespmem:s21+$0xC50];
	_ =	sdelay $0x4  }
0x283: {  	[tilespmem:s2+$0xCCD0] =	vst v1  }
0x284: {  	v1 =	vld [tilespmem:s21+$0xC60];
	_ =	sdelay $0x4  }
0x285: {  	[tilespmem:s2+$0xCCE0] =	vst v1  }
0x286: {  	v1 =	vld [tilespmem:s21+$0xC70];
	_ =	sdelay $0x4  }
0x287: {  	[tilespmem:s2+$0xCCF0] =	vst v1  }
.LBB2_6:
0x288: {  	s15 =	sshll.u32 s3, $0x4  }
0x289: {  	v1 =	vld [tilespmem:s15+$0x0];
	_ =	sdelay $0x4  }
0x28a: {  	v1 =	vshll.u32 v1, $0xB  }
0x28b: {  	v1 =	vperm.xlane v1, v0;
	_ =	sdelay $0x4  }
0x28c: {  	s2 =	simm.s32 $0x0  }
0x28d: {  	[tilespmem:s24], [sflag:$0x1] =	stream.indirect_vreg.gather [hbm4b:s1+s2], $0x800, v1, vm0, $0x38;
	[tilespmem:$0x1D080] =	vst v63  }
0x28e: {  	_ =	swait.ge [sflag:s25], $0x8000  }
0x28f: {  	[sflag:s25] =	ssyncset.done $0x0  }
0x290: {  	s15 =	sor.u32 s6, s15;
	[sflag:s25] =	ssyncadd.s32 $0xFFFF8000  }
.LBB2_7:
0x291: {  	s17 =	sor.u32 s3, s2  }
0x292: {  	p0 =	seq.s32 s17, $0x0  }
0x293: {  	s17 =	simm.s32 @!p0 $0x2  }
0x294: {  	_ =	swait.ge @!p0 [sflag:s17], $0x2000  }
0x295: {  	[sflag:s17] =	ssyncset.done @!p0 $0x0  }
0x296: {  	[sflag:s17] =	ssyncadd.s32 @!p0 $0xFFFFE000;
	s17 =	simm.s32 @!p0 $0x4  }
0x297: {  	_ =	swait.ge @!p0 [sflag:s17], $0x8000  }
0x298: {  	s18 =	sshll.u32 s2, $0xC;
	[sflag:s17] =	ssyncset.done @!p0 $0x0  }
0x299: {  	s19 =	sand.u32 $0x3FFFF000, s18;
	[sflag:s17] =	ssyncadd.s32 @!p0 $0xFFFF8000  }
0x29a: {  	v1 =	vld [tilespmem:s19+$0x80];
	_ =	sdelay $0x4  }
0x29b: {  	[tilespmem:$0x8300] =	vst v1  }
0x29c: {  	v1 =	vld [tilespmem:s19+$0x90];
	_ =	sdelay $0x4  }
0x29d: {  	[tilespmem:$0x8310] =	vst v1  }
0x29e: {  	v1 =	vld [tilespmem:s19+$0xA0];
	_ =	sdelay $0x4  }
0x29f: {  	[tilespmem:$0x8320] =	vst v1  }
0x2a0: {  	v1 =	vld [tilespmem:s19+$0xB0];
	_ =	sdelay $0x4  }
0x2a1: {  	[tilespmem:$0x8330] =	vst v1  }
0x2a2: {  	v1 =	vld [tilespmem:s19+$0xC0];
	_ =	sdelay $0x4  }
0x2a3: {  	[tilespmem:$0x8340] =	vst v1  }
0x2a4: {  	v1 =	vld [tilespmem:s19+$0xD0];
	_ =	sdelay $0x4  }
0x2a5: {  	[tilespmem:$0x8350] =	vst v1  }
0x2a6: {  	v1 =	vld [tilespmem:s19+$0xE0];
	_ =	sdelay $0x4  }
0x2a7: {  	[tilespmem:$0x8360] =	vst v1  }
0x2a8: {  	v1 =	vld [tilespmem:s19+$0xF0];
	_ =	sdelay $0x4  }
0x2a9: {  	[tilespmem:$0x8370] =	vst v1  }
0x2aa: {  	v1 =	vld [tilespmem:s19+$0x280];
	_ =	sdelay $0x4  }
0x2ab: {  	[tilespmem:$0x8700] =	vst v1  }
0x2ac: {  	v1 =	vld [tilespmem:s19+$0x290];
	_ =	sdelay $0x4  }
0x2ad: {  	[tilespmem:$0x8710] =	vst v1  }
0x2ae: {  	v1 =	vld [tilespmem:s19+$0x2A0];
	_ =	sdelay $0x4  }
0x2af: {  	[tilespmem:$0x8720] =	vst v1  }
0x2b0: {  	v1 =	vld [tilespmem:s19+$0x2B0];
	_ =	sdelay $0x4  }
0x2b1: {  	[tilespmem:$0x8730] =	vst v1  }
0x2b2: {  	v1 =	vld [tilespmem:s19+$0x2C0];
	_ =	sdelay $0x4  }
0x2b3: {  	[tilespmem:$0x8740] =	vst v1  }
0x2b4: {  	v1 =	vld [tilespmem:s19+$0x2D0];
	_ =	sdelay $0x4  }
0x2b5: {  	[tilespmem:$0x8750] =	vst v1  }
0x2b6: {  	v1 =	vld [tilespmem:s19+$0x2E0];
	_ =	sdelay $0x4  }
0x2b7: {  	[tilespmem:$0x8760] =	vst v1  }
0x2b8: {  	v1 =	vld [tilespmem:s19+$0x2F0];
	_ =	sdelay $0x4  }
0x2b9: {  	[tilespmem:$0x8770] =	vst v1  }
0x2ba: {  	v1 =	vld [tilespmem:s19+$0x480];
	_ =	sdelay $0x4  }
0x2bb: {  	[tilespmem:$0x8B00] =	vst v1  }
0x2bc: {  	v1 =	vld [tilespmem:s19+$0x490];
	_ =	sdelay $0x4  }
0x2bd: {  	[tilespmem:$0x8B10] =	vst v1  }
0x2be: {  	v1 =	vld [tilespmem:s19+$0x4A0];
	_ =	sdelay $0x4  }
0x2bf: {  	[tilespmem:$0x8B20] =	vst v1  }
0x2c0: {  	v1 =	vld [tilespmem:s19+$0x4B0];
	_ =	sdelay $0x4  }
0x2c1: {  	[tilespmem:$0x8B30] =	vst v1  }
0x2c2: {  	v1 =	vld [tilespmem:s19+$0x4C0];
	_ =	sdelay $0x4  }
0x2c3: {  	[tilespmem:$0x8B40] =	vst v1  }
0x2c4: {  	v1 =	vld [tilespmem:s19+$0x4D0];
	_ =	sdelay $0x4  }
0x2c5: {  	[tilespmem:$0x8B50] =	vst v1  }
0x2c6: {  	v1 =	vld [tilespmem:s19+$0x4E0];
	_ =	sdelay $0x4  }
0x2c7: {  	[tilespmem:$0x8B60] =	vst v1  }
0x2c8: {  	v1 =	vld [tilespmem:s19+$0x4F0];
	_ =	sdelay $0x4  }
0x2c9: {  	[tilespmem:$0x8B70] =	vst v1  }
0x2ca: {  	v1 =	vld [tilespmem:s19+$0x680];
	_ =	sdelay $0x4  }
0x2cb: {  	[tilespmem:$0x8F00] =	vst v1  }
0x2cc: {  	v1 =	vld [tilespmem:s19+$0x690];
	_ =	sdelay $0x4  }
0x2cd: {  	[tilespmem:$0x8F10] =	vst v1  }
0x2ce: {  	v1 =	vld [tilespmem:s19+$0x6A0];
	_ =	sdelay $0x4  }
0x2cf: {  	[tilespmem:$0x8F20] =	vst v1  }
0x2d0: {  	v1 =	vld [tilespmem:s19+$0x6B0];
	_ =	sdelay $0x4  }
0x2d1: {  	[tilespmem:$0x8F30] =	vst v1  }
0x2d2: {  	v1 =	vld [tilespmem:s19+$0x6C0];
	_ =	sdelay $0x4  }
0x2d3: {  	[tilespmem:$0x8F40] =	vst v1  }
0x2d4: {  	v1 =	vld [tilespmem:s19+$0x6D0];
	_ =	sdelay $0x4  }
0x2d5: {  	[tilespmem:$0x8F50] =	vst v1  }
0x2d6: {  	v1 =	vld [tilespmem:s19+$0x6E0];
	_ =	sdelay $0x4  }
0x2d7: {  	[tilespmem:$0x8F60] =	vst v1  }
0x2d8: {  	v1 =	vld [tilespmem:s19+$0x6F0];
	_ =	sdelay $0x4  }
0x2d9: {  	[tilespmem:$0x8F70] =	vst v1  }
0x2da: {  	v1 =	vld [tilespmem:s19+$0x100];
	_ =	sdelay $0x4  }
0x2db: {  	[tilespmem:$0x8380] =	vst v1  }
0x2dc: {  	v1 =	vld [tilespmem:s19+$0x110];
	_ =	sdelay $0x4  }
0x2dd: {  	[tilespmem:$0x8390] =	vst v1  }
0x2de: {  	v1 =	vld [tilespmem:s19+$0x120];
	_ =	sdelay $0x4  }
0x2df: {  	[tilespmem:$0x83A0] =	vst v1  }
0x2e0: {  	v1 =	vld [tilespmem:s19+$0x130];
	_ =	sdelay $0x4  }
0x2e1: {  	[tilespmem:$0x83B0] =	vst v1  }
0x2e2: {  	v1 =	vld [tilespmem:s19+$0x140];
	_ =	sdelay $0x4  }
0x2e3: {  	[tilespmem:$0x83C0] =	vst v1  }
0x2e4: {  	v1 =	vld [tilespmem:s19+$0x150];
	_ =	sdelay $0x4  }
0x2e5: {  	[tilespmem:$0x83D0] =	vst v1  }
0x2e6: {  	v1 =	vld [tilespmem:s19+$0x160];
	_ =	sdelay $0x4  }
0x2e7: {  	[tilespmem:$0x83E0] =	vst v1  }
0x2e8: {  	v1 =	vld [tilespmem:s19+$0x170];
	_ =	sdelay $0x4  }
0x2e9: {  	[tilespmem:$0x83F0] =	vst v1  }
0x2ea: {  	v1 =	vld [tilespmem:s19+$0x300];
	_ =	sdelay $0x4  }
0x2eb: {  	[tilespmem:$0x8780] =	vst v1  }
0x2ec: {  	v1 =	vld [tilespmem:s19+$0x310];
	_ =	sdelay $0x4  }
0x2ed: {  	[tilespmem:$0x8790] =	vst v1  }
0x2ee: {  	v1 =	vld [tilespmem:s19+$0x320];
	_ =	sdelay $0x4  }
0x2ef: {  	[tilespmem:$0x87A0] =	vst v1  }
0x2f0: {  	v1 =	vld [tilespmem:s19+$0x330];
	_ =	sdelay $0x4  }
0x2f1: {  	[tilespmem:$0x87B0] =	vst v1  }
0x2f2: {  	v1 =	vld [tilespmem:s19+$0x340];
	_ =	sdelay $0x4  }
0x2f3: {  	[tilespmem:$0x87C0] =	vst v1  }
0x2f4: {  	v1 =	vld [tilespmem:s19+$0x350];
	_ =	sdelay $0x4  }
0x2f5: {  	[tilespmem:$0x87D0] =	vst v1  }
0x2f6: {  	v1 =	vld [tilespmem:s19+$0x360];
	_ =	sdelay $0x4  }
0x2f7: {  	[tilespmem:$0x87E0] =	vst v1  }
0x2f8: {  	v1 =	vld [tilespmem:s19+$0x370];
	_ =	sdelay $0x4  }
0x2f9: {  	[tilespmem:$0x87F0] =	vst v1  }
0x2fa: {  	v1 =	vld [tilespmem:s19+$0x500];
	_ =	sdelay $0x4  }
0x2fb: {  	[tilespmem:$0x8B80] =	vst v1  }
0x2fc: {  	v1 =	vld [tilespmem:s19+$0x510];
	_ =	sdelay $0x4  }
0x2fd: {  	[tilespmem:$0x8B90] =	vst v1  }
0x2fe: {  	v1 =	vld [tilespmem:s19+$0x520];
	_ =	sdelay $0x4  }
0x2ff: {  	[tilespmem:$0x8BA0] =	vst v1  }
0x300: {  	v1 =	vld [tilespmem:s19+$0x530];
	_ =	sdelay $0x4  }
0x301: {  	[tilespmem:$0x8BB0] =	vst v1  }
0x302: {  	v1 =	vld [tilespmem:s19+$0x540];
	_ =	sdelay $0x4  }
0x303: {  	[tilespmem:$0x8BC0] =	vst v1  }
0x304: {  	v1 =	vld [tilespmem:s19+$0x550];
	_ =	sdelay $0x4  }
0x305: {  	[tilespmem:$0x8BD0] =	vst v1  }
0x306: {  	v1 =	vld [tilespmem:s19+$0x560];
	_ =	sdelay $0x4  }
0x307: {  	[tilespmem:$0x8BE0] =	vst v1  }
0x308: {  	v1 =	vld [tilespmem:s19+$0x570];
	_ =	sdelay $0x4  }
0x309: {  	[tilespmem:$0x8BF0] =	vst v1  }
0x30a: {  	v1 =	vld [tilespmem:s19+$0x700];
	_ =	sdelay $0x4  }
0x30b: {  	[tilespmem:$0x8F80] =	vst v1  }
0x30c: {  	v1 =	vld [tilespmem:s19+$0x710];
	_ =	sdelay $0x4  }
0x30d: {  	[tilespmem:$0x8F90] =	vst v1  }
0x30e: {  	v1 =	vld [tilespmem:s19+$0x720];
	_ =	sdelay $0x4  }
0x30f: {  	[tilespmem:$0x8FA0] =	vst v1  }
0x310: {  	v1 =	vld [tilespmem:s19+$0x730];
	_ =	sdelay $0x4  }
0x311: {  	[tilespmem:$0x8FB0] =	vst v1  }
0x312: {  	v1 =	vld [tilespmem:s19+$0x740];
	_ =	sdelay $0x4  }
0x313: {  	[tilespmem:$0x8FC0] =	vst v1  }
0x314: {  	v1 =	vld [tilespmem:s19+$0x750];
	_ =	sdelay $0x4  }
0x315: {  	[tilespmem:$0x8FD0] =	vst v1  }
0x316: {  	v1 =	vld [tilespmem:s19+$0x760];
	_ =	sdelay $0x4  }
0x317: {  	[tilespmem:$0x8FE0] =	vst v1  }
0x318: {  	v1 =	vld [tilespmem:s19+$0x770];
	_ =	sdelay $0x4  }
0x319: {  	[tilespmem:$0x8FF0] =	vst v1  }
0x31a: {  	v1 =	vld [tilespmem:s19+$0x180];
	_ =	sdelay $0x4  }
0x31b: {  	[tilespmem:$0x8400] =	vst v1  }
0x31c: {  	v1 =	vld [tilespmem:s19+$0x190];
	_ =	sdelay $0x4  }
0x31d: {  	[tilespmem:$0x8410] =	vst v1  }
0x31e: {  	v1 =	vld [tilespmem:s19+$0x1A0];
	_ =	sdelay $0x4  }
0x31f: {  	[tilespmem:$0x8420] =	vst v1  }
0x320: {  	v1 =	vld [tilespmem:s19+$0x1B0];
	_ =	sdelay $0x4  }
0x321: {  	[tilespmem:$0x8430] =	vst v1  }
0x322: {  	v1 =	vld [tilespmem:s19+$0x1C0];
	_ =	sdelay $0x4  }
0x323: {  	[tilespmem:$0x8440] =	vst v1  }
0x324: {  	v1 =	vld [tilespmem:s19+$0x1D0];
	_ =	sdelay $0x4  }
0x325: {  	[tilespmem:$0x8450] =	vst v1  }
0x326: {  	v1 =	vld [tilespmem:s19+$0x1E0];
	_ =	sdelay $0x4  }
0x327: {  	[tilespmem:$0x8460] =	vst v1  }
0x328: {  	v1 =	vld [tilespmem:s19+$0x1F0];
	_ =	sdelay $0x4  }
0x329: {  	[tilespmem:$0x8470] =	vst v1  }
0x32a: {  	v1 =	vld [tilespmem:s19+$0x380];
	_ =	sdelay $0x4  }
0x32b: {  	[tilespmem:$0x8800] =	vst v1  }
0x32c: {  	v1 =	vld [tilespmem:s19+$0x390];
	_ =	sdelay $0x4  }
0x32d: {  	[tilespmem:$0x8810] =	vst v1  }
0x32e: {  	v1 =	vld [tilespmem:s19+$0x3A0];
	_ =	sdelay $0x4  }
0x32f: {  	[tilespmem:$0x8820] =	vst v1  }
0x330: {  	v1 =	vld [tilespmem:s19+$0x3B0];
	_ =	sdelay $0x4  }
0x331: {  	[tilespmem:$0x8830] =	vst v1  }
0x332: {  	v1 =	vld [tilespmem:s19+$0x3C0];
	_ =	sdelay $0x4  }
0x333: {  	[tilespmem:$0x8840] =	vst v1  }
0x334: {  	v1 =	vld [tilespmem:s19+$0x3D0];
	_ =	sdelay $0x4  }
0x335: {  	[tilespmem:$0x8850] =	vst v1  }
0x336: {  	v1 =	vld [tilespmem:s19+$0x3E0];
	_ =	sdelay $0x4  }
0x337: {  	[tilespmem:$0x8860] =	vst v1  }
0x338: {  	v1 =	vld [tilespmem:s19+$0x3F0];
	_ =	sdelay $0x4  }
0x339: {  	[tilespmem:$0x8870] =	vst v1  }
0x33a: {  	v1 =	vld [tilespmem:s19+$0x580];
	_ =	sdelay $0x4  }
0x33b: {  	[tilespmem:$0x8C00] =	vst v1  }
0x33c: {  	v1 =	vld [tilespmem:s19+$0x590];
	_ =	sdelay $0x4  }
0x33d: {  	[tilespmem:$0x8C10] =	vst v1  }
0x33e: {  	v1 =	vld [tilespmem:s19+$0x5A0];
	_ =	sdelay $0x4  }
0x33f: {  	[tilespmem:$0x8C20] =	vst v1  }
0x340: {  	v1 =	vld [tilespmem:s19+$0x5B0];
	_ =	sdelay $0x4  }
0x341: {  	[tilespmem:$0x8C30] =	vst v1  }
0x342: {  	v1 =	vld [tilespmem:s19+$0x5C0];
	_ =	sdelay $0x4  }
0x343: {  	[tilespmem:$0x8C40] =	vst v1  }
0x344: {  	v1 =	vld [tilespmem:s19+$0x5D0];
	_ =	sdelay $0x4  }
0x345: {  	[tilespmem:$0x8C50] =	vst v1  }
0x346: {  	v1 =	vld [tilespmem:s19+$0x5E0];
	_ =	sdelay $0x4  }
0x347: {  	[tilespmem:$0x8C60] =	vst v1  }
0x348: {  	v1 =	vld [tilespmem:s19+$0x5F0];
	_ =	sdelay $0x4  }
0x349: {  	[tilespmem:$0x8C70] =	vst v1  }
0x34a: {  	v1 =	vld [tilespmem:s19+$0x780];
	_ =	sdelay $0x4  }
0x34b: {  	[tilespmem:$0x9000] =	vst v1  }
0x34c: {  	v1 =	vld [tilespmem:s19+$0x790];
	_ =	sdelay $0x4  }
0x34d: {  	[tilespmem:$0x9010] =	vst v1  }
0x34e: {  	v1 =	vld [tilespmem:s19+$0x7A0];
	_ =	sdelay $0x4  }
0x34f: {  	[tilespmem:$0x9020] =	vst v1  }
0x350: {  	v1 =	vld [tilespmem:s19+$0x7B0];
	_ =	sdelay $0x4  }
0x351: {  	[tilespmem:$0x9030] =	vst v1  }
0x352: {  	v1 =	vld [tilespmem:s19+$0x7C0];
	_ =	sdelay $0x4  }
0x353: {  	[tilespmem:$0x9040] =	vst v1  }
0x354: {  	v1 =	vld [tilespmem:s19+$0x7D0];
	_ =	sdelay $0x4  }
0x355: {  	[tilespmem:$0x9050] =	vst v1  }
0x356: {  	v1 =	vld [tilespmem:s19+$0x7E0];
	_ =	sdelay $0x4  }
0x357: {  	[tilespmem:$0x9060] =	vst v1  }
0x358: {  	v1 =	vld [tilespmem:s19+$0x7F0];
	_ =	sdelay $0x4  }
0x359: {  	[tilespmem:$0x9070] =	vst v1  }
0x35a: {  	v1 =	vld [tilespmem:s19+$0x200];
	_ =	sdelay $0x4  }
0x35b: {  	[tilespmem:$0x9080] =	vst v1  }
0x35c: {  	v1 =	vld [tilespmem:s19+$0x210];
	_ =	sdelay $0x4  }
0x35d: {  	[tilespmem:$0x9090] =	vst v1  }
0x35e: {  	v1 =	vld [tilespmem:s19+$0x220];
	_ =	sdelay $0x4  }
0x35f: {  	[tilespmem:$0x90A0] =	vst v1  }
0x360: {  	v1 =	vld [tilespmem:s19+$0x230];
	_ =	sdelay $0x4  }
0x361: {  	[tilespmem:$0x90B0] =	vst v1  }
0x362: {  	v1 =	vld [tilespmem:s19+$0x240];
	_ =	sdelay $0x4  }
0x363: {  	[tilespmem:$0x90C0] =	vst v1  }
0x364: {  	v1 =	vld [tilespmem:s19+$0x250];
	_ =	sdelay $0x4  }
0x365: {  	[tilespmem:$0x90D0] =	vst v1  }
0x366: {  	v1 =	vld [tilespmem:s19+$0x260];
	_ =	sdelay $0x4  }
0x367: {  	[tilespmem:$0x90E0] =	vst v1  }
0x368: {  	v1 =	vld [tilespmem:s19+$0x270];
	_ =	sdelay $0x4  }
0x369: {  	[tilespmem:$0x90F0] =	vst v1  }
0x36a: {  	v1 =	vld [tilespmem:s19+$0x400];
	_ =	sdelay $0x4  }
0x36b: {  	[tilespmem:$0x9480] =	vst v1  }
0x36c: {  	v1 =	vld [tilespmem:s19+$0x410];
	_ =	sdelay $0x4  }
0x36d: {  	[tilespmem:$0x9490] =	vst v1  }
0x36e: {  	v1 =	vld [tilespmem:s19+$0x420];
	_ =	sdelay $0x4  }
0x36f: {  	[tilespmem:$0x94A0] =	vst v1  }
0x370: {  	v1 =	vld [tilespmem:s19+$0x430];
	_ =	sdelay $0x4  }
0x371: {  	[tilespmem:$0x94B0] =	vst v1  }
0x372: {  	v1 =	vld [tilespmem:s19+$0x440];
	_ =	sdelay $0x4  }
0x373: {  	[tilespmem:$0x94C0] =	vst v1  }
0x374: {  	v1 =	vld [tilespmem:s19+$0x450];
	_ =	sdelay $0x4  }
0x375: {  	[tilespmem:$0x94D0] =	vst v1  }
0x376: {  	v1 =	vld [tilespmem:s19+$0x460];
	_ =	sdelay $0x4  }
0x377: {  	[tilespmem:$0x94E0] =	vst v1  }
0x378: {  	v1 =	vld [tilespmem:s19+$0x470];
	_ =	sdelay $0x4  }
0x379: {  	[tilespmem:$0x94F0] =	vst v1  }
0x37a: {  	v1 =	vld [tilespmem:s19+$0x600];
	_ =	sdelay $0x4  }
0x37b: {  	[tilespmem:$0x9880] =	vst v1  }
0x37c: {  	v1 =	vld [tilespmem:s19+$0x610];
	_ =	sdelay $0x4  }
0x37d: {  	[tilespmem:$0x9890] =	vst v1  }
0x37e: {  	v1 =	vld [tilespmem:s19+$0x620];
	_ =	sdelay $0x4  }
0x37f: {  	[tilespmem:$0x98A0] =	vst v1  }
0x380: {  	v1 =	vld [tilespmem:s19+$0x630];
	_ =	sdelay $0x4  }
0x381: {  	[tilespmem:$0x98B0] =	vst v1  }
0x382: {  	v1 =	vld [tilespmem:s19+$0x640];
	_ =	sdelay $0x4  }
0x383: {  	[tilespmem:$0x98C0] =	vst v1  }
0x384: {  	v1 =	vld [tilespmem:s19+$0x650];
	_ =	sdelay $0x4  }
0x385: {  	[tilespmem:$0x98D0] =	vst v1  }
0x386: {  	v1 =	vld [tilespmem:s19+$0x660];
	_ =	sdelay $0x4  }
0x387: {  	[tilespmem:$0x98E0] =	vst v1  }
0x388: {  	v1 =	vld [tilespmem:s19+$0x670];
	_ =	sdelay $0x4  }
0x389: {  	[tilespmem:$0x98F0] =	vst v1  }
0x38a: {  	v1 =	vld [tilespmem:s19+$0x800];
	_ =	sdelay $0x4  }
0x38b: {  	[tilespmem:$0x9C80] =	vst v1  }
0x38c: {  	v1 =	vld [tilespmem:s19+$0x810];
	_ =	sdelay $0x4  }
0x38d: {  	[tilespmem:$0x9C90] =	vst v1  }
0x38e: {  	v1 =	vld [tilespmem:s19+$0x820];
	_ =	sdelay $0x4  }
0x38f: {  	[tilespmem:$0x9CA0] =	vst v1  }
0x390: {  	v1 =	vld [tilespmem:s19+$0x830];
	_ =	sdelay $0x4  }
0x391: {  	[tilespmem:$0x9CB0] =	vst v1  }
0x392: {  	v1 =	vld [tilespmem:s19+$0x840];
	_ =	sdelay $0x4  }
0x393: {  	[tilespmem:$0x9CC0] =	vst v1  }
0x394: {  	v1 =	vld [tilespmem:s19+$0x850];
	_ =	sdelay $0x4  }
0x395: {  	[tilespmem:$0x9CD0] =	vst v1  }
0x396: {  	v1 =	vld [tilespmem:s19+$0x860];
	_ =	sdelay $0x4  }
0x397: {  	[tilespmem:$0x9CE0] =	vst v1  }
0x398: {  	v1 =	vld [tilespmem:s19+$0x870]  }
0x399: {  	s21 =	sshll.u32 s2, $0x1  }
0x39a: {  	s19 =	sor.u32 s21, s15  }
0x39b: {  	s18 =	smul.u32 $0x1400, s19;
	_ =	sdelay $0x1  }
0x39c: {  	s19 =	sadd.s32 s7, s18;
	[tilespmem:$0x9CF0] =	vst v1  }
0x39d: {  	[hbm4b:s19+s4] =	stream.linear.scatter [tilespmem:s16], [sflag:$0x2], $0x2000, $0x38;
	[tilespmem:$0x1D080] =	vst v63  }
0x39e: {  	s18 =	sadd.s32 s18, s9  }
0x39f: {  	[hbm4b:s18+s4] =	stream.linear.scatter [tilespmem:s26], [sflag:$0x4], $0x8000, $0x38;
	[tilespmem:$0x1D080] =	vst v63  }
0x3a0: {  	s18 =	simm.s32 @!p0 $0x3  }
0x3a1: {  	_ =	swait.ge @!p0 [sflag:s18], $0x2000  }
0x3a2: {  	[sflag:s18] =	ssyncset.done @!p0 $0x0  }
0x3a3: {  	[sflag:s18] =	ssyncadd.s32 @!p0 $0xFFFFE000;
	s18 =	simm.s32 @!p0 $0x5  }
0x3a4: {  	s17 =	sor.u32 $0x1, s21;
	_ =	swait.ge @!p0 [sflag:s18], $0x8000  }
0x3a5: {  	s21 =	sshll.u32 s17, $0xB;
	[sflag:s18] =	ssyncset.done @!p0 $0x0  }
0x3a6: {  	s21 =	sand.u32 $0x3FFFF800, s21;
	[sflag:s18] =	ssyncadd.s32 @!p0 $0xFFFF8000  }
0x3a7: {  	v1 =	vld [tilespmem:s21+$0x80];
	_ =	sdelay $0x4  }
0x3a8: {  	[tilespmem:$0xA300] =	vst v1  }
0x3a9: {  	v1 =	vld [tilespmem:s21+$0x90];
	_ =	sdelay $0x4  }
0x3aa: {  	[tilespmem:$0xA310] =	vst v1  }
0x3ab: {  	v1 =	vld [tilespmem:s21+$0xA0];
	_ =	sdelay $0x4  }
0x3ac: {  	[tilespmem:$0xA320] =	vst v1  }
0x3ad: {  	v1 =	vld [tilespmem:s21+$0xB0];
	_ =	sdelay $0x4  }
0x3ae: {  	[tilespmem:$0xA330] =	vst v1  }
0x3af: {  	v1 =	vld [tilespmem:s21+$0xC0];
	_ =	sdelay $0x4  }
0x3b0: {  	[tilespmem:$0xA340] =	vst v1  }
0x3b1: {  	v1 =	vld [tilespmem:s21+$0xD0];
	_ =	sdelay $0x4  }
0x3b2: {  	[tilespmem:$0xA350] =	vst v1  }
0x3b3: {  	v1 =	vld [tilespmem:s21+$0xE0];
	_ =	sdelay $0x4  }
0x3b4: {  	[tilespmem:$0xA360] =	vst v1  }
0x3b5: {  	v1 =	vld [tilespmem:s21+$0xF0];
	_ =	sdelay $0x4  }
0x3b6: {  	[tilespmem:$0xA370] =	vst v1  }
0x3b7: {  	v1 =	vld [tilespmem:s21+$0x280];
	_ =	sdelay $0x4  }
0x3b8: {  	[tilespmem:$0xA700] =	vst v1  }
0x3b9: {  	v1 =	vld [tilespmem:s21+$0x290];
	_ =	sdelay $0x4  }
0x3ba: {  	[tilespmem:$0xA710] =	vst v1  }
0x3bb: {  	v1 =	vld [tilespmem:s21+$0x2A0];
	_ =	sdelay $0x4  }
0x3bc: {  	[tilespmem:$0xA720] =	vst v1  }
0x3bd: {  	v1 =	vld [tilespmem:s21+$0x2B0];
	_ =	sdelay $0x4  }
0x3be: {  	[tilespmem:$0xA730] =	vst v1  }
0x3bf: {  	v1 =	vld [tilespmem:s21+$0x2C0];
	_ =	sdelay $0x4  }
0x3c0: {  	[tilespmem:$0xA740] =	vst v1  }
0x3c1: {  	v1 =	vld [tilespmem:s21+$0x2D0];
	_ =	sdelay $0x4  }
0x3c2: {  	[tilespmem:$0xA750] =	vst v1  }
0x3c3: {  	v1 =	vld [tilespmem:s21+$0x2E0];
	_ =	sdelay $0x4  }
0x3c4: {  	[tilespmem:$0xA760] =	vst v1  }
0x3c5: {  	v1 =	vld [tilespmem:s21+$0x2F0];
	_ =	sdelay $0x4  }
0x3c6: {  	[tilespmem:$0xA770] =	vst v1  }
0x3c7: {  	v1 =	vld [tilespmem:s21+$0x480];
	_ =	sdelay $0x4  }
0x3c8: {  	[tilespmem:$0xAB00] =	vst v1  }
0x3c9: {  	v1 =	vld [tilespmem:s21+$0x490];
	_ =	sdelay $0x4  }
0x3ca: {  	[tilespmem:$0xAB10] =	vst v1  }
0x3cb: {  	v1 =	vld [tilespmem:s21+$0x4A0];
	_ =	sdelay $0x4  }
0x3cc: {  	[tilespmem:$0xAB20] =	vst v1  }
0x3cd: {  	v1 =	vld [tilespmem:s21+$0x4B0];
	_ =	sdelay $0x4  }
0x3ce: {  	[tilespmem:$0xAB30] =	vst v1  }
0x3cf: {  	v1 =	vld [tilespmem:s21+$0x4C0];
	_ =	sdelay $0x4  }
0x3d0: {  	[tilespmem:$0xAB40] =	vst v1  }
0x3d1: {  	v1 =	vld [tilespmem:s21+$0x4D0];
	_ =	sdelay $0x4  }
0x3d2: {  	[tilespmem:$0xAB50] =	vst v1  }
0x3d3: {  	v1 =	vld [tilespmem:s21+$0x4E0];
	_ =	sdelay $0x4  }
0x3d4: {  	[tilespmem:$0xAB60] =	vst v1  }
0x3d5: {  	v1 =	vld [tilespmem:s21+$0x4F0];
	_ =	sdelay $0x4  }
0x3d6: {  	[tilespmem:$0xAB70] =	vst v1  }
0x3d7: {  	v1 =	vld [tilespmem:s21+$0x680];
	_ =	sdelay $0x4  }
0x3d8: {  	[tilespmem:$0xAF00] =	vst v1  }
0x3d9: {  	v1 =	vld [tilespmem:s21+$0x690];
	_ =	sdelay $0x4  }
0x3da: {  	[tilespmem:$0xAF10] =	vst v1  }
0x3db: {  	v1 =	vld [tilespmem:s21+$0x6A0];
	_ =	sdelay $0x4  }
0x3dc: {  	[tilespmem:$0xAF20] =	vst v1  }
0x3dd: {  	v1 =	vld [tilespmem:s21+$0x6B0];
	_ =	sdelay $0x4  }
0x3de: {  	[tilespmem:$0xAF30] =	vst v1  }
0x3df: {  	v1 =	vld [tilespmem:s21+$0x6C0];
	_ =	sdelay $0x4  }
0x3e0: {  	[tilespmem:$0xAF40] =	vst v1  }
0x3e1: {  	v1 =	vld [tilespmem:s21+$0x6D0];
	_ =	sdelay $0x4  }
0x3e2: {  	[tilespmem:$0xAF50] =	vst v1  }
0x3e3: {  	v1 =	vld [tilespmem:s21+$0x6E0];
	_ =	sdelay $0x4  }
0x3e4: {  	[tilespmem:$0xAF60] =	vst v1  }
0x3e5: {  	v1 =	vld [tilespmem:s21+$0x6F0];
	_ =	sdelay $0x4  }
0x3e6: {  	[tilespmem:$0xAF70] =	vst v1  }
0x3e7: {  	v1 =	vld [tilespmem:s21+$0x100];
	_ =	sdelay $0x4  }
0x3e8: {  	[tilespmem:$0xA380] =	vst v1  }
0x3e9: {  	v1 =	vld [tilespmem:s21+$0x110];
	_ =	sdelay $0x4  }
0x3ea: {  	[tilespmem:$0xA390] =	vst v1  }
0x3eb: {  	v1 =	vld [tilespmem:s21+$0x120];
	_ =	sdelay $0x4  }
0x3ec: {  	[tilespmem:$0xA3A0] =	vst v1  }
0x3ed: {  	v1 =	vld [tilespmem:s21+$0x130];
	_ =	sdelay $0x4  }
0x3ee: {  	[tilespmem:$0xA3B0] =	vst v1  }
0x3ef: {  	v1 =	vld [tilespmem:s21+$0x140];
	_ =	sdelay $0x4  }
0x3f0: {  	[tilespmem:$0xA3C0] =	vst v1  }
0x3f1: {  	v1 =	vld [tilespmem:s21+$0x150];
	_ =	sdelay $0x4  }
0x3f2: {  	[tilespmem:$0xA3D0] =	vst v1  }
0x3f3: {  	v1 =	vld [tilespmem:s21+$0x160];
	_ =	sdelay $0x4  }
0x3f4: {  	[tilespmem:$0xA3E0] =	vst v1  }
0x3f5: {  	v1 =	vld [tilespmem:s21+$0x170];
	_ =	sdelay $0x4  }
0x3f6: {  	[tilespmem:$0xA3F0] =	vst v1  }
0x3f7: {  	v1 =	vld [tilespmem:s21+$0x300];
	_ =	sdelay $0x4  }
0x3f8: {  	[tilespmem:$0xA780] =	vst v1  }
0x3f9: {  	v1 =	vld [tilespmem:s21+$0x310];
	_ =	sdelay $0x4  }
0x3fa: {  	[tilespmem:$0xA790] =	vst v1  }
0x3fb: {  	v1 =	vld [tilespmem:s21+$0x320];
	_ =	sdelay $0x4  }
0x3fc: {  	[tilespmem:$0xA7A0] =	vst v1  }
0x3fd: {  	v1 =	vld [tilespmem:s21+$0x330];
	_ =	sdelay $0x4  }
0x3fe: {  	[tilespmem:$0xA7B0] =	vst v1  }
0x3ff: {  	v1 =	vld [tilespmem:s21+$0x340];
	_ =	sdelay $0x4  }
0x400: {  	[tilespmem:$0xA7C0] =	vst v1  }
0x401: {  	v1 =	vld [tilespmem:s21+$0x350];
	_ =	sdelay $0x4  }
0x402: {  	[tilespmem:$0xA7D0] =	vst v1  }
0x403: {  	v1 =	vld [tilespmem:s21+$0x360];
	_ =	sdelay $0x4  }
0x404: {  	[tilespmem:$0xA7E0] =	vst v1  }
0x405: {  	v1 =	vld [tilespmem:s21+$0x370];
	_ =	sdelay $0x4  }
0x406: {  	[tilespmem:$0xA7F0] =	vst v1  }
0x407: {  	v1 =	vld [tilespmem:s21+$0x500];
	_ =	sdelay $0x4  }
0x408: {  	[tilespmem:$0xAB80] =	vst v1  }
0x409: {  	v1 =	vld [tilespmem:s21+$0x510];
	_ =	sdelay $0x4  }
0x40a: {  	[tilespmem:$0xAB90] =	vst v1  }
0x40b: {  	v1 =	vld [tilespmem:s21+$0x520];
	_ =	sdelay $0x4  }
0x40c: {  	[tilespmem:$0xABA0] =	vst v1  }
0x40d: {  	v1 =	vld [tilespmem:s21+$0x530];
	_ =	sdelay $0x4  }
0x40e: {  	[tilespmem:$0xABB0] =	vst v1  }
0x40f: {  	v1 =	vld [tilespmem:s21+$0x540];
	_ =	sdelay $0x4  }
0x410: {  	[tilespmem:$0xABC0] =	vst v1  }
0x411: {  	v1 =	vld [tilespmem:s21+$0x550];
	_ =	sdelay $0x4  }
0x412: {  	[tilespmem:$0xABD0] =	vst v1  }
0x413: {  	v1 =	vld [tilespmem:s21+$0x560];
	_ =	sdelay $0x4  }
0x414: {  	[tilespmem:$0xABE0] =	vst v1  }
0x415: {  	v1 =	vld [tilespmem:s21+$0x570];
	_ =	sdelay $0x4  }
0x416: {  	[tilespmem:$0xABF0] =	vst v1  }
0x417: {  	v1 =	vld [tilespmem:s21+$0x700];
	_ =	sdelay $0x4  }
0x418: {  	[tilespmem:$0xAF80] =	vst v1  }
0x419: {  	v1 =	vld [tilespmem:s21+$0x710];
	_ =	sdelay $0x4  }
0x41a: {  	[tilespmem:$0xAF90] =	vst v1  }
0x41b: {  	v1 =	vld [tilespmem:s21+$0x720];
	_ =	sdelay $0x4  }
0x41c: {  	[tilespmem:$0xAFA0] =	vst v1  }
0x41d: {  	v1 =	vld [tilespmem:s21+$0x730];
	_ =	sdelay $0x4  }
0x41e: {  	[tilespmem:$0xAFB0] =	vst v1  }
0x41f: {  	v1 =	vld [tilespmem:s21+$0x740];
	_ =	sdelay $0x4  }
0x420: {  	[tilespmem:$0xAFC0] =	vst v1  }
0x421: {  	v1 =	vld [tilespmem:s21+$0x750];
	_ =	sdelay $0x4  }
0x422: {  	[tilespmem:$0xAFD0] =	vst v1  }
0x423: {  	v1 =	vld [tilespmem:s21+$0x760];
	_ =	sdelay $0x4  }
0x424: {  	[tilespmem:$0xAFE0] =	vst v1  }
0x425: {  	v1 =	vld [tilespmem:s21+$0x770];
	_ =	sdelay $0x4  }
0x426: {  	[tilespmem:$0xAFF0] =	vst v1  }
0x427: {  	v1 =	vld [tilespmem:s21+$0x180];
	_ =	sdelay $0x4  }
0x428: {  	[tilespmem:$0xA400] =	vst v1  }
0x429: {  	v1 =	vld [tilespmem:s21+$0x190];
	_ =	sdelay $0x4  }
0x42a: {  	[tilespmem:$0xA410] =	vst v1  }
0x42b: {  	v1 =	vld [tilespmem:s21+$0x1A0];
	_ =	sdelay $0x4  }
0x42c: {  	[tilespmem:$0xA420] =	vst v1  }
0x42d: {  	v1 =	vld [tilespmem:s21+$0x1B0];
	_ =	sdelay $0x4  }
0x42e: {  	[tilespmem:$0xA430] =	vst v1  }
0x42f: {  	v1 =	vld [tilespmem:s21+$0x1C0];
	_ =	sdelay $0x4  }
0x430: {  	[tilespmem:$0xA440] =	vst v1  }
0x431: {  	v1 =	vld [tilespmem:s21+$0x1D0];
	_ =	sdelay $0x4  }
0x432: {  	[tilespmem:$0xA450] =	vst v1  }
0x433: {  	v1 =	vld [tilespmem:s21+$0x1E0];
	_ =	sdelay $0x4  }
0x434: {  	[tilespmem:$0xA460] =	vst v1  }
0x435: {  	v1 =	vld [tilespmem:s21+$0x1F0];
	_ =	sdelay $0x4  }
0x436: {  	[tilespmem:$0xA470] =	vst v1  }
0x437: {  	v1 =	vld [tilespmem:s21+$0x380];
	_ =	sdelay $0x4  }
0x438: {  	[tilespmem:$0xA800] =	vst v1  }
0x439: {  	v1 =	vld [tilespmem:s21+$0x390];
	_ =	sdelay $0x4  }
0x43a: {  	[tilespmem:$0xA810] =	vst v1  }
0x43b: {  	v1 =	vld [tilespmem:s21+$0x3A0];
	_ =	sdelay $0x4  }
0x43c: {  	[tilespmem:$0xA820] =	vst v1  }
0x43d: {  	v1 =	vld [tilespmem:s21+$0x3B0];
	_ =	sdelay $0x4  }
0x43e: {  	[tilespmem:$0xA830] =	vst v1  }
0x43f: {  	v1 =	vld [tilespmem:s21+$0x3C0];
	_ =	sdelay $0x4  }
0x440: {  	[tilespmem:$0xA840] =	vst v1  }
0x441: {  	v1 =	vld [tilespmem:s21+$0x3D0];
	_ =	sdelay $0x4  }
0x442: {  	[tilespmem:$0xA850] =	vst v1  }
0x443: {  	v1 =	vld [tilespmem:s21+$0x3E0];
	_ =	sdelay $0x4  }
0x444: {  	[tilespmem:$0xA860] =	vst v1  }
0x445: {  	v1 =	vld [tilespmem:s21+$0x3F0];
	_ =	sdelay $0x4  }
0x446: {  	[tilespmem:$0xA870] =	vst v1  }
0x447: {  	v1 =	vld [tilespmem:s21+$0x580];
	_ =	sdelay $0x4  }
0x448: {  	[tilespmem:$0xAC00] =	vst v1  }
0x449: {  	v1 =	vld [tilespmem:s21+$0x590];
	_ =	sdelay $0x4  }
0x44a: {  	[tilespmem:$0xAC10] =	vst v1  }
0x44b: {  	v1 =	vld [tilespmem:s21+$0x5A0];
	_ =	sdelay $0x4  }
0x44c: {  	[tilespmem:$0xAC20] =	vst v1  }
0x44d: {  	v1 =	vld [tilespmem:s21+$0x5B0];
	_ =	sdelay $0x4  }
0x44e: {  	[tilespmem:$0xAC30] =	vst v1  }
0x44f: {  	v1 =	vld [tilespmem:s21+$0x5C0];
	_ =	sdelay $0x4  }
0x450: {  	[tilespmem:$0xAC40] =	vst v1  }
0x451: {  	v1 =	vld [tilespmem:s21+$0x5D0];
	_ =	sdelay $0x4  }
0x452: {  	[tilespmem:$0xAC50] =	vst v1  }
0x453: {  	v1 =	vld [tilespmem:s21+$0x5E0];
	_ =	sdelay $0x4  }
0x454: {  	[tilespmem:$0xAC60] =	vst v1  }
0x455: {  	v1 =	vld [tilespmem:s21+$0x5F0];
	_ =	sdelay $0x4  }
0x456: {  	[tilespmem:$0xAC70] =	vst v1  }
0x457: {  	v1 =	vld [tilespmem:s21+$0x780];
	_ =	sdelay $0x4  }
0x458: {  	[tilespmem:$0xB000] =	vst v1  }
0x459: {  	v1 =	vld [tilespmem:s21+$0x790];
	_ =	sdelay $0x4  }
0x45a: {  	[tilespmem:$0xB010] =	vst v1  }
0x45b: {  	v1 =	vld [tilespmem:s21+$0x7A0];
	_ =	sdelay $0x4  }
0x45c: {  	[tilespmem:$0xB020] =	vst v1  }
0x45d: {  	v1 =	vld [tilespmem:s21+$0x7B0];
	_ =	sdelay $0x4  }
0x45e: {  	[tilespmem:$0xB030] =	vst v1  }
0x45f: {  	v1 =	vld [tilespmem:s21+$0x7C0];
	_ =	sdelay $0x4  }
0x460: {  	[tilespmem:$0xB040] =	vst v1  }
0x461: {  	v1 =	vld [tilespmem:s21+$0x7D0];
	_ =	sdelay $0x4  }
0x462: {  	[tilespmem:$0xB050] =	vst v1  }
0x463: {  	v1 =	vld [tilespmem:s21+$0x7E0];
	_ =	sdelay $0x4  }
0x464: {  	[tilespmem:$0xB060] =	vst v1  }
0x465: {  	v1 =	vld [tilespmem:s21+$0x7F0];
	_ =	sdelay $0x4  }
0x466: {  	[tilespmem:$0xB070] =	vst v1  }
0x467: {  	v1 =	vld [tilespmem:s21+$0x200];
	_ =	sdelay $0x4  }
0x468: {  	[tilespmem:$0xB080] =	vst v1  }
0x469: {  	v1 =	vld [tilespmem:s21+$0x210];
	_ =	sdelay $0x4  }
0x46a: {  	[tilespmem:$0xB090] =	vst v1  }
0x46b: {  	v1 =	vld [tilespmem:s21+$0x220];
	_ =	sdelay $0x4  }
0x46c: {  	[tilespmem:$0xB0A0] =	vst v1  }
0x46d: {  	v1 =	vld [tilespmem:s21+$0x230];
	_ =	sdelay $0x4  }
0x46e: {  	[tilespmem:$0xB0B0] =	vst v1  }
0x46f: {  	v1 =	vld [tilespmem:s21+$0x240];
	_ =	sdelay $0x4  }
0x470: {  	[tilespmem:$0xB0C0] =	vst v1  }
0x471: {  	v1 =	vld [tilespmem:s21+$0x250];
	_ =	sdelay $0x4  }
0x472: {  	[tilespmem:$0xB0D0] =	vst v1  }
0x473: {  	v1 =	vld [tilespmem:s21+$0x260];
	_ =	sdelay $0x4  }
0x474: {  	[tilespmem:$0xB0E0] =	vst v1  }
0x475: {  	v1 =	vld [tilespmem:s21+$0x270];
	_ =	sdelay $0x4  }
0x476: {  	[tilespmem:$0xB0F0] =	vst v1  }
0x477: {  	v1 =	vld [tilespmem:s21+$0x400];
	_ =	sdelay $0x4  }
0x478: {  	[tilespmem:$0xB480] =	vst v1  }
0x479: {  	v1 =	vld [tilespmem:s21+$0x410];
	_ =	sdelay $0x4  }
0x47a: {  	[tilespmem:$0xB490] =	vst v1  }
0x47b: {  	v1 =	vld [tilespmem:s21+$0x420];
	_ =	sdelay $0x4  }
0x47c: {  	[tilespmem:$0xB4A0] =	vst v1  }
0x47d: {  	v1 =	vld [tilespmem:s21+$0x430];
	_ =	sdelay $0x4  }
0x47e: {  	[tilespmem:$0xB4B0] =	vst v1  }
0x47f: {  	v1 =	vld [tilespmem:s21+$0x440];
	_ =	sdelay $0x4  }
0x480: {  	[tilespmem:$0xB4C0] =	vst v1  }
0x481: {  	v1 =	vld [tilespmem:s21+$0x450];
	_ =	sdelay $0x4  }
0x482: {  	[tilespmem:$0xB4D0] =	vst v1  }
0x483: {  	v1 =	vld [tilespmem:s21+$0x460];
	_ =	sdelay $0x4  }
0x484: {  	[tilespmem:$0xB4E0] =	vst v1  }
0x485: {  	v1 =	vld [tilespmem:s21+$0x470];
	_ =	sdelay $0x4  }
0x486: {  	[tilespmem:$0xB4F0] =	vst v1  }
0x487: {  	v1 =	vld [tilespmem:s21+$0x600];
	_ =	sdelay $0x4  }
0x488: {  	[tilespmem:$0xB880] =	vst v1  }
0x489: {  	v1 =	vld [tilespmem:s21+$0x610];
	_ =	sdelay $0x4  }
0x48a: {  	[tilespmem:$0xB890] =	vst v1  }
0x48b: {  	v1 =	vld [tilespmem:s21+$0x620];
	_ =	sdelay $0x4  }
0x48c: {  	[tilespmem:$0xB8A0] =	vst v1  }
0x48d: {  	v1 =	vld [tilespmem:s21+$0x630];
	_ =	sdelay $0x4  }
0x48e: {  	[tilespmem:$0xB8B0] =	vst v1  }
0x48f: {  	v1 =	vld [tilespmem:s21+$0x640];
	_ =	sdelay $0x4  }
0x490: {  	[tilespmem:$0xB8C0] =	vst v1  }
0x491: {  	v1 =	vld [tilespmem:s21+$0x650];
	_ =	sdelay $0x4  }
0x492: {  	[tilespmem:$0xB8D0] =	vst v1  }
0x493: {  	v1 =	vld [tilespmem:s21+$0x660];
	_ =	sdelay $0x4  }
0x494: {  	[tilespmem:$0xB8E0] =	vst v1  }
0x495: {  	v1 =	vld [tilespmem:s21+$0x670];
	_ =	sdelay $0x4  }
0x496: {  	[tilespmem:$0xB8F0] =	vst v1  }
0x497: {  	v1 =	vld [tilespmem:s21+$0x800];
	_ =	sdelay $0x4  }
0x498: {  	[tilespmem:$0xBC80] =	vst v1  }
0x499: {  	v1 =	vld [tilespmem:s21+$0x810];
	_ =	sdelay $0x4  }
0x49a: {  	[tilespmem:$0xBC90] =	vst v1  }
0x49b: {  	v1 =	vld [tilespmem:s21+$0x820];
	_ =	sdelay $0x4  }
0x49c: {  	[tilespmem:$0xBCA0] =	vst v1  }
0x49d: {  	v1 =	vld [tilespmem:s21+$0x830];
	_ =	sdelay $0x4  }
0x49e: {  	[tilespmem:$0xBCB0] =	vst v1  }
0x49f: {  	v1 =	vld [tilespmem:s21+$0x840];
	_ =	sdelay $0x4  }
0x4a0: {  	[tilespmem:$0xBCC0] =	vst v1  }
0x4a1: {  	v1 =	vld [tilespmem:s21+$0x850];
	_ =	sdelay $0x4  }
0x4a2: {  	[tilespmem:$0xBCD0] =	vst v1  }
0x4a3: {  	v1 =	vld [tilespmem:s21+$0x860];
	_ =	sdelay $0x4  }
0x4a4: {  	[tilespmem:$0xBCE0] =	vst v1  }
0x4a5: {  	v1 =	vld [tilespmem:s21+$0x870]  }
0x4a6: {  	s17 =	sor.u32 s17, s15  }
0x4a7: {  	s2 =	sadd.s32 $0x1, s2;
	s17 =	smul.u32 $0xA000, s17  }
0x4a8: {  	p0 =	sne.s32 s2, $0x8  }
.Ltmp2:
0x4a9: {  	s17 =	sshrl.u32 s17, $0x3;
	(pc) =	sbr.rel @p0 .LBB2_7-.Ltmp2, $4  }
0x4aa: {  	s17 =	sadd.s32 s7, s17;
	[tilespmem:$0xBCF0] =	vst v1  }
0x4ab: {  	[hbm4b:s17+s4] =	stream.linear.scatter [tilespmem:s20], [sflag:$0x3], $0x2000, $0x38;
	[tilespmem:$0x1D080] =	vst v63  }
0x4ac: {  	s17 =	sadd.s32 $0x400, s17  }
0x4ad: {  	[hbm4b:s17+s4] =	stream.linear.scatter [tilespmem:s26], [sflag:$0x5], $0x8000, $0x38;
	[tilespmem:$0x1D080] =	vst v63  }
0x4ae: {  	s3 =	sadd.s32 $0x1, s3  }
0x4af: {  	p0 =	sne.s32 s3, $0x8  }
.Ltmp3:
0x4b0: {  	_ = 	snop;
	(pc) =	sbr.rel @p0 .LBB2_6-.Ltmp3, $1  }
0x4b1: {  	_ =	sdelay $0x3  }
0x4b2: {  	_ =	swait.ge [sflag:s28], $0x2000  }
0x4b3: {  	[sflag:s28] =	ssyncset.done $0x0  }
0x4b4: {  	[sflag:s28] =	ssyncadd.s32 $0xFFFFE000  }
0x4b5: {  	_ =	swait.ge [sflag:s29], $0x8000  }
0x4b6: {  	[sflag:s29] =	ssyncset.done $0x0  }
0x4b7: {  	s0 =	sadd.s32 $0x1, s0;
	[sflag:s29] =	ssyncadd.s32 $0xFFFF8000  }
0x4b8: {  	p0 =	sne.s32 s0, s10;
	_ =	swait.ge [sflag:s30], $0x2000  }
.Ltmp4:
0x4b9: {  	[sflag:s30] =	ssyncset.done $0x0;
	(pc) =	sbr.rel @p0 .LBB2_1-.Ltmp4, $4  }
0x4ba: {  	[sflag:s30] =	ssyncadd.s32 $0xFFFFE000  }
0x4bb: {  	_ =	swait.ge [sflag:s31], $0x8000  }
0x4bc: {  	[sflag:s31] =	ssyncset.done $0x0  }
0x4bd: {  	[sflag:s31] =	ssyncadd.s32 $0xFFFF8000  }
0x4be: {  	_ =	sfence.sel $0x180000  }
0x4bf: {  	[bflag:$0x0] =	sbarrier.arrive $0xFFFF  }
0x4c0: {  	_ =	strace $0x90000047  }
0x4c1: {  	s0 =	stileid.u32;
	[bflag:$0x2] =	sbarrier.arrive $0xFFFF  }
0x4c2: {  	p0 =	sne.s32 s0, $0x0;
	s0 =	rddreg [dreg:$0x4]  }
0x4c3: {  	s0 =	sadd.s32 @!p0 $0x100000, s0  }
0x4c4: {  	[sflag:s0] =	ssyncadd.tile.s32 @!p0 $0x1;
	_ =	shalt  }
.Lfunc_end2:
_tile_overlayer_lowered:
.L_overlay_start_2:
0x4c5: {  	(tag) =	ssettag $0x2  }
0x4c6: {  	s0 =	rddreg [dreg:$0x0];
	s2 =	stileid.u32  }
0x4c7: {  	s1 =	rddreg [dreg:$0x1];
	p0 =	sne.s32 s2, $0x0  }
0x4c8: {  	s3 =	rddreg [dreg:$0x2];
	[bflag:$0x3] =	sbarrier.arrive $0xFFFF;
	s2 =	simm.s32 @!p0 $0x1C06  }
0x4c9: {  	[timem:s3], [sflag:s2] =	dma.local @!p0 [hbm:s0], s1  }
0x4ca: {  	s0 =	simm.s32 @!p0 $0x6  }
0x4cb: {  	_ =	swait.ge @!p0 [sflag:s0], s1  }
0x4cc: {  	s1 =	ssub.s32 @!p0 $0x0, s1;
	[sflag:s0] =	ssyncset.done @!p0 $0x0  }
0x4cd: {  	[sflag:s0] =	ssyncadd.s32 @!p0 s1  }
0x4ce: {  	[bflag:$0x3] =	sbarrier.arrive $0xFFFF  }
0x4cf: {  	_ =	shalt  }

</sc_bundles>
